<compile_context>
chip_gen: v7x
topology: tpu7x:2x2x1
jax: 0.10.2.dev20260603
libtpu: 0.0.44.dev20260713+nightly
codegen_flags: <defaults>
</compile_context>

<pallas_src>
import functools

import jax
import jax.numpy as jnp
from jax import lax
from jax.experimental import pallas as pl
from jax.experimental.pallas import tpu as pltpu
from jax.experimental.pallas import tpu_sc as plsc

N = 10000
E = 160000
D = 256
H = 128
NC = 2
NS = 16
K = 128
EP = 163840
NCHUNK = EP // K
CHT_MM = NCHUNK // NS
CHT2 = CHT_MM // 2
CHT_HIST = NCHUNK // (NC * NS)
NP = 10112
RPT = NP // NS
NFULL = RPT // K
REM = RPT % K
EPS = 1e-7

_mesh = plsc.VectorSubcoreMesh(core_axis_name="c", subcore_axis_name="s")




def _make_deg_kernel(W):
    @functools.partial(
        pl.kernel,
        out_type=jax.ShapeDtypeStruct((NC, NP, W), jnp.float32),
        mesh=_mesh,
        scratch_types=[
            pltpu.VMEM((CHT_HIST, K), jnp.int32),
            pltpu.VMEM((K, W), jnp.float32),
            pltpu.VMEM((K, W), jnp.float32),
            pltpu.VMEM_SHARED((NP, W), jnp.float32),
        ],
    )
    def deg_kernel(row_hbm, out_hbm, row_v, ones_v, stage_v, acc):
        c = lax.axis_index("c")
        s = lax.axis_index("s")
        w = c * NS + s
        pltpu.sync_copy(row_hbm.at[pl.ds(w * CHT_HIST, CHT_HIST)], row_v)

        ones16 = jnp.ones((16,), jnp.float32)
        zeros16 = jnp.zeros((16,), jnp.float32)

        @pl.loop(0, K)
        def _(r):
            for i in range(W // 16):
                ones_v[r, pl.ds(i * 16, 16)] = ones16
                stage_v[r, pl.ds(i * 16, 16)] = zeros16

        rbase = s * RPT
        for q in range(NFULL):
            pltpu.sync_copy(stage_v, acc.at[pl.ds(rbase + q * K, K)])
        pltpu.sync_copy(stage_v.at[pl.ds(0, REM)],
                        acc.at[pl.ds(rbase + NFULL * K, REM)])
        plsc.subcore_barrier()

        @pl.loop(0, CHT_HIST)
        def _(j):
            pltpu.sync_copy(ones_v, acc.at[row_v.at[j]], add=True)

        plsc.subcore_barrier()

        for q in range(NFULL):
            pltpu.sync_copy(acc.at[pl.ds(rbase + q * K, K)], stage_v)
            pltpu.sync_copy(stage_v, out_hbm.at[c, pl.ds(rbase + q * K, K)])
        pltpu.sync_copy(acc.at[pl.ds(rbase + NFULL * K, REM)],
                        stage_v.at[pl.ds(0, REM)])
        pltpu.sync_copy(stage_v.at[pl.ds(0, REM)],
                        out_hbm.at[c, pl.ds(rbase + NFULL * K, REM)])

    return deg_kernel


_deg_kernel = _make_deg_kernel(H)


def _make_spmm_kernel(scaled):
    def body(z_hbm, row_hbm, col_hbm, *rest):
        if scaled:
            (s2_hbm, out_hbm, row_v, gidx_v, buf0, buf1,
             acc, sem0, sem1) = rest
        else:
            out_hbm, row_v, gidx_v, buf0, buf1, acc, sem0, sem1 = rest
        c = lax.axis_index("c")
        s = lax.axis_index("s")

        base = c * NP

        zeros16 = jnp.zeros((16,), jnp.float32)

        @pl.loop(0, K)
        def _(r):
            for i in range(H // 16):
                buf0[r, pl.ds(i * 16, 16)] = zeros16

        rbase = s * RPT
        for q in range(NFULL):
            pltpu.sync_copy(buf0, acc.at[pl.ds(rbase + q * K, K)])
        pltpu.sync_copy(buf0.at[pl.ds(0, REM)],
                        acc.at[pl.ds(rbase + NFULL * K, REM)])
        plsc.subcore_barrier()

        for half in range(2):
            cb = s * CHT_MM + half * CHT2
            pltpu.sync_copy(row_hbm.at[pl.ds(cb, CHT2)], row_v)
            pltpu.sync_copy(col_hbm.at[pl.ds(cb, CHT2)], gidx_v)

            @pl.loop(0, CHT2)
            def _(j):
                for i in range(K // 16):
                    sl = pl.ds(i * 16, 16)
                    gidx_v[j, sl] = gidx_v[j, sl] + base

            pltpu.async_copy(z_hbm.at[gidx_v.at[0]], buf0, sem0)
            pltpu.async_copy(z_hbm.at[gidx_v.at[1]], buf1, sem1)

            @pl.loop(0, CHT2, step=2)
            def _(g):
                for b, (buf, sem) in enumerate(((buf0, sem0), (buf1, sem1))):
                    j = g + b
                    pltpu.make_async_copy(z_hbm.at[gidx_v.at[j]], buf,
                                          sem).wait()
                    pltpu.sync_copy(buf, acc.at[row_v.at[j]], add=True)
                    jn = j + 2

                    @pl.when(jn < CHT2)
                    def _():
                        pltpu.async_copy(z_hbm.at[gidx_v.at[jn]], buf, sem)

        plsc.subcore_barrier()

        def flush(off, nrows, src_slice):
            pltpu.sync_copy(acc.at[pl.ds(off, nrows)], src_slice)
            if scaled:
                pltpu.sync_copy(s2_hbm.at[pl.ds(off, nrows)],
                                buf1.at[pl.ds(0, nrows)])

                @pl.loop(0, nrows)
                def _(r):
                    for i in range(H // 16):
                        sl = pl.ds(i * 16, 16)
                        buf0[r, sl] = buf0[r, sl] * buf1[r, sl]
            pltpu.sync_copy(src_slice, out_hbm.at[c, pl.ds(off, nrows)])

        for q in range(NFULL):
            flush(rbase + q * K, K, buf0)
        flush(rbase + NFULL * K, REM, buf0.at[pl.ds(0, REM)])

    scratch = [
        pltpu.VMEM((CHT2, K), jnp.int32),
        pltpu.VMEM((CHT2, K), jnp.int32),
        pltpu.VMEM((K, H), jnp.float32),
        pltpu.VMEM((K, H), jnp.float32),
        pltpu.VMEM_SHARED((NP, H), jnp.float32),
        pltpu.SemaphoreType.DMA,
        pltpu.SemaphoreType.DMA,
    ]
    return functools.partial(
        pl.kernel,
        out_type=jax.ShapeDtypeStruct((NC, NP, H), jnp.float32),
        mesh=_mesh,
        scratch_types=scratch,
    )(body)


_spmm_kernel = _make_spmm_kernel(scaled=False)
_spmm_scaled_kernel = _make_spmm_kernel(scaled=True)


def _rsqrt_deg(deg_ref):
    deg = deg_ref[0] + deg_ref[1]
    return lax.rsqrt(deg + EPS)


def _scale_in_body(deg_ref, x_ref, out_ref):
    deg = deg_ref[0] + deg_ref[1]
    sinv = lax.rsqrt(deg + EPS)
    out_ref[0] = sinv * x_ref[:, :H]
    out_ref[1] = sinv * x_ref[:, H:]


def _scale_mid_body(deg_ref, z_ref, out_ref):
    deg = deg_ref[0] + deg_ref[1]
    s2 = 1.0 / (deg + EPS)
    out_ref[0] = z_ref[0] * s2
    out_ref[1] = z_ref[1] * s2


def _final_body(deg_ref, z_ref, x_ref, out_ref):
    sinv = _rsqrt_deg(deg_ref)[:N]
    out_ref[:, :H] = x_ref[:, :H] + sinv * z_ref[0, :N, :]
    out_ref[:, H:] = x_ref[:, H:] + sinv * z_ref[1, :N, :]


def kernel(x, edge_index):
    row = edge_index[0].astype(jnp.int32)
    col = edge_index[1].astype(jnp.int32)
    pad = EP - E
    rowp = jnp.concatenate([row, jnp.full((pad,), N, jnp.int32)]).reshape(NCHUNK, K)
    colp = jnp.concatenate([col, jnp.full((pad,), N, jnp.int32)]).reshape(NCHUNK, K)
    xp = jnp.zeros((NP, D), x.dtype).at[:N].set(x)

    deg2 = _deg_kernel(rowp)

    z0 = pl.pallas_call(
        _scale_in_body,
        out_shape=jax.ShapeDtypeStruct((NC, NP, H), jnp.float32),
    )(deg2, xp)

    z1 = _spmm_kernel(z0.reshape(NC * NP, H), rowp, colp)

    z1s = pl.pallas_call(
        _scale_mid_body,
        out_shape=jax.ShapeDtypeStruct((NC, NP, H), jnp.float32),
    )(deg2, z1)

    z2 = _spmm_kernel(z1s.reshape(NC * NP, H), rowp, colp)

    out = pl.pallas_call(
        _final_body,
        out_shape=jax.ShapeDtypeStruct((N, D), jnp.float32),
    )(deg2, z2, x)
    return out

# --- scband reference (transcript-rebuilt; emitter-appended) ---
"""Pipeline reference for scband-item-graph-63900523430083 (READ-ONLY COPY).

The authoritative reference and input builder live on the scoring server;
editing this copy changes nothing except your own understanding.
"""

import jax, jax.numpy as jnp
import numpy as np

N_NODES = 10000
N_EDGES = 160000
D_FEAT = 256
NUM_GCN_LAYERS = 2


def setup_inputs(seed: int = 0) -> dict:
    key = jax.random.key(seed)
    k1, k2 = jax.random.split(key)
    x = jax.random.normal(k1, (N_NODES, D_FEAT), dtype=jnp.float32)
    edge_index = jax.random.randint(k2, (2, N_EDGES), 0, N_NODES).astype(jnp.int64)
    return {"x": x, "edge_index": edge_index}


def reference(x, edge_index):
    # Faithful JAX translation of Item_Graph.forward with the kNN-graph
    # normalized-laplacian sparse adjacency (compute_normalized_laplacian)
    # applied via sparse.mm per GCN layer, then residual add (mm_adj + h).
    N = x.shape[0]
    row = edge_index[0]
    col = edge_index[1]
    # compute_normalized_laplacian: D^{-1/2} A D^{-1/2} values
    ones = jnp.ones((row.shape[0],), dtype=x.dtype)
    row_sum = jax.ops.segment_sum(ones, row, num_segments=N) + 1e-07
    r_inv_sqrt = jnp.power(row_sum, -0.5)
    values = r_inv_sqrt[row] * r_inv_sqrt[col]
    # h = mm_adj; for each GCNLayer: h = torch.sparse.mm(adj, h)
    h = x
    for _ in range(NUM_GCN_LAYERS):
        gathered = jnp.take(h, col, axis=0)  # gather neighbor features
        h = jax.ops.segment_sum(values[:, None] * gathered, row, num_segments=N)  # scatter-add
    # item_rep = mm_adj + h
    item_rep = x + h
    return item_rep

if __name__ == "__main__":
    import jax
    _d = setup_inputs()
    print(jax.jit(kernel)(*tuple(_d.values())))

</pallas_src>

<mosaic_0001>
#map = affine_map<(d0, d1) -> (0, 0)>
#map1 = affine_map<(d0, d1) -> (0, 0, 0)>
module attributes {stable_mosaic.version = 14 : i64} {
  func.func @deg_kernel(%arg0: i32, %arg1: i32, %arg2: memref<1280x128xi32, #tpu.memory_space<hbm>>, %arg3: memref<2x10112x128xf32, #tpu.memory_space<hbm>>, %arg4: memref<40x128xi32, #tpu.memory_space<vmem>>, %arg5: memref<128x128xf32, #tpu.memory_space<vmem>>, %arg6: memref<128x128xf32, #tpu.memory_space<vmem>>, %arg7: memref<10112x128xf32, #tpu.memory_space<vmem_shared>>) attributes {dimension_semantics = [#tpu.dimension_semantics<core_parallel>, #tpu.dimension_semantics<subcore_parallel>], iteration_bounds = array<i64: 2, 16>, scalar_prefetch = 0 : i64, scratch_operands = 4 : i64, tpu.core_type = #tpu.core_type<sc_vector_subcore>, window_params = [{transform_indices = #map}, {transform_indices = #map1}]} {
    %mul3A = arith.constant 16 : i32
    %mul3A_0 = arith.muli %arg0, %mul3A : i32
    %add3A = arith.addi %mul3A_0, %arg1 : i32
    %mul3A_1 = arith.constant 40 : i32
    %mul3A_2 = arith.muli %add3A, %mul3A_1 : i32
    "tpu.region"() ({
      %run_scoped3A = tpu.sem_alloc : memref<!tpu.dma_semaphore, #tpu.memory_space<semaphore_mem>>
      %dma_start3A = arith.constant 0 : i32
      %dma_start3A_48 = tpu.memref_slice %arg2[%mul3A_2, %dma_start3A] : memref<1280x128xi32, #tpu.memory_space<hbm>> -> memref<40x128xi32, #tpu.memory_space<hbm>>
      %dma_start3A_49 = arith.constant 0 : i32
      %dma_start3A_50 = tpu.memref_slice %arg2[%mul3A_2, %dma_start3A_49] : memref<1280x128xi32, #tpu.memory_space<hbm>> -> memref<40x128xi32, #tpu.memory_space<hbm>>
      tpu.enqueue_dma source(%dma_start3A_50 : memref<40x128xi32, #tpu.memory_space<hbm>>) target(%arg4 : memref<40x128xi32, #tpu.memory_space<vmem>>) target_semaphore(%run_scoped3A : memref<!tpu.dma_semaphore, #tpu.memory_space<semaphore_mem>>)
      %dma_wait3A = arith.constant 0 : i32
      %dma_wait3A_51 = tpu.memref_slice %arg2[%mul3A_2, %dma_wait3A] : memref<1280x128xi32, #tpu.memory_space<hbm>> -> memref<40x128xi32, #tpu.memory_space<hbm>>
      %dma_wait3A_52 = arith.constant 0 : i32
      %dma_wait3A_53 = tpu.memref_slice %arg2[%mul3A_2, %dma_wait3A_52] : memref<1280x128xi32, #tpu.memory_space<hbm>> -> memref<40x128xi32, #tpu.memory_space<hbm>>
      tpu.wait_dma2 semaphore(%run_scoped3A : memref<!tpu.dma_semaphore, #tpu.memory_space<semaphore_mem>>) src(%dma_wait3A_53 : memref<40x128xi32, #tpu.memory_space<hbm>>) dst(%arg4 : memref<40x128xi32, #tpu.memory_space<vmem>>)
      tpu.yield
    }) : () -> ()
    %broadcast_in_dim3A = arith.constant 1.000000e+00 : f32
    %broadcast_in_dim3A_3 = vector.broadcast %broadcast_in_dim3A : f32 to vector<16xf32>
    %broadcast_in_dim3A_4 = arith.constant 0.000000e+00 : f32
    %broadcast_in_dim3A_5 = vector.broadcast %broadcast_in_dim3A_4 : f32 to vector<16xf32>
    %scan3A = arith.constant 0 : i32
    %scan3A_6 = arith.constant 128 : i32
    %scan3A_7 = arith.addi %scan3A, %scan3A_6 : i32
    %scan3A_8 = arith.constant 1 : i32
    scf.for %scan3A_48 = %scan3A to %scan3A_7 step %scan3A_8  : i32 {
      %mul3A_49 = arith.constant 1 : i32
      %mul3A_50 = arith.muli %scan3A_48, %mul3A_49 : i32
      %add3A_51 = arith.constant 0 : i32
      %add3A_52 = arith.addi %add3A_51, %mul3A_50 : i32
      %swap3A = arith.index_cast %add3A_52 : i32 to index
      %swap3A_53 = arith.constant 0 : index
      %swap3A_54 = tpu.vector_load %arg5[%swap3A, %swap3A_53] {strides = array<i32>} : memref<128x128xf32, #tpu.memory_space<vmem>>, vector<1x16xf32>,
      %swap3A_55 = vector.shape_cast %swap3A_54 : vector<1x16xf32> to vector<16xf32>
      %swap3A_56 = vector.shape_cast %broadcast_in_dim3A_3 : vector<16xf32> to vector<1x16xf32>
      tpu.vector_store %arg5[%swap3A, %swap3A_53], %swap3A_56 {strides = array<i32>} : memref<128x128xf32, #tpu.memory_space<vmem>>, vector<1x16xf32>,
      %swap3A_57 = arith.index_cast %add3A_52 : i32 to index
      %swap3A_58 = arith.constant 0 : index
      %swap3A_59 = tpu.vector_load %arg6[%swap3A_57, %swap3A_58] {strides = array<i32>} : memref<128x128xf32, #tpu.memory_space<vmem>>, vector<1x16xf32>,
      %swap3A_60 = vector.shape_cast %swap3A_59 : vector<1x16xf32> to vector<16xf32>
      %swap3A_61 = vector.shape_cast %broadcast_in_dim3A_5 : vector<16xf32> to vector<1x16xf32>
      tpu.vector_store %arg6[%swap3A_57, %swap3A_58], %swap3A_61 {strides = array<i32>} : memref<128x128xf32, #tpu.memory_space<vmem>>, vector<1x16xf32>,
      %swap3A_62 = arith.index_cast %add3A_52 : i32 to index
      %swap3A_63 = arith.constant 16 : index
      %swap3A_64 = tpu.vector_load %arg5[%swap3A_62, %swap3A_63] {strides = array<i32>} : memref<128x128xf32, #tpu.memory_space<vmem>>, vector<1x16xf32>,
      %swap3A_65 = vector.shape_cast %swap3A_64 : vector<1x16xf32> to vector<16xf32>
      %swap3A_66 = vector.shape_cast %broadcast_in_dim3A_3 : vector<16xf32> to vector<1x16xf32>
      tpu.vector_store %arg5[%swap3A_62, %swap3A_63], %swap3A_66 {strides = array<i32>} : memref<128x128xf32, #tpu.memory_space<vmem>>, vector<1x16xf32>,
      %swap3A_67 = arith.index_cast %add3A_52 : i32 to index
      %swap3A_68 = arith.constant 16 : index
      %swap3A_69 = tpu.vector_load %arg6[%swap3A_67, %swap3A_68] {strides = array<i32>} : memref<128x128xf32, #tpu.memory_space<vmem>>, vector<1x16xf32>,
      %swap3A_70 = vector.shape_cast %swap3A_69 : vector<1x16xf32> to vector<16xf32>
      %swap3A_71 = vector.shape_cast %broadcast_in_dim3A_5 : vector<16xf32> to vector<1x16xf32>
      tpu.vector_store %arg6[%swap3A_67, %swap3A_68], %swap3A_71 {strides = array<i32>} : memref<128x128xf32, #tpu.memory_space<vmem>>, vector<1x16xf32>,
      %swap3A_72 = arith.index_cast %add3A_52 : i32 to index
      %swap3A_73 = arith.constant 32 : index
      %swap3A_74 = tpu.vector_load %arg5[%swap3A_72, %swap3A_73] {strides = array<i32>} : memref<128x128xf32, #tpu.memory_space<vmem>>, vector<1x16xf32>,
      %swap3A_75 = vector.shape_cast %swap3A_74 : vector<1x16xf32> to vector<16xf32>
      %swap3A_76 = vector.shape_cast %broadcast_in_dim3A_3 : vector<16xf32> to vector<1x16xf32>
      tpu.vector_store %arg5[%swap3A_72, %swap3A_73], %swap3A_76 {strides = array<i32>} : memref<128x128xf32, #tpu.memory_space<vmem>>, vector<1x16xf32>,
      %swap3A_77 = arith.index_cast %add3A_52 : i32 to index
      %swap3A_78 = arith.constant 32 : index
      %swap3A_79 = tpu.vector_load %arg6[%swap3A_77, %swap3A_78] {strides = array<i32>} : memref<128x128xf32, #tpu.memory_space<vmem>>, vector<1x16xf32>,
      %swap3A_80 = vector.shape_cast %swap3A_79 : vector<1x16xf32> to vector<16xf32>
      %swap3A_81 = vector.shape_cast %broadcast_in_dim3A_5 : vector<16xf32> to vector<1x16xf32>
      tpu.vector_store %arg6[%swap3A_77, %swap3A_78], %swap3A_81 {strides = array<i32>} : memref<128x128xf32, #tpu.memory_space<vmem>>, vector<1x16xf32>,
      %swap3A_82 = arith.index_cast %add3A_52 : i32 to index
      %swap3A_83 = arith.constant 48 : index
      %swap3A_84 = tpu.vector_load %arg5[%swap3A_82, %swap3A_83] {strides = array<i32>} : memref<128x128xf32, #tpu.memory_space<vmem>>, vector<1x16xf32>,
      %swap3A_85 = vector.shape_cast %swap3A_84 : vector<1x16xf32> to vector<16xf32>
      %swap3A_86 = vector.shape_cast %broadcast_in_dim3A_3 : vector<16xf32> to vector<1x16xf32>
      tpu.vector_store %arg5[%swap3A_82, %swap3A_83], %swap3A_86 {strides = array<i32>} : memref<128x128xf32, #tpu.memory_space<vmem>>, vector<1x16xf32>,
      %swap3A_87 = arith.index_cast %add3A_52 : i32 to index
      %swap3A_88 = arith.constant 48 : index
      %swap3A_89 = tpu.vector_load %arg6[%swap3A_87, %swap3A_88] {strides = array<i32>} : memref<128x128xf32, #tpu.memory_space<vmem>>, vector<1x16xf32>,
      %swap3A_90 = vector.shape_cast %swap3A_89 : vector<1x16xf32> to vector<16xf32>
      %swap3A_91 = vector.shape_cast %broadcast_in_dim3A_5 : vector<16xf32> to vector<1x16xf32>
      tpu.vector_store %arg6[%swap3A_87, %swap3A_88], %swap3A_91 {strides = array<i32>} : memref<128x128xf32, #tpu.memory_space<vmem>>, vector<1x16xf32>,
      %swap3A_92 = arith.index_cast %add3A_52 : i32 to index
      %swap3A_93 = arith.constant 64 : index
      %swap3A_94 = tpu.vector_load %arg5[%swap3A_92, %swap3A_93] {strides = array<i32>} : memref<128x128xf32, #tpu.memory_space<vmem>>, vector<1x16xf32>,
      %swap3A_95 = vector.shape_cast %swap3A_94 : vector<1x16xf32> to vector<16xf32>
      %swap3A_96 = vector.shape_cast %broadcast_in_dim3A_3 : vector<16xf32> to vector<1x16xf32>
      tpu.vector_store %arg5[%swap3A_92, %swap3A_93], %swap3A_96 {strides = array<i32>} : memref<128x128xf32, #tpu.memory_space<vmem>>, vector<1x16xf32>,
      %swap3A_97 = arith.index_cast %add3A_52 : i32 to index
      %swap3A_98 = arith.constant 64 : index
      %swap3A_99 = tpu.vector_load %arg6[%swap3A_97, %swap3A_98] {strides = array<i32>} : memref<128x128xf32, #tpu.memory_space<vmem>>, vector<1x16xf32>,
      %swap3A_100 = vector.shape_cast %swap3A_99 : vector<1x16xf32> to vector<16xf32>
      %swap3A_101 = vector.shape_cast %broadcast_in_dim3A_5 : vector<16xf32> to vector<1x16xf32>
      tpu.vector_store %arg6[%swap3A_97, %swap3A_98], %swap3A_101 {strides = array<i32>} : memref<128x128xf32, #tpu.memory_space<vmem>>, vector<1x16xf32>,
      %swap3A_102 = arith.index_cast %add3A_52 : i32 to index
      %swap3A_103 = arith.constant 80 : index
      %swap3A_104 = tpu.vector_load %arg5[%swap3A_102, %swap3A_103] {strides = array<i32>} : memref<128x128xf32, #tpu.memory_space<vmem>>, vector<1x16xf32>,
      %swap3A_105 = vector.shape_cast %swap3A_104 : vector<1x16xf32> to vector<16xf32>
      %swap3A_106 = vector.shape_cast %broadcast_in_dim3A_3 : vector<16xf32> to vector<1x16xf32>
      tpu.vector_store %arg5[%swap3A_102, %swap3A_103], %swap3A_106 {strides = array<i32>} : memref<128x128xf32, #tpu.memory_space<vmem>>, vector<1x16xf32>,
      %swap3A_107 = arith.index_cast %add3A_52 : i32 to index
      %swap3A_108 = arith.constant 80 : index
      %swap3A_109 = tpu.vector_load %arg6[%swap3A_107, %swap3A_108] {strides = array<i32>} : memref<128x128xf32, #tpu.memory_space<vmem>>, vector<1x16xf32>,
      %swap3A_110 = vector.shape_cast %swap3A_109 : vector<1x16xf32> to vector<16xf32>
      %swap3A_111 = vector.shape_cast %broadcast_in_dim3A_5 : vector<16xf32> to vector<1x16xf32>
      tpu.vector_store %arg6[%swap3A_107, %swap3A_108], %swap3A_111 {strides = array<i32>} : memref<128x128xf32, #tpu.memory_space<vmem>>, vector<1x16xf32>,
      %swap3A_112 = arith.index_cast %add3A_52 : i32 to index
      %swap3A_113 = arith.constant 96 : index
      %swap3A_114 = tpu.vector_load %arg5[%swap3A_112, %swap3A_113] {strides = array<i32>} : memref<128x128xf32, #tpu.memory_space<vmem>>, vector<1x16xf32>,
      %swap3A_115 = vector.shape_cast %swap3A_114 : vector<1x16xf32> to vector<16xf32>
      %swap3A_116 = vector.shape_cast %broadcast_in_dim3A_3 : vector<16xf32> to vector<1x16xf32>
      tpu.vector_store %arg5[%swap3A_112, %swap3A_113], %swap3A_116 {strides = array<i32>} : memref<128x128xf32, #tpu.memory_space<vmem>>, vector<1x16xf32>,
      %swap3A_117 = arith.index_cast %add3A_52 : i32 to index
      %swap3A_118 = arith.constant 96 : index
      %swap3A_119 = tpu.vector_load %arg6[%swap3A_117, %swap3A_118] {strides = array<i32>} : memref<128x128xf32, #tpu.memory_space<vmem>>, vector<1x16xf32>,
      %swap3A_120 = vector.shape_cast %swap3A_119 : vector<1x16xf32> to vector<16xf32>
      %swap3A_121 = vector.shape_cast %broadcast_in_dim3A_5 : vector<16xf32> to vector<1x16xf32>
      tpu.vector_store %arg6[%swap3A_117, %swap3A_118], %swap3A_121 {strides = array<i32>} : memref<128x128xf32, #tpu.memory_space<vmem>>, vector<1x16xf32>,
      %swap3A_122 = arith.index_cast %add3A_52 : i32 to index
      %swap3A_123 = arith.constant 112 : index
      %swap3A_124 = tpu.vector_load %arg5[%swap3A_122, %swap3A_123] {strides = array<i32>} : memref<128x128xf32, #tpu.memory_space<vmem>>, vector<1x16xf32>,
      %swap3A_125 = vector.shape_cast %swap3A_124 : vector<1x16xf32> to vector<16xf32>
      %swap3A_126 = vector.shape_cast %broadcast_in_dim3A_3 : vector<16xf32> to vector<1x16xf32>
      tpu.vector_store %arg5[%swap3A_122, %swap3A_123], %swap3A_126 {strides = array<i32>} : memref<128x128xf32, #tpu.memory_space<vmem>>, vector<1x16xf32>,
      %swap3A_127 = arith.index_cast %add3A_52 : i32 to index
      %swap3A_128 = arith.constant 112 : index
      %swap3A_129 = tpu.vector_load %arg6[%swap3A_127, %swap3A_128] {strides = array<i32>} : memref<128x128xf32, #tpu.memory_space<vmem>>, vector<1x16xf32>,
      %swap3A_130 = vector.shape_cast %swap3A_129 : vector<1x16xf32> to vector<16xf32>
      %swap3A_131 = vector.shape_cast %broadcast_in_dim3A_5 : vector<16xf32> to vector<1x16xf32>
      tpu.vector_store %arg6[%swap3A_127, %swap3A_128], %swap3A_131 {strides = array<i32>} : memref<128x128xf32, #tpu.memory_space<vmem>>, vector<1x16xf32>,
    }
    %scan3A_9 = arith.constant 128 : i32
    %mul3A_10 = arith.constant 632 : i32
    %mul3A_11 = arith.muli %arg1, %mul3A_10 : i32
    %add3A_12 = arith.constant 0 : i32
    %add3A_13 = arith.addi %mul3A_11, %add3A_12 : i32
    "tpu.region"() ({
      %run_scoped3A = tpu.sem_alloc : memref<!tpu.dma_semaphore, #tpu.memory_space<semaphore_mem>>
      %dma_start3A = arith.constant 0 : i32
      %dma_start3A_48 = tpu.memref_slice %arg7[%add3A_13, %dma_start3A] : memref<10112x128xf32, #tpu.memory_space<vmem_shared>> -> memref<128x128xf32, #tpu.memory_space<vmem_shared>>
      %dma_start3A_49 = arith.constant 0 : i32
      %dma_start3A_50 = tpu.memref_slice %arg7[%add3A_13, %dma_start3A_49] : memref<10112x128xf32, #tpu.memory_space<vmem_shared>> -> memref<128x128xf32, #tpu.memory_space<vmem_shared>>
      tpu.enqueue_dma source(%arg6 : memref<128x128xf32, #tpu.memory_space<vmem>>) target(%dma_start3A_50 : memref<128x128xf32, #tpu.memory_space<vmem_shared>>) target_semaphore(%run_scoped3A : memref<!tpu.dma_semaphore, #tpu.memory_space<semaphore_mem>>)
      %dma_wait3A = arith.constant 0 : i32
      %dma_wait3A_51 = tpu.memref_slice %arg7[%add3A_13, %dma_wait3A] : memref<10112x128xf32, #tpu.memory_space<vmem_shared>> -> memref<128x128xf32, #tpu.memory_space<vmem_shared>>
      %dma_wait3A_52 = arith.constant 0 : i32
      %dma_wait3A_53 = tpu.memref_slice %arg7[%add3A_13, %dma_wait3A_52] : memref<10112x128xf32, #tpu.memory_space<vmem_shared>> -> memref<128x128xf32, #tpu.memory_space<vmem_shared>>
      tpu.wait_dma2 semaphore(%run_scoped3A : memref<!tpu.dma_semaphore, #tpu.memory_space<semaphore_mem>>) src(%arg6 : memref<128x128xf32, #tpu.memory_space<vmem>>) dst(%dma_wait3A_53 : memref<128x128xf32, #tpu.memory_space<vmem_shared>>)
      tpu.yield
    }) : () -> ()
    %add3A_14 = arith.constant 128 : i32
    %add3A_15 = arith.addi %mul3A_11, %add3A_14 : i32
    "tpu.region"() ({
      %run_scoped3A = tpu.sem_alloc : memref<!tpu.dma_semaphore, #tpu.memory_space<semaphore_mem>>
      %dma_start3A = arith.constant 0 : i32
      %dma_start3A_48 = tpu.memref_slice %arg7[%add3A_15, %dma_start3A] : memref<10112x128xf32, #tpu.memory_space<vmem_shared>> -> memref<128x128xf32, #tpu.memory_space<vmem_shared>>
      %dma_start3A_49 = arith.constant 0 : i32
      %dma_start3A_50 = tpu.memref_slice %arg7[%add3A_15, %dma_start3A_49] : memref<10112x128xf32, #tpu.memory_space<vmem_shared>> -> memref<128x128xf32, #tpu.memory_space<vmem_shared>>
      tpu.enqueue_dma source(%arg6 : memref<128x128xf32, #tpu.memory_space<vmem>>) target(%dma_start3A_50 : memref<128x128xf32, #tpu.memory_space<vmem_shared>>) target_semaphore(%run_scoped3A : memref<!tpu.dma_semaphore, #tpu.memory_space<semaphore_mem>>)
      %dma_wait3A = arith.constant 0 : i32
      %dma_wait3A_51 = tpu.memref_slice %arg7[%add3A_15, %dma_wait3A] : memref<10112x128xf32, #tpu.memory_space<vmem_shared>> -> memref<128x128xf32, #tpu.memory_space<vmem_shared>>
      %dma_wait3A_52 = arith.constant 0 : i32
      %dma_wait3A_53 = tpu.memref_slice %arg7[%add3A_15, %dma_wait3A_52] : memref<10112x128xf32, #tpu.memory_space<vmem_shared>> -> memref<128x128xf32, #tpu.memory_space<vmem_shared>>
      tpu.wait_dma2 semaphore(%run_scoped3A : memref<!tpu.dma_semaphore, #tpu.memory_space<semaphore_mem>>) src(%arg6 : memref<128x128xf32, #tpu.memory_space<vmem>>) dst(%dma_wait3A_53 : memref<128x128xf32, #tpu.memory_space<vmem_shared>>)
      tpu.yield
    }) : () -> ()
    %add3A_16 = arith.constant 256 : i32
    %add3A_17 = arith.addi %mul3A_11, %add3A_16 : i32
    "tpu.region"() ({
      %run_scoped3A = tpu.sem_alloc : memref<!tpu.dma_semaphore, #tpu.memory_space<semaphore_mem>>
      %dma_start3A = arith.constant 0 : i32
      %dma_start3A_48 = tpu.memref_slice %arg7[%add3A_17, %dma_start3A] : memref<10112x128xf32, #tpu.memory_space<vmem_shared>> -> memref<128x128xf32, #tpu.memory_space<vmem_shared>>
      %dma_start3A_49 = arith.constant 0 : i32
      %dma_start3A_50 = tpu.memref_slice %arg7[%add3A_17, %dma_start3A_49] : memref<10112x128xf32, #tpu.memory_space<vmem_shared>> -> memref<128x128xf32, #tpu.memory_space<vmem_shared>>
      tpu.enqueue_dma source(%arg6 : memref<128x128xf32, #tpu.memory_space<vmem>>) target(%dma_start3A_50 : memref<128x128xf32, #tpu.memory_space<vmem_shared>>) target_semaphore(%run_scoped3A : memref<!tpu.dma_semaphore, #tpu.memory_space<semaphore_mem>>)
      %dma_wait3A = arith.constant 0 : i32
      %dma_wait3A_51 = tpu.memref_slice %arg7[%add3A_17, %dma_wait3A] : memref<10112x128xf32, #tpu.memory_space<vmem_shared>> -> memref<128x128xf32, #tpu.memory_space<vmem_shared>>
      %dma_wait3A_52 = arith.constant 0 : i32
      %dma_wait3A_53 = tpu.memref_slice %arg7[%add3A_17, %dma_wait3A_52] : memref<10112x128xf32, #tpu.memory_space<vmem_shared>> -> memref<128x128xf32, #tpu.memory_space<vmem_shared>>
      tpu.wait_dma2 semaphore(%run_scoped3A : memref<!tpu.dma_semaphore, #tpu.memory_space<semaphore_mem>>) src(%arg6 : memref<128x128xf32, #tpu.memory_space<vmem>>) dst(%dma_wait3A_53 : memref<128x128xf32, #tpu.memory_space<vmem_shared>>)
      tpu.yield
    }) : () -> ()
    %add3A_18 = arith.constant 384 : i32
    %add3A_19 = arith.addi %mul3A_11, %add3A_18 : i32
    "tpu.region"() ({
      %run_scoped3A = tpu.sem_alloc : memref<!tpu.dma_semaphore, #tpu.memory_space<semaphore_mem>>
      %dma_start3A = arith.constant 0 : i32
      %dma_start3A_48 = tpu.memref_slice %arg7[%add3A_19, %dma_start3A] : memref<10112x128xf32, #tpu.memory_space<vmem_shared>> -> memref<128x128xf32, #tpu.memory_space<vmem_shared>>
      %dma_start3A_49 = arith.constant 0 : i32
      %dma_start3A_50 = tpu.memref_slice %arg7[%add3A_19, %dma_start3A_49] : memref<10112x128xf32, #tpu.memory_space<vmem_shared>> -> memref<128x128xf32, #tpu.memory_space<vmem_shared>>
      tpu.enqueue_dma source(%arg6 : memref<128x128xf32, #tpu.memory_space<vmem>>) target(%dma_start3A_50 : memref<128x128xf32, #tpu.memory_space<vmem_shared>>) target_semaphore(%run_scoped3A : memref<!tpu.dma_semaphore, #tpu.memory_space<semaphore_mem>>)
      %dma_wait3A = arith.constant 0 : i32
      %dma_wait3A_51 = tpu.memref_slice %arg7[%add3A_19, %dma_wait3A] : memref<10112x128xf32, #tpu.memory_space<vmem_shared>> -> memref<128x128xf32, #tpu.memory_space<vmem_shared>>
      %dma_wait3A_52 = arith.constant 0 : i32
      %dma_wait3A_53 = tpu.memref_slice %arg7[%add3A_19, %dma_wait3A_52] : memref<10112x128xf32, #tpu.memory_space<vmem_shared>> -> memref<128x128xf32, #tpu.memory_space<vmem_shared>>
      tpu.wait_dma2 semaphore(%run_scoped3A : memref<!tpu.dma_semaphore, #tpu.memory_space<semaphore_mem>>) src(%arg6 : memref<128x128xf32, #tpu.memory_space<vmem>>) dst(%dma_wait3A_53 : memref<128x128xf32, #tpu.memory_space<vmem_shared>>)
      tpu.yield
    }) : () -> ()
    %add3A_20 = arith.constant 512 : i32
    %add3A_21 = arith.addi %mul3A_11, %add3A_20 : i32
    "tpu.region"() ({
      %run_scoped3A = tpu.sem_alloc : memref<!tpu.dma_semaphore, #tpu.memory_space<semaphore_mem>>
      %dma_start3A = arith.constant 0 : i32
      %dma_start3A_48 = arith.constant 0 : i32
      %dma_start3A_49 = tpu.memref_slice %arg6[%dma_start3A, %dma_start3A_48] : memref<128x128xf32, #tpu.memory_space<vmem>> -> memref<120x128xf32, #tpu.memory_space<vmem>>
      %dma_start3A_50 = arith.constant 0 : i32
      %dma_start3A_51 = tpu.memref_slice %arg7[%add3A_21, %dma_start3A_50] : memref<10112x128xf32, #tpu.memory_space<vmem_shared>> -> memref<120x128xf32, #tpu.memory_space<vmem_shared>>
      %dma_start3A_52 = arith.constant 0 : i32
      %dma_start3A_53 = tpu.memref_slice %arg7[%add3A_21, %dma_start3A_52] : memref<10112x128xf32, #tpu.memory_space<vmem_shared>> -> memref<120x128xf32, #tpu.memory_space<vmem_shared>>
      %dma_start3A_54 = arith.constant 0 : i32
      %dma_start3A_55 = arith.constant 0 : i32
      %dma_start3A_56 = tpu.memref_slice %arg6[%dma_start3A_54, %dma_start3A_55] : memref<128x128xf32, #tpu.memory_space<vmem>> -> memref<120x128xf32, #tpu.memory_space<vmem>>
      tpu.enqueue_dma source(%dma_start3A_56 : memref<120x128xf32, #tpu.memory_space<vmem>>) target(%dma_start3A_53 : memref<120x128xf32, #tpu.memory_space<vmem_shared>>) target_semaphore(%run_scoped3A : memref<!tpu.dma_semaphore, #tpu.memory_space<semaphore_mem>>)
      %dma_wait3A = arith.constant 0 : i32
      %dma_wait3A_57 = arith.constant 0 : i32
      %dma_wait3A_58 = tpu.memref_slice %arg6[%dma_wait3A, %dma_wait3A_57] : memref<128x128xf32, #tpu.memory_space<vmem>> -> memref<120x128xf32, #tpu.memory_space<vmem>>
      %dma_wait3A_59 = arith.constant 0 : i32
      %dma_wait3A_60 = tpu.memref_slice %arg7[%add3A_21, %dma_wait3A_59] : memref<10112x128xf32, #tpu.memory_space<vmem_shared>> -> memref<120x128xf32, #tpu.memory_space<vmem_shared>>
      %dma_wait3A_61 = arith.constant 0 : i32
      %dma_wait3A_62 = tpu.memref_slice %arg7[%add3A_21, %dma_wait3A_61] : memref<10112x128xf32, #tpu.memory_space<vmem_shared>> -> memref<120x128xf32, #tpu.memory_space<vmem_shared>>
      %dma_wait3A_63 = arith.constant 0 : i32
      %dma_wait3A_64 = arith.constant 0 : i32
      %dma_wait3A_65 = tpu.memref_slice %arg6[%dma_wait3A_63, %dma_wait3A_64] : memref<128x128xf32, #tpu.memory_space<vmem>> -> memref<120x128xf32, #tpu.memory_space<vmem>>
      tpu.wait_dma2 semaphore(%run_scoped3A : memref<!tpu.dma_semaphore, #tpu.memory_space<semaphore_mem>>) src(%dma_wait3A_65 : memref<120x128xf32, #tpu.memory_space<vmem>>) dst(%dma_wait3A_62 : memref<120x128xf32, #tpu.memory_space<vmem_shared>>)
      tpu.yield
    }) : () -> ()
    %barrier3A = arith.constant 0 : index
    tpu.barrier barrier_id(%barrier3A)
    %scan3A_22 = arith.constant 0 : i32
    %scan3A_23 = arith.constant 40 : i32
    %scan3A_24 = arith.addi %scan3A_22, %scan3A_23 : i32
    %scan3A_25 = arith.constant 1 : i32
    scf.for %scan3A_48 = %scan3A_22 to %scan3A_24 step %scan3A_25  : i32 {
      %mul3A_49 = arith.constant 1 : i32
      %mul3A_50 = arith.muli %scan3A_48, %mul3A_49 : i32
      %add3A_51 = arith.constant 0 : i32
      %add3A_52 = arith.addi %add3A_51, %mul3A_50 : i32
      "tpu.region"() ({
        %run_scoped3A = tpu.sem_alloc : memref<!tpu.dma_semaphore, #tpu.memory_space<semaphore_mem>>
        %dma_start3A = arith.constant 0 : i32
        %dma_start3A_53 = tpu.memref_slice %arg4[%add3A_52, %dma_start3A] : memref<40x128xi32, #tpu.memory_space<vmem>> -> memref<1x128xi32, #tpu.memory_space<vmem>>
        %dma_start3A_54 = tpu.memref_squeeze %dma_start3A_53 : memref<1x128xi32, #tpu.memory_space<vmem>> -> memref<128xi32, #tpu.memory_space<vmem>>
        %dma_start3A_55 = arith.constant 0 : i32
        %dma_start3A_56 = arith.constant 0 : i32
        %dma_start3A_57 = tpu.memref_slice %arg7[%dma_start3A_55, %dma_start3A_56] : memref<10112x128xf32, #tpu.memory_space<vmem_shared>> -> memref<10112x128xf32, #tpu.memory_space<vmem_shared>>
        tpu.enqueue_indirect_dma source(%arg5 : memref<128x128xf32, #tpu.memory_space<vmem>>) target(%dma_start3A_57 : memref<10112x128xf32, #tpu.memory_space<vmem_shared>>) offsets(%dma_start3A_54 : memref<128xi32, #tpu.memory_space<vmem>>) semaphore(%run_scoped3A : memref<!tpu.dma_semaphore, #tpu.memory_space<semaphore_mem>>) {add = true}
        %dma_wait3A = arith.constant 0 : i32
        %dma_wait3A_58 = tpu.memref_slice %arg4[%add3A_52, %dma_wait3A] : memref<40x128xi32, #tpu.memory_space<vmem>> -> memref<1x128xi32, #tpu.memory_space<vmem>>
        %dma_wait3A_59 = tpu.memref_squeeze %dma_wait3A_58 : memref<1x128xi32, #tpu.memory_space<vmem>> -> memref<128xi32, #tpu.memory_space<vmem>>
        %dma_wait3A_60 = arith.constant 0 : i32
        %dma_wait3A_61 = arith.constant 0 : i32
        %dma_wait3A_62 = tpu.memref_slice %arg7[%dma_wait3A_60, %dma_wait3A_61] : memref<10112x128xf32, #tpu.memory_space<vmem_shared>> -> memref<10112x128xf32, #tpu.memory_space<vmem_shared>>
        tpu.wait_indirect_dma semaphore(%run_scoped3A : memref<!tpu.dma_semaphore, #tpu.memory_space<semaphore_mem>>) src(%arg5 : memref<128x128xf32, #tpu.memory_space<vmem>>) dst(%dma_wait3A_62 : memref<10112x128xf32, #tpu.memory_space<vmem_shared>>)
        tpu.yield
      }) : () -> ()
    }
    %scan3A_26 = arith.constant 40 : i32
    %barrier3A_27 = arith.constant 0 : index
    tpu.barrier barrier_id(%barrier3A_27)
    %add3A_28 = arith.constant 0 : i32
    %add3A_29 = arith.addi %mul3A_11, %add3A_28 : i32
    "tpu.region"() ({
      %run_scoped3A = tpu.sem_alloc : memref<!tpu.dma_semaphore, #tpu.memory_space<semaphore_mem>>
      %dma_start3A = arith.constant 0 : i32
      %dma_start3A_48 = tpu.memref_slice %arg7[%add3A_29, %dma_start3A] : memref<10112x128xf32, #tpu.memory_space<vmem_shared>> -> memref<128x128xf32, #tpu.memory_space<vmem_shared>>
      %dma_start3A_49 = arith.constant 0 : i32
      %dma_start3A_50 = tpu.memref_slice %arg7[%add3A_29, %dma_start3A_49] : memref<10112x128xf32, #tpu.memory_space<vmem_shared>> -> memref<128x128xf32, #tpu.memory_space<vmem_shared>>
      tpu.enqueue_dma source(%dma_start3A_50 : memref<128x128xf32, #tpu.memory_space<vmem_shared>>) target(%arg6 : memref<128x128xf32, #tpu.memory_space<vmem>>) target_semaphore(%run_scoped3A : memref<!tpu.dma_semaphore, #tpu.memory_space<semaphore_mem>>)
      %dma_wait3A = arith.constant 0 : i32
      %dma_wait3A_51 = tpu.memref_slice %arg7[%add3A_29, %dma_wait3A] : memref<10112x128xf32, #tpu.memory_space<vmem_shared>> -> memref<128x128xf32, #tpu.memory_space<vmem_shared>>
      %dma_wait3A_52 = arith.constant 0 : i32
      %dma_wait3A_53 = tpu.memref_slice %arg7[%add3A_29, %dma_wait3A_52] : memref<10112x128xf32, #tpu.memory_space<vmem_shared>> -> memref<128x128xf32, #tpu.memory_space<vmem_shared>>
      tpu.wait_dma2 semaphore(%run_scoped3A : memref<!tpu.dma_semaphore, #tpu.memory_space<semaphore_mem>>) src(%dma_wait3A_53 : memref<128x128xf32, #tpu.memory_space<vmem_shared>>) dst(%arg6 : memref<128x128xf32, #tpu.memory_space<vmem>>)
      tpu.yield
    }) : () -> ()
    %add3A_30 = arith.constant 0 : i32
    %add3A_31 = arith.addi %mul3A_11, %add3A_30 : i32
    "tpu.region"() ({
      %run_scoped3A = tpu.sem_alloc : memref<!tpu.dma_semaphore, #tpu.memory_space<semaphore_mem>>
      %dma_start3A = arith.constant 0 : i32
      %dma_start3A_48 = tpu.memref_slice %arg3[%arg0, %add3A_31, %dma_start3A] : memref<2x10112x128xf32, #tpu.memory_space<hbm>> -> memref<1x128x128xf32, #tpu.memory_space<hbm>>
      %dma_start3A_49 = tpu.memref_squeeze %dma_start3A_48 : memref<1x128x128xf32, #tpu.memory_space<hbm>> -> memref<128x128xf32, #tpu.memory_space<hbm>>
      %dma_start3A_50 = arith.constant 0 : i32
      %dma_start3A_51 = tpu.memref_slice %arg3[%arg0, %add3A_31, %dma_start3A_50] : memref<2x10112x128xf32, #tpu.memory_space<hbm>> -> memref<1x128x128xf32, #tpu.memory_space<hbm>>
      %dma_start3A_52 = tpu.memref_squeeze %dma_start3A_51 : memref<1x128x128xf32, #tpu.memory_space<hbm>> -> memref<128x128xf32, #tpu.memory_space<hbm>>
      tpu.enqueue_dma source(%arg6 : memref<128x128xf32, #tpu.memory_space<vmem>>) target(%dma_start3A_52 : memref<128x128xf32, #tpu.memory_space<hbm>>) target_semaphore(%run_scoped3A : memref<!tpu.dma_semaphore, #tpu.memory_space<semaphore_mem>>)
      %dma_wait3A = arith.constant 0 : i32
      %dma_wait3A_53 = tpu.memref_slice %arg3[%arg0, %add3A_31, %dma_wait3A] : memref<2x10112x128xf32, #tpu.memory_space<hbm>> -> memref<1x128x128xf32, #tpu.memory_space<hbm>>
      %dma_wait3A_54 = tpu.memref_squeeze %dma_wait3A_53 : memref<1x128x128xf32, #tpu.memory_space<hbm>> -> memref<128x128xf32, #tpu.memory_space<hbm>>
      %dma_wait3A_55 = arith.constant 0 : i32
      %dma_wait3A_56 = tpu.memref_slice %arg3[%arg0, %add3A_31, %dma_wait3A_55] : memref<2x10112x128xf32, #tpu.memory_space<hbm>> -> memref<1x128x128xf32, #tpu.memory_space<hbm>>
      %dma_wait3A_57 = tpu.memref_squeeze %dma_wait3A_56 : memref<1x128x128xf32, #tpu.memory_space<hbm>> -> memref<128x128xf32, #tpu.memory_space<hbm>>
      tpu.wait_dma2 semaphore(%run_scoped3A : memref<!tpu.dma_semaphore, #tpu.memory_space<semaphore_mem>>) src(%arg6 : memref<128x128xf32, #tpu.memory_space<vmem>>) dst(%dma_wait3A_57 : memref<128x128xf32, #tpu.memory_space<hbm>>)
      tpu.yield
    }) : () -> ()
    %add3A_32 = arith.constant 128 : i32
    %add3A_33 = arith.addi %mul3A_11, %add3A_32 : i32
    "tpu.region"() ({
      %run_scoped3A = tpu.sem_alloc : memref<!tpu.dma_semaphore, #tpu.memory_space<semaphore_mem>>
      %dma_start3A = arith.constant 0 : i32
      %dma_start3A_48 = tpu.memref_slice %arg7[%add3A_33, %dma_start3A] : memref<10112x128xf32, #tpu.memory_space<vmem_shared>> -> memref<128x128xf32, #tpu.memory_space<vmem_shared>>
      %dma_start3A_49 = arith.constant 0 : i32
      %dma_start3A_50 = tpu.memref_slice %arg7[%add3A_33, %dma_start3A_49] : memref<10112x128xf32, #tpu.memory_space<vmem_shared>> -> memref<128x128xf32, #tpu.memory_space<vmem_shared>>
      tpu.enqueue_dma source(%dma_start3A_50 : memref<128x128xf32, #tpu.memory_space<vmem_shared>>) target(%arg6 : memref<128x128xf32, #tpu.memory_space<vmem>>) target_semaphore(%run_scoped3A : memref<!tpu.dma_semaphore, #tpu.memory_space<semaphore_mem>>)
      %dma_wait3A = arith.constant 0 : i32
      %dma_wait3A_51 = tpu.memref_slice %arg7[%add3A_33, %dma_wait3A] : memref<10112x128xf32, #tpu.memory_space<vmem_shared>> -> memref<128x128xf32, #tpu.memory_space<vmem_shared>>
      %dma_wait3A_52 = arith.constant 0 : i32
      %dma_wait3A_53 = tpu.memref_slice %arg7[%add3A_33, %dma_wait3A_52] : memref<10112x128xf32, #tpu.memory_space<vmem_shared>> -> memref<128x128xf32, #tpu.memory_space<vmem_shared>>
      tpu.wait_dma2 semaphore(%run_scoped3A : memref<!tpu.dma_semaphore, #tpu.memory_space<semaphore_mem>>) src(%dma_wait3A_53 : memref<128x128xf32, #tpu.memory_space<vmem_shared>>) dst(%arg6 : memref<128x128xf32, #tpu.memory_space<vmem>>)
      tpu.yield
    }) : () -> ()
    %add3A_34 = arith.constant 128 : i32
    %add3A_35 = arith.addi %mul3A_11, %add3A_34 : i32
    "tpu.region"() ({
      %run_scoped3A = tpu.sem_alloc : memref<!tpu.dma_semaphore, #tpu.memory_space<semaphore_mem>>
      %dma_start3A = arith.constant 0 : i32
      %dma_start3A_48 = tpu.memref_slice %arg3[%arg0, %add3A_35, %dma_start3A] : memref<2x10112x128xf32, #tpu.memory_space<hbm>> -> memref<1x128x128xf32, #tpu.memory_space<hbm>>
      %dma_start3A_49 = tpu.memref_squeeze %dma_start3A_48 : memref<1x128x128xf32, #tpu.memory_space<hbm>> -> memref<128x128xf32, #tpu.memory_space<hbm>>
      %dma_start3A_50 = arith.constant 0 : i32
      %dma_start3A_51 = tpu.memref_slice %arg3[%arg0, %add3A_35, %dma_start3A_50] : memref<2x10112x128xf32, #tpu.memory_space<hbm>> -> memref<1x128x128xf32, #tpu.memory_space<hbm>>
      %dma_start3A_52 = tpu.memref_squeeze %dma_start3A_51 : memref<1x128x128xf32, #tpu.memory_space<hbm>> -> memref<128x128xf32, #tpu.memory_space<hbm>>
      tpu.enqueue_dma source(%arg6 : memref<128x128xf32, #tpu.memory_space<vmem>>) target(%dma_start3A_52 : memref<128x128xf32, #tpu.memory_space<hbm>>) target_semaphore(%run_scoped3A : memref<!tpu.dma_semaphore, #tpu.memory_space<semaphore_mem>>)
      %dma_wait3A = arith.constant 0 : i32
      %dma_wait3A_53 = tpu.memref_slice %arg3[%arg0, %add3A_35, %dma_wait3A] : memref<2x10112x128xf32, #tpu.memory_space<hbm>> -> memref<1x128x128xf32, #tpu.memory_space<hbm>>
      %dma_wait3A_54 = tpu.memref_squeeze %dma_wait3A_53 : memref<1x128x128xf32, #tpu.memory_space<hbm>> -> memref<128x128xf32, #tpu.memory_space<hbm>>
      %dma_wait3A_55 = arith.constant 0 : i32
      %dma_wait3A_56 = tpu.memref_slice %arg3[%arg0, %add3A_35, %dma_wait3A_55] : memref<2x10112x128xf32, #tpu.memory_space<hbm>> -> memref<1x128x128xf32, #tpu.memory_space<hbm>>
      %dma_wait3A_57 = tpu.memref_squeeze %dma_wait3A_56 : memref<1x128x128xf32, #tpu.memory_space<hbm>> -> memref<128x128xf32, #tpu.memory_space<hbm>>
      tpu.wait_dma2 semaphore(%run_scoped3A : memref<!tpu.dma_semaphore, #tpu.memory_space<semaphore_mem>>) src(%arg6 : memref<128x128xf32, #tpu.memory_space<vmem>>) dst(%dma_wait3A_57 : memref<128x128xf32, #tpu.memory_space<hbm>>)
      tpu.yield
    }) : () -> ()
    %add3A_36 = arith.constant 256 : i32
    %add3A_37 = arith.addi %mul3A_11, %add3A_36 : i32
    "tpu.region"() ({
      %run_scoped3A = tpu.sem_alloc : memref<!tpu.dma_semaphore, #tpu.memory_space<semaphore_mem>>
      %dma_start3A = arith.constant 0 : i32
      %dma_start3A_48 = tpu.memref_slice %arg7[%add3A_37, %dma_start3A] : memref<10112x128xf32, #tpu.memory_space<vmem_shared>> -> memref<128x128xf32, #tpu.memory_space<vmem_shared>>
      %dma_start3A_49 = arith.constant 0 : i32
      %dma_start3A_50 = tpu.memref_slice %arg7[%add3A_37, %dma_start3A_49] : memref<10112x128xf32, #tpu.memory_space<vmem_shared>> -> memref<128x128xf32, #tpu.memory_space<vmem_shared>>
      tpu.enqueue_dma source(%dma_start3A_50 : memref<128x128xf32, #tpu.memory_space<vmem_shared>>) target(%arg6 : memref<128x128xf32, #tpu.memory_space<vmem>>) target_semaphore(%run_scoped3A : memref<!tpu.dma_semaphore, #tpu.memory_space<semaphore_mem>>)
      %dma_wait3A = arith.constant 0 : i32
      %dma_wait3A_51 = tpu.memref_slice %arg7[%add3A_37, %dma_wait3A] : memref<10112x128xf32, #tpu.memory_space<vmem_shared>> -> memref<128x128xf32, #tpu.memory_space<vmem_shared>>
      %dma_wait3A_52 = arith.constant 0 : i32
      %dma_wait3A_53 = tpu.memref_slice %arg7[%add3A_37, %dma_wait3A_52] : memref<10112x128xf32, #tpu.memory_space<vmem_shared>> -> memref<128x128xf32, #tpu.memory_space<vmem_shared>>
      tpu.wait_dma2 semaphore(%run_scoped3A : memref<!tpu.dma_semaphore, #tpu.memory_space<semaphore_mem>>) src(%dma_wait3A_53 : memref<128x128xf32, #tpu.memory_space<vmem_shared>>) dst(%arg6 : memref<128x128xf32, #tpu.memory_space<vmem>>)
      tpu.yield
    }) : () -> ()
    %add3A_38 = arith.constant 256 : i32
    %add3A_39 = arith.addi %mul3A_11, %add3A_38 : i32
    "tpu.region"() ({
      %run_scoped3A = tpu.sem_alloc : memref<!tpu.dma_semaphore, #tpu.memory_space<semaphore_mem>>
      %dma_start3A = arith.constant 0 : i32
      %dma_start3A_48 = tpu.memref_slice %arg3[%arg0, %add3A_39, %dma_start3A] : memref<2x10112x128xf32, #tpu.memory_space<hbm>> -> memref<1x128x128xf32, #tpu.memory_space<hbm>>
      %dma_start3A_49 = tpu.memref_squeeze %dma_start3A_48 : memref<1x128x128xf32, #tpu.memory_space<hbm>> -> memref<128x128xf32, #tpu.memory_space<hbm>>
      %dma_start3A_50 = arith.constant 0 : i32
      %dma_start3A_51 = tpu.memref_slice %arg3[%arg0, %add3A_39, %dma_start3A_50] : memref<2x10112x128xf32, #tpu.memory_space<hbm>> -> memref<1x128x128xf32, #tpu.memory_space<hbm>>
      %dma_start3A_52 = tpu.memref_squeeze %dma_start3A_51 : memref<1x128x128xf32, #tpu.memory_space<hbm>> -> memref<128x128xf32, #tpu.memory_space<hbm>>
      tpu.enqueue_dma source(%arg6 : memref<128x128xf32, #tpu.memory_space<vmem>>) target(%dma_start3A_52 : memref<128x128xf32, #tpu.memory_space<hbm>>) target_semaphore(%run_scoped3A : memref<!tpu.dma_semaphore, #tpu.memory_space<semaphore_mem>>)
      %dma_wait3A = arith.constant 0 : i32
      %dma_wait3A_53 = tpu.memref_slice %arg3[%arg0, %add3A_39, %dma_wait3A] : memref<2x10112x128xf32, #tpu.memory_space<hbm>> -> memref<1x128x128xf32, #tpu.memory_space<hbm>>
      %dma_wait3A_54 = tpu.memref_squeeze %dma_wait3A_53 : memref<1x128x128xf32, #tpu.memory_space<hbm>> -> memref<128x128xf32, #tpu.memory_space<hbm>>
      %dma_wait3A_55 = arith.constant 0 : i32
      %dma_wait3A_56 = tpu.memref_slice %arg3[%arg0, %add3A_39, %dma_wait3A_55] : memref<2x10112x128xf32, #tpu.memory_space<hbm>> -> memref<1x128x128xf32, #tpu.memory_space<hbm>>
      %dma_wait3A_57 = tpu.memref_squeeze %dma_wait3A_56 : memref<1x128x128xf32, #tpu.memory_space<hbm>> -> memref<128x128xf32, #tpu.memory_space<hbm>>
      tpu.wait_dma2 semaphore(%run_scoped3A : memref<!tpu.dma_semaphore, #tpu.memory_space<semaphore_mem>>) src(%arg6 : memref<128x128xf32, #tpu.memory_space<vmem>>) dst(%dma_wait3A_57 : memref<128x128xf32, #tpu.memory_space<hbm>>)
      tpu.yield
    }) : () -> ()
    %add3A_40 = arith.constant 384 : i32
    %add3A_41 = arith.addi %mul3A_11, %add3A_40 : i32
    "tpu.region"() ({
      %run_scoped3A = tpu.sem_alloc : memref<!tpu.dma_semaphore, #tpu.memory_space<semaphore_mem>>
      %dma_start3A = arith.constant 0 : i32
      %dma_start3A_48 = tpu.memref_slice %arg7[%add3A_41, %dma_start3A] : memref<10112x128xf32, #tpu.memory_space<vmem_shared>> -> memref<128x128xf32, #tpu.memory_space<vmem_shared>>
      %dma_start3A_49 = arith.constant 0 : i32
      %dma_start3A_50 = tpu.memref_slice %arg7[%add3A_41, %dma_start3A_49] : memref<10112x128xf32, #tpu.memory_space<vmem_shared>> -> memref<128x128xf32, #tpu.memory_space<vmem_shared>>
      tpu.enqueue_dma source(%dma_start3A_50 : memref<128x128xf32, #tpu.memory_space<vmem_shared>>) target(%arg6 : memref<128x128xf32, #tpu.memory_space<vmem>>) target_semaphore(%run_scoped3A : memref<!tpu.dma_semaphore, #tpu.memory_space<semaphore_mem>>)
      %dma_wait3A = arith.constant 0 : i32
      %dma_wait3A_51 = tpu.memref_slice %arg7[%add3A_41, %dma_wait3A] : memref<10112x128xf32, #tpu.memory_space<vmem_shared>> -> memref<128x128xf32, #tpu.memory_space<vmem_shared>>
      %dma_wait3A_52 = arith.constant 0 : i32
      %dma_wait3A_53 = tpu.memref_slice %arg7[%add3A_41, %dma_wait3A_52] : memref<10112x128xf32, #tpu.memory_space<vmem_shared>> -> memref<128x128xf32, #tpu.memory_space<vmem_shared>>
      tpu.wait_dma2 semaphore(%run_scoped3A : memref<!tpu.dma_semaphore, #tpu.memory_space<semaphore_mem>>) src(%dma_wait3A_53 : memref<128x128xf32, #tpu.memory_space<vmem_shared>>) dst(%arg6 : memref<128x128xf32, #tpu.memory_space<vmem>>)
      tpu.yield
    }) : () -> ()
    %add3A_42 = arith.constant 384 : i32
    %add3A_43 = arith.addi %mul3A_11, %add3A_42 : i32
    "tpu.region"() ({
      %run_scoped3A = tpu.sem_alloc : memref<!tpu.dma_semaphore, #tpu.memory_space<semaphore_mem>>
      %dma_start3A = arith.constant 0 : i32
      %dma_start3A_48 = tpu.memref_slice %arg3[%arg0, %add3A_43, %dma_start3A] : memref<2x10112x128xf32, #tpu.memory_space<hbm>> -> memref<1x128x128xf32, #tpu.memory_space<hbm>>
      %dma_start3A_49 = tpu.memref_squeeze %dma_start3A_48 : memref<1x128x128xf32, #tpu.memory_space<hbm>> -> memref<128x128xf32, #tpu.memory_space<hbm>>
      %dma_start3A_50 = arith.constant 0 : i32
      %dma_start3A_51 = tpu.memref_slice %arg3[%arg0, %add3A_43, %dma_start3A_50] : memref<2x10112x128xf32, #tpu.memory_space<hbm>> -> memref<1x128x128xf32, #tpu.memory_space<hbm>>
      %dma_start3A_52 = tpu.memref_squeeze %dma_start3A_51 : memref<1x128x128xf32, #tpu.memory_space<hbm>> -> memref<128x128xf32, #tpu.memory_space<hbm>>
      tpu.enqueue_dma source(%arg6 : memref<128x128xf32, #tpu.memory_space<vmem>>) target(%dma_start3A_52 : memref<128x128xf32, #tpu.memory_space<hbm>>) target_semaphore(%run_scoped3A : memref<!tpu.dma_semaphore, #tpu.memory_space<semaphore_mem>>)
      %dma_wait3A = arith.constant 0 : i32
      %dma_wait3A_53 = tpu.memref_slice %arg3[%arg0, %add3A_43, %dma_wait3A] : memref<2x10112x128xf32, #tpu.memory_space<hbm>> -> memref<1x128x128xf32, #tpu.memory_space<hbm>>
      %dma_wait3A_54 = tpu.memref_squeeze %dma_wait3A_53 : memref<1x128x128xf32, #tpu.memory_space<hbm>> -> memref<128x128xf32, #tpu.memory_space<hbm>>
      %dma_wait3A_55 = arith.constant 0 : i32
      %dma_wait3A_56 = tpu.memref_slice %arg3[%arg0, %add3A_43, %dma_wait3A_55] : memref<2x10112x128xf32, #tpu.memory_space<hbm>> -> memref<1x128x128xf32, #tpu.memory_space<hbm>>
      %dma_wait3A_57 = tpu.memref_squeeze %dma_wait3A_56 : memref<1x128x128xf32, #tpu.memory_space<hbm>> -> memref<128x128xf32, #tpu.memory_space<hbm>>
      tpu.wait_dma2 semaphore(%run_scoped3A : memref<!tpu.dma_semaphore, #tpu.memory_space<semaphore_mem>>) src(%arg6 : memref<128x128xf32, #tpu.memory_space<vmem>>) dst(%dma_wait3A_57 : memref<128x128xf32, #tpu.memory_space<hbm>>)
      tpu.yield
    }) : () -> ()
    %add3A_44 = arith.constant 512 : i32
    %add3A_45 = arith.addi %mul3A_11, %add3A_44 : i32
    "tpu.region"() ({
      %run_scoped3A = tpu.sem_alloc : memref<!tpu.dma_semaphore, #tpu.memory_space<semaphore_mem>>
      %dma_start3A = arith.constant 0 : i32
      %dma_start3A_48 = arith.constant 0 : i32
      %dma_start3A_49 = tpu.memref_slice %arg6[%dma_start3A, %dma_start3A_48] : memref<128x128xf32, #tpu.memory_space<vmem>> -> memref<120x128xf32, #tpu.memory_space<vmem>>
      %dma_start3A_50 = arith.constant 0 : i32
      %dma_start3A_51 = tpu.memref_slice %arg7[%add3A_45, %dma_start3A_50] : memref<10112x128xf32, #tpu.memory_space<vmem_shared>> -> memref<120x128xf32, #tpu.memory_space<vmem_shared>>
      %dma_start3A_52 = arith.constant 0 : i32
      %dma_start3A_53 = arith.constant 0 : i32
      %dma_start3A_54 = tpu.memref_slice %arg6[%dma_start3A_52, %dma_start3A_53] : memref<128x128xf32, #tpu.memory_space<vmem>> -> memref<120x128xf32, #tpu.memory_space<vmem>>
      %dma_start3A_55 = arith.constant 0 : i32
      %dma_start3A_56 = tpu.memref_slice %arg7[%add3A_45, %dma_start3A_55] : memref<10112x128xf32, #tpu.memory_space<vmem_shared>> -> memref<120x128xf32, #tpu.memory_space<vmem_shared>>
      tpu.enqueue_dma source(%dma_start3A_56 : memref<120x128xf32, #tpu.memory_space<vmem_shared>>) target(%dma_start3A_54 : memref<120x128xf32, #tpu.memory_space<vmem>>) target_semaphore(%run_scoped3A : memref<!tpu.dma_semaphore, #tpu.memory_space<semaphore_mem>>)
      %dma_wait3A = arith.constant 0 : i32
      %dma_wait3A_57 = arith.constant 0 : i32
      %dma_wait3A_58 = tpu.memref_slice %arg6[%dma_wait3A, %dma_wait3A_57] : memref<128x128xf32, #tpu.memory_space<vmem>> -> memref<120x128xf32, #tpu.memory_space<vmem>>
      %dma_wait3A_59 = arith.constant 0 : i32
      %dma_wait3A_60 = tpu.memref_slice %arg7[%add3A_45, %dma_wait3A_59] : memref<10112x128xf32, #tpu.memory_space<vmem_shared>> -> memref<120x128xf32, #tpu.memory_space<vmem_shared>>
      %dma_wait3A_61 = arith.constant 0 : i32
      %dma_wait3A_62 = arith.constant 0 : i32
      %dma_wait3A_63 = tpu.memref_slice %arg6[%dma_wait3A_61, %dma_wait3A_62] : memref<128x128xf32, #tpu.memory_space<vmem>> -> memref<120x128xf32, #tpu.memory_space<vmem>>
      %dma_wait3A_64 = arith.constant 0 : i32
      %dma_wait3A_65 = tpu.memref_slice %arg7[%add3A_45, %dma_wait3A_64] : memref<10112x128xf32, #tpu.memory_space<vmem_shared>> -> memref<120x128xf32, #tpu.memory_space<vmem_shared>>
      tpu.wait_dma2 semaphore(%run_scoped3A : memref<!tpu.dma_semaphore, #tpu.memory_space<semaphore_mem>>) src(%dma_wait3A_65 : memref<120x128xf32, #tpu.memory_space<vmem_shared>>) dst(%dma_wait3A_63 : memref<120x128xf32, #tpu.memory_space<vmem>>)
      tpu.yield
    }) : () -> ()
    %add3A_46 = arith.constant 512 : i32
    %add3A_47 = arith.addi %mul3A_11, %add3A_46 : i32
    "tpu.region"() ({
      %run_scoped3A = tpu.sem_alloc : memref<!tpu.dma_semaphore, #tpu.memory_space<semaphore_mem>>
      %dma_start3A = arith.constant 0 : i32
      %dma_start3A_48 = arith.constant 0 : i32
      %dma_start3A_49 = tpu.memref_slice %arg6[%dma_start3A, %dma_start3A_48] : memref<128x128xf32, #tpu.memory_space<vmem>> -> memref<120x128xf32, #tpu.memory_space<vmem>>
      %dma_start3A_50 = arith.constant 0 : i32
      %dma_start3A_51 = tpu.memref_slice %arg3[%arg0, %add3A_47, %dma_start3A_50] : memref<2x10112x128xf32, #tpu.memory_space<hbm>> -> memref<1x120x128xf32, #tpu.memory_space<hbm>>
      %dma_start3A_52 = tpu.memref_squeeze %dma_start3A_51 : memref<1x120x128xf32, #tpu.memory_space<hbm>> -> memref<120x128xf32, #tpu.memory_space<hbm>>
      %dma_start3A_53 = arith.constant 0 : i32
      %dma_start3A_54 = tpu.memref_slice %arg3[%arg0, %add3A_47, %dma_start3A_53] : memref<2x10112x128xf32, #tpu.memory_space<hbm>> -> memref<1x120x128xf32, #tpu.memory_space<hbm>>
      %dma_start3A_55 = tpu.memref_squeeze %dma_start3A_54 : memref<1x120x128xf32, #tpu.memory_space<hbm>> -> memref<120x128xf32, #tpu.memory_space<hbm>>
      %dma_start3A_56 = arith.constant 0 : i32
      %dma_start3A_57 = arith.constant 0 : i32
      %dma_start3A_58 = tpu.memref_slice %arg6[%dma_start3A_56, %dma_start3A_57] : memref<128x128xf32, #tpu.memory_space<vmem>> -> memref<120x128xf32, #tpu.memory_space<vmem>>
      tpu.enqueue_dma source(%dma_start3A_58 : memref<120x128xf32, #tpu.memory_space<vmem>>) target(%dma_start3A_55 : memref<120x128xf32, #tpu.memory_space<hbm>>) target_semaphore(%run_scoped3A : memref<!tpu.dma_semaphore, #tpu.memory_space<semaphore_mem>>)
      %dma_wait3A = arith.constant 0 : i32
      %dma_wait3A_59 = arith.constant 0 : i32
      %dma_wait3A_60 = tpu.memref_slice %arg6[%dma_wait3A, %dma_wait3A_59] : memref<128x128xf32, #tpu.memory_space<vmem>> -> memref<120x128xf32, #tpu.memory_space<vmem>>
      %dma_wait3A_61 = arith.constant 0 : i32
      %dma_wait3A_62 = tpu.memref_slice %arg3[%arg0, %add3A_47, %dma_wait3A_61] : memref<2x10112x128xf32, #tpu.memory_space<hbm>> -> memref<1x120x128xf32, #tpu.memory_space<hbm>>
      %dma_wait3A_63 = tpu.memref_squeeze %dma_wait3A_62 : memref<1x120x128xf32, #tpu.memory_space<hbm>> -> memref<120x128xf32, #tpu.memory_space<hbm>>
      %dma_wait3A_64 = arith.constant 0 : i32
      %dma_wait3A_65 = tpu.memref_slice %arg3[%arg0, %add3A_47, %dma_wait3A_64] : memref<2x10112x128xf32, #tpu.memory_space<hbm>> -> memref<1x120x128xf32, #tpu.memory_space<hbm>>
      %dma_wait3A_66 = tpu.memref_squeeze %dma_wait3A_65 : memref<1x120x128xf32, #tpu.memory_space<hbm>> -> memref<120x128xf32, #tpu.memory_space<hbm>>
      %dma_wait3A_67 = arith.constant 0 : i32
      %dma_wait3A_68 = arith.constant 0 : i32
      %dma_wait3A_69 = tpu.memref_slice %arg6[%dma_wait3A_67, %dma_wait3A_68] : memref<128x128xf32, #tpu.memory_space<vmem>> -> memref<120x128xf32, #tpu.memory_space<vmem>>
      tpu.wait_dma2 semaphore(%run_scoped3A : memref<!tpu.dma_semaphore, #tpu.memory_space<semaphore_mem>>) src(%dma_wait3A_69 : memref<120x128xf32, #tpu.memory_space<vmem>>) dst(%dma_wait3A_66 : memref<120x128xf32, #tpu.memory_space<hbm>>)
      tpu.yield
    }) : () -> ()
    return
  }
}

#map = affine_map<(d0, d1) -> (0, 0)>
#map1 = affine_map<(d0, d1) -> (0, 0, 0)>
module attributes {stable_mosaic.version = 14 : i64} {
  func.func @body(%arg0: i32, %arg1: i32, %arg2: memref<20224x128xf32, #tpu.memory_space<hbm>>, %arg3: memref<1280x128xi32, #tpu.memory_space<hbm>>, %arg4: memref<1280x128xi32, #tpu.memory_space<hbm>>, %arg5: memref<2x10112x128xf32, #tpu.memory_space<hbm>>, %arg6: memref<40x128xi32, #tpu.memory_space<vmem>>, %arg7: memref<40x128xi32, #tpu.memory_space<vmem>>, %arg8: memref<128x128xf32, #tpu.memory_space<vmem>>, %arg9: memref<128x128xf32, #tpu.memory_space<vmem>>, %arg10: memref<10112x128xf32, #tpu.memory_space<vmem_shared>>, %arg11: memref<!tpu.dma_semaphore, #tpu.memory_space<semaphore_mem>>, %arg12: memref<!tpu.dma_semaphore, #tpu.memory_space<semaphore_mem>>) attributes {dimension_semantics = [#tpu.dimension_semantics<core_parallel>, #tpu.dimension_semantics<subcore_parallel>], iteration_bounds = array<i64: 2, 16>, scalar_prefetch = 0 : i64, scratch_operands = 7 : i64, tpu.core_type = #tpu.core_type<sc_vector_subcore>, window_params = [{transform_indices = #map}, {transform_indices = #map}, {transform_indices = #map}, {transform_indices = #map1}]} {
    %mul3A = arith.constant 10112 : i32
    %mul3A_0 = arith.muli %arg0, %mul3A : i32
    %broadcast_in_dim3A = arith.constant 0.000000e+00 : f32
    %broadcast_in_dim3A_1 = vector.broadcast %broadcast_in_dim3A : f32 to vector<16xf32>
    %scan3A = arith.constant 0 : i32
    %scan3A_2 = arith.constant 128 : i32
    %scan3A_3 = arith.addi %scan3A, %scan3A_2 : i32
    %scan3A_4 = arith.constant 1 : i32
    scf.for %scan3A_83 = %scan3A to %scan3A_3 step %scan3A_4  : i32 {
      %mul3A_84 = arith.constant 1 : i32
      %mul3A_85 = arith.muli %scan3A_83, %mul3A_84 : i32
      %add3A_86 = arith.constant 0 : i32
      %add3A_87 = arith.addi %add3A_86, %mul3A_85 : i32
      %swap3A = arith.index_cast %add3A_87 : i32 to index
      %swap3A_88 = arith.constant 0 : index
      %swap3A_89 = tpu.vector_load %arg8[%swap3A, %swap3A_88] {strides = array<i32>} : memref<128x128xf32, #tpu.memory_space<vmem>>, vector<1x16xf32>,
      %swap3A_90 = vector.shape_cast %swap3A_89 : vector<1x16xf32> to vector<16xf32>
      %swap3A_91 = vector.shape_cast %broadcast_in_dim3A_1 : vector<16xf32> to vector<1x16xf32>
      tpu.vector_store %arg8[%swap3A, %swap3A_88], %swap3A_91 {strides = array<i32>} : memref<128x128xf32, #tpu.memory_space<vmem>>, vector<1x16xf32>,
      %swap3A_92 = arith.index_cast %add3A_87 : i32 to index
      %swap3A_93 = arith.constant 16 : index
      %swap3A_94 = tpu.vector_load %arg8[%swap3A_92, %swap3A_93] {strides = array<i32>} : memref<128x128xf32, #tpu.memory_space<vmem>>, vector<1x16xf32>,
      %swap3A_95 = vector.shape_cast %swap3A_94 : vector<1x16xf32> to vector<16xf32>
      %swap3A_96 = vector.shape_cast %broadcast_in_dim3A_1 : vector<16xf32> to vector<1x16xf32>
      tpu.vector_store %arg8[%swap3A_92, %swap3A_93], %swap3A_96 {strides = array<i32>} : memref<128x128xf32, #tpu.memory_space<vmem>>, vector<1x16xf32>,
      %swap3A_97 = arith.index_cast %add3A_87 : i32 to index
      %swap3A_98 = arith.constant 32 : index
      %swap3A_99 = tpu.vector_load %arg8[%swap3A_97, %swap3A_98] {strides = array<i32>} : memref<128x128xf32, #tpu.memory_space<vmem>>, vector<1x16xf32>,
      %swap3A_100 = vector.shape_cast %swap3A_99 : vector<1x16xf32> to vector<16xf32>
      %swap3A_101 = vector.shape_cast %broadcast_in_dim3A_1 : vector<16xf32> to vector<1x16xf32>
      tpu.vector_store %arg8[%swap3A_97, %swap3A_98], %swap3A_101 {strides = array<i32>} : memref<128x128xf32, #tpu.memory_space<vmem>>, vector<1x16xf32>,
      %swap3A_102 = arith.index_cast %add3A_87 : i32 to index
      %swap3A_103 = arith.constant 48 : index
      %swap3A_104 = tpu.vector_load %arg8[%swap3A_102, %swap3A_103] {strides = array<i32>} : memref<128x128xf32, #tpu.memory_space<vmem>>, vector<1x16xf32>,
      %swap3A_105 = vector.shape_cast %swap3A_104 : vector<1x16xf32> to vector<16xf32>
      %swap3A_106 = vector.shape_cast %broadcast_in_dim3A_1 : vector<16xf32> to vector<1x16xf32>
      tpu.vector_store %arg8[%swap3A_102, %swap3A_103], %swap3A_106 {strides = array<i32>} : memref<128x128xf32, #tpu.memory_space<vmem>>, vector<1x16xf32>,
      %swap3A_107 = arith.index_cast %add3A_87 : i32 to index
      %swap3A_108 = arith.constant 64 : index
      %swap3A_109 = tpu.vector_load %arg8[%swap3A_107, %swap3A_108] {strides = array<i32>} : memref<128x128xf32, #tpu.memory_space<vmem>>, vector<1x16xf32>,
      %swap3A_110 = vector.shape_cast %swap3A_109 : vector<1x16xf32> to vector<16xf32>
      %swap3A_111 = vector.shape_cast %broadcast_in_dim3A_1 : vector<16xf32> to vector<1x16xf32>
      tpu.vector_store %arg8[%swap3A_107, %swap3A_108], %swap3A_111 {strides = array<i32>} : memref<128x128xf32, #tpu.memory_space<vmem>>, vector<1x16xf32>,
      %swap3A_112 = arith.index_cast %add3A_87 : i32 to index
      %swap3A_113 = arith.constant 80 : index
      %swap3A_114 = tpu.vector_load %arg8[%swap3A_112, %swap3A_113] {strides = array<i32>} : memref<128x128xf32, #tpu.memory_space<vmem>>, vector<1x16xf32>,
      %swap3A_115 = vector.shape_cast %swap3A_114 : vector<1x16xf32> to vector<16xf32>
      %swap3A_116 = vector.shape_cast %broadcast_in_dim3A_1 : vector<16xf32> to vector<1x16xf32>
      tpu.vector_store %arg8[%swap3A_112, %swap3A_113], %swap3A_116 {strides = array<i32>} : memref<128x128xf32, #tpu.memory_space<vmem>>, vector<1x16xf32>,
      %swap3A_117 = arith.index_cast %add3A_87 : i32 to index
      %swap3A_118 = arith.constant 96 : index
      %swap3A_119 = tpu.vector_load %arg8[%swap3A_117, %swap3A_118] {strides = array<i32>} : memref<128x128xf32, #tpu.memory_space<vmem>>, vector<1x16xf32>,
      %swap3A_120 = vector.shape_cast %swap3A_119 : vector<1x16xf32> to vector<16xf32>
      %swap3A_121 = vector.shape_cast %broadcast_in_dim3A_1 : vector<16xf32> to vector<1x16xf32>
      tpu.vector_store %arg8[%swap3A_117, %swap3A_118], %swap3A_121 {strides = array<i32>} : memref<128x128xf32, #tpu.memory_space<vmem>>, vector<1x16xf32>,
      %swap3A_122 = arith.index_cast %add3A_87 : i32 to index
      %swap3A_123 = arith.constant 112 : index
      %swap3A_124 = tpu.vector_load %arg8[%swap3A_122, %swap3A_123] {strides = array<i32>} : memref<128x128xf32, #tpu.memory_space<vmem>>, vector<1x16xf32>,
      %swap3A_125 = vector.shape_cast %swap3A_124 : vector<1x16xf32> to vector<16xf32>
      %swap3A_126 = vector.shape_cast %broadcast_in_dim3A_1 : vector<16xf32> to vector<1x16xf32>
      tpu.vector_store %arg8[%swap3A_122, %swap3A_123], %swap3A_126 {strides = array<i32>} : memref<128x128xf32, #tpu.memory_space<vmem>>, vector<1x16xf32>,
    }
    %scan3A_5 = arith.constant 128 : i32
    %mul3A_6 = arith.constant 632 : i32
    %mul3A_7 = arith.muli %arg1, %mul3A_6 : i32
    %add3A = arith.constant 0 : i32
    %add3A_8 = arith.addi %mul3A_7, %add3A : i32
    "tpu.region"() ({
      %run_scoped3A = tpu.sem_alloc : memref<!tpu.dma_semaphore, #tpu.memory_space<semaphore_mem>>
      %dma_start3A_83 = arith.constant 0 : i32
      %dma_start3A_84 = tpu.memref_slice %arg10[%add3A_8, %dma_start3A_83] : memref<10112x128xf32, #tpu.memory_space<vmem_shared>> -> memref<128x128xf32, #tpu.memory_space<vmem_shared>>
      %dma_start3A_85 = arith.constant 0 : i32
      %dma_start3A_86 = tpu.memref_slice %arg10[%add3A_8, %dma_start3A_85] : memref<10112x128xf32, #tpu.memory_space<vmem_shared>> -> memref<128x128xf32, #tpu.memory_space<vmem_shared>>
      tpu.enqueue_dma source(%arg8 : memref<128x128xf32, #tpu.memory_space<vmem>>) target(%dma_start3A_86 : memref<128x128xf32, #tpu.memory_space<vmem_shared>>) target_semaphore(%run_scoped3A : memref<!tpu.dma_semaphore, #tpu.memory_space<semaphore_mem>>)
      %dma_wait3A = arith.constant 0 : i32
      %dma_wait3A_87 = tpu.memref_slice %arg10[%add3A_8, %dma_wait3A] : memref<10112x128xf32, #tpu.memory_space<vmem_shared>> -> memref<128x128xf32, #tpu.memory_space<vmem_shared>>
      %dma_wait3A_88 = arith.constant 0 : i32
      %dma_wait3A_89 = tpu.memref_slice %arg10[%add3A_8, %dma_wait3A_88] : memref<10112x128xf32, #tpu.memory_space<vmem_shared>> -> memref<128x128xf32, #tpu.memory_space<vmem_shared>>
      tpu.wait_dma2 semaphore(%run_scoped3A : memref<!tpu.dma_semaphore, #tpu.memory_space<semaphore_mem>>) src(%arg8 : memref<128x128xf32, #tpu.memory_space<vmem>>) dst(%dma_wait3A_89 : memref<128x128xf32, #tpu.memory_space<vmem_shared>>)
      tpu.yield
    }) : () -> ()
    %add3A_9 = arith.constant 128 : i32
    %add3A_10 = arith.addi %mul3A_7, %add3A_9 : i32
    "tpu.region"() ({
      %run_scoped3A = tpu.sem_alloc : memref<!tpu.dma_semaphore, #tpu.memory_space<semaphore_mem>>
      %dma_start3A_83 = arith.constant 0 : i32
      %dma_start3A_84 = tpu.memref_slice %arg10[%add3A_10, %dma_start3A_83] : memref<10112x128xf32, #tpu.memory_space<vmem_shared>> -> memref<128x128xf32, #tpu.memory_space<vmem_shared>>
      %dma_start3A_85 = arith.constant 0 : i32
      %dma_start3A_86 = tpu.memref_slice %arg10[%add3A_10, %dma_start3A_85] : memref<10112x128xf32, #tpu.memory_space<vmem_shared>> -> memref<128x128xf32, #tpu.memory_space<vmem_shared>>
      tpu.enqueue_dma source(%arg8 : memref<128x128xf32, #tpu.memory_space<vmem>>) target(%dma_start3A_86 : memref<128x128xf32, #tpu.memory_space<vmem_shared>>) target_semaphore(%run_scoped3A : memref<!tpu.dma_semaphore, #tpu.memory_space<semaphore_mem>>)
      %dma_wait3A = arith.constant 0 : i32
      %dma_wait3A_87 = tpu.memref_slice %arg10[%add3A_10, %dma_wait3A] : memref<10112x128xf32, #tpu.memory_space<vmem_shared>> -> memref<128x128xf32, #tpu.memory_space<vmem_shared>>
      %dma_wait3A_88 = arith.constant 0 : i32
      %dma_wait3A_89 = tpu.memref_slice %arg10[%add3A_10, %dma_wait3A_88] : memref<10112x128xf32, #tpu.memory_space<vmem_shared>> -> memref<128x128xf32, #tpu.memory_space<vmem_shared>>
      tpu.wait_dma2 semaphore(%run_scoped3A : memref<!tpu.dma_semaphore, #tpu.memory_space<semaphore_mem>>) src(%arg8 : memref<128x128xf32, #tpu.memory_space<vmem>>) dst(%dma_wait3A_89 : memref<128x128xf32, #tpu.memory_space<vmem_shared>>)
      tpu.yield
    }) : () -> ()
    %add3A_11 = arith.constant 256 : i32
    %add3A_12 = arith.addi %mul3A_7, %add3A_11 : i32
    "tpu.region"() ({
      %run_scoped3A = tpu.sem_alloc : memref<!tpu.dma_semaphore, #tpu.memory_space<semaphore_mem>>
      %dma_start3A_83 = arith.constant 0 : i32
      %dma_start3A_84 = tpu.memref_slice %arg10[%add3A_12, %dma_start3A_83] : memref<10112x128xf32, #tpu.memory_space<vmem_shared>> -> memref<128x128xf32, #tpu.memory_space<vmem_shared>>
      %dma_start3A_85 = arith.constant 0 : i32
      %dma_start3A_86 = tpu.memref_slice %arg10[%add3A_12, %dma_start3A_85] : memref<10112x128xf32, #tpu.memory_space<vmem_shared>> -> memref<128x128xf32, #tpu.memory_space<vmem_shared>>
      tpu.enqueue_dma source(%arg8 : memref<128x128xf32, #tpu.memory_space<vmem>>) target(%dma_start3A_86 : memref<128x128xf32, #tpu.memory_space<vmem_shared>>) target_semaphore(%run_scoped3A : memref<!tpu.dma_semaphore, #tpu.memory_space<semaphore_mem>>)
      %dma_wait3A = arith.constant 0 : i32
      %dma_wait3A_87 = tpu.memref_slice %arg10[%add3A_12, %dma_wait3A] : memref<10112x128xf32, #tpu.memory_space<vmem_shared>> -> memref<128x128xf32, #tpu.memory_space<vmem_shared>>
      %dma_wait3A_88 = arith.constant 0 : i32
      %dma_wait3A_89 = tpu.memref_slice %arg10[%add3A_12, %dma_wait3A_88] : memref<10112x128xf32, #tpu.memory_space<vmem_shared>> -> memref<128x128xf32, #tpu.memory_space<vmem_shared>>
      tpu.wait_dma2 semaphore(%run_scoped3A : memref<!tpu.dma_semaphore, #tpu.memory_space<semaphore_mem>>) src(%arg8 : memref<128x128xf32, #tpu.memory_space<vmem>>) dst(%dma_wait3A_89 : memref<128x128xf32, #tpu.memory_space<vmem_shared>>)
      tpu.yield
    }) : () -> ()
    %add3A_13 = arith.constant 384 : i32
    %add3A_14 = arith.addi %mul3A_7, %add3A_13 : i32
    "tpu.region"() ({
      %run_scoped3A = tpu.sem_alloc : memref<!tpu.dma_semaphore, #tpu.memory_space<semaphore_mem>>
      %dma_start3A_83 = arith.constant 0 : i32
      %dma_start3A_84 = tpu.memref_slice %arg10[%add3A_14, %dma_start3A_83] : memref<10112x128xf32, #tpu.memory_space<vmem_shared>> -> memref<128x128xf32, #tpu.memory_space<vmem_shared>>
      %dma_start3A_85 = arith.constant 0 : i32
      %dma_start3A_86 = tpu.memref_slice %arg10[%add3A_14, %dma_start3A_85] : memref<10112x128xf32, #tpu.memory_space<vmem_shared>> -> memref<128x128xf32, #tpu.memory_space<vmem_shared>>
      tpu.enqueue_dma source(%arg8 : memref<128x128xf32, #tpu.memory_space<vmem>>) target(%dma_start3A_86 : memref<128x128xf32, #tpu.memory_space<vmem_shared>>) target_semaphore(%run_scoped3A : memref<!tpu.dma_semaphore, #tpu.memory_space<semaphore_mem>>)
      %dma_wait3A = arith.constant 0 : i32
      %dma_wait3A_87 = tpu.memref_slice %arg10[%add3A_14, %dma_wait3A] : memref<10112x128xf32, #tpu.memory_space<vmem_shared>> -> memref<128x128xf32, #tpu.memory_space<vmem_shared>>
      %dma_wait3A_88 = arith.constant 0 : i32
      %dma_wait3A_89 = tpu.memref_slice %arg10[%add3A_14, %dma_wait3A_88] : memref<10112x128xf32, #tpu.memory_space<vmem_shared>> -> memref<128x128xf32, #tpu.memory_space<vmem_shared>>
      tpu.wait_dma2 semaphore(%run_scoped3A : memref<!tpu.dma_semaphore, #tpu.memory_space<semaphore_mem>>) src(%arg8 : memref<128x128xf32, #tpu.memory_space<vmem>>) dst(%dma_wait3A_89 : memref<128x128xf32, #tpu.memory_space<vmem_shared>>)
      tpu.yield
    }) : () -> ()
    %add3A_15 = arith.constant 512 : i32
    %add3A_16 = arith.addi %mul3A_7, %add3A_15 : i32
    "tpu.region"() ({
      %run_scoped3A = tpu.sem_alloc : memref<!tpu.dma_semaphore, #tpu.memory_space<semaphore_mem>>
      %dma_start3A_83 = arith.constant 0 : i32
      %dma_start3A_84 = arith.constant 0 : i32
      %dma_start3A_85 = tpu.memref_slice %arg8[%dma_start3A_83, %dma_start3A_84] : memref<128x128xf32, #tpu.memory_space<vmem>> -> memref<120x128xf32, #tpu.memory_space<vmem>>
      %dma_start3A_86 = arith.constant 0 : i32
      %dma_start3A_87 = tpu.memref_slice %arg10[%add3A_16, %dma_start3A_86] : memref<10112x128xf32, #tpu.memory_space<vmem_shared>> -> memref<120x128xf32, #tpu.memory_space<vmem_shared>>
      %dma_start3A_88 = arith.constant 0 : i32
      %dma_start3A_89 = tpu.memref_slice %arg10[%add3A_16, %dma_start3A_88] : memref<10112x128xf32, #tpu.memory_space<vmem_shared>> -> memref<120x128xf32, #tpu.memory_space<vmem_shared>>
      %dma_start3A_90 = arith.constant 0 : i32
      %dma_start3A_91 = arith.constant 0 : i32
      %dma_start3A_92 = tpu.memref_slice %arg8[%dma_start3A_90, %dma_start3A_91] : memref<128x128xf32, #tpu.memory_space<vmem>> -> memref<120x128xf32, #tpu.memory_space<vmem>>
      tpu.enqueue_dma source(%dma_start3A_92 : memref<120x128xf32, #tpu.memory_space<vmem>>) target(%dma_start3A_89 : memref<120x128xf32, #tpu.memory_space<vmem_shared>>) target_semaphore(%run_scoped3A : memref<!tpu.dma_semaphore, #tpu.memory_space<semaphore_mem>>)
      %dma_wait3A = arith.constant 0 : i32
      %dma_wait3A_93 = arith.constant 0 : i32
      %dma_wait3A_94 = tpu.memref_slice %arg8[%dma_wait3A, %dma_wait3A_93] : memref<128x128xf32, #tpu.memory_space<vmem>> -> memref<120x128xf32, #tpu.memory_space<vmem>>
      %dma_wait3A_95 = arith.constant 0 : i32
      %dma_wait3A_96 = tpu.memref_slice %arg10[%add3A_16, %dma_wait3A_95] : memref<10112x128xf32, #tpu.memory_space<vmem_shared>> -> memref<120x128xf32, #tpu.memory_space<vmem_shared>>
      %dma_wait3A_97 = arith.constant 0 : i32
      %dma_wait3A_98 = tpu.memref_slice %arg10[%add3A_16, %dma_wait3A_97] : memref<10112x128xf32, #tpu.memory_space<vmem_shared>> -> memref<120x128xf32, #tpu.memory_space<vmem_shared>>
      %dma_wait3A_99 = arith.constant 0 : i32
      %dma_wait3A_100 = arith.constant 0 : i32
      %dma_wait3A_101 = tpu.memref_slice %arg8[%dma_wait3A_99, %dma_wait3A_100] : memref<128x128xf32, #tpu.memory_space<vmem>> -> memref<120x128xf32, #tpu.memory_space<vmem>>
      tpu.wait_dma2 semaphore(%run_scoped3A : memref<!tpu.dma_semaphore, #tpu.memory_space<semaphore_mem>>) src(%dma_wait3A_101 : memref<120x128xf32, #tpu.memory_space<vmem>>) dst(%dma_wait3A_98 : memref<120x128xf32, #tpu.memory_space<vmem_shared>>)
      tpu.yield
    }) : () -> ()
    %barrier3A = arith.constant 0 : index
    tpu.barrier barrier_id(%barrier3A)
    %mul3A_17 = arith.constant 80 : i32
    %mul3A_18 = arith.muli %arg1, %mul3A_17 : i32
    %add3A_19 = arith.constant 0 : i32
    %add3A_20 = arith.addi %mul3A_18, %add3A_19 : i32
    "tpu.region"() ({
      %run_scoped3A = tpu.sem_alloc : memref<!tpu.dma_semaphore, #tpu.memory_space<semaphore_mem>>
      %dma_start3A_83 = arith.constant 0 : i32
      %dma_start3A_84 = tpu.memref_slice %arg3[%add3A_20, %dma_start3A_83] : memref<1280x128xi32, #tpu.memory_space<hbm>> -> memref<40x128xi32, #tpu.memory_space<hbm>>
      %dma_start3A_85 = arith.constant 0 : i32
      %dma_start3A_86 = tpu.memref_slice %arg3[%add3A_20, %dma_start3A_85] : memref<1280x128xi32, #tpu.memory_space<hbm>> -> memref<40x128xi32, #tpu.memory_space<hbm>>
      tpu.enqueue_dma source(%dma_start3A_86 : memref<40x128xi32, #tpu.memory_space<hbm>>) target(%arg6 : memref<40x128xi32, #tpu.memory_space<vmem>>) target_semaphore(%run_scoped3A : memref<!tpu.dma_semaphore, #tpu.memory_space<semaphore_mem>>)
      %dma_wait3A = arith.constant 0 : i32
      %dma_wait3A_87 = tpu.memref_slice %arg3[%add3A_20, %dma_wait3A] : memref<1280x128xi32, #tpu.memory_space<hbm>> -> memref<40x128xi32, #tpu.memory_space<hbm>>
      %dma_wait3A_88 = arith.constant 0 : i32
      %dma_wait3A_89 = tpu.memref_slice %arg3[%add3A_20, %dma_wait3A_88] : memref<1280x128xi32, #tpu.memory_space<hbm>> -> memref<40x128xi32, #tpu.memory_space<hbm>>
      tpu.wait_dma2 semaphore(%run_scoped3A : memref<!tpu.dma_semaphore, #tpu.memory_space<semaphore_mem>>) src(%dma_wait3A_89 : memref<40x128xi32, #tpu.memory_space<hbm>>) dst(%arg6 : memref<40x128xi32, #tpu.memory_space<vmem>>)
      tpu.yield
    }) : () -> ()
    "tpu.region"() ({
      %run_scoped3A = tpu.sem_alloc : memref<!tpu.dma_semaphore, #tpu.memory_space<semaphore_mem>>
      %dma_start3A_83 = arith.constant 0 : i32
      %dma_start3A_84 = tpu.memref_slice %arg4[%add3A_20, %dma_start3A_83] : memref<1280x128xi32, #tpu.memory_space<hbm>> -> memref<40x128xi32, #tpu.memory_space<hbm>>
      %dma_start3A_85 = arith.constant 0 : i32
      %dma_start3A_86 = tpu.memref_slice %arg4[%add3A_20, %dma_start3A_85] : memref<1280x128xi32, #tpu.memory_space<hbm>> -> memref<40x128xi32, #tpu.memory_space<hbm>>
      tpu.enqueue_dma source(%dma_start3A_86 : memref<40x128xi32, #tpu.memory_space<hbm>>) target(%arg7 : memref<40x128xi32, #tpu.memory_space<vmem>>) target_semaphore(%run_scoped3A : memref<!tpu.dma_semaphore, #tpu.memory_space<semaphore_mem>>)
      %dma_wait3A = arith.constant 0 : i32
      %dma_wait3A_87 = tpu.memref_slice %arg4[%add3A_20, %dma_wait3A] : memref<1280x128xi32, #tpu.memory_space<hbm>> -> memref<40x128xi32, #tpu.memory_space<hbm>>
      %dma_wait3A_88 = arith.constant 0 : i32
      %dma_wait3A_89 = tpu.memref_slice %arg4[%add3A_20, %dma_wait3A_88] : memref<1280x128xi32, #tpu.memory_space<hbm>> -> memref<40x128xi32, #tpu.memory_space<hbm>>
      tpu.wait_dma2 semaphore(%run_scoped3A : memref<!tpu.dma_semaphore, #tpu.memory_space<semaphore_mem>>) src(%dma_wait3A_89 : memref<40x128xi32, #tpu.memory_space<hbm>>) dst(%arg7 : memref<40x128xi32, #tpu.memory_space<vmem>>)
      tpu.yield
    }) : () -> ()
    %scan3A_21 = arith.constant 0 : i32
    %scan3A_22 = arith.constant 40 : i32
    %scan3A_23 = arith.addi %scan3A_21, %scan3A_22 : i32
    %scan3A_24 = arith.constant 1 : i32
    scf.for %scan3A_83 = %scan3A_21 to %scan3A_23 step %scan3A_24  : i32 {
      %mul3A_84 = arith.constant 1 : i32
      %mul3A_85 = arith.muli %scan3A_83, %mul3A_84 : i32
      %add3A_86 = arith.constant 0 : i32
      %add3A_87 = arith.addi %add3A_86, %mul3A_85 : i32
      %get3A = arith.index_cast %add3A_87 : i32 to index
      %get3A_88 = arith.constant 0 : index
      %get3A_89 = tpu.vector_load %arg7[%get3A, %get3A_88] {strides = array<i32>} : memref<40x128xi32, #tpu.memory_space<vmem>>, vector<1x16xi32>,
      %get3A_90 = vector.shape_cast %get3A_89 : vector<1x16xi32> to vector<16xi32>
      %add3A_91 = vector.broadcast %mul3A_0 : i32 to vector<16xi32>
      %add3A_92 = arith.addi %get3A_90, %add3A_91 : vector<16xi32>
      %swap3A = arith.index_cast %add3A_87 : i32 to index
      %swap3A_93 = arith.constant 0 : index
      %swap3A_94 = tpu.vector_load %arg7[%swap3A, %swap3A_93] {strides = array<i32>} : memref<40x128xi32, #tpu.memory_space<vmem>>, vector<1x16xi32>,
      %swap3A_95 = vector.shape_cast %swap3A_94 : vector<1x16xi32> to vector<16xi32>
      %swap3A_96 = vector.shape_cast %add3A_92 : vector<16xi32> to vector<1x16xi32>
      tpu.vector_store %arg7[%swap3A, %swap3A_93], %swap3A_96 {strides = array<i32>} : memref<40x128xi32, #tpu.memory_space<vmem>>, vector<1x16xi32>,
      %get3A_97 = arith.index_cast %add3A_87 : i32 to index
      %get3A_98 = arith.constant 16 : index
      %get3A_99 = tpu.vector_load %arg7[%get3A_97, %get3A_98] {strides = array<i32>} : memref<40x128xi32, #tpu.memory_space<vmem>>, vector<1x16xi32>,
      %get3A_100 = vector.shape_cast %get3A_99 : vector<1x16xi32> to vector<16xi32>
      %add3A_101 = vector.broadcast %mul3A_0 : i32 to vector<16xi32>
      %add3A_102 = arith.addi %get3A_100, %add3A_101 : vector<16xi32>
      %swap3A_103 = arith.index_cast %add3A_87 : i32 to index
      %swap3A_104 = arith.constant 16 : index
      %swap3A_105 = tpu.vector_load %arg7[%swap3A_103, %swap3A_104] {strides = array<i32>} : memref<40x128xi32, #tpu.memory_space<vmem>>, vector<1x16xi32>,
      %swap3A_106 = vector.shape_cast %swap3A_105 : vector<1x16xi32> to vector<16xi32>
      %swap3A_107 = vector.shape_cast %add3A_102 : vector<16xi32> to vector<1x16xi32>
      tpu.vector_store %arg7[%swap3A_103, %swap3A_104], %swap3A_107 {strides = array<i32>} : memref<40x128xi32, #tpu.memory_space<vmem>>, vector<1x16xi32>,
      %get3A_108 = arith.index_cast %add3A_87 : i32 to index
      %get3A_109 = arith.constant 32 : index
      %get3A_110 = tpu.vector_load %arg7[%get3A_108, %get3A_109] {strides = array<i32>} : memref<40x128xi32, #tpu.memory_space<vmem>>, vector<1x16xi32>,
      %get3A_111 = vector.shape_cast %get3A_110 : vector<1x16xi32> to vector<16xi32>
      %add3A_112 = vector.broadcast %mul3A_0 : i32 to vector<16xi32>
      %add3A_113 = arith.addi %get3A_111, %add3A_112 : vector<16xi32>
      %swap3A_114 = arith.index_cast %add3A_87 : i32 to index
      %swap3A_115 = arith.constant 32 : index
      %swap3A_116 = tpu.vector_load %arg7[%swap3A_114, %swap3A_115] {strides = array<i32>} : memref<40x128xi32, #tpu.memory_space<vmem>>, vector<1x16xi32>,
      %swap3A_117 = vector.shape_cast %swap3A_116 : vector<1x16xi32> to vector<16xi32>
      %swap3A_118 = vector.shape_cast %add3A_113 : vector<16xi32> to vector<1x16xi32>
      tpu.vector_store %arg7[%swap3A_114, %swap3A_115], %swap3A_118 {strides = array<i32>} : memref<40x128xi32, #tpu.memory_space<vmem>>, vector<1x16xi32>,
      %get3A_119 = arith.index_cast %add3A_87 : i32 to index
      %get3A_120 = arith.constant 48 : index
      %get3A_121 = tpu.vector_load %arg7[%get3A_119, %get3A_120] {strides = array<i32>} : memref<40x128xi32, #tpu.memory_space<vmem>>, vector<1x16xi32>,
      %get3A_122 = vector.shape_cast %get3A_121 : vector<1x16xi32> to vector<16xi32>
      %add3A_123 = vector.broadcast %mul3A_0 : i32 to vector<16xi32>
      %add3A_124 = arith.addi %get3A_122, %add3A_123 : vector<16xi32>
      %swap3A_125 = arith.index_cast %add3A_87 : i32 to index
      %swap3A_126 = arith.constant 48 : index
      %swap3A_127 = tpu.vector_load %arg7[%swap3A_125, %swap3A_126] {strides = array<i32>} : memref<40x128xi32, #tpu.memory_space<vmem>>, vector<1x16xi32>,
      %swap3A_128 = vector.shape_cast %swap3A_127 : vector<1x16xi32> to vector<16xi32>
      %swap3A_129 = vector.shape_cast %add3A_124 : vector<16xi32> to vector<1x16xi32>
      tpu.vector_store %arg7[%swap3A_125, %swap3A_126], %swap3A_129 {strides = array<i32>} : memref<40x128xi32, #tpu.memory_space<vmem>>, vector<1x16xi32>,
      %get3A_130 = arith.index_cast %add3A_87 : i32 to index
      %get3A_131 = arith.constant 64 : index
      %get3A_132 = tpu.vector_load %arg7[%get3A_130, %get3A_131] {strides = array<i32>} : memref<40x128xi32, #tpu.memory_space<vmem>>, vector<1x16xi32>,
      %get3A_133 = vector.shape_cast %get3A_132 : vector<1x16xi32> to vector<16xi32>
      %add3A_134 = vector.broadcast %mul3A_0 : i32 to vector<16xi32>
      %add3A_135 = arith.addi %get3A_133, %add3A_134 : vector<16xi32>
      %swap3A_136 = arith.index_cast %add3A_87 : i32 to index
      %swap3A_137 = arith.constant 64 : index
      %swap3A_138 = tpu.vector_load %arg7[%swap3A_136, %swap3A_137] {strides = array<i32>} : memref<40x128xi32, #tpu.memory_space<vmem>>, vector<1x16xi32>,
      %swap3A_139 = vector.shape_cast %swap3A_138 : vector<1x16xi32> to vector<16xi32>
      %swap3A_140 = vector.shape_cast %add3A_135 : vector<16xi32> to vector<1x16xi32>
      tpu.vector_store %arg7[%swap3A_136, %swap3A_137], %swap3A_140 {strides = array<i32>} : memref<40x128xi32, #tpu.memory_space<vmem>>, vector<1x16xi32>,
      %get3A_141 = arith.index_cast %add3A_87 : i32 to index
      %get3A_142 = arith.constant 80 : index
      %get3A_143 = tpu.vector_load %arg7[%get3A_141, %get3A_142] {strides = array<i32>} : memref<40x128xi32, #tpu.memory_space<vmem>>, vector<1x16xi32>,
      %get3A_144 = vector.shape_cast %get3A_143 : vector<1x16xi32> to vector<16xi32>
      %add3A_145 = vector.broadcast %mul3A_0 : i32 to vector<16xi32>
      %add3A_146 = arith.addi %get3A_144, %add3A_145 : vector<16xi32>
      %swap3A_147 = arith.index_cast %add3A_87 : i32 to index
      %swap3A_148 = arith.constant 80 : index
      %swap3A_149 = tpu.vector_load %arg7[%swap3A_147, %swap3A_148] {strides = array<i32>} : memref<40x128xi32, #tpu.memory_space<vmem>>, vector<1x16xi32>,
      %swap3A_150 = vector.shape_cast %swap3A_149 : vector<1x16xi32> to vector<16xi32>
      %swap3A_151 = vector.shape_cast %add3A_146 : vector<16xi32> to vector<1x16xi32>
      tpu.vector_store %arg7[%swap3A_147, %swap3A_148], %swap3A_151 {strides = array<i32>} : memref<40x128xi32, #tpu.memory_space<vmem>>, vector<1x16xi32>,
      %get3A_152 = arith.index_cast %add3A_87 : i32 to index
      %get3A_153 = arith.constant 96 : index
      %get3A_154 = tpu.vector_load %arg7[%get3A_152, %get3A_153] {strides = array<i32>} : memref<40x128xi32, #tpu.memory_space<vmem>>, vector<1x16xi32>,
      %get3A_155 = vector.shape_cast %get3A_154 : vector<1x16xi32> to vector<16xi32>
      %add3A_156 = vector.broadcast %mul3A_0 : i32 to vector<16xi32>
      %add3A_157 = arith.addi %get3A_155, %add3A_156 : vector<16xi32>
      %swap3A_158 = arith.index_cast %add3A_87 : i32 to index
      %swap3A_159 = arith.constant 96 : index
      %swap3A_160 = tpu.vector_load %arg7[%swap3A_158, %swap3A_159] {strides = array<i32>} : memref<40x128xi32, #tpu.memory_space<vmem>>, vector<1x16xi32>,
      %swap3A_161 = vector.shape_cast %swap3A_160 : vector<1x16xi32> to vector<16xi32>
      %swap3A_162 = vector.shape_cast %add3A_157 : vector<16xi32> to vector<1x16xi32>
      tpu.vector_store %arg7[%swap3A_158, %swap3A_159], %swap3A_162 {strides = array<i32>} : memref<40x128xi32, #tpu.memory_space<vmem>>, vector<1x16xi32>,
      %get3A_163 = arith.index_cast %add3A_87 : i32 to index
      %get3A_164 = arith.constant 112 : index
      %get3A_165 = tpu.vector_load %arg7[%get3A_163, %get3A_164] {strides = array<i32>} : memref<40x128xi32, #tpu.memory_space<vmem>>, vector<1x16xi32>,
      %get3A_166 = vector.shape_cast %get3A_165 : vector<1x16xi32> to vector<16xi32>
      %add3A_167 = vector.broadcast %mul3A_0 : i32 to vector<16xi32>
      %add3A_168 = arith.addi %get3A_166, %add3A_167 : vector<16xi32>
      %swap3A_169 = arith.index_cast %add3A_87 : i32 to index
      %swap3A_170 = arith.constant 112 : index
      %swap3A_171 = tpu.vector_load %arg7[%swap3A_169, %swap3A_170] {strides = array<i32>} : memref<40x128xi32, #tpu.memory_space<vmem>>, vector<1x16xi32>,
      %swap3A_172 = vector.shape_cast %swap3A_171 : vector<1x16xi32> to vector<16xi32>
      %swap3A_173 = vector.shape_cast %add3A_168 : vector<16xi32> to vector<1x16xi32>
      tpu.vector_store %arg7[%swap3A_169, %swap3A_170], %swap3A_173 {strides = array<i32>} : memref<40x128xi32, #tpu.memory_space<vmem>>, vector<1x16xi32>,
    }
    %scan3A_25 = arith.constant 40 : i32
    %dma_start3A = arith.constant 0 : i32
    %dma_start3A_26 = arith.constant 0 : i32
    %dma_start3A_27 = tpu.memref_slice %arg7[%dma_start3A, %dma_start3A_26] : memref<40x128xi32, #tpu.memory_space<vmem>> -> memref<1x128xi32, #tpu.memory_space<vmem>>
    %dma_start3A_28 = tpu.memref_squeeze %dma_start3A_27 : memref<1x128xi32, #tpu.memory_space<vmem>> -> memref<128xi32, #tpu.memory_space<vmem>>
    %dma_start3A_29 = arith.constant 0 : i32
    %dma_start3A_30 = arith.constant 0 : i32
    %dma_start3A_31 = tpu.memref_slice %arg2[%dma_start3A_29, %dma_start3A_30] : memref<20224x128xf32, #tpu.memory_space<hbm>> -> memref<20224x128xf32, #tpu.memory_space<hbm>>
    tpu.enqueue_indirect_dma source(%dma_start3A_31 : memref<20224x128xf32, #tpu.memory_space<hbm>>) target(%arg8 : memref<128x128xf32, #tpu.memory_space<vmem>>) offsets(%dma_start3A_28 : memref<128xi32, #tpu.memory_space<vmem>>) semaphore(%arg11 : memref<!tpu.dma_semaphore, #tpu.memory_space<semaphore_mem>>)
    %dma_start3A_32 = arith.constant 1 : i32
    %dma_start3A_33 = arith.constant 0 : i32
    %dma_start3A_34 = tpu.memref_slice %arg7[%dma_start3A_32, %dma_start3A_33] : memref<40x128xi32, #tpu.memory_space<vmem>> -> memref<1x128xi32, #tpu.memory_space<vmem>>
    %dma_start3A_35 = tpu.memref_squeeze %dma_start3A_34 : memref<1x128xi32, #tpu.memory_space<vmem>> -> memref<128xi32, #tpu.memory_space<vmem>>
    %dma_start3A_36 = arith.constant 0 : i32
    %dma_start3A_37 = arith.constant 0 : i32
    %dma_start3A_38 = tpu.memref_slice %arg2[%dma_start3A_36, %dma_start3A_37] : memref<20224x128xf32, #tpu.memory_space<hbm>> -> memref<20224x128xf32, #tpu.memory_space<hbm>>
    tpu.enqueue_indirect_dma source(%dma_start3A_38 : memref<20224x128xf32, #tpu.memory_space<hbm>>) target(%arg9 : memref<128x128xf32, #tpu.memory_space<vmem>>) offsets(%dma_start3A_35 : memref<128xi32, #tpu.memory_space<vmem>>) semaphore(%arg12 : memref<!tpu.dma_semaphore, #tpu.memory_space<semaphore_mem>>)
    %scan3A_39 = arith.constant 0 : i32
    %scan3A_40 = arith.constant 20 : i32
    %scan3A_41 = arith.addi %scan3A_39, %scan3A_40 : i32
    %scan3A_42 = arith.constant 1 : i32
    scf.for %scan3A_83 = %scan3A_39 to %scan3A_41 step %scan3A_42  : i32 {
      %mul3A_84 = arith.constant 2 : i32
      %mul3A_85 = arith.muli %scan3A_83, %mul3A_84 : i32
      %add3A_86 = arith.constant 0 : i32
      %add3A_87 = arith.addi %add3A_86, %mul3A_85 : i32
      %add3A_88 = arith.constant 0 : i32
      %add3A_89 = arith.addi %add3A_87, %add3A_88 : i32
      %dma_wait3A = arith.constant 0 : i32
      %dma_wait3A_90 = tpu.memref_slice %arg7[%add3A_89, %dma_wait3A] : memref<40x128xi32, #tpu.memory_space<vmem>> -> memref<1x128xi32, #tpu.memory_space<vmem>>
      %dma_wait3A_91 = tpu.memref_squeeze %dma_wait3A_90 : memref<1x128xi32, #tpu.memory_space<vmem>> -> memref<128xi32, #tpu.memory_space<vmem>>
      %dma_wait3A_92 = arith.constant 0 : i32
      %dma_wait3A_93 = arith.constant 0 : i32
      %dma_wait3A_94 = tpu.memref_slice %arg2[%dma_wait3A_92, %dma_wait3A_93] : memref<20224x128xf32, #tpu.memory_space<hbm>> -> memref<20224x128xf32, #tpu.memory_space<hbm>>
      tpu.wait_indirect_dma semaphore(%arg11 : memref<!tpu.dma_semaphore, #tpu.memory_space<semaphore_mem>>) src(%dma_wait3A_94 : memref<20224x128xf32, #tpu.memory_space<hbm>>) dst(%arg8 : memref<128x128xf32, #tpu.memory_space<vmem>>)
      "tpu.region"() ({
        %run_scoped3A = tpu.sem_alloc : memref<!tpu.dma_semaphore, #tpu.memory_space<semaphore_mem>>
        %dma_start3A_114 = arith.constant 0 : i32
        %dma_start3A_115 = tpu.memref_slice %arg6[%add3A_89, %dma_start3A_114] : memref<40x128xi32, #tpu.memory_space<vmem>> -> memref<1x128xi32, #tpu.memory_space<vmem>>
        %dma_start3A_116 = tpu.memref_squeeze %dma_start3A_115 : memref<1x128xi32, #tpu.memory_space<vmem>> -> memref<128xi32, #tpu.memory_space<vmem>>
        %dma_start3A_117 = arith.constant 0 : i32
        %dma_start3A_118 = arith.constant 0 : i32
        %dma_start3A_119 = tpu.memref_slice %arg10[%dma_start3A_117, %dma_start3A_118] : memref<10112x128xf32, #tpu.memory_space<vmem_shared>> -> memref<10112x128xf32, #tpu.memory_space<vmem_shared>>
        tpu.enqueue_indirect_dma source(%arg8 : memref<128x128xf32, #tpu.memory_space<vmem>>) target(%dma_start3A_119 : memref<10112x128xf32, #tpu.memory_space<vmem_shared>>) offsets(%dma_start3A_116 : memref<128xi32, #tpu.memory_space<vmem>>) semaphore(%run_scoped3A : memref<!tpu.dma_semaphore, #tpu.memory_space<semaphore_mem>>) {add = true}
        %dma_wait3A_120 = arith.constant 0 : i32
        %dma_wait3A_121 = tpu.memref_slice %arg6[%add3A_89, %dma_wait3A_120] : memref<40x128xi32, #tpu.memory_space<vmem>> -> memref<1x128xi32, #tpu.memory_space<vmem>>
        %dma_wait3A_122 = tpu.memref_squeeze %dma_wait3A_121 : memref<1x128xi32, #tpu.memory_space<vmem>> -> memref<128xi32, #tpu.memory_space<vmem>>
        %dma_wait3A_123 = arith.constant 0 : i32
        %dma_wait3A_124 = arith.constant 0 : i32
        %dma_wait3A_125 = tpu.memref_slice %arg10[%dma_wait3A_123, %dma_wait3A_124] : memref<10112x128xf32, #tpu.memory_space<vmem_shared>> -> memref<10112x128xf32, #tpu.memory_space<vmem_shared>>
        tpu.wait_indirect_dma semaphore(%run_scoped3A : memref<!tpu.dma_semaphore, #tpu.memory_space<semaphore_mem>>) src(%arg8 : memref<128x128xf32, #tpu.memory_space<vmem>>) dst(%dma_wait3A_125 : memref<10112x128xf32, #tpu.memory_space<vmem_shared>>)
        tpu.yield
      }) : () -> ()
      %add3A_95 = arith.constant 2 : i32
      %add3A_96 = arith.addi %add3A_89, %add3A_95 : i32
      %lt3A = arith.constant 40 : i32
      %lt3A_97 = arith.cmpi slt, %add3A_96, %lt3A : i32
      %convert_element_type3A = arith.extui %lt3A_97 : i1 to i32
      %cond3A = arith.constant 0 : i32
      %cond3A_98 = arith.cmpi ne, %convert_element_type3A, %cond3A : i32
      scf.if %cond3A_98 {
        %dma_start3A_114 = arith.constant 0 : i32
        %dma_start3A_115 = tpu.memref_slice %arg7[%add3A_96, %dma_start3A_114] : memref<40x128xi32, #tpu.memory_space<vmem>> -> memref<1x128xi32, #tpu.memory_space<vmem>>
        %dma_start3A_116 = tpu.memref_squeeze %dma_start3A_115 : memref<1x128xi32, #tpu.memory_space<vmem>> -> memref<128xi32, #tpu.memory_space<vmem>>
        %dma_start3A_117 = arith.constant 0 : i32
        %dma_start3A_118 = arith.constant 0 : i32
        %dma_start3A_119 = tpu.memref_slice %arg2[%dma_start3A_117, %dma_start3A_118] : memref<20224x128xf32, #tpu.memory_space<hbm>> -> memref<20224x128xf32, #tpu.memory_space<hbm>>
        tpu.enqueue_indirect_dma source(%dma_start3A_119 : memref<20224x128xf32, #tpu.memory_space<hbm>>) target(%arg8 : memref<128x128xf32, #tpu.memory_space<vmem>>) offsets(%dma_start3A_116 : memref<128xi32, #tpu.memory_space<vmem>>) semaphore(%arg11 : memref<!tpu.dma_semaphore, #tpu.memory_space<semaphore_mem>>)
      } else {
      }
      %add3A_99 = arith.constant 1 : i32
      %add3A_100 = arith.addi %add3A_87, %add3A_99 : i32
      %dma_wait3A_101 = arith.constant 0 : i32
      %dma_wait3A_102 = tpu.memref_slice %arg7[%add3A_100, %dma_wait3A_101] : memref<40x128xi32, #tpu.memory_space<vmem>> -> memref<1x128xi32, #tpu.memory_space<vmem>>
      %dma_wait3A_103 = tpu.memref_squeeze %dma_wait3A_102 : memref<1x128xi32, #tpu.memory_space<vmem>> -> memref<128xi32, #tpu.memory_space<vmem>>
      %dma_wait3A_104 = arith.constant 0 : i32
      %dma_wait3A_105 = arith.constant 0 : i32
      %dma_wait3A_106 = tpu.memref_slice %arg2[%dma_wait3A_104, %dma_wait3A_105] : memref<20224x128xf32, #tpu.memory_space<hbm>> -> memref<20224x128xf32, #tpu.memory_space<hbm>>
      tpu.wait_indirect_dma semaphore(%arg12 : memref<!tpu.dma_semaphore, #tpu.memory_space<semaphore_mem>>) src(%dma_wait3A_106 : memref<20224x128xf32, #tpu.memory_space<hbm>>) dst(%arg9 : memref<128x128xf32, #tpu.memory_space<vmem>>)
      "tpu.region"() ({
        %run_scoped3A = tpu.sem_alloc : memref<!tpu.dma_semaphore, #tpu.memory_space<semaphore_mem>>
        %dma_start3A_114 = arith.constant 0 : i32
        %dma_start3A_115 = tpu.memref_slice %arg6[%add3A_100, %dma_start3A_114] : memref<40x128xi32, #tpu.memory_space<vmem>> -> memref<1x128xi32, #tpu.memory_space<vmem>>
        %dma_start3A_116 = tpu.memref_squeeze %dma_start3A_115 : memref<1x128xi32, #tpu.memory_space<vmem>> -> memref<128xi32, #tpu.memory_space<vmem>>
        %dma_start3A_117 = arith.constant 0 : i32
        %dma_start3A_118 = arith.constant 0 : i32
        %dma_start3A_119 = tpu.memref_slice %arg10[%dma_start3A_117, %dma_start3A_118] : memref<10112x128xf32, #tpu.memory_space<vmem_shared>> -> memref<10112x128xf32, #tpu.memory_space<vmem_shared>>
        tpu.enqueue_indirect_dma source(%arg9 : memref<128x128xf32, #tpu.memory_space<vmem>>) target(%dma_start3A_119 : memref<10112x128xf32, #tpu.memory_space<vmem_shared>>) offsets(%dma_start3A_116 : memref<128xi32, #tpu.memory_space<vmem>>) semaphore(%run_scoped3A : memref<!tpu.dma_semaphore, #tpu.memory_space<semaphore_mem>>) {add = true}
        %dma_wait3A_120 = arith.constant 0 : i32
        %dma_wait3A_121 = tpu.memref_slice %arg6[%add3A_100, %dma_wait3A_120] : memref<40x128xi32, #tpu.memory_space<vmem>> -> memref<1x128xi32, #tpu.memory_space<vmem>>
        %dma_wait3A_122 = tpu.memref_squeeze %dma_wait3A_121 : memref<1x128xi32, #tpu.memory_space<vmem>> -> memref<128xi32, #tpu.memory_space<vmem>>
        %dma_wait3A_123 = arith.constant 0 : i32
        %dma_wait3A_124 = arith.constant 0 : i32
        %dma_wait3A_125 = tpu.memref_slice %arg10[%dma_wait3A_123, %dma_wait3A_124] : memref<10112x128xf32, #tpu.memory_space<vmem_shared>> -> memref<10112x128xf32, #tpu.memory_space<vmem_shared>>
        tpu.wait_indirect_dma semaphore(%run_scoped3A : memref<!tpu.dma_semaphore, #tpu.memory_space<semaphore_mem>>) src(%arg9 : memref<128x128xf32, #tpu.memory_space<vmem>>) dst(%dma_wait3A_125 : memref<10112x128xf32, #tpu.memory_space<vmem_shared>>)
        tpu.yield
      }) : () -> ()
      %add3A_107 = arith.constant 2 : i32
      %add3A_108 = arith.addi %add3A_100, %add3A_107 : i32
      %lt3A_109 = arith.constant 40 : i32
      %lt3A_110 = arith.cmpi slt, %add3A_108, %lt3A_109 : i32
      %convert_element_type3A_111 = arith.extui %lt3A_110 : i1 to i32
      %cond3A_112 = arith.constant 0 : i32
      %cond3A_113 = arith.cmpi ne, %convert_element_type3A_111, %cond3A_112 : i32
      scf.if %cond3A_113 {
        %dma_start3A_114 = arith.constant 0 : i32
        %dma_start3A_115 = tpu.memref_slice %arg7[%add3A_108, %dma_start3A_114] : memref<40x128xi32, #tpu.memory_space<vmem>> -> memref<1x128xi32, #tpu.memory_space<vmem>>
        %dma_start3A_116 = tpu.memref_squeeze %dma_start3A_115 : memref<1x128xi32, #tpu.memory_space<vmem>> -> memref<128xi32, #tpu.memory_space<vmem>>
        %dma_start3A_117 = arith.constant 0 : i32
        %dma_start3A_118 = arith.constant 0 : i32
        %dma_start3A_119 = tpu.memref_slice %arg2[%dma_start3A_117, %dma_start3A_118] : memref<20224x128xf32, #tpu.memory_space<hbm>> -> memref<20224x128xf32, #tpu.memory_space<hbm>>
        tpu.enqueue_indirect_dma source(%dma_start3A_119 : memref<20224x128xf32, #tpu.memory_space<hbm>>) target(%arg9 : memref<128x128xf32, #tpu.memory_space<vmem>>) offsets(%dma_start3A_116 : memref<128xi32, #tpu.memory_space<vmem>>) semaphore(%arg12 : memref<!tpu.dma_semaphore, #tpu.memory_space<semaphore_mem>>)
      } else {
      }
    }
    %scan3A_43 = arith.constant 20 : i32
    %mul3A_44 = arith.constant 80 : i32
    %mul3A_45 = arith.muli %arg1, %mul3A_44 : i32
    %add3A_46 = arith.constant 40 : i32
    %add3A_47 = arith.addi %mul3A_45, %add3A_46 : i32
    "tpu.region"() ({
      %run_scoped3A = tpu.sem_alloc : memref<!tpu.dma_semaphore, #tpu.memory_space<semaphore_mem>>
      %dma_start3A_83 = arith.constant 0 : i32
      %dma_start3A_84 = tpu.memref_slice %arg3[%add3A_47, %dma_start3A_83] : memref<1280x128xi32, #tpu.memory_space<hbm>> -> memref<40x128xi32, #tpu.memory_space<hbm>>
      %dma_start3A_85 = arith.constant 0 : i32
      %dma_start3A_86 = tpu.memref_slice %arg3[%add3A_47, %dma_start3A_85] : memref<1280x128xi32, #tpu.memory_space<hbm>> -> memref<40x128xi32, #tpu.memory_space<hbm>>
      tpu.enqueue_dma source(%dma_start3A_86 : memref<40x128xi32, #tpu.memory_space<hbm>>) target(%arg6 : memref<40x128xi32, #tpu.memory_space<vmem>>) target_semaphore(%run_scoped3A : memref<!tpu.dma_semaphore, #tpu.memory_space<semaphore_mem>>)
      %dma_wait3A = arith.constant 0 : i32
      %dma_wait3A_87 = tpu.memref_slice %arg3[%add3A_47, %dma_wait3A] : memref<1280x128xi32, #tpu.memory_space<hbm>> -> memref<40x128xi32, #tpu.memory_space<hbm>>
      %dma_wait3A_88 = arith.constant 0 : i32
      %dma_wait3A_89 = tpu.memref_slice %arg3[%add3A_47, %dma_wait3A_88] : memref<1280x128xi32, #tpu.memory_space<hbm>> -> memref<40x128xi32, #tpu.memory_space<hbm>>
      tpu.wait_dma2 semaphore(%run_scoped3A : memref<!tpu.dma_semaphore, #tpu.memory_space<semaphore_mem>>) src(%dma_wait3A_89 : memref<40x128xi32, #tpu.memory_space<hbm>>) dst(%arg6 : memref<40x128xi32, #tpu.memory_space<vmem>>)
      tpu.yield
    }) : () -> ()
    "tpu.region"() ({
      %run_scoped3A = tpu.sem_alloc : memref<!tpu.dma_semaphore, #tpu.memory_space<semaphore_mem>>
      %dma_start3A_83 = arith.constant 0 : i32
      %dma_start3A_84 = tpu.memref_slice %arg4[%add3A_47, %dma_start3A_83] : memref<1280x128xi32, #tpu.memory_space<hbm>> -> memref<40x128xi32, #tpu.memory_space<hbm>>
      %dma_start3A_85 = arith.constant 0 : i32
      %dma_start3A_86 = tpu.memref_slice %arg4[%add3A_47, %dma_start3A_85] : memref<1280x128xi32, #tpu.memory_space<hbm>> -> memref<40x128xi32, #tpu.memory_space<hbm>>
      tpu.enqueue_dma source(%dma_start3A_86 : memref<40x128xi32, #tpu.memory_space<hbm>>) target(%arg7 : memref<40x128xi32, #tpu.memory_space<vmem>>) target_semaphore(%run_scoped3A : memref<!tpu.dma_semaphore, #tpu.memory_space<semaphore_mem>>)
      %dma_wait3A = arith.constant 0 : i32
      %dma_wait3A_87 = tpu.memref_slice %arg4[%add3A_47, %dma_wait3A] : memref<1280x128xi32, #tpu.memory_space<hbm>> -> memref<40x128xi32, #tpu.memory_space<hbm>>
      %dma_wait3A_88 = arith.constant 0 : i32
      %dma_wait3A_89 = tpu.memref_slice %arg4[%add3A_47, %dma_wait3A_88] : memref<1280x128xi32, #tpu.memory_space<hbm>> -> memref<40x128xi32, #tpu.memory_space<hbm>>
      tpu.wait_dma2 semaphore(%run_scoped3A : memref<!tpu.dma_semaphore, #tpu.memory_space<semaphore_mem>>) src(%dma_wait3A_89 : memref<40x128xi32, #tpu.memory_space<hbm>>) dst(%arg7 : memref<40x128xi32, #tpu.memory_space<vmem>>)
      tpu.yield
    }) : () -> ()
    %scan3A_48 = arith.constant 0 : i32
    %scan3A_49 = arith.constant 40 : i32
    %scan3A_50 = arith.addi %scan3A_48, %scan3A_49 : i32
    %scan3A_51 = arith.constant 1 : i32
    scf.for %scan3A_83 = %scan3A_48 to %scan3A_50 step %scan3A_51  : i32 {
      %mul3A_84 = arith.constant 1 : i32
      %mul3A_85 = arith.muli %scan3A_83, %mul3A_84 : i32
      %add3A_86 = arith.constant 0 : i32
      %add3A_87 = arith.addi %add3A_86, %mul3A_85 : i32
      %get3A = arith.index_cast %add3A_87 : i32 to index
      %get3A_88 = arith.constant 0 : index
      %get3A_89 = tpu.vector_load %arg7[%get3A, %get3A_88] {strides = array<i32>} : memref<40x128xi32, #tpu.memory_space<vmem>>, vector<1x16xi32>,
      %get3A_90 = vector.shape_cast %get3A_89 : vector<1x16xi32> to vector<16xi32>
      %add3A_91 = vector.broadcast %mul3A_0 : i32 to vector<16xi32>
      %add3A_92 = arith.addi %get3A_90, %add3A_91 : vector<16xi32>
      %swap3A = arith.index_cast %add3A_87 : i32 to index
      %swap3A_93 = arith.constant 0 : index
      %swap3A_94 = tpu.vector_load %arg7[%swap3A, %swap3A_93] {strides = array<i32>} : memref<40x128xi32, #tpu.memory_space<vmem>>, vector<1x16xi32>,
      %swap3A_95 = vector.shape_cast %swap3A_94 : vector<1x16xi32> to vector<16xi32>
      %swap3A_96 = vector.shape_cast %add3A_92 : vector<16xi32> to vector<1x16xi32>
      tpu.vector_store %arg7[%swap3A, %swap3A_93], %swap3A_96 {strides = array<i32>} : memref<40x128xi32, #tpu.memory_space<vmem>>, vector<1x16xi32>,
      %get3A_97 = arith.index_cast %add3A_87 : i32 to index
      %get3A_98 = arith.constant 16 : index
      %get3A_99 = tpu.vector_load %arg7[%get3A_97, %get3A_98] {strides = array<i32>} : memref<40x128xi32, #tpu.memory_space<vmem>>, vector<1x16xi32>,
      %get3A_100 = vector.shape_cast %get3A_99 : vector<1x16xi32> to vector<16xi32>
      %add3A_101 = vector.broadcast %mul3A_0 : i32 to vector<16xi32>
      %add3A_102 = arith.addi %get3A_100, %add3A_101 : vector<16xi32>
      %swap3A_103 = arith.index_cast %add3A_87 : i32 to index
      %swap3A_104 = arith.constant 16 : index
      %swap3A_105 = tpu.vector_load %arg7[%swap3A_103, %swap3A_104] {strides = array<i32>} : memref<40x128xi32, #tpu.memory_space<vmem>>, vector<1x16xi32>,
      %swap3A_106 = vector.shape_cast %swap3A_105 : vector<1x16xi32> to vector<16xi32>
      %swap3A_107 = vector.shape_cast %add3A_102 : vector<16xi32> to vector<1x16xi32>
      tpu.vector_store %arg7[%swap3A_103, %swap3A_104], %swap3A_107 {strides = array<i32>} : memref<40x128xi32, #tpu.memory_space<vmem>>, vector<1x16xi32>,
      %get3A_108 = arith.index_cast %add3A_87 : i32 to index
      %get3A_109 = arith.constant 32 : index
      %get3A_110 = tpu.vector_load %arg7[%get3A_108, %get3A_109] {strides = array<i32>} : memref<40x128xi32, #tpu.memory_space<vmem>>, vector<1x16xi32>,
      %get3A_111 = vector.shape_cast %get3A_110 : vector<1x16xi32> to vector<16xi32>
      %add3A_112 = vector.broadcast %mul3A_0 : i32 to vector<16xi32>
      %add3A_113 = arith.addi %get3A_111, %add3A_112 : vector<16xi32>
      %swap3A_114 = arith.index_cast %add3A_87 : i32 to index
      %swap3A_115 = arith.constant 32 : index
      %swap3A_116 = tpu.vector_load %arg7[%swap3A_114, %swap3A_115] {strides = array<i32>} : memref<40x128xi32, #tpu.memory_space<vmem>>, vector<1x16xi32>,
      %swap3A_117 = vector.shape_cast %swap3A_116 : vector<1x16xi32> to vector<16xi32>
      %swap3A_118 = vector.shape_cast %add3A_113 : vector<16xi32> to vector<1x16xi32>
      tpu.vector_store %arg7[%swap3A_114, %swap3A_115], %swap3A_118 {strides = array<i32>} : memref<40x128xi32, #tpu.memory_space<vmem>>, vector<1x16xi32>,
      %get3A_119 = arith.index_cast %add3A_87 : i32 to index
      %get3A_120 = arith.constant 48 : index
      %get3A_121 = tpu.vector_load %arg7[%get3A_119, %get3A_120] {strides = array<i32>} : memref<40x128xi32, #tpu.memory_space<vmem>>, vector<1x16xi32>,
      %get3A_122 = vector.shape_cast %get3A_121 : vector<1x16xi32> to vector<16xi32>
      %add3A_123 = vector.broadcast %mul3A_0 : i32 to vector<16xi32>
      %add3A_124 = arith.addi %get3A_122, %add3A_123 : vector<16xi32>
      %swap3A_125 = arith.index_cast %add3A_87 : i32 to index
      %swap3A_126 = arith.constant 48 : index
      %swap3A_127 = tpu.vector_load %arg7[%swap3A_125, %swap3A_126] {strides = array<i32>} : memref<40x128xi32, #tpu.memory_space<vmem>>, vector<1x16xi32>,
      %swap3A_128 = vector.shape_cast %swap3A_127 : vector<1x16xi32> to vector<16xi32>
      %swap3A_129 = vector.shape_cast %add3A_124 : vector<16xi32> to vector<1x16xi32>
      tpu.vector_store %arg7[%swap3A_125, %swap3A_126], %swap3A_129 {strides = array<i32>} : memref<40x128xi32, #tpu.memory_space<vmem>>, vector<1x16xi32>,
      %get3A_130 = arith.index_cast %add3A_87 : i32 to index
      %get3A_131 = arith.constant 64 : index
      %get3A_132 = tpu.vector_load %arg7[%get3A_130, %get3A_131] {strides = array<i32>} : memref<40x128xi32, #tpu.memory_space<vmem>>, vector<1x16xi32>,
      %get3A_133 = vector.shape_cast %get3A_132 : vector<1x16xi32> to vector<16xi32>
      %add3A_134 = vector.broadcast %mul3A_0 : i32 to vector<16xi32>
      %add3A_135 = arith.addi %get3A_133, %add3A_134 : vector<16xi32>
      %swap3A_136 = arith.index_cast %add3A_87 : i32 to index
      %swap3A_137 = arith.constant 64 : index
      %swap3A_138 = tpu.vector_load %arg7[%swap3A_136, %swap3A_137] {strides = array<i32>} : memref<40x128xi32, #tpu.memory_space<vmem>>, vector<1x16xi32>,
      %swap3A_139 = vector.shape_cast %swap3A_138 : vector<1x16xi32> to vector<16xi32>
      %swap3A_140 = vector.shape_cast %add3A_135 : vector<16xi32> to vector<1x16xi32>
      tpu.vector_store %arg7[%swap3A_136, %swap3A_137], %swap3A_140 {strides = array<i32>} : memref<40x128xi32, #tpu.memory_space<vmem>>, vector<1x16xi32>,
      %get3A_141 = arith.index_cast %add3A_87 : i32 to index
      %get3A_142 = arith.constant 80 : index
      %get3A_143 = tpu.vector_load %arg7[%get3A_141, %get3A_142] {strides = array<i32>} : memref<40x128xi32, #tpu.memory_space<vmem>>, vector<1x16xi32>,
      %get3A_144 = vector.shape_cast %get3A_143 : vector<1x16xi32> to vector<16xi32>
      %add3A_145 = vector.broadcast %mul3A_0 : i32 to vector<16xi32>
      %add3A_146 = arith.addi %get3A_144, %add3A_145 : vector<16xi32>
      %swap3A_147 = arith.index_cast %add3A_87 : i32 to index
      %swap3A_148 = arith.constant 80 : index
      %swap3A_149 = tpu.vector_load %arg7[%swap3A_147, %swap3A_148] {strides = array<i32>} : memref<40x128xi32, #tpu.memory_space<vmem>>, vector<1x16xi32>,
      %swap3A_150 = vector.shape_cast %swap3A_149 : vector<1x16xi32> to vector<16xi32>
      %swap3A_151 = vector.shape_cast %add3A_146 : vector<16xi32> to vector<1x16xi32>
      tpu.vector_store %arg7[%swap3A_147, %swap3A_148], %swap3A_151 {strides = array<i32>} : memref<40x128xi32, #tpu.memory_space<vmem>>, vector<1x16xi32>,
      %get3A_152 = arith.index_cast %add3A_87 : i32 to index
      %get3A_153 = arith.constant 96 : index
      %get3A_154 = tpu.vector_load %arg7[%get3A_152, %get3A_153] {strides = array<i32>} : memref<40x128xi32, #tpu.memory_space<vmem>>, vector<1x16xi32>,
      %get3A_155 = vector.shape_cast %get3A_154 : vector<1x16xi32> to vector<16xi32>
      %add3A_156 = vector.broadcast %mul3A_0 : i32 to vector<16xi32>
      %add3A_157 = arith.addi %get3A_155, %add3A_156 : vector<16xi32>
      %swap3A_158 = arith.index_cast %add3A_87 : i32 to index
      %swap3A_159 = arith.constant 96 : index
      %swap3A_160 = tpu.vector_load %arg7[%swap3A_158, %swap3A_159] {strides = array<i32>} : memref<40x128xi32, #tpu.memory_space<vmem>>, vector<1x16xi32>,
      %swap3A_161 = vector.shape_cast %swap3A_160 : vector<1x16xi32> to vector<16xi32>
      %swap3A_162 = vector.shape_cast %add3A_157 : vector<16xi32> to vector<1x16xi32>
      tpu.vector_store %arg7[%swap3A_158, %swap3A_159], %swap3A_162 {strides = array<i32>} : memref<40x128xi32, #tpu.memory_space<vmem>>, vector<1x16xi32>,
      %get3A_163 = arith.index_cast %add3A_87 : i32 to index
      %get3A_164 = arith.constant 112 : index
      %get3A_165 = tpu.vector_load %arg7[%get3A_163, %get3A_164] {strides = array<i32>} : memref<40x128xi32, #tpu.memory_space<vmem>>, vector<1x16xi32>,
      %get3A_166 = vector.shape_cast %get3A_165 : vector<1x16xi32> to vector<16xi32>
      %add3A_167 = vector.broadcast %mul3A_0 : i32 to vector<16xi32>
      %add3A_168 = arith.addi %get3A_166, %add3A_167 : vector<16xi32>
      %swap3A_169 = arith.index_cast %add3A_87 : i32 to index
      %swap3A_170 = arith.constant 112 : index
      %swap3A_171 = tpu.vector_load %arg7[%swap3A_169, %swap3A_170] {strides = array<i32>} : memref<40x128xi32, #tpu.memory_space<vmem>>, vector<1x16xi32>,
      %swap3A_172 = vector.shape_cast %swap3A_171 : vector<1x16xi32> to vector<16xi32>
      %swap3A_173 = vector.shape_cast %add3A_168 : vector<16xi32> to vector<1x16xi32>
      tpu.vector_store %arg7[%swap3A_169, %swap3A_170], %swap3A_173 {strides = array<i32>} : memref<40x128xi32, #tpu.memory_space<vmem>>, vector<1x16xi32>,
    }
    %scan3A_52 = arith.constant 40 : i32
    %dma_start3A_53 = arith.constant 0 : i32
    %dma_start3A_54 = arith.constant 0 : i32
    %dma_start3A_55 = tpu.memref_slice %arg7[%dma_start3A_53, %dma_start3A_54] : memref<40x128xi32, #tpu.memory_space<vmem>> -> memref<1x128xi32, #tpu.memory_space<vmem>>
    %dma_start3A_56 = tpu.memref_squeeze %dma_start3A_55 : memref<1x128xi32, #tpu.memory_space<vmem>> -> memref<128xi32, #tpu.memory_space<vmem>>
    %dma_start3A_57 = arith.constant 0 : i32
    %dma_start3A_58 = arith.constant 0 : i32
    %dma_start3A_59 = tpu.memref_slice %arg2[%dma_start3A_57, %dma_start3A_58] : memref<20224x128xf32, #tpu.memory_space<hbm>> -> memref<20224x128xf32, #tpu.memory_space<hbm>>
    tpu.enqueue_indirect_dma source(%dma_start3A_59 : memref<20224x128xf32, #tpu.memory_space<hbm>>) target(%arg8 : memref<128x128xf32, #tpu.memory_space<vmem>>) offsets(%dma_start3A_56 : memref<128xi32, #tpu.memory_space<vmem>>) semaphore(%arg11 : memref<!tpu.dma_semaphore, #tpu.memory_space<semaphore_mem>>)
    %dma_start3A_60 = arith.constant 1 : i32
    %dma_start3A_61 = arith.constant 0 : i32
    %dma_start3A_62 = tpu.memref_slice %arg7[%dma_start3A_60, %dma_start3A_61] : memref<40x128xi32, #tpu.memory_space<vmem>> -> memref<1x128xi32, #tpu.memory_space<vmem>>
    %dma_start3A_63 = tpu.memref_squeeze %dma_start3A_62 : memref<1x128xi32, #tpu.memory_space<vmem>> -> memref<128xi32, #tpu.memory_space<vmem>>
    %dma_start3A_64 = arith.constant 0 : i32
    %dma_start3A_65 = arith.constant 0 : i32
    %dma_start3A_66 = tpu.memref_slice %arg2[%dma_start3A_64, %dma_start3A_65] : memref<20224x128xf32, #tpu.memory_space<hbm>> -> memref<20224x128xf32, #tpu.memory_space<hbm>>
    tpu.enqueue_indirect_dma source(%dma_start3A_66 : memref<20224x128xf32, #tpu.memory_space<hbm>>) target(%arg9 : memref<128x128xf32, #tpu.memory_space<vmem>>) offsets(%dma_start3A_63 : memref<128xi32, #tpu.memory_space<vmem>>) semaphore(%arg12 : memref<!tpu.dma_semaphore, #tpu.memory_space<semaphore_mem>>)
    %scan3A_67 = arith.constant 0 : i32
    %scan3A_68 = arith.constant 20 : i32
    %scan3A_69 = arith.addi %scan3A_67, %scan3A_68 : i32
    %scan3A_70 = arith.constant 1 : i32
    scf.for %scan3A_83 = %scan3A_67 to %scan3A_69 step %scan3A_70  : i32 {
      %mul3A_84 = arith.constant 2 : i32
      %mul3A_85 = arith.muli %scan3A_83, %mul3A_84 : i32
      %add3A_86 = arith.constant 0 : i32
      %add3A_87 = arith.addi %add3A_86, %mul3A_85 : i32
      %add3A_88 = arith.constant 0 : i32
      %add3A_89 = arith.addi %add3A_87, %add3A_88 : i32
      %dma_wait3A = arith.constant 0 : i32
      %dma_wait3A_90 = tpu.memref_slice %arg7[%add3A_89, %dma_wait3A] : memref<40x128xi32, #tpu.memory_space<vmem>> -> memref<1x128xi32, #tpu.memory_space<vmem>>
      %dma_wait3A_91 = tpu.memref_squeeze %dma_wait3A_90 : memref<1x128xi32, #tpu.memory_space<vmem>> -> memref<128xi32, #tpu.memory_space<vmem>>
      %dma_wait3A_92 = arith.constant 0 : i32
      %dma_wait3A_93 = arith.constant 0 : i32
      %dma_wait3A_94 = tpu.memref_slice %arg2[%dma_wait3A_92, %dma_wait3A_93] : memref<20224x128xf32, #tpu.memory_space<hbm>> -> memref<20224x128xf32, #tpu.memory_space<hbm>>
      tpu.wait_indirect_dma semaphore(%arg11 : memref<!tpu.dma_semaphore, #tpu.memory_space<semaphore_mem>>) src(%dma_wait3A_94 : memref<20224x128xf32, #tpu.memory_space<hbm>>) dst(%arg8 : memref<128x128xf32, #tpu.memory_space<vmem>>)
      "tpu.region"() ({
        %run_scoped3A = tpu.sem_alloc : memref<!tpu.dma_semaphore, #tpu.memory_space<semaphore_mem>>
        %dma_start3A_114 = arith.constant 0 : i32
        %dma_start3A_115 = tpu.memref_slice %arg6[%add3A_89, %dma_start3A_114] : memref<40x128xi32, #tpu.memory_space<vmem>> -> memref<1x128xi32, #tpu.memory_space<vmem>>
        %dma_start3A_116 = tpu.memref_squeeze %dma_start3A_115 : memref<1x128xi32, #tpu.memory_space<vmem>> -> memref<128xi32, #tpu.memory_space<vmem>>
        %dma_start3A_117 = arith.constant 0 : i32
        %dma_start3A_118 = arith.constant 0 : i32
        %dma_start3A_119 = tpu.memref_slice %arg10[%dma_start3A_117, %dma_start3A_118] : memref<10112x128xf32, #tpu.memory_space<vmem_shared>> -> memref<10112x128xf32, #tpu.memory_space<vmem_shared>>
        tpu.enqueue_indirect_dma source(%arg8 : memref<128x128xf32, #tpu.memory_space<vmem>>) target(%dma_start3A_119 : memref<10112x128xf32, #tpu.memory_space<vmem_shared>>) offsets(%dma_start3A_116 : memref<128xi32, #tpu.memory_space<vmem>>) semaphore(%run_scoped3A : memref<!tpu.dma_semaphore, #tpu.memory_space<semaphore_mem>>) {add = true}
        %dma_wait3A_120 = arith.constant 0 : i32
        %dma_wait3A_121 = tpu.memref_slice %arg6[%add3A_89, %dma_wait3A_120] : memref<40x128xi32, #tpu.memory_space<vmem>> -> memref<1x128xi32, #tpu.memory_space<vmem>>
        %dma_wait3A_122 = tpu.memref_squeeze %dma_wait3A_121 : memref<1x128xi32, #tpu.memory_space<vmem>> -> memref<128xi32, #tpu.memory_space<vmem>>
        %dma_wait3A_123 = arith.constant 0 : i32
        %dma_wait3A_124 = arith.constant 0 : i32
        %dma_wait3A_125 = tpu.memref_slice %arg10[%dma_wait3A_123, %dma_wait3A_124] : memref<10112x128xf32, #tpu.memory_space<vmem_shared>> -> memref<10112x128xf32, #tpu.memory_space<vmem_shared>>
        tpu.wait_indirect_dma semaphore(%run_scoped3A : memref<!tpu.dma_semaphore, #tpu.memory_space<semaphore_mem>>) src(%arg8 : memref<128x128xf32, #tpu.memory_space<vmem>>) dst(%dma_wait3A_125 : memref<10112x128xf32, #tpu.memory_space<vmem_shared>>)
        tpu.yield
      }) : () -> ()
      %add3A_95 = arith.constant 2 : i32
      %add3A_96 = arith.addi %add3A_89, %add3A_95 : i32
      %lt3A = arith.constant 40 : i32
      %lt3A_97 = arith.cmpi slt, %add3A_96, %lt3A : i32
      %convert_element_type3A = arith.extui %lt3A_97 : i1 to i32
      %cond3A = arith.constant 0 : i32
      %cond3A_98 = arith.cmpi ne, %convert_element_type3A, %cond3A : i32
      scf.if %cond3A_98 {
        %dma_start3A_114 = arith.constant 0 : i32
        %dma_start3A_115 = tpu.memref_slice %arg7[%add3A_96, %dma_start3A_114] : memref<40x128xi32, #tpu.memory_space<vmem>> -> memref<1x128xi32, #tpu.memory_space<vmem>>
        %dma_start3A_116 = tpu.memref_squeeze %dma_start3A_115 : memref<1x128xi32, #tpu.memory_space<vmem>> -> memref<128xi32, #tpu.memory_space<vmem>>
        %dma_start3A_117 = arith.constant 0 : i32
        %dma_start3A_118 = arith.constant 0 : i32
        %dma_start3A_119 = tpu.memref_slice %arg2[%dma_start3A_117, %dma_start3A_118] : memref<20224x128xf32, #tpu.memory_space<hbm>> -> memref<20224x128xf32, #tpu.memory_space<hbm>>
        tpu.enqueue_indirect_dma source(%dma_start3A_119 : memref<20224x128xf32, #tpu.memory_space<hbm>>) target(%arg8 : memref<128x128xf32, #tpu.memory_space<vmem>>) offsets(%dma_start3A_116 : memref<128xi32, #tpu.memory_space<vmem>>) semaphore(%arg11 : memref<!tpu.dma_semaphore, #tpu.memory_space<semaphore_mem>>)
      } else {
      }
      %add3A_99 = arith.constant 1 : i32
      %add3A_100 = arith.addi %add3A_87, %add3A_99 : i32
      %dma_wait3A_101 = arith.constant 0 : i32
      %dma_wait3A_102 = tpu.memref_slice %arg7[%add3A_100, %dma_wait3A_101] : memref<40x128xi32, #tpu.memory_space<vmem>> -> memref<1x128xi32, #tpu.memory_space<vmem>>
      %dma_wait3A_103 = tpu.memref_squeeze %dma_wait3A_102 : memref<1x128xi32, #tpu.memory_space<vmem>> -> memref<128xi32, #tpu.memory_space<vmem>>
      %dma_wait3A_104 = arith.constant 0 : i32
      %dma_wait3A_105 = arith.constant 0 : i32
      %dma_wait3A_106 = tpu.memref_slice %arg2[%dma_wait3A_104, %dma_wait3A_105] : memref<20224x128xf32, #tpu.memory_space<hbm>> -> memref<20224x128xf32, #tpu.memory_space<hbm>>
      tpu.wait_indirect_dma semaphore(%arg12 : memref<!tpu.dma_semaphore, #tpu.memory_space<semaphore_mem>>) src(%dma_wait3A_106 : memref<20224x128xf32, #tpu.memory_space<hbm>>) dst(%arg9 : memref<128x128xf32, #tpu.memory_space<vmem>>)
      "tpu.region"() ({
        %run_scoped3A = tpu.sem_alloc : memref<!tpu.dma_semaphore, #tpu.memory_space<semaphore_mem>>
        %dma_start3A_114 = arith.constant 0 : i32
        %dma_start3A_115 = tpu.memref_slice %arg6[%add3A_100, %dma_start3A_114] : memref<40x128xi32, #tpu.memory_space<vmem>> -> memref<1x128xi32, #tpu.memory_space<vmem>>
        %dma_start3A_116 = tpu.memref_squeeze %dma_start3A_115 : memref<1x128xi32, #tpu.memory_space<vmem>> -> memref<128xi32, #tpu.memory_space<vmem>>
        %dma_start3A_117 = arith.constant 0 : i32
        %dma_start3A_118 = arith.constant 0 : i32
        %dma_start3A_119 = tpu.memref_slice %arg10[%dma_start3A_117, %dma_start3A_118] : memref<10112x128xf32, #tpu.memory_space<vmem_shared>> -> memref<10112x128xf32, #tpu.memory_space<vmem_shared>>
        tpu.enqueue_indirect_dma source(%arg9 : memref<128x128xf32, #tpu.memory_space<vmem>>) target(%dma_start3A_119 : memref<10112x128xf32, #tpu.memory_space<vmem_shared>>) offsets(%dma_start3A_116 : memref<128xi32, #tpu.memory_space<vmem>>) semaphore(%run_scoped3A : memref<!tpu.dma_semaphore, #tpu.memory_space<semaphore_mem>>) {add = true}
        %dma_wait3A_120 = arith.constant 0 : i32
        %dma_wait3A_121 = tpu.memref_slice %arg6[%add3A_100, %dma_wait3A_120] : memref<40x128xi32, #tpu.memory_space<vmem>> -> memref<1x128xi32, #tpu.memory_space<vmem>>
        %dma_wait3A_122 = tpu.memref_squeeze %dma_wait3A_121 : memref<1x128xi32, #tpu.memory_space<vmem>> -> memref<128xi32, #tpu.memory_space<vmem>>
        %dma_wait3A_123 = arith.constant 0 : i32
        %dma_wait3A_124 = arith.constant 0 : i32
        %dma_wait3A_125 = tpu.memref_slice %arg10[%dma_wait3A_123, %dma_wait3A_124] : memref<10112x128xf32, #tpu.memory_space<vmem_shared>> -> memref<10112x128xf32, #tpu.memory_space<vmem_shared>>
        tpu.wait_indirect_dma semaphore(%run_scoped3A : memref<!tpu.dma_semaphore, #tpu.memory_space<semaphore_mem>>) src(%arg9 : memref<128x128xf32, #tpu.memory_space<vmem>>) dst(%dma_wait3A_125 : memref<10112x128xf32, #tpu.memory_space<vmem_shared>>)
        tpu.yield
      }) : () -> ()
      %add3A_107 = arith.constant 2 : i32
      %add3A_108 = arith.addi %add3A_100, %add3A_107 : i32
      %lt3A_109 = arith.constant 40 : i32
      %lt3A_110 = arith.cmpi slt, %add3A_108, %lt3A_109 : i32
      %convert_element_type3A_111 = arith.extui %lt3A_110 : i1 to i32
      %cond3A_112 = arith.constant 0 : i32
      %cond3A_113 = arith.cmpi ne, %convert_element_type3A_111, %cond3A_112 : i32
      scf.if %cond3A_113 {
        %dma_start3A_114 = arith.constant 0 : i32
        %dma_start3A_115 = tpu.memref_slice %arg7[%add3A_108, %dma_start3A_114] : memref<40x128xi32, #tpu.memory_space<vmem>> -> memref<1x128xi32, #tpu.memory_space<vmem>>
        %dma_start3A_116 = tpu.memref_squeeze %dma_start3A_115 : memref<1x128xi32, #tpu.memory_space<vmem>> -> memref<128xi32, #tpu.memory_space<vmem>>
        %dma_start3A_117 = arith.constant 0 : i32
        %dma_start3A_118 = arith.constant 0 : i32
        %dma_start3A_119 = tpu.memref_slice %arg2[%dma_start3A_117, %dma_start3A_118] : memref<20224x128xf32, #tpu.memory_space<hbm>> -> memref<20224x128xf32, #tpu.memory_space<hbm>>
        tpu.enqueue_indirect_dma source(%dma_start3A_119 : memref<20224x128xf32, #tpu.memory_space<hbm>>) target(%arg9 : memref<128x128xf32, #tpu.memory_space<vmem>>) offsets(%dma_start3A_116 : memref<128xi32, #tpu.memory_space<vmem>>) semaphore(%arg12 : memref<!tpu.dma_semaphore, #tpu.memory_space<semaphore_mem>>)
      } else {
      }
    }
    %scan3A_71 = arith.constant 20 : i32
    %barrier3A_72 = arith.constant 0 : index
    tpu.barrier barrier_id(%barrier3A_72)
    %add3A_73 = arith.constant 0 : i32
    %add3A_74 = arith.addi %mul3A_7, %add3A_73 : i32
    "tpu.region"() ({
      %run_scoped3A = tpu.sem_alloc : memref<!tpu.dma_semaphore, #tpu.memory_space<semaphore_mem>>
      %dma_start3A_83 = arith.constant 0 : i32
      %dma_start3A_84 = tpu.memref_slice %arg10[%add3A_74, %dma_start3A_83] : memref<10112x128xf32, #tpu.memory_space<vmem_shared>> -> memref<128x128xf32, #tpu.memory_space<vmem_shared>>
      %dma_start3A_85 = arith.constant 0 : i32
      %dma_start3A_86 = tpu.memref_slice %arg10[%add3A_74, %dma_start3A_85] : memref<10112x128xf32, #tpu.memory_space<vmem_shared>> -> memref<128x128xf32, #tpu.memory_space<vmem_shared>>
      tpu.enqueue_dma source(%dma_start3A_86 : memref<128x128xf32, #tpu.memory_space<vmem_shared>>) target(%arg8 : memref<128x128xf32, #tpu.memory_space<vmem>>) target_semaphore(%run_scoped3A : memref<!tpu.dma_semaphore, #tpu.memory_space<semaphore_mem>>)
      %dma_wait3A = arith.constant 0 : i32
      %dma_wait3A_87 = tpu.memref_slice %arg10[%add3A_74, %dma_wait3A] : memref<10112x128xf32, #tpu.memory_space<vmem_shared>> -> memref<128x128xf32, #tpu.memory_space<vmem_shared>>
      %dma_wait3A_88 = arith.constant 0 : i32
      %dma_wait3A_89 = tpu.memref_slice %arg10[%add3A_74, %dma_wait3A_88] : memref<10112x128xf32, #tpu.memory_space<vmem_shared>> -> memref<128x128xf32, #tpu.memory_space<vmem_shared>>
      tpu.wait_dma2 semaphore(%run_scoped3A : memref<!tpu.dma_semaphore, #tpu.memory_space<semaphore_mem>>) src(%dma_wait3A_89 : memref<128x128xf32, #tpu.memory_space<vmem_shared>>) dst(%arg8 : memref<128x128xf32, #tpu.memory_space<vmem>>)
      tpu.yield
    }) : () -> ()
    "tpu.region"() ({
      %run_scoped3A = tpu.sem_alloc : memref<!tpu.dma_semaphore, #tpu.memory_space<semaphore_mem>>
      %dma_start3A_83 = arith.constant 0 : i32
      %dma_start3A_84 = tpu.memref_slice %arg5[%arg0, %add3A_74, %dma_start3A_83] : memref<2x10112x128xf32, #tpu.memory_space<hbm>> -> memref<1x128x128xf32, #tpu.memory_space<hbm>>
      %dma_start3A_85 = tpu.memref_squeeze %dma_start3A_84 : memref<1x128x128xf32, #tpu.memory_space<hbm>> -> memref<128x128xf32, #tpu.memory_space<hbm>>
      %dma_start3A_86 = arith.constant 0 : i32
      %dma_start3A_87 = tpu.memref_slice %arg5[%arg0, %add3A_74, %dma_start3A_86] : memref<2x10112x128xf32, #tpu.memory_space<hbm>> -> memref<1x128x128xf32, #tpu.memory_space<hbm>>
      %dma_start3A_88 = tpu.memref_squeeze %dma_start3A_87 : memref<1x128x128xf32, #tpu.memory_space<hbm>> -> memref<128x128xf32, #tpu.memory_space<hbm>>
      tpu.enqueue_dma source(%arg8 : memref<128x128xf32, #tpu.memory_space<vmem>>) target(%dma_start3A_88 : memref<128x128xf32, #tpu.memory_space<hbm>>) target_semaphore(%run_scoped3A : memref<!tpu.dma_semaphore, #tpu.memory_space<semaphore_mem>>)
      %dma_wait3A = arith.constant 0 : i32
      %dma_wait3A_89 = tpu.memref_slice %arg5[%arg0, %add3A_74, %dma_wait3A] : memref<2x10112x128xf32, #tpu.memory_space<hbm>> -> memref<1x128x128xf32, #tpu.memory_space<hbm>>
      %dma_wait3A_90 = tpu.memref_squeeze %dma_wait3A_89 : memref<1x128x128xf32, #tpu.memory_space<hbm>> -> memref<128x128xf32, #tpu.memory_space<hbm>>
      %dma_wait3A_91 = arith.constant 0 : i32
      %dma_wait3A_92 = tpu.memref_slice %arg5[%arg0, %add3A_74, %dma_wait3A_91] : memref<2x10112x128xf32, #tpu.memory_space<hbm>> -> memref<1x128x128xf32, #tpu.memory_space<hbm>>
      %dma_wait3A_93 = tpu.memref_squeeze %dma_wait3A_92 : memref<1x128x128xf32, #tpu.memory_space<hbm>> -> memref<128x128xf32, #tpu.memory_space<hbm>>
      tpu.wait_dma2 semaphore(%run_scoped3A : memref<!tpu.dma_semaphore, #tpu.memory_space<semaphore_mem>>) src(%arg8 : memref<128x128xf32, #tpu.memory_space<vmem>>) dst(%dma_wait3A_93 : memref<128x128xf32, #tpu.memory_space<hbm>>)
      tpu.yield
    }) : () -> ()
    %add3A_75 = arith.constant 128 : i32
    %add3A_76 = arith.addi %mul3A_7, %add3A_75 : i32
    "tpu.region"() ({
      %run_scoped3A = tpu.sem_alloc : memref<!tpu.dma_semaphore, #tpu.memory_space<semaphore_mem>>
      %dma_start3A_83 = arith.constant 0 : i32
      %dma_start3A_84 = tpu.memref_slice %arg10[%add3A_76, %dma_start3A_83] : memref<10112x128xf32, #tpu.memory_space<vmem_shared>> -> memref<128x128xf32, #tpu.memory_space<vmem_shared>>
      %dma_start3A_85 = arith.constant 0 : i32
      %dma_start3A_86 = tpu.memref_slice %arg10[%add3A_76, %dma_start3A_85] : memref<10112x128xf32, #tpu.memory_space<vmem_shared>> -> memref<128x128xf32, #tpu.memory_space<vmem_shared>>
      tpu.enqueue_dma source(%dma_start3A_86 : memref<128x128xf32, #tpu.memory_space<vmem_shared>>) target(%arg8 : memref<128x128xf32, #tpu.memory_space<vmem>>) target_semaphore(%run_scoped3A : memref<!tpu.dma_semaphore, #tpu.memory_space<semaphore_mem>>)
      %dma_wait3A = arith.constant 0 : i32
      %dma_wait3A_87 = tpu.memref_slice %arg10[%add3A_76, %dma_wait3A] : memref<10112x128xf32, #tpu.memory_space<vmem_shared>> -> memref<128x128xf32, #tpu.memory_space<vmem_shared>>
      %dma_wait3A_88 = arith.constant 0 : i32
      %dma_wait3A_89 = tpu.memref_slice %arg10[%add3A_76, %dma_wait3A_88] : memref<10112x128xf32, #tpu.memory_space<vmem_shared>> -> memref<128x128xf32, #tpu.memory_space<vmem_shared>>
      tpu.wait_dma2 semaphore(%run_scoped3A : memref<!tpu.dma_semaphore, #tpu.memory_space<semaphore_mem>>) src(%dma_wait3A_89 : memref<128x128xf32, #tpu.memory_space<vmem_shared>>) dst(%arg8 : memref<128x128xf32, #tpu.memory_space<vmem>>)
      tpu.yield
    }) : () -> ()
    "tpu.region"() ({
      %run_scoped3A = tpu.sem_alloc : memref<!tpu.dma_semaphore, #tpu.memory_space<semaphore_mem>>
      %dma_start3A_83 = arith.constant 0 : i32
      %dma_start3A_84 = tpu.memref_slice %arg5[%arg0, %add3A_76, %dma_start3A_83] : memref<2x10112x128xf32, #tpu.memory_space<hbm>> -> memref<1x128x128xf32, #tpu.memory_space<hbm>>
      %dma_start3A_85 = tpu.memref_squeeze %dma_start3A_84 : memref<1x128x128xf32, #tpu.memory_space<hbm>> -> memref<128x128xf32, #tpu.memory_space<hbm>>
      %dma_start3A_86 = arith.constant 0 : i32
      %dma_start3A_87 = tpu.memref_slice %arg5[%arg0, %add3A_76, %dma_start3A_86] : memref<2x10112x128xf32, #tpu.memory_space<hbm>> -> memref<1x128x128xf32, #tpu.memory_space<hbm>>
      %dma_start3A_88 = tpu.memref_squeeze %dma_start3A_87 : memref<1x128x128xf32, #tpu.memory_space<hbm>> -> memref<128x128xf32, #tpu.memory_space<hbm>>
      tpu.enqueue_dma source(%arg8 : memref<128x128xf32, #tpu.memory_space<vmem>>) target(%dma_start3A_88 : memref<128x128xf32, #tpu.memory_space<hbm>>) target_semaphore(%run_scoped3A : memref<!tpu.dma_semaphore, #tpu.memory_space<semaphore_mem>>)
      %dma_wait3A = arith.constant 0 : i32
      %dma_wait3A_89 = tpu.memref_slice %arg5[%arg0, %add3A_76, %dma_wait3A] : memref<2x10112x128xf32, #tpu.memory_space<hbm>> -> memref<1x128x128xf32, #tpu.memory_space<hbm>>
      %dma_wait3A_90 = tpu.memref_squeeze %dma_wait3A_89 : memref<1x128x128xf32, #tpu.memory_space<hbm>> -> memref<128x128xf32, #tpu.memory_space<hbm>>
      %dma_wait3A_91 = arith.constant 0 : i32
      %dma_wait3A_92 = tpu.memref_slice %arg5[%arg0, %add3A_76, %dma_wait3A_91] : memref<2x10112x128xf32, #tpu.memory_space<hbm>> -> memref<1x128x128xf32, #tpu.memory_space<hbm>>
      %dma_wait3A_93 = tpu.memref_squeeze %dma_wait3A_92 : memref<1x128x128xf32, #tpu.memory_space<hbm>> -> memref<128x128xf32, #tpu.memory_space<hbm>>
      tpu.wait_dma2 semaphore(%run_scoped3A : memref<!tpu.dma_semaphore, #tpu.memory_space<semaphore_mem>>) src(%arg8 : memref<128x128xf32, #tpu.memory_space<vmem>>) dst(%dma_wait3A_93 : memref<128x128xf32, #tpu.memory_space<hbm>>)
      tpu.yield
    }) : () -> ()
    %add3A_77 = arith.constant 256 : i32
    %add3A_78 = arith.addi %mul3A_7, %add3A_77 : i32
    "tpu.region"() ({
      %run_scoped3A = tpu.sem_alloc : memref<!tpu.dma_semaphore, #tpu.memory_space<semaphore_mem>>
      %dma_start3A_83 = arith.constant 0 : i32
      %dma_start3A_84 = tpu.memref_slice %arg10[%add3A_78, %dma_start3A_83] : memref<10112x128xf32, #tpu.memory_space<vmem_shared>> -> memref<128x128xf32, #tpu.memory_space<vmem_shared>>
      %dma_start3A_85 = arith.constant 0 : i32
      %dma_start3A_86 = tpu.memref_slice %arg10[%add3A_78, %dma_start3A_85] : memref<10112x128xf32, #tpu.memory_space<vmem_shared>> -> memref<128x128xf32, #tpu.memory_space<vmem_shared>>
      tpu.enqueue_dma source(%dma_start3A_86 : memref<128x128xf32, #tpu.memory_space<vmem_shared>>) target(%arg8 : memref<128x128xf32, #tpu.memory_space<vmem>>) target_semaphore(%run_scoped3A : memref<!tpu.dma_semaphore, #tpu.memory_space<semaphore_mem>>)
      %dma_wait3A = arith.constant 0 : i32
      %dma_wait3A_87 = tpu.memref_slice %arg10[%add3A_78, %dma_wait3A] : memref<10112x128xf32, #tpu.memory_space<vmem_shared>> -> memref<128x128xf32, #tpu.memory_space<vmem_shared>>
      %dma_wait3A_88 = arith.constant 0 : i32
      %dma_wait3A_89 = tpu.memref_slice %arg10[%add3A_78, %dma_wait3A_88] : memref<10112x128xf32, #tpu.memory_space<vmem_shared>> -> memref<128x128xf32, #tpu.memory_space<vmem_shared>>
      tpu.wait_dma2 semaphore(%run_scoped3A : memref<!tpu.dma_semaphore, #tpu.memory_space<semaphore_mem>>) src(%dma_wait3A_89 : memref<128x128xf32, #tpu.memory_space<vmem_shared>>) dst(%arg8 : memref<128x128xf32, #tpu.memory_space<vmem>>)
      tpu.yield
    }) : () -> ()
    "tpu.region"() ({
      %run_scoped3A = tpu.sem_alloc : memref<!tpu.dma_semaphore, #tpu.memory_space<semaphore_mem>>
      %dma_start3A_83 = arith.constant 0 : i32
      %dma_start3A_84 = tpu.memref_slice %arg5[%arg0, %add3A_78, %dma_start3A_83] : memref<2x10112x128xf32, #tpu.memory_space<hbm>> -> memref<1x128x128xf32, #tpu.memory_space<hbm>>
      %dma_start3A_85 = tpu.memref_squeeze %dma_start3A_84 : memref<1x128x128xf32, #tpu.memory_space<hbm>> -> memref<128x128xf32, #tpu.memory_space<hbm>>
      %dma_start3A_86 = arith.constant 0 : i32
      %dma_start3A_87 = tpu.memref_slice %arg5[%arg0, %add3A_78, %dma_start3A_86] : memref<2x10112x128xf32, #tpu.memory_space<hbm>> -> memref<1x128x128xf32, #tpu.memory_space<hbm>>
      %dma_start3A_88 = tpu.memref_squeeze %dma_start3A_87 : memref<1x128x128xf32, #tpu.memory_space<hbm>> -> memref<128x128xf32, #tpu.memory_space<hbm>>
      tpu.enqueue_dma source(%arg8 : memref<128x128xf32, #tpu.memory_space<vmem>>) target(%dma_start3A_88 : memref<128x128xf32, #tpu.memory_space<hbm>>) target_semaphore(%run_scoped3A : memref<!tpu.dma_semaphore, #tpu.memory_space<semaphore_mem>>)
      %dma_wait3A = arith.constant 0 : i32
      %dma_wait3A_89 = tpu.memref_slice %arg5[%arg0, %add3A_78, %dma_wait3A] : memref<2x10112x128xf32, #tpu.memory_space<hbm>> -> memref<1x128x128xf32, #tpu.memory_space<hbm>>
      %dma_wait3A_90 = tpu.memref_squeeze %dma_wait3A_89 : memref<1x128x128xf32, #tpu.memory_space<hbm>> -> memref<128x128xf32, #tpu.memory_space<hbm>>
      %dma_wait3A_91 = arith.constant 0 : i32
      %dma_wait3A_92 = tpu.memref_slice %arg5[%arg0, %add3A_78, %dma_wait3A_91] : memref<2x10112x128xf32, #tpu.memory_space<hbm>> -> memref<1x128x128xf32, #tpu.memory_space<hbm>>
      %dma_wait3A_93 = tpu.memref_squeeze %dma_wait3A_92 : memref<1x128x128xf32, #tpu.memory_space<hbm>> -> memref<128x128xf32, #tpu.memory_space<hbm>>
      tpu.wait_dma2 semaphore(%run_scoped3A : memref<!tpu.dma_semaphore, #tpu.memory_space<semaphore_mem>>) src(%arg8 : memref<128x128xf32, #tpu.memory_space<vmem>>) dst(%dma_wait3A_93 : memref<128x128xf32, #tpu.memory_space<hbm>>)
      tpu.yield
    }) : () -> ()
    %add3A_79 = arith.constant 384 : i32
    %add3A_80 = arith.addi %mul3A_7, %add3A_79 : i32
    "tpu.region"() ({
      %run_scoped3A = tpu.sem_alloc : memref<!tpu.dma_semaphore, #tpu.memory_space<semaphore_mem>>
      %dma_start3A_83 = arith.constant 0 : i32
      %dma_start3A_84 = tpu.memref_slice %arg10[%add3A_80, %dma_start3A_83] : memref<10112x128xf32, #tpu.memory_space<vmem_shared>> -> memref<128x128xf32, #tpu.memory_space<vmem_shared>>
      %dma_start3A_85 = arith.constant 0 : i32
      %dma_start3A_86 = tpu.memref_slice %arg10[%add3A_80, %dma_start3A_85] : memref<10112x128xf32, #tpu.memory_space<vmem_shared>> -> memref<128x128xf32, #tpu.memory_space<vmem_shared>>
      tpu.enqueue_dma source(%dma_start3A_86 : memref<128x128xf32, #tpu.memory_space<vmem_shared>>) target(%arg8 : memref<128x128xf32, #tpu.memory_space<vmem>>) target_semaphore(%run_scoped3A : memref<!tpu.dma_semaphore, #tpu.memory_space<semaphore_mem>>)
      %dma_wait3A = arith.constant 0 : i32
      %dma_wait3A_87 = tpu.memref_slice %arg10[%add3A_80, %dma_wait3A] : memref<10112x128xf32, #tpu.memory_space<vmem_shared>> -> memref<128x128xf32, #tpu.memory_space<vmem_shared>>
      %dma_wait3A_88 = arith.constant 0 : i32
      %dma_wait3A_89 = tpu.memref_slice %arg10[%add3A_80, %dma_wait3A_88] : memref<10112x128xf32, #tpu.memory_space<vmem_shared>> -> memref<128x128xf32, #tpu.memory_space<vmem_shared>>
      tpu.wait_dma2 semaphore(%run_scoped3A : memref<!tpu.dma_semaphore, #tpu.memory_space<semaphore_mem>>) src(%dma_wait3A_89 : memref<128x128xf32, #tpu.memory_space<vmem_shared>>) dst(%arg8 : memref<128x128xf32, #tpu.memory_space<vmem>>)
      tpu.yield
    }) : () -> ()
    "tpu.region"() ({
      %run_scoped3A = tpu.sem_alloc : memref<!tpu.dma_semaphore, #tpu.memory_space<semaphore_mem>>
      %dma_start3A_83 = arith.constant 0 : i32
      %dma_start3A_84 = tpu.memref_slice %arg5[%arg0, %add3A_80, %dma_start3A_83] : memref<2x10112x128xf32, #tpu.memory_space<hbm>> -> memref<1x128x128xf32, #tpu.memory_space<hbm>>
      %dma_start3A_85 = tpu.memref_squeeze %dma_start3A_84 : memref<1x128x128xf32, #tpu.memory_space<hbm>> -> memref<128x128xf32, #tpu.memory_space<hbm>>
      %dma_start3A_86 = arith.constant 0 : i32
      %dma_start3A_87 = tpu.memref_slice %arg5[%arg0, %add3A_80, %dma_start3A_86] : memref<2x10112x128xf32, #tpu.memory_space<hbm>> -> memref<1x128x128xf32, #tpu.memory_space<hbm>>
      %dma_start3A_88 = tpu.memref_squeeze %dma_start3A_87 : memref<1x128x128xf32, #tpu.memory_space<hbm>> -> memref<128x128xf32, #tpu.memory_space<hbm>>
      tpu.enqueue_dma source(%arg8 : memref<128x128xf32, #tpu.memory_space<vmem>>) target(%dma_start3A_88 : memref<128x128xf32, #tpu.memory_space<hbm>>) target_semaphore(%run_scoped3A : memref<!tpu.dma_semaphore, #tpu.memory_space<semaphore_mem>>)
      %dma_wait3A = arith.constant 0 : i32
      %dma_wait3A_89 = tpu.memref_slice %arg5[%arg0, %add3A_80, %dma_wait3A] : memref<2x10112x128xf32, #tpu.memory_space<hbm>> -> memref<1x128x128xf32, #tpu.memory_space<hbm>>
      %dma_wait3A_90 = tpu.memref_squeeze %dma_wait3A_89 : memref<1x128x128xf32, #tpu.memory_space<hbm>> -> memref<128x128xf32, #tpu.memory_space<hbm>>
      %dma_wait3A_91 = arith.constant 0 : i32
      %dma_wait3A_92 = tpu.memref_slice %arg5[%arg0, %add3A_80, %dma_wait3A_91] : memref<2x10112x128xf32, #tpu.memory_space<hbm>> -> memref<1x128x128xf32, #tpu.memory_space<hbm>>
      %dma_wait3A_93 = tpu.memref_squeeze %dma_wait3A_92 : memref<1x128x128xf32, #tpu.memory_space<hbm>> -> memref<128x128xf32, #tpu.memory_space<hbm>>
      tpu.wait_dma2 semaphore(%run_scoped3A : memref<!tpu.dma_semaphore, #tpu.memory_space<semaphore_mem>>) src(%arg8 : memref<128x128xf32, #tpu.memory_space<vmem>>) dst(%dma_wait3A_93 : memref<128x128xf32, #tpu.memory_space<hbm>>)
      tpu.yield
    }) : () -> ()
    %add3A_81 = arith.constant 512 : i32
    %add3A_82 = arith.addi %mul3A_7, %add3A_81 : i32
    "tpu.region"() ({
      %run_scoped3A = tpu.sem_alloc : memref<!tpu.dma_semaphore, #tpu.memory_space<semaphore_mem>>
      %dma_start3A_83 = arith.constant 0 : i32
      %dma_start3A_84 = arith.constant 0 : i32
      %dma_start3A_85 = tpu.memref_slice %arg8[%dma_start3A_83, %dma_start3A_84] : memref<128x128xf32, #tpu.memory_space<vmem>> -> memref<120x128xf32, #tpu.memory_space<vmem>>
      %dma_start3A_86 = arith.constant 0 : i32
      %dma_start3A_87 = tpu.memref_slice %arg10[%add3A_82, %dma_start3A_86] : memref<10112x128xf32, #tpu.memory_space<vmem_shared>> -> memref<120x128xf32, #tpu.memory_space<vmem_shared>>
      %dma_start3A_88 = arith.constant 0 : i32
      %dma_start3A_89 = arith.constant 0 : i32
      %dma_start3A_90 = tpu.memref_slice %arg8[%dma_start3A_88, %dma_start3A_89] : memref<128x128xf32, #tpu.memory_space<vmem>> -> memref<120x128xf32, #tpu.memory_space<vmem>>
      %dma_start3A_91 = arith.constant 0 : i32
      %dma_start3A_92 = tpu.memref_slice %arg10[%add3A_82, %dma_start3A_91] : memref<10112x128xf32, #tpu.memory_space<vmem_shared>> -> memref<120x128xf32, #tpu.memory_space<vmem_shared>>
      tpu.enqueue_dma source(%dma_start3A_92 : memref<120x128xf32, #tpu.memory_space<vmem_shared>>) target(%dma_start3A_90 : memref<120x128xf32, #tpu.memory_space<vmem>>) target_semaphore(%run_scoped3A : memref<!tpu.dma_semaphore, #tpu.memory_space<semaphore_mem>>)
      %dma_wait3A = arith.constant 0 : i32
      %dma_wait3A_93 = arith.constant 0 : i32
      %dma_wait3A_94 = tpu.memref_slice %arg8[%dma_wait3A, %dma_wait3A_93] : memref<128x128xf32, #tpu.memory_space<vmem>> -> memref<120x128xf32, #tpu.memory_space<vmem>>
      %dma_wait3A_95 = arith.constant 0 : i32
      %dma_wait3A_96 = tpu.memref_slice %arg10[%add3A_82, %dma_wait3A_95] : memref<10112x128xf32, #tpu.memory_space<vmem_shared>> -> memref<120x128xf32, #tpu.memory_space<vmem_shared>>
      %dma_wait3A_97 = arith.constant 0 : i32
      %dma_wait3A_98 = arith.constant 0 : i32
      %dma_wait3A_99 = tpu.memref_slice %arg8[%dma_wait3A_97, %dma_wait3A_98] : memref<128x128xf32, #tpu.memory_space<vmem>> -> memref<120x128xf32, #tpu.memory_space<vmem>>
      %dma_wait3A_100 = arith.constant 0 : i32
      %dma_wait3A_101 = tpu.memref_slice %arg10[%add3A_82, %dma_wait3A_100] : memref<10112x128xf32, #tpu.memory_space<vmem_shared>> -> memref<120x128xf32, #tpu.memory_space<vmem_shared>>
      tpu.wait_dma2 semaphore(%run_scoped3A : memref<!tpu.dma_semaphore, #tpu.memory_space<semaphore_mem>>) src(%dma_wait3A_101 : memref<120x128xf32, #tpu.memory_space<vmem_shared>>) dst(%dma_wait3A_99 : memref<120x128xf32, #tpu.memory_space<vmem>>)
      tpu.yield
    }) : () -> ()
    "tpu.region"() ({
      %run_scoped3A = tpu.sem_alloc : memref<!tpu.dma_semaphore, #tpu.memory_space<semaphore_mem>>
      %dma_start3A_83 = arith.constant 0 : i32
      %dma_start3A_84 = arith.constant 0 : i32
      %dma_start3A_85 = tpu.memref_slice %arg8[%dma_start3A_83, %dma_start3A_84] : memref<128x128xf32, #tpu.memory_space<vmem>> -> memref<120x128xf32, #tpu.memory_space<vmem>>
      %dma_start3A_86 = arith.constant 0 : i32
      %dma_start3A_87 = tpu.memref_slice %arg5[%arg0, %add3A_82, %dma_start3A_86] : memref<2x10112x128xf32, #tpu.memory_space<hbm>> -> memref<1x120x128xf32, #tpu.memory_space<hbm>>
      %dma_start3A_88 = tpu.memref_squeeze %dma_start3A_87 : memref<1x120x128xf32, #tpu.memory_space<hbm>> -> memref<120x128xf32, #tpu.memory_space<hbm>>
      %dma_start3A_89 = arith.constant 0 : i32
      %dma_start3A_90 = tpu.memref_slice %arg5[%arg0, %add3A_82, %dma_start3A_89] : memref<2x10112x128xf32, #tpu.memory_space<hbm>> -> memref<1x120x128xf32, #tpu.memory_space<hbm>>
      %dma_start3A_91 = tpu.memref_squeeze %dma_start3A_90 : memref<1x120x128xf32, #tpu.memory_space<hbm>> -> memref<120x128xf32, #tpu.memory_space<hbm>>
      %dma_start3A_92 = arith.constant 0 : i32
      %dma_start3A_93 = arith.constant 0 : i32
      %dma_start3A_94 = tpu.memref_slice %arg8[%dma_start3A_92, %dma_start3A_93] : memref<128x128xf32, #tpu.memory_space<vmem>> -> memref<120x128xf32, #tpu.memory_space<vmem>>
      tpu.enqueue_dma source(%dma_start3A_94 : memref<120x128xf32, #tpu.memory_space<vmem>>) target(%dma_start3A_91 : memref<120x128xf32, #tpu.memory_space<hbm>>) target_semaphore(%run_scoped3A : memref<!tpu.dma_semaphore, #tpu.memory_space<semaphore_mem>>)
      %dma_wait3A = arith.constant 0 : i32
      %dma_wait3A_95 = arith.constant 0 : i32
      %dma_wait3A_96 = tpu.memref_slice %arg8[%dma_wait3A, %dma_wait3A_95] : memref<128x128xf32, #tpu.memory_space<vmem>> -> memref<120x128xf32, #tpu.memory_space<vmem>>
      %dma_wait3A_97 = arith.constant 0 : i32
      %dma_wait3A_98 = tpu.memref_slice %arg5[%arg0, %add3A_82, %dma_wait3A_97] : memref<2x10112x128xf32, #tpu.memory_space<hbm>> -> memref<1x120x128xf32, #tpu.memory_space<hbm>>
      %dma_wait3A_99 = tpu.memref_squeeze %dma_wait3A_98 : memref<1x120x128xf32, #tpu.memory_space<hbm>> -> memref<120x128xf32, #tpu.memory_space<hbm>>
      %dma_wait3A_100 = arith.constant 0 : i32
      %dma_wait3A_101 = tpu.memref_slice %arg5[%arg0, %add3A_82, %dma_wait3A_100] : memref<2x10112x128xf32, #tpu.memory_space<hbm>> -> memref<1x120x128xf32, #tpu.memory_space<hbm>>
      %dma_wait3A_102 = tpu.memref_squeeze %dma_wait3A_101 : memref<1x120x128xf32, #tpu.memory_space<hbm>> -> memref<120x128xf32, #tpu.memory_space<hbm>>
      %dma_wait3A_103 = arith.constant 0 : i32
      %dma_wait3A_104 = arith.constant 0 : i32
      %dma_wait3A_105 = tpu.memref_slice %arg8[%dma_wait3A_103, %dma_wait3A_104] : memref<128x128xf32, #tpu.memory_space<vmem>> -> memref<120x128xf32, #tpu.memory_space<vmem>>
      tpu.wait_dma2 semaphore(%run_scoped3A : memref<!tpu.dma_semaphore, #tpu.memory_space<semaphore_mem>>) src(%dma_wait3A_105 : memref<120x128xf32, #tpu.memory_space<vmem>>) dst(%dma_wait3A_102 : memref<120x128xf32, #tpu.memory_space<hbm>>)
      tpu.yield
    }) : () -> ()
    return
  }
}

#map = affine_map<(d0, d1) -> (0, 0)>
#map1 = affine_map<(d0, d1) -> (0, 0, 0)>
module attributes {stable_mosaic.version = 14 : i64} {
  func.func @body(%arg0: i32, %arg1: i32, %arg2: memref<20224x128xf32, #tpu.memory_space<hbm>>, %arg3: memref<1280x128xi32, #tpu.memory_space<hbm>>, %arg4: memref<1280x128xi32, #tpu.memory_space<hbm>>, %arg5: memref<2x10112x128xf32, #tpu.memory_space<hbm>>, %arg6: memref<40x128xi32, #tpu.memory_space<vmem>>, %arg7: memref<40x128xi32, #tpu.memory_space<vmem>>, %arg8: memref<128x128xf32, #tpu.memory_space<vmem>>, %arg9: memref<128x128xf32, #tpu.memory_space<vmem>>, %arg10: memref<10112x128xf32, #tpu.memory_space<vmem_shared>>, %arg11: memref<!tpu.dma_semaphore, #tpu.memory_space<semaphore_mem>>, %arg12: memref<!tpu.dma_semaphore, #tpu.memory_space<semaphore_mem>>) attributes {dimension_semantics = [#tpu.dimension_semantics<core_parallel>, #tpu.dimension_semantics<subcore_parallel>], iteration_bounds = array<i64: 2, 16>, scalar_prefetch = 0 : i64, scratch_operands = 7 : i64, tpu.core_type = #tpu.core_type<sc_vector_subcore>, window_params = [{transform_indices = #map}, {transform_indices = #map}, {transform_indices = #map}, {transform_indices = #map1}]} {
    %mul3A = arith.constant 10112 : i32
    %mul3A_0 = arith.muli %arg0, %mul3A : i32
    %broadcast_in_dim3A = arith.constant 0.000000e+00 : f32
    %broadcast_in_dim3A_1 = vector.broadcast %broadcast_in_dim3A : f32 to vector<16xf32>
    %scan3A = arith.constant 0 : i32
    %scan3A_2 = arith.constant 128 : i32
    %scan3A_3 = arith.addi %scan3A, %scan3A_2 : i32
    %scan3A_4 = arith.constant 1 : i32
    scf.for %scan3A_83 = %scan3A to %scan3A_3 step %scan3A_4  : i32 {
      %mul3A_84 = arith.constant 1 : i32
      %mul3A_85 = arith.muli %scan3A_83, %mul3A_84 : i32
      %add3A_86 = arith.constant 0 : i32
      %add3A_87 = arith.addi %add3A_86, %mul3A_85 : i32
      %swap3A = arith.index_cast %add3A_87 : i32 to index
      %swap3A_88 = arith.constant 0 : index
      %swap3A_89 = tpu.vector_load %arg8[%swap3A, %swap3A_88] {strides = array<i32>} : memref<128x128xf32, #tpu.memory_space<vmem>>, vector<1x16xf32>,
      %swap3A_90 = vector.shape_cast %swap3A_89 : vector<1x16xf32> to vector<16xf32>
      %swap3A_91 = vector.shape_cast %broadcast_in_dim3A_1 : vector<16xf32> to vector<1x16xf32>
      tpu.vector_store %arg8[%swap3A, %swap3A_88], %swap3A_91 {strides = array<i32>} : memref<128x128xf32, #tpu.memory_space<vmem>>, vector<1x16xf32>,
      %swap3A_92 = arith.index_cast %add3A_87 : i32 to index
      %swap3A_93 = arith.constant 16 : index
      %swap3A_94 = tpu.vector_load %arg8[%swap3A_92, %swap3A_93] {strides = array<i32>} : memref<128x128xf32, #tpu.memory_space<vmem>>, vector<1x16xf32>,
      %swap3A_95 = vector.shape_cast %swap3A_94 : vector<1x16xf32> to vector<16xf32>
      %swap3A_96 = vector.shape_cast %broadcast_in_dim3A_1 : vector<16xf32> to vector<1x16xf32>
      tpu.vector_store %arg8[%swap3A_92, %swap3A_93], %swap3A_96 {strides = array<i32>} : memref<128x128xf32, #tpu.memory_space<vmem>>, vector<1x16xf32>,
      %swap3A_97 = arith.index_cast %add3A_87 : i32 to index
      %swap3A_98 = arith.constant 32 : index
      %swap3A_99 = tpu.vector_load %arg8[%swap3A_97, %swap3A_98] {strides = array<i32>} : memref<128x128xf32, #tpu.memory_space<vmem>>, vector<1x16xf32>,
      %swap3A_100 = vector.shape_cast %swap3A_99 : vector<1x16xf32> to vector<16xf32>
      %swap3A_101 = vector.shape_cast %broadcast_in_dim3A_1 : vector<16xf32> to vector<1x16xf32>
      tpu.vector_store %arg8[%swap3A_97, %swap3A_98], %swap3A_101 {strides = array<i32>} : memref<128x128xf32, #tpu.memory_space<vmem>>, vector<1x16xf32>,
      %swap3A_102 = arith.index_cast %add3A_87 : i32 to index
      %swap3A_103 = arith.constant 48 : index
      %swap3A_104 = tpu.vector_load %arg8[%swap3A_102, %swap3A_103] {strides = array<i32>} : memref<128x128xf32, #tpu.memory_space<vmem>>, vector<1x16xf32>,
      %swap3A_105 = vector.shape_cast %swap3A_104 : vector<1x16xf32> to vector<16xf32>
      %swap3A_106 = vector.shape_cast %broadcast_in_dim3A_1 : vector<16xf32> to vector<1x16xf32>
      tpu.vector_store %arg8[%swap3A_102, %swap3A_103], %swap3A_106 {strides = array<i32>} : memref<128x128xf32, #tpu.memory_space<vmem>>, vector<1x16xf32>,
      %swap3A_107 = arith.index_cast %add3A_87 : i32 to index
      %swap3A_108 = arith.constant 64 : index
      %swap3A_109 = tpu.vector_load %arg8[%swap3A_107, %swap3A_108] {strides = array<i32>} : memref<128x128xf32, #tpu.memory_space<vmem>>, vector<1x16xf32>,
      %swap3A_110 = vector.shape_cast %swap3A_109 : vector<1x16xf32> to vector<16xf32>
      %swap3A_111 = vector.shape_cast %broadcast_in_dim3A_1 : vector<16xf32> to vector<1x16xf32>
      tpu.vector_store %arg8[%swap3A_107, %swap3A_108], %swap3A_111 {strides = array<i32>} : memref<128x128xf32, #tpu.memory_space<vmem>>, vector<1x16xf32>,
      %swap3A_112 = arith.index_cast %add3A_87 : i32 to index
      %swap3A_113 = arith.constant 80 : index
      %swap3A_114 = tpu.vector_load %arg8[%swap3A_112, %swap3A_113] {strides = array<i32>} : memref<128x128xf32, #tpu.memory_space<vmem>>, vector<1x16xf32>,
      %swap3A_115 = vector.shape_cast %swap3A_114 : vector<1x16xf32> to vector<16xf32>
      %swap3A_116 = vector.shape_cast %broadcast_in_dim3A_1 : vector<16xf32> to vector<1x16xf32>
      tpu.vector_store %arg8[%swap3A_112, %swap3A_113], %swap3A_116 {strides = array<i32>} : memref<128x128xf32, #tpu.memory_space<vmem>>, vector<1x16xf32>,
      %swap3A_117 = arith.index_cast %add3A_87 : i32 to index
      %swap3A_118 = arith.constant 96 : index
      %swap3A_119 = tpu.vector_load %arg8[%swap3A_117, %swap3A_118] {strides = array<i32>} : memref<128x128xf32, #tpu.memory_space<vmem>>, vector<1x16xf32>,
      %swap3A_120 = vector.shape_cast %swap3A_119 : vector<1x16xf32> to vector<16xf32>
      %swap3A_121 = vector.shape_cast %broadcast_in_dim3A_1 : vector<16xf32> to vector<1x16xf32>
      tpu.vector_store %arg8[%swap3A_117, %swap3A_118], %swap3A_121 {strides = array<i32>} : memref<128x128xf32, #tpu.memory_space<vmem>>, vector<1x16xf32>,
      %swap3A_122 = arith.index_cast %add3A_87 : i32 to index
      %swap3A_123 = arith.constant 112 : index
      %swap3A_124 = tpu.vector_load %arg8[%swap3A_122, %swap3A_123] {strides = array<i32>} : memref<128x128xf32, #tpu.memory_space<vmem>>, vector<1x16xf32>,
      %swap3A_125 = vector.shape_cast %swap3A_124 : vector<1x16xf32> to vector<16xf32>
      %swap3A_126 = vector.shape_cast %broadcast_in_dim3A_1 : vector<16xf32> to vector<1x16xf32>
      tpu.vector_store %arg8[%swap3A_122, %swap3A_123], %swap3A_126 {strides = array<i32>} : memref<128x128xf32, #tpu.memory_space<vmem>>, vector<1x16xf32>,
    }
    %scan3A_5 = arith.constant 128 : i32
    %mul3A_6 = arith.constant 632 : i32
    %mul3A_7 = arith.muli %arg1, %mul3A_6 : i32
    %add3A = arith.constant 0 : i32
    %add3A_8 = arith.addi %mul3A_7, %add3A : i32
    "tpu.region"() ({
      %run_scoped3A = tpu.sem_alloc : memref<!tpu.dma_semaphore, #tpu.memory_space<semaphore_mem>>
      %dma_start3A_83 = arith.constant 0 : i32
      %dma_start3A_84 = tpu.memref_slice %arg10[%add3A_8, %dma_start3A_83] : memref<10112x128xf32, #tpu.memory_space<vmem_shared>> -> memref<128x128xf32, #tpu.memory_space<vmem_shared>>
      %dma_start3A_85 = arith.constant 0 : i32
      %dma_start3A_86 = tpu.memref_slice %arg10[%add3A_8, %dma_start3A_85] : memref<10112x128xf32, #tpu.memory_space<vmem_shared>> -> memref<128x128xf32, #tpu.memory_space<vmem_shared>>
      tpu.enqueue_dma source(%arg8 : memref<128x128xf32, #tpu.memory_space<vmem>>) target(%dma_start3A_86 : memref<128x128xf32, #tpu.memory_space<vmem_shared>>) target_semaphore(%run_scoped3A : memref<!tpu.dma_semaphore, #tpu.memory_space<semaphore_mem>>)
      %dma_wait3A = arith.constant 0 : i32
      %dma_wait3A_87 = tpu.memref_slice %arg10[%add3A_8, %dma_wait3A] : memref<10112x128xf32, #tpu.memory_space<vmem_shared>> -> memref<128x128xf32, #tpu.memory_space<vmem_shared>>
      %dma_wait3A_88 = arith.constant 0 : i32
      %dma_wait3A_89 = tpu.memref_slice %arg10[%add3A_8, %dma_wait3A_88] : memref<10112x128xf32, #tpu.memory_space<vmem_shared>> -> memref<128x128xf32, #tpu.memory_space<vmem_shared>>
      tpu.wait_dma2 semaphore(%run_scoped3A : memref<!tpu.dma_semaphore, #tpu.memory_space<semaphore_mem>>) src(%arg8 : memref<128x128xf32, #tpu.memory_space<vmem>>) dst(%dma_wait3A_89 : memref<128x128xf32, #tpu.memory_space<vmem_shared>>)
      tpu.yield
    }) : () -> ()
    %add3A_9 = arith.constant 128 : i32
    %add3A_10 = arith.addi %mul3A_7, %add3A_9 : i32
    "tpu.region"() ({
      %run_scoped3A = tpu.sem_alloc : memref<!tpu.dma_semaphore, #tpu.memory_space<semaphore_mem>>
      %dma_start3A_83 = arith.constant 0 : i32
      %dma_start3A_84 = tpu.memref_slice %arg10[%add3A_10, %dma_start3A_83] : memref<10112x128xf32, #tpu.memory_space<vmem_shared>> -> memref<128x128xf32, #tpu.memory_space<vmem_shared>>
      %dma_start3A_85 = arith.constant 0 : i32
      %dma_start3A_86 = tpu.memref_slice %arg10[%add3A_10, %dma_start3A_85] : memref<10112x128xf32, #tpu.memory_space<vmem_shared>> -> memref<128x128xf32, #tpu.memory_space<vmem_shared>>
      tpu.enqueue_dma source(%arg8 : memref<128x128xf32, #tpu.memory_space<vmem>>) target(%dma_start3A_86 : memref<128x128xf32, #tpu.memory_space<vmem_shared>>) target_semaphore(%run_scoped3A : memref<!tpu.dma_semaphore, #tpu.memory_space<semaphore_mem>>)
      %dma_wait3A = arith.constant 0 : i32
      %dma_wait3A_87 = tpu.memref_slice %arg10[%add3A_10, %dma_wait3A] : memref<10112x128xf32, #tpu.memory_space<vmem_shared>> -> memref<128x128xf32, #tpu.memory_space<vmem_shared>>
      %dma_wait3A_88 = arith.constant 0 : i32
      %dma_wait3A_89 = tpu.memref_slice %arg10[%add3A_10, %dma_wait3A_88] : memref<10112x128xf32, #tpu.memory_space<vmem_shared>> -> memref<128x128xf32, #tpu.memory_space<vmem_shared>>
      tpu.wait_dma2 semaphore(%run_scoped3A : memref<!tpu.dma_semaphore, #tpu.memory_space<semaphore_mem>>) src(%arg8 : memref<128x128xf32, #tpu.memory_space<vmem>>) dst(%dma_wait3A_89 : memref<128x128xf32, #tpu.memory_space<vmem_shared>>)
      tpu.yield
    }) : () -> ()
    %add3A_11 = arith.constant 256 : i32
    %add3A_12 = arith.addi %mul3A_7, %add3A_11 : i32
    "tpu.region"() ({
      %run_scoped3A = tpu.sem_alloc : memref<!tpu.dma_semaphore, #tpu.memory_space<semaphore_mem>>
      %dma_start3A_83 = arith.constant 0 : i32
      %dma_start3A_84 = tpu.memref_slice %arg10[%add3A_12, %dma_start3A_83] : memref<10112x128xf32, #tpu.memory_space<vmem_shared>> -> memref<128x128xf32, #tpu.memory_space<vmem_shared>>
      %dma_start3A_85 = arith.constant 0 : i32
      %dma_start3A_86 = tpu.memref_slice %arg10[%add3A_12, %dma_start3A_85] : memref<10112x128xf32, #tpu.memory_space<vmem_shared>> -> memref<128x128xf32, #tpu.memory_space<vmem_shared>>
      tpu.enqueue_dma source(%arg8 : memref<128x128xf32, #tpu.memory_space<vmem>>) target(%dma_start3A_86 : memref<128x128xf32, #tpu.memory_space<vmem_shared>>) target_semaphore(%run_scoped3A : memref<!tpu.dma_semaphore, #tpu.memory_space<semaphore_mem>>)
      %dma_wait3A = arith.constant 0 : i32
      %dma_wait3A_87 = tpu.memref_slice %arg10[%add3A_12, %dma_wait3A] : memref<10112x128xf32, #tpu.memory_space<vmem_shared>> -> memref<128x128xf32, #tpu.memory_space<vmem_shared>>
      %dma_wait3A_88 = arith.constant 0 : i32
      %dma_wait3A_89 = tpu.memref_slice %arg10[%add3A_12, %dma_wait3A_88] : memref<10112x128xf32, #tpu.memory_space<vmem_shared>> -> memref<128x128xf32, #tpu.memory_space<vmem_shared>>
      tpu.wait_dma2 semaphore(%run_scoped3A : memref<!tpu.dma_semaphore, #tpu.memory_space<semaphore_mem>>) src(%arg8 : memref<128x128xf32, #tpu.memory_space<vmem>>) dst(%dma_wait3A_89 : memref<128x128xf32, #tpu.memory_space<vmem_shared>>)
      tpu.yield
    }) : () -> ()
    %add3A_13 = arith.constant 384 : i32
    %add3A_14 = arith.addi %mul3A_7, %add3A_13 : i32
    "tpu.region"() ({
      %run_scoped3A = tpu.sem_alloc : memref<!tpu.dma_semaphore, #tpu.memory_space<semaphore_mem>>
      %dma_start3A_83 = arith.constant 0 : i32
      %dma_start3A_84 = tpu.memref_slice %arg10[%add3A_14, %dma_start3A_83] : memref<10112x128xf32, #tpu.memory_space<vmem_shared>> -> memref<128x128xf32, #tpu.memory_space<vmem_shared>>
      %dma_start3A_85 = arith.constant 0 : i32
      %dma_start3A_86 = tpu.memref_slice %arg10[%add3A_14, %dma_start3A_85] : memref<10112x128xf32, #tpu.memory_space<vmem_shared>> -> memref<128x128xf32, #tpu.memory_space<vmem_shared>>
      tpu.enqueue_dma source(%arg8 : memref<128x128xf32, #tpu.memory_space<vmem>>) target(%dma_start3A_86 : memref<128x128xf32, #tpu.memory_space<vmem_shared>>) target_semaphore(%run_scoped3A : memref<!tpu.dma_semaphore, #tpu.memory_space<semaphore_mem>>)
      %dma_wait3A = arith.constant 0 : i32
      %dma_wait3A_87 = tpu.memref_slice %arg10[%add3A_14, %dma_wait3A] : memref<10112x128xf32, #tpu.memory_space<vmem_shared>> -> memref<128x128xf32, #tpu.memory_space<vmem_shared>>
      %dma_wait3A_88 = arith.constant 0 : i32
      %dma_wait3A_89 = tpu.memref_slice %arg10[%add3A_14, %dma_wait3A_88] : memref<10112x128xf32, #tpu.memory_space<vmem_shared>> -> memref<128x128xf32, #tpu.memory_space<vmem_shared>>
      tpu.wait_dma2 semaphore(%run_scoped3A : memref<!tpu.dma_semaphore, #tpu.memory_space<semaphore_mem>>) src(%arg8 : memref<128x128xf32, #tpu.memory_space<vmem>>) dst(%dma_wait3A_89 : memref<128x128xf32, #tpu.memory_space<vmem_shared>>)
      tpu.yield
    }) : () -> ()
    %add3A_15 = arith.constant 512 : i32
    %add3A_16 = arith.addi %mul3A_7, %add3A_15 : i32
    "tpu.region"() ({
      %run_scoped3A = tpu.sem_alloc : memref<!tpu.dma_semaphore, #tpu.memory_space<semaphore_mem>>
      %dma_start3A_83 = arith.constant 0 : i32
      %dma_start3A_84 = arith.constant 0 : i32
      %dma_start3A_85 = tpu.memref_slice %arg8[%dma_start3A_83, %dma_start3A_84] : memref<128x128xf32, #tpu.memory_space<vmem>> -> memref<120x128xf32, #tpu.memory_space<vmem>>
      %dma_start3A_86 = arith.constant 0 : i32
      %dma_start3A_87 = tpu.memref_slice %arg10[%add3A_16, %dma_start3A_86] : memref<10112x128xf32, #tpu.memory_space<vmem_shared>> -> memref<120x128xf32, #tpu.memory_space<vmem_shared>>
      %dma_start3A_88 = arith.constant 0 : i32
      %dma_start3A_89 = tpu.memref_slice %arg10[%add3A_16, %dma_start3A_88] : memref<10112x128xf32, #tpu.memory_space<vmem_shared>> -> memref<120x128xf32, #tpu.memory_space<vmem_shared>>
      %dma_start3A_90 = arith.constant 0 : i32
      %dma_start3A_91 = arith.constant 0 : i32
      %dma_start3A_92 = tpu.memref_slice %arg8[%dma_start3A_90, %dma_start3A_91] : memref<128x128xf32, #tpu.memory_space<vmem>> -> memref<120x128xf32, #tpu.memory_space<vmem>>
      tpu.enqueue_dma source(%dma_start3A_92 : memref<120x128xf32, #tpu.memory_space<vmem>>) target(%dma_start3A_89 : memref<120x128xf32, #tpu.memory_space<vmem_shared>>) target_semaphore(%run_scoped3A : memref<!tpu.dma_semaphore, #tpu.memory_space<semaphore_mem>>)
      %dma_wait3A = arith.constant 0 : i32
      %dma_wait3A_93 = arith.constant 0 : i32
      %dma_wait3A_94 = tpu.memref_slice %arg8[%dma_wait3A, %dma_wait3A_93] : memref<128x128xf32, #tpu.memory_space<vmem>> -> memref<120x128xf32, #tpu.memory_space<vmem>>
      %dma_wait3A_95 = arith.constant 0 : i32
      %dma_wait3A_96 = tpu.memref_slice %arg10[%add3A_16, %dma_wait3A_95] : memref<10112x128xf32, #tpu.memory_space<vmem_shared>> -> memref<120x128xf32, #tpu.memory_space<vmem_shared>>
      %dma_wait3A_97 = arith.constant 0 : i32
      %dma_wait3A_98 = tpu.memref_slice %arg10[%add3A_16, %dma_wait3A_97] : memref<10112x128xf32, #tpu.memory_space<vmem_shared>> -> memref<120x128xf32, #tpu.memory_space<vmem_shared>>
      %dma_wait3A_99 = arith.constant 0 : i32
      %dma_wait3A_100 = arith.constant 0 : i32
      %dma_wait3A_101 = tpu.memref_slice %arg8[%dma_wait3A_99, %dma_wait3A_100] : memref<128x128xf32, #tpu.memory_space<vmem>> -> memref<120x128xf32, #tpu.memory_space<vmem>>
      tpu.wait_dma2 semaphore(%run_scoped3A : memref<!tpu.dma_semaphore, #tpu.memory_space<semaphore_mem>>) src(%dma_wait3A_101 : memref<120x128xf32, #tpu.memory_space<vmem>>) dst(%dma_wait3A_98 : memref<120x128xf32, #tpu.memory_space<vmem_shared>>)
      tpu.yield
    }) : () -> ()
    %barrier3A = arith.constant 0 : index
    tpu.barrier barrier_id(%barrier3A)
    %mul3A_17 = arith.constant 80 : i32
    %mul3A_18 = arith.muli %arg1, %mul3A_17 : i32
    %add3A_19 = arith.constant 0 : i32
    %add3A_20 = arith.addi %mul3A_18, %add3A_19 : i32
    "tpu.region"() ({
      %run_scoped3A = tpu.sem_alloc : memref<!tpu.dma_semaphore, #tpu.memory_space<semaphore_mem>>
      %dma_start3A_83 = arith.constant 0 : i32
      %dma_start3A_84 = tpu.memref_slice %arg3[%add3A_20, %dma_start3A_83] : memref<1280x128xi32, #tpu.memory_space<hbm>> -> memref<40x128xi32, #tpu.memory_space<hbm>>
      %dma_start3A_85 = arith.constant 0 : i32
      %dma_start3A_86 = tpu.memref_slice %arg3[%add3A_20, %dma_start3A_85] : memref<1280x128xi32, #tpu.memory_space<hbm>> -> memref<40x128xi32, #tpu.memory_space<hbm>>
      tpu.enqueue_dma source(%dma_start3A_86 : memref<40x128xi32, #tpu.memory_space<hbm>>) target(%arg6 : memref<40x128xi32, #tpu.memory_space<vmem>>) target_semaphore(%run_scoped3A : memref<!tpu.dma_semaphore, #tpu.memory_space<semaphore_mem>>)
      %dma_wait3A = arith.constant 0 : i32
      %dma_wait3A_87 = tpu.memref_slice %arg3[%add3A_20, %dma_wait3A] : memref<1280x128xi32, #tpu.memory_space<hbm>> -> memref<40x128xi32, #tpu.memory_space<hbm>>
      %dma_wait3A_88 = arith.constant 0 : i32
      %dma_wait3A_89 = tpu.memref_slice %arg3[%add3A_20, %dma_wait3A_88] : memref<1280x128xi32, #tpu.memory_space<hbm>> -> memref<40x128xi32, #tpu.memory_space<hbm>>
      tpu.wait_dma2 semaphore(%run_scoped3A : memref<!tpu.dma_semaphore, #tpu.memory_space<semaphore_mem>>) src(%dma_wait3A_89 : memref<40x128xi32, #tpu.memory_space<hbm>>) dst(%arg6 : memref<40x128xi32, #tpu.memory_space<vmem>>)
      tpu.yield
    }) : () -> ()
    "tpu.region"() ({
      %run_scoped3A = tpu.sem_alloc : memref<!tpu.dma_semaphore, #tpu.memory_space<semaphore_mem>>
      %dma_start3A_83 = arith.constant 0 : i32
      %dma_start3A_84 = tpu.memref_slice %arg4[%add3A_20, %dma_start3A_83] : memref<1280x128xi32, #tpu.memory_space<hbm>> -> memref<40x128xi32, #tpu.memory_space<hbm>>
      %dma_start3A_85 = arith.constant 0 : i32
      %dma_start3A_86 = tpu.memref_slice %arg4[%add3A_20, %dma_start3A_85] : memref<1280x128xi32, #tpu.memory_space<hbm>> -> memref<40x128xi32, #tpu.memory_space<hbm>>
      tpu.enqueue_dma source(%dma_start3A_86 : memref<40x128xi32, #tpu.memory_space<hbm>>) target(%arg7 : memref<40x128xi32, #tpu.memory_space<vmem>>) target_semaphore(%run_scoped3A : memref<!tpu.dma_semaphore, #tpu.memory_space<semaphore_mem>>)
      %dma_wait3A = arith.constant 0 : i32
      %dma_wait3A_87 = tpu.memref_slice %arg4[%add3A_20, %dma_wait3A] : memref<1280x128xi32, #tpu.memory_space<hbm>> -> memref<40x128xi32, #tpu.memory_space<hbm>>
      %dma_wait3A_88 = arith.constant 0 : i32
      %dma_wait3A_89 = tpu.memref_slice %arg4[%add3A_20, %dma_wait3A_88] : memref<1280x128xi32, #tpu.memory_space<hbm>> -> memref<40x128xi32, #tpu.memory_space<hbm>>
      tpu.wait_dma2 semaphore(%run_scoped3A : memref<!tpu.dma_semaphore, #tpu.memory_space<semaphore_mem>>) src(%dma_wait3A_89 : memref<40x128xi32, #tpu.memory_space<hbm>>) dst(%arg7 : memref<40x128xi32, #tpu.memory_space<vmem>>)
      tpu.yield
    }) : () -> ()
    %scan3A_21 = arith.constant 0 : i32
    %scan3A_22 = arith.constant 40 : i32
    %scan3A_23 = arith.addi %scan3A_21, %scan3A_22 : i32
    %scan3A_24 = arith.constant 1 : i32
    scf.for %scan3A_83 = %scan3A_21 to %scan3A_23 step %scan3A_24  : i32 {
      %mul3A_84 = arith.constant 1 : i32
      %mul3A_85 = arith.muli %scan3A_83, %mul3A_84 : i32
      %add3A_86 = arith.constant 0 : i32
      %add3A_87 = arith.addi %add3A_86, %mul3A_85 : i32
      %get3A = arith.index_cast %add3A_87 : i32 to index
      %get3A_88 = arith.constant 0 : index
      %get3A_89 = tpu.vector_load %arg7[%get3A, %get3A_88] {strides = array<i32>} : memref<40x128xi32, #tpu.memory_space<vmem>>, vector<1x16xi32>,
      %get3A_90 = vector.shape_cast %get3A_89 : vector<1x16xi32> to vector<16xi32>
      %add3A_91 = vector.broadcast %mul3A_0 : i32 to vector<16xi32>
      %add3A_92 = arith.addi %get3A_90, %add3A_91 : vector<16xi32>
      %swap3A = arith.index_cast %add3A_87 : i32 to index
      %swap3A_93 = arith.constant 0 : index
      %swap3A_94 = tpu.vector_load %arg7[%swap3A, %swap3A_93] {strides = array<i32>} : memref<40x128xi32, #tpu.memory_space<vmem>>, vector<1x16xi32>,
      %swap3A_95 = vector.shape_cast %swap3A_94 : vector<1x16xi32> to vector<16xi32>
      %swap3A_96 = vector.shape_cast %add3A_92 : vector<16xi32> to vector<1x16xi32>
      tpu.vector_store %arg7[%swap3A, %swap3A_93], %swap3A_96 {strides = array<i32>} : memref<40x128xi32, #tpu.memory_space<vmem>>, vector<1x16xi32>,
      %get3A_97 = arith.index_cast %add3A_87 : i32 to index
      %get3A_98 = arith.constant 16 : index
      %get3A_99 = tpu.vector_load %arg7[%get3A_97, %get3A_98] {strides = array<i32>} : memref<40x128xi32, #tpu.memory_space<vmem>>, vector<1x16xi32>,
      %get3A_100 = vector.shape_cast %get3A_99 : vector<1x16xi32> to vector<16xi32>
      %add3A_101 = vector.broadcast %mul3A_0 : i32 to vector<16xi32>
      %add3A_102 = arith.addi %get3A_100, %add3A_101 : vector<16xi32>
      %swap3A_103 = arith.index_cast %add3A_87 : i32 to index
      %swap3A_104 = arith.constant 16 : index
      %swap3A_105 = tpu.vector_load %arg7[%swap3A_103, %swap3A_104] {strides = array<i32>} : memref<40x128xi32, #tpu.memory_space<vmem>>, vector<1x16xi32>,
      %swap3A_106 = vector.shape_cast %swap3A_105 : vector<1x16xi32> to vector<16xi32>
      %swap3A_107 = vector.shape_cast %add3A_102 : vector<16xi32> to vector<1x16xi32>
      tpu.vector_store %arg7[%swap3A_103, %swap3A_104], %swap3A_107 {strides = array<i32>} : memref<40x128xi32, #tpu.memory_space<vmem>>, vector<1x16xi32>,
      %get3A_108 = arith.index_cast %add3A_87 : i32 to index
      %get3A_109 = arith.constant 32 : index
      %get3A_110 = tpu.vector_load %arg7[%get3A_108, %get3A_109] {strides = array<i32>} : memref<40x128xi32, #tpu.memory_space<vmem>>, vector<1x16xi32>,
      %get3A_111 = vector.shape_cast %get3A_110 : vector<1x16xi32> to vector<16xi32>
      %add3A_112 = vector.broadcast %mul3A_0 : i32 to vector<16xi32>
      %add3A_113 = arith.addi %get3A_111, %add3A_112 : vector<16xi32>
      %swap3A_114 = arith.index_cast %add3A_87 : i32 to index
      %swap3A_115 = arith.constant 32 : index
      %swap3A_116 = tpu.vector_load %arg7[%swap3A_114, %swap3A_115] {strides = array<i32>} : memref<40x128xi32, #tpu.memory_space<vmem>>, vector<1x16xi32>,
      %swap3A_117 = vector.shape_cast %swap3A_116 : vector<1x16xi32> to vector<16xi32>
      %swap3A_118 = vector.shape_cast %add3A_113 : vector<16xi32> to vector<1x16xi32>
      tpu.vector_store %arg7[%swap3A_114, %swap3A_115], %swap3A_118 {strides = array<i32>} : memref<40x128xi32, #tpu.memory_space<vmem>>, vector<1x16xi32>,
      %get3A_119 = arith.index_cast %add3A_87 : i32 to index
      %get3A_120 = arith.constant 48 : index
      %get3A_121 = tpu.vector_load %arg7[%get3A_119, %get3A_120] {strides = array<i32>} : memref<40x128xi32, #tpu.memory_space<vmem>>, vector<1x16xi32>,
      %get3A_122 = vector.shape_cast %get3A_121 : vector<1x16xi32> to vector<16xi32>
      %add3A_123 = vector.broadcast %mul3A_0 : i32 to vector<16xi32>
      %add3A_124 = arith.addi %get3A_122, %add3A_123 : vector<16xi32>
      %swap3A_125 = arith.index_cast %add3A_87 : i32 to index
      %swap3A_126 = arith.constant 48 : index
      %swap3A_127 = tpu.vector_load %arg7[%swap3A_125, %swap3A_126] {strides = array<i32>} : memref<40x128xi32, #tpu.memory_space<vmem>>, vector<1x16xi32>,
      %swap3A_128 = vector.shape_cast %swap3A_127 : vector<1x16xi32> to vector<16xi32>
      %swap3A_129 = vector.shape_cast %add3A_124 : vector<16xi32> to vector<1x16xi32>
      tpu.vector_store %arg7[%swap3A_125, %swap3A_126], %swap3A_129 {strides = array<i32>} : memref<40x128xi32, #tpu.memory_space<vmem>>, vector<1x16xi32>,
      %get3A_130 = arith.index_cast %add3A_87 : i32 to index
      %get3A_131 = arith.constant 64 : index
      %get3A_132 = tpu.vector_load %arg7[%get3A_130, %get3A_131] {strides = array<i32>} : memref<40x128xi32, #tpu.memory_space<vmem>>, vector<1x16xi32>,
      %get3A_133 = vector.shape_cast %get3A_132 : vector<1x16xi32> to vector<16xi32>
      %add3A_134 = vector.broadcast %mul3A_0 : i32 to vector<16xi32>
      %add3A_135 = arith.addi %get3A_133, %add3A_134 : vector<16xi32>
      %swap3A_136 = arith.index_cast %add3A_87 : i32 to index
      %swap3A_137 = arith.constant 64 : index
      %swap3A_138 = tpu.vector_load %arg7[%swap3A_136, %swap3A_137] {strides = array<i32>} : memref<40x128xi32, #tpu.memory_space<vmem>>, vector<1x16xi32>,
      %swap3A_139 = vector.shape_cast %swap3A_138 : vector<1x16xi32> to vector<16xi32>
      %swap3A_140 = vector.shape_cast %add3A_135 : vector<16xi32> to vector<1x16xi32>
      tpu.vector_store %arg7[%swap3A_136, %swap3A_137], %swap3A_140 {strides = array<i32>} : memref<40x128xi32, #tpu.memory_space<vmem>>, vector<1x16xi32>,
      %get3A_141 = arith.index_cast %add3A_87 : i32 to index
      %get3A_142 = arith.constant 80 : index
      %get3A_143 = tpu.vector_load %arg7[%get3A_141, %get3A_142] {strides = array<i32>} : memref<40x128xi32, #tpu.memory_space<vmem>>, vector<1x16xi32>,
      %get3A_144 = vector.shape_cast %get3A_143 : vector<1x16xi32> to vector<16xi32>
      %add3A_145 = vector.broadcast %mul3A_0 : i32 to vector<16xi32>
      %add3A_146 = arith.addi %get3A_144, %add3A_145 : vector<16xi32>
      %swap3A_147 = arith.index_cast %add3A_87 : i32 to index
      %swap3A_148 = arith.constant 80 : index
      %swap3A_149 = tpu.vector_load %arg7[%swap3A_147, %swap3A_148] {strides = array<i32>} : memref<40x128xi32, #tpu.memory_space<vmem>>, vector<1x16xi32>,
      %swap3A_150 = vector.shape_cast %swap3A_149 : vector<1x16xi32> to vector<16xi32>
      %swap3A_151 = vector.shape_cast %add3A_146 : vector<16xi32> to vector<1x16xi32>
      tpu.vector_store %arg7[%swap3A_147, %swap3A_148], %swap3A_151 {strides = array<i32>} : memref<40x128xi32, #tpu.memory_space<vmem>>, vector<1x16xi32>,
      %get3A_152 = arith.index_cast %add3A_87 : i32 to index
      %get3A_153 = arith.constant 96 : index
      %get3A_154 = tpu.vector_load %arg7[%get3A_152, %get3A_153] {strides = array<i32>} : memref<40x128xi32, #tpu.memory_space<vmem>>, vector<1x16xi32>,
      %get3A_155 = vector.shape_cast %get3A_154 : vector<1x16xi32> to vector<16xi32>
      %add3A_156 = vector.broadcast %mul3A_0 : i32 to vector<16xi32>
      %add3A_157 = arith.addi %get3A_155, %add3A_156 : vector<16xi32>
      %swap3A_158 = arith.index_cast %add3A_87 : i32 to index
      %swap3A_159 = arith.constant 96 : index
      %swap3A_160 = tpu.vector_load %arg7[%swap3A_158, %swap3A_159] {strides = array<i32>} : memref<40x128xi32, #tpu.memory_space<vmem>>, vector<1x16xi32>,
      %swap3A_161 = vector.shape_cast %swap3A_160 : vector<1x16xi32> to vector<16xi32>
      %swap3A_162 = vector.shape_cast %add3A_157 : vector<16xi32> to vector<1x16xi32>
      tpu.vector_store %arg7[%swap3A_158, %swap3A_159], %swap3A_162 {strides = array<i32>} : memref<40x128xi32, #tpu.memory_space<vmem>>, vector<1x16xi32>,
      %get3A_163 = arith.index_cast %add3A_87 : i32 to index
      %get3A_164 = arith.constant 112 : index
      %get3A_165 = tpu.vector_load %arg7[%get3A_163, %get3A_164] {strides = array<i32>} : memref<40x128xi32, #tpu.memory_space<vmem>>, vector<1x16xi32>,
      %get3A_166 = vector.shape_cast %get3A_165 : vector<1x16xi32> to vector<16xi32>
      %add3A_167 = vector.broadcast %mul3A_0 : i32 to vector<16xi32>
      %add3A_168 = arith.addi %get3A_166, %add3A_167 : vector<16xi32>
      %swap3A_169 = arith.index_cast %add3A_87 : i32 to index
      %swap3A_170 = arith.constant 112 : index
      %swap3A_171 = tpu.vector_load %arg7[%swap3A_169, %swap3A_170] {strides = array<i32>} : memref<40x128xi32, #tpu.memory_space<vmem>>, vector<1x16xi32>,
      %swap3A_172 = vector.shape_cast %swap3A_171 : vector<1x16xi32> to vector<16xi32>
      %swap3A_173 = vector.shape_cast %add3A_168 : vector<16xi32> to vector<1x16xi32>
      tpu.vector_store %arg7[%swap3A_169, %swap3A_170], %swap3A_173 {strides = array<i32>} : memref<40x128xi32, #tpu.memory_space<vmem>>, vector<1x16xi32>,
    }
    %scan3A_25 = arith.constant 40 : i32
    %dma_start3A = arith.constant 0 : i32
    %dma_start3A_26 = arith.constant 0 : i32
    %dma_start3A_27 = tpu.memref_slice %arg7[%dma_start3A, %dma_start3A_26] : memref<40x128xi32, #tpu.memory_space<vmem>> -> memref<1x128xi32, #tpu.memory_space<vmem>>
    %dma_start3A_28 = tpu.memref_squeeze %dma_start3A_27 : memref<1x128xi32, #tpu.memory_space<vmem>> -> memref<128xi32, #tpu.memory_space<vmem>>
    %dma_start3A_29 = arith.constant 0 : i32
    %dma_start3A_30 = arith.constant 0 : i32
    %dma_start3A_31 = tpu.memref_slice %arg2[%dma_start3A_29, %dma_start3A_30] : memref<20224x128xf32, #tpu.memory_space<hbm>> -> memref<20224x128xf32, #tpu.memory_space<hbm>>
    tpu.enqueue_indirect_dma source(%dma_start3A_31 : memref<20224x128xf32, #tpu.memory_space<hbm>>) target(%arg8 : memref<128x128xf32, #tpu.memory_space<vmem>>) offsets(%dma_start3A_28 : memref<128xi32, #tpu.memory_space<vmem>>) semaphore(%arg11 : memref<!tpu.dma_semaphore, #tpu.memory_space<semaphore_mem>>)
    %dma_start3A_32 = arith.constant 1 : i32
    %dma_start3A_33 = arith.constant 0 : i32
    %dma_start3A_34 = tpu.memref_slice %arg7[%dma_start3A_32, %dma_start3A_33] : memref<40x128xi32, #tpu.memory_space<vmem>> -> memref<1x128xi32, #tpu.memory_space<vmem>>
    %dma_start3A_35 = tpu.memref_squeeze %dma_start3A_34 : memref<1x128xi32, #tpu.memory_space<vmem>> -> memref<128xi32, #tpu.memory_space<vmem>>
    %dma_start3A_36 = arith.constant 0 : i32
    %dma_start3A_37 = arith.constant 0 : i32
    %dma_start3A_38 = tpu.memref_slice %arg2[%dma_start3A_36, %dma_start3A_37] : memref<20224x128xf32, #tpu.memory_space<hbm>> -> memref<20224x128xf32, #tpu.memory_space<hbm>>
    tpu.enqueue_indirect_dma source(%dma_start3A_38 : memref<20224x128xf32, #tpu.memory_space<hbm>>) target(%arg9 : memref<128x128xf32, #tpu.memory_space<vmem>>) offsets(%dma_start3A_35 : memref<128xi32, #tpu.memory_space<vmem>>) semaphore(%arg12 : memref<!tpu.dma_semaphore, #tpu.memory_space<semaphore_mem>>)
    %scan3A_39 = arith.constant 0 : i32
    %scan3A_40 = arith.constant 20 : i32
    %scan3A_41 = arith.addi %scan3A_39, %scan3A_40 : i32
    %scan3A_42 = arith.constant 1 : i32
    scf.for %scan3A_83 = %scan3A_39 to %scan3A_41 step %scan3A_42  : i32 {
      %mul3A_84 = arith.constant 2 : i32
      %mul3A_85 = arith.muli %scan3A_83, %mul3A_84 : i32
      %add3A_86 = arith.constant 0 : i32
      %add3A_87 = arith.addi %add3A_86, %mul3A_85 : i32
      %add3A_88 = arith.constant 0 : i32
      %add3A_89 = arith.addi %add3A_87, %add3A_88 : i32
      %dma_wait3A = arith.constant 0 : i32
      %dma_wait3A_90 = tpu.memref_slice %arg7[%add3A_89, %dma_wait3A] : memref<40x128xi32, #tpu.memory_space<vmem>> -> memref<1x128xi32, #tpu.memory_space<vmem>>
      %dma_wait3A_91 = tpu.memref_squeeze %dma_wait3A_90 : memref<1x128xi32, #tpu.memory_space<vmem>> -> memref<128xi32, #tpu.memory_space<vmem>>
      %dma_wait3A_92 = arith.constant 0 : i32
      %dma_wait3A_93 = arith.constant 0 : i32
      %dma_wait3A_94 = tpu.memref_slice %arg2[%dma_wait3A_92, %dma_wait3A_93] : memref<20224x128xf32, #tpu.memory_space<hbm>> -> memref<20224x128xf32, #tpu.memory_space<hbm>>
      tpu.wait_indirect_dma semaphore(%arg11 : memref<!tpu.dma_semaphore, #tpu.memory_space<semaphore_mem>>) src(%dma_wait3A_94 : memref<20224x128xf32, #tpu.memory_space<hbm>>) dst(%arg8 : memref<128x128xf32, #tpu.memory_space<vmem>>)
      "tpu.region"() ({
        %run_scoped3A = tpu.sem_alloc : memref<!tpu.dma_semaphore, #tpu.memory_space<semaphore_mem>>
        %dma_start3A_114 = arith.constant 0 : i32
        %dma_start3A_115 = tpu.memref_slice %arg6[%add3A_89, %dma_start3A_114] : memref<40x128xi32, #tpu.memory_space<vmem>> -> memref<1x128xi32, #tpu.memory_space<vmem>>
        %dma_start3A_116 = tpu.memref_squeeze %dma_start3A_115 : memref<1x128xi32, #tpu.memory_space<vmem>> -> memref<128xi32, #tpu.memory_space<vmem>>
        %dma_start3A_117 = arith.constant 0 : i32
        %dma_start3A_118 = arith.constant 0 : i32
        %dma_start3A_119 = tpu.memref_slice %arg10[%dma_start3A_117, %dma_start3A_118] : memref<10112x128xf32, #tpu.memory_space<vmem_shared>> -> memref<10112x128xf32, #tpu.memory_space<vmem_shared>>
        tpu.enqueue_indirect_dma source(%arg8 : memref<128x128xf32, #tpu.memory_space<vmem>>) target(%dma_start3A_119 : memref<10112x128xf32, #tpu.memory_space<vmem_shared>>) offsets(%dma_start3A_116 : memref<128xi32, #tpu.memory_space<vmem>>) semaphore(%run_scoped3A : memref<!tpu.dma_semaphore, #tpu.memory_space<semaphore_mem>>) {add = true}
        %dma_wait3A_120 = arith.constant 0 : i32
        %dma_wait3A_121 = tpu.memref_slice %arg6[%add3A_89, %dma_wait3A_120] : memref<40x128xi32, #tpu.memory_space<vmem>> -> memref<1x128xi32, #tpu.memory_space<vmem>>
        %dma_wait3A_122 = tpu.memref_squeeze %dma_wait3A_121 : memref<1x128xi32, #tpu.memory_space<vmem>> -> memref<128xi32, #tpu.memory_space<vmem>>
        %dma_wait3A_123 = arith.constant 0 : i32
        %dma_wait3A_124 = arith.constant 0 : i32
        %dma_wait3A_125 = tpu.memref_slice %arg10[%dma_wait3A_123, %dma_wait3A_124] : memref<10112x128xf32, #tpu.memory_space<vmem_shared>> -> memref<10112x128xf32, #tpu.memory_space<vmem_shared>>
        tpu.wait_indirect_dma semaphore(%run_scoped3A : memref<!tpu.dma_semaphore, #tpu.memory_space<semaphore_mem>>) src(%arg8 : memref<128x128xf32, #tpu.memory_space<vmem>>) dst(%dma_wait3A_125 : memref<10112x128xf32, #tpu.memory_space<vmem_shared>>)
        tpu.yield
      }) : () -> ()
      %add3A_95 = arith.constant 2 : i32
      %add3A_96 = arith.addi %add3A_89, %add3A_95 : i32
      %lt3A = arith.constant 40 : i32
      %lt3A_97 = arith.cmpi slt, %add3A_96, %lt3A : i32
      %convert_element_type3A = arith.extui %lt3A_97 : i1 to i32
      %cond3A = arith.constant 0 : i32
      %cond3A_98 = arith.cmpi ne, %convert_element_type3A, %cond3A : i32
      scf.if %cond3A_98 {
        %dma_start3A_114 = arith.constant 0 : i32
        %dma_start3A_115 = tpu.memref_slice %arg7[%add3A_96, %dma_start3A_114] : memref<40x128xi32, #tpu.memory_space<vmem>> -> memref<1x128xi32, #tpu.memory_space<vmem>>
        %dma_start3A_116 = tpu.memref_squeeze %dma_start3A_115 : memref<1x128xi32, #tpu.memory_space<vmem>> -> memref<128xi32, #tpu.memory_space<vmem>>
        %dma_start3A_117 = arith.constant 0 : i32
        %dma_start3A_118 = arith.constant 0 : i32
        %dma_start3A_119 = tpu.memref_slice %arg2[%dma_start3A_117, %dma_start3A_118] : memref<20224x128xf32, #tpu.memory_space<hbm>> -> memref<20224x128xf32, #tpu.memory_space<hbm>>
        tpu.enqueue_indirect_dma source(%dma_start3A_119 : memref<20224x128xf32, #tpu.memory_space<hbm>>) target(%arg8 : memref<128x128xf32, #tpu.memory_space<vmem>>) offsets(%dma_start3A_116 : memref<128xi32, #tpu.memory_space<vmem>>) semaphore(%arg11 : memref<!tpu.dma_semaphore, #tpu.memory_space<semaphore_mem>>)
      } else {
      }
      %add3A_99 = arith.constant 1 : i32
      %add3A_100 = arith.addi %add3A_87, %add3A_99 : i32
      %dma_wait3A_101 = arith.constant 0 : i32
      %dma_wait3A_102 = tpu.memref_slice %arg7[%add3A_100, %dma_wait3A_101] : memref<40x128xi32, #tpu.memory_space<vmem>> -> memref<1x128xi32, #tpu.memory_space<vmem>>
      %dma_wait3A_103 = tpu.memref_squeeze %dma_wait3A_102 : memref<1x128xi32, #tpu.memory_space<vmem>> -> memref<128xi32, #tpu.memory_space<vmem>>
      %dma_wait3A_104 = arith.constant 0 : i32
      %dma_wait3A_105 = arith.constant 0 : i32
      %dma_wait3A_106 = tpu.memref_slice %arg2[%dma_wait3A_104, %dma_wait3A_105] : memref<20224x128xf32, #tpu.memory_space<hbm>> -> memref<20224x128xf32, #tpu.memory_space<hbm>>
      tpu.wait_indirect_dma semaphore(%arg12 : memref<!tpu.dma_semaphore, #tpu.memory_space<semaphore_mem>>) src(%dma_wait3A_106 : memref<20224x128xf32, #tpu.memory_space<hbm>>) dst(%arg9 : memref<128x128xf32, #tpu.memory_space<vmem>>)
      "tpu.region"() ({
        %run_scoped3A = tpu.sem_alloc : memref<!tpu.dma_semaphore, #tpu.memory_space<semaphore_mem>>
        %dma_start3A_114 = arith.constant 0 : i32
        %dma_start3A_115 = tpu.memref_slice %arg6[%add3A_100, %dma_start3A_114] : memref<40x128xi32, #tpu.memory_space<vmem>> -> memref<1x128xi32, #tpu.memory_space<vmem>>
        %dma_start3A_116 = tpu.memref_squeeze %dma_start3A_115 : memref<1x128xi32, #tpu.memory_space<vmem>> -> memref<128xi32, #tpu.memory_space<vmem>>
        %dma_start3A_117 = arith.constant 0 : i32
        %dma_start3A_118 = arith.constant 0 : i32
        %dma_start3A_119 = tpu.memref_slice %arg10[%dma_start3A_117, %dma_start3A_118] : memref<10112x128xf32, #tpu.memory_space<vmem_shared>> -> memref<10112x128xf32, #tpu.memory_space<vmem_shared>>
        tpu.enqueue_indirect_dma source(%arg9 : memref<128x128xf32, #tpu.memory_space<vmem>>) target(%dma_start3A_119 : memref<10112x128xf32, #tpu.memory_space<vmem_shared>>) offsets(%dma_start3A_116 : memref<128xi32, #tpu.memory_space<vmem>>) semaphore(%run_scoped3A : memref<!tpu.dma_semaphore, #tpu.memory_space<semaphore_mem>>) {add = true}
        %dma_wait3A_120 = arith.constant 0 : i32
        %dma_wait3A_121 = tpu.memref_slice %arg6[%add3A_100, %dma_wait3A_120] : memref<40x128xi32, #tpu.memory_space<vmem>> -> memref<1x128xi32, #tpu.memory_space<vmem>>
        %dma_wait3A_122 = tpu.memref_squeeze %dma_wait3A_121 : memref<1x128xi32, #tpu.memory_space<vmem>> -> memref<128xi32, #tpu.memory_space<vmem>>
        %dma_wait3A_123 = arith.constant 0 : i32
        %dma_wait3A_124 = arith.constant 0 : i32
        %dma_wait3A_125 = tpu.memref_slice %arg10[%dma_wait3A_123, %dma_wait3A_124] : memref<10112x128xf32, #tpu.memory_space<vmem_shared>> -> memref<10112x128xf32, #tpu.memory_space<vmem_shared>>
        tpu.wait_indirect_dma semaphore(%run_scoped3A : memref<!tpu.dma_semaphore, #tpu.memory_space<semaphore_mem>>) src(%arg9 : memref<128x128xf32, #tpu.memory_space<vmem>>) dst(%dma_wait3A_125 : memref<10112x128xf32, #tpu.memory_space<vmem_shared>>)
        tpu.yield
      }) : () -> ()
      %add3A_107 = arith.constant 2 : i32
      %add3A_108 = arith.addi %add3A_100, %add3A_107 : i32
      %lt3A_109 = arith.constant 40 : i32
      %lt3A_110 = arith.cmpi slt, %add3A_108, %lt3A_109 : i32
      %convert_element_type3A_111 = arith.extui %lt3A_110 : i1 to i32
      %cond3A_112 = arith.constant 0 : i32
      %cond3A_113 = arith.cmpi ne, %convert_element_type3A_111, %cond3A_112 : i32
      scf.if %cond3A_113 {
        %dma_start3A_114 = arith.constant 0 : i32
        %dma_start3A_115 = tpu.memref_slice %arg7[%add3A_108, %dma_start3A_114] : memref<40x128xi32, #tpu.memory_space<vmem>> -> memref<1x128xi32, #tpu.memory_space<vmem>>
        %dma_start3A_116 = tpu.memref_squeeze %dma_start3A_115 : memref<1x128xi32, #tpu.memory_space<vmem>> -> memref<128xi32, #tpu.memory_space<vmem>>
        %dma_start3A_117 = arith.constant 0 : i32
        %dma_start3A_118 = arith.constant 0 : i32
        %dma_start3A_119 = tpu.memref_slice %arg2[%dma_start3A_117, %dma_start3A_118] : memref<20224x128xf32, #tpu.memory_space<hbm>> -> memref<20224x128xf32, #tpu.memory_space<hbm>>
        tpu.enqueue_indirect_dma source(%dma_start3A_119 : memref<20224x128xf32, #tpu.memory_space<hbm>>) target(%arg9 : memref<128x128xf32, #tpu.memory_space<vmem>>) offsets(%dma_start3A_116 : memref<128xi32, #tpu.memory_space<vmem>>) semaphore(%arg12 : memref<!tpu.dma_semaphore, #tpu.memory_space<semaphore_mem>>)
      } else {
      }
    }
    %scan3A_43 = arith.constant 20 : i32
    %mul3A_44 = arith.constant 80 : i32
    %mul3A_45 = arith.muli %arg1, %mul3A_44 : i32
    %add3A_46 = arith.constant 40 : i32
    %add3A_47 = arith.addi %mul3A_45, %add3A_46 : i32
    "tpu.region"() ({
      %run_scoped3A = tpu.sem_alloc : memref<!tpu.dma_semaphore, #tpu.memory_space<semaphore_mem>>
      %dma_start3A_83 = arith.constant 0 : i32
      %dma_start3A_84 = tpu.memref_slice %arg3[%add3A_47, %dma_start3A_83] : memref<1280x128xi32, #tpu.memory_space<hbm>> -> memref<40x128xi32, #tpu.memory_space<hbm>>
      %dma_start3A_85 = arith.constant 0 : i32
      %dma_start3A_86 = tpu.memref_slice %arg3[%add3A_47, %dma_start3A_85] : memref<1280x128xi32, #tpu.memory_space<hbm>> -> memref<40x128xi32, #tpu.memory_space<hbm>>
      tpu.enqueue_dma source(%dma_start3A_86 : memref<40x128xi32, #tpu.memory_space<hbm>>) target(%arg6 : memref<40x128xi32, #tpu.memory_space<vmem>>) target_semaphore(%run_scoped3A : memref<!tpu.dma_semaphore, #tpu.memory_space<semaphore_mem>>)
      %dma_wait3A = arith.constant 0 : i32
      %dma_wait3A_87 = tpu.memref_slice %arg3[%add3A_47, %dma_wait3A] : memref<1280x128xi32, #tpu.memory_space<hbm>> -> memref<40x128xi32, #tpu.memory_space<hbm>>
      %dma_wait3A_88 = arith.constant 0 : i32
      %dma_wait3A_89 = tpu.memref_slice %arg3[%add3A_47, %dma_wait3A_88] : memref<1280x128xi32, #tpu.memory_space<hbm>> -> memref<40x128xi32, #tpu.memory_space<hbm>>
      tpu.wait_dma2 semaphore(%run_scoped3A : memref<!tpu.dma_semaphore, #tpu.memory_space<semaphore_mem>>) src(%dma_wait3A_89 : memref<40x128xi32, #tpu.memory_space<hbm>>) dst(%arg6 : memref<40x128xi32, #tpu.memory_space<vmem>>)
      tpu.yield
    }) : () -> ()
    "tpu.region"() ({
      %run_scoped3A = tpu.sem_alloc : memref<!tpu.dma_semaphore, #tpu.memory_space<semaphore_mem>>
      %dma_start3A_83 = arith.constant 0 : i32
      %dma_start3A_84 = tpu.memref_slice %arg4[%add3A_47, %dma_start3A_83] : memref<1280x128xi32, #tpu.memory_space<hbm>> -> memref<40x128xi32, #tpu.memory_space<hbm>>
      %dma_start3A_85 = arith.constant 0 : i32
      %dma_start3A_86 = tpu.memref_slice %arg4[%add3A_47, %dma_start3A_85] : memref<1280x128xi32, #tpu.memory_space<hbm>> -> memref<40x128xi32, #tpu.memory_space<hbm>>
      tpu.enqueue_dma source(%dma_start3A_86 : memref<40x128xi32, #tpu.memory_space<hbm>>) target(%arg7 : memref<40x128xi32, #tpu.memory_space<vmem>>) target_semaphore(%run_scoped3A : memref<!tpu.dma_semaphore, #tpu.memory_space<semaphore_mem>>)
      %dma_wait3A = arith.constant 0 : i32
      %dma_wait3A_87 = tpu.memref_slice %arg4[%add3A_47, %dma_wait3A] : memref<1280x128xi32, #tpu.memory_space<hbm>> -> memref<40x128xi32, #tpu.memory_space<hbm>>
      %dma_wait3A_88 = arith.constant 0 : i32
      %dma_wait3A_89 = tpu.memref_slice %arg4[%add3A_47, %dma_wait3A_88] : memref<1280x128xi32, #tpu.memory_space<hbm>> -> memref<40x128xi32, #tpu.memory_space<hbm>>
      tpu.wait_dma2 semaphore(%run_scoped3A : memref<!tpu.dma_semaphore, #tpu.memory_space<semaphore_mem>>) src(%dma_wait3A_89 : memref<40x128xi32, #tpu.memory_space<hbm>>) dst(%arg7 : memref<40x128xi32, #tpu.memory_space<vmem>>)
      tpu.yield
    }) : () -> ()
    %scan3A_48 = arith.constant 0 : i32
    %scan3A_49 = arith.constant 40 : i32
    %scan3A_50 = arith.addi %scan3A_48, %scan3A_49 : i32
    %scan3A_51 = arith.constant 1 : i32
    scf.for %scan3A_83 = %scan3A_48 to %scan3A_50 step %scan3A_51  : i32 {
      %mul3A_84 = arith.constant 1 : i32
      %mul3A_85 = arith.muli %scan3A_83, %mul3A_84 : i32
      %add3A_86 = arith.constant 0 : i32
      %add3A_87 = arith.addi %add3A_86, %mul3A_85 : i32
      %get3A = arith.index_cast %add3A_87 : i32 to index
      %get3A_88 = arith.constant 0 : index
      %get3A_89 = tpu.vector_load %arg7[%get3A, %get3A_88] {strides = array<i32>} : memref<40x128xi32, #tpu.memory_space<vmem>>, vector<1x16xi32>,
      %get3A_90 = vector.shape_cast %get3A_89 : vector<1x16xi32> to vector<16xi32>
      %add3A_91 = vector.broadcast %mul3A_0 : i32 to vector<16xi32>
      %add3A_92 = arith.addi %get3A_90, %add3A_91 : vector<16xi32>
      %swap3A = arith.index_cast %add3A_87 : i32 to index
      %swap3A_93 = arith.constant 0 : index
      %swap3A_94 = tpu.vector_load %arg7[%swap3A, %swap3A_93] {strides = array<i32>} : memref<40x128xi32, #tpu.memory_space<vmem>>, vector<1x16xi32>,
      %swap3A_95 = vector.shape_cast %swap3A_94 : vector<1x16xi32> to vector<16xi32>
      %swap3A_96 = vector.shape_cast %add3A_92 : vector<16xi32> to vector<1x16xi32>
      tpu.vector_store %arg7[%swap3A, %swap3A_93], %swap3A_96 {strides = array<i32>} : memref<40x128xi32, #tpu.memory_space<vmem>>, vector<1x16xi32>,
      %get3A_97 = arith.index_cast %add3A_87 : i32 to index
      %get3A_98 = arith.constant 16 : index
      %get3A_99 = tpu.vector_load %arg7[%get3A_97, %get3A_98] {strides = array<i32>} : memref<40x128xi32, #tpu.memory_space<vmem>>, vector<1x16xi32>,
      %get3A_100 = vector.shape_cast %get3A_99 : vector<1x16xi32> to vector<16xi32>
      %add3A_101 = vector.broadcast %mul3A_0 : i32 to vector<16xi32>
      %add3A_102 = arith.addi %get3A_100, %add3A_101 : vector<16xi32>
      %swap3A_103 = arith.index_cast %add3A_87 : i32 to index
      %swap3A_104 = arith.constant 16 : index
      %swap3A_105 = tpu.vector_load %arg7[%swap3A_103, %swap3A_104] {strides = array<i32>} : memref<40x128xi32, #tpu.memory_space<vmem>>, vector<1x16xi32>,
      %swap3A_106 = vector.shape_cast %swap3A_105 : vector<1x16xi32> to vector<16xi32>
      %swap3A_107 = vector.shape_cast %add3A_102 : vector<16xi32> to vector<1x16xi32>
      tpu.vector_store %arg7[%swap3A_103, %swap3A_104], %swap3A_107 {strides = array<i32>} : memref<40x128xi32, #tpu.memory_space<vmem>>, vector<1x16xi32>,
      %get3A_108 = arith.index_cast %add3A_87 : i32 to index
      %get3A_109 = arith.constant 32 : index
      %get3A_110 = tpu.vector_load %arg7[%get3A_108, %get3A_109] {strides = array<i32>} : memref<40x128xi32, #tpu.memory_space<vmem>>, vector<1x16xi32>,
      %get3A_111 = vector.shape_cast %get3A_110 : vector<1x16xi32> to vector<16xi32>
      %add3A_112 = vector.broadcast %mul3A_0 : i32 to vector<16xi32>
      %add3A_113 = arith.addi %get3A_111, %add3A_112 : vector<16xi32>
      %swap3A_114 = arith.index_cast %add3A_87 : i32 to index
      %swap3A_115 = arith.constant 32 : index
      %swap3A_116 = tpu.vector_load %arg7[%swap3A_114, %swap3A_115] {strides = array<i32>} : memref<40x128xi32, #tpu.memory_space<vmem>>, vector<1x16xi32>,
      %swap3A_117 = vector.shape_cast %swap3A_116 : vector<1x16xi32> to vector<16xi32>
      %swap3A_118 = vector.shape_cast %add3A_113 : vector<16xi32> to vector<1x16xi32>
      tpu.vector_store %arg7[%swap3A_114, %swap3A_115], %swap3A_118 {strides = array<i32>} : memref<40x128xi32, #tpu.memory_space<vmem>>, vector<1x16xi32>,
      %get3A_119 = arith.index_cast %add3A_87 : i32 to index
      %get3A_120 = arith.constant 48 : index
      %get3A_121 = tpu.vector_load %arg7[%get3A_119, %get3A_120] {strides = array<i32>} : memref<40x128xi32, #tpu.memory_space<vmem>>, vector<1x16xi32>,
      %get3A_122 = vector.shape_cast %get3A_121 : vector<1x16xi32> to vector<16xi32>
      %add3A_123 = vector.broadcast %mul3A_0 : i32 to vector<16xi32>
      %add3A_124 = arith.addi %get3A_122, %add3A_123 : vector<16xi32>
      %swap3A_125 = arith.index_cast %add3A_87 : i32 to index
      %swap3A_126 = arith.constant 48 : index
      %swap3A_127 = tpu.vector_load %arg7[%swap3A_125, %swap3A_126] {strides = array<i32>} : memref<40x128xi32, #tpu.memory_space<vmem>>, vector<1x16xi32>,
      %swap3A_128 = vector.shape_cast %swap3A_127 : vector<1x16xi32> to vector<16xi32>
      %swap3A_129 = vector.shape_cast %add3A_124 : vector<16xi32> to vector<1x16xi32>
      tpu.vector_store %arg7[%swap3A_125, %swap3A_126], %swap3A_129 {strides = array<i32>} : memref<40x128xi32, #tpu.memory_space<vmem>>, vector<1x16xi32>,
      %get3A_130 = arith.index_cast %add3A_87 : i32 to index
      %get3A_131 = arith.constant 64 : index
      %get3A_132 = tpu.vector_load %arg7[%get3A_130, %get3A_131] {strides = array<i32>} : memref<40x128xi32, #tpu.memory_space<vmem>>, vector<1x16xi32>,
      %get3A_133 = vector.shape_cast %get3A_132 : vector<1x16xi32> to vector<16xi32>
      %add3A_134 = vector.broadcast %mul3A_0 : i32 to vector<16xi32>
      %add3A_135 = arith.addi %get3A_133, %add3A_134 : vector<16xi32>
      %swap3A_136 = arith.index_cast %add3A_87 : i32 to index
      %swap3A_137 = arith.constant 64 : index
      %swap3A_138 = tpu.vector_load %arg7[%swap3A_136, %swap3A_137] {strides = array<i32>} : memref<40x128xi32, #tpu.memory_space<vmem>>, vector<1x16xi32>,
      %swap3A_139 = vector.shape_cast %swap3A_138 : vector<1x16xi32> to vector<16xi32>
      %swap3A_140 = vector.shape_cast %add3A_135 : vector<16xi32> to vector<1x16xi32>
      tpu.vector_store %arg7[%swap3A_136, %swap3A_137], %swap3A_140 {strides = array<i32>} : memref<40x128xi32, #tpu.memory_space<vmem>>, vector<1x16xi32>,
      %get3A_141 = arith.index_cast %add3A_87 : i32 to index
      %get3A_142 = arith.constant 80 : index
      %get3A_143 = tpu.vector_load %arg7[%get3A_141, %get3A_142] {strides = array<i32>} : memref<40x128xi32, #tpu.memory_space<vmem>>, vector<1x16xi32>,
      %get3A_144 = vector.shape_cast %get3A_143 : vector<1x16xi32> to vector<16xi32>
      %add3A_145 = vector.broadcast %mul3A_0 : i32 to vector<16xi32>
      %add3A_146 = arith.addi %get3A_144, %add3A_145 : vector<16xi32>
      %swap3A_147 = arith.index_cast %add3A_87 : i32 to index
      %swap3A_148 = arith.constant 80 : index
      %swap3A_149 = tpu.vector_load %arg7[%swap3A_147, %swap3A_148] {strides = array<i32>} : memref<40x128xi32, #tpu.memory_space<vmem>>, vector<1x16xi32>,
      %swap3A_150 = vector.shape_cast %swap3A_149 : vector<1x16xi32> to vector<16xi32>
      %swap3A_151 = vector.shape_cast %add3A_146 : vector<16xi32> to vector<1x16xi32>
      tpu.vector_store %arg7[%swap3A_147, %swap3A_148], %swap3A_151 {strides = array<i32>} : memref<40x128xi32, #tpu.memory_space<vmem>>, vector<1x16xi32>,
      %get3A_152 = arith.index_cast %add3A_87 : i32 to index
      %get3A_153 = arith.constant 96 : index
      %get3A_154 = tpu.vector_load %arg7[%get3A_152, %get3A_153] {strides = array<i32>} : memref<40x128xi32, #tpu.memory_space<vmem>>, vector<1x16xi32>,
      %get3A_155 = vector.shape_cast %get3A_154 : vector<1x16xi32> to vector<16xi32>
      %add3A_156 = vector.broadcast %mul3A_0 : i32 to vector<16xi32>
      %add3A_157 = arith.addi %get3A_155, %add3A_156 : vector<16xi32>
      %swap3A_158 = arith.index_cast %add3A_87 : i32 to index
      %swap3A_159 = arith.constant 96 : index
      %swap3A_160 = tpu.vector_load %arg7[%swap3A_158, %swap3A_159] {strides = array<i32>} : memref<40x128xi32, #tpu.memory_space<vmem>>, vector<1x16xi32>,
      %swap3A_161 = vector.shape_cast %swap3A_160 : vector<1x16xi32> to vector<16xi32>
      %swap3A_162 = vector.shape_cast %add3A_157 : vector<16xi32> to vector<1x16xi32>
      tpu.vector_store %arg7[%swap3A_158, %swap3A_159], %swap3A_162 {strides = array<i32>} : memref<40x128xi32, #tpu.memory_space<vmem>>, vector<1x16xi32>,
      %get3A_163 = arith.index_cast %add3A_87 : i32 to index
      %get3A_164 = arith.constant 112 : index
      %get3A_165 = tpu.vector_load %arg7[%get3A_163, %get3A_164] {strides = array<i32>} : memref<40x128xi32, #tpu.memory_space<vmem>>, vector<1x16xi32>,
      %get3A_166 = vector.shape_cast %get3A_165 : vector<1x16xi32> to vector<16xi32>
      %add3A_167 = vector.broadcast %mul3A_0 : i32 to vector<16xi32>
      %add3A_168 = arith.addi %get3A_166, %add3A_167 : vector<16xi32>
      %swap3A_169 = arith.index_cast %add3A_87 : i32 to index
      %swap3A_170 = arith.constant 112 : index
      %swap3A_171 = tpu.vector_load %arg7[%swap3A_169, %swap3A_170] {strides = array<i32>} : memref<40x128xi32, #tpu.memory_space<vmem>>, vector<1x16xi32>,
      %swap3A_172 = vector.shape_cast %swap3A_171 : vector<1x16xi32> to vector<16xi32>
      %swap3A_173 = vector.shape_cast %add3A_168 : vector<16xi32> to vector<1x16xi32>
      tpu.vector_store %arg7[%swap3A_169, %swap3A_170], %swap3A_173 {strides = array<i32>} : memref<40x128xi32, #tpu.memory_space<vmem>>, vector<1x16xi32>,
    }
    %scan3A_52 = arith.constant 40 : i32
    %dma_start3A_53 = arith.constant 0 : i32
    %dma_start3A_54 = arith.constant 0 : i32
    %dma_start3A_55 = tpu.memref_slice %arg7[%dma_start3A_53, %dma_start3A_54] : memref<40x128xi32, #tpu.memory_space<vmem>> -> memref<1x128xi32, #tpu.memory_space<vmem>>
    %dma_start3A_56 = tpu.memref_squeeze %dma_start3A_55 : memref<1x128xi32, #tpu.memory_space<vmem>> -> memref<128xi32, #tpu.memory_space<vmem>>
    %dma_start3A_57 = arith.constant 0 : i32
    %dma_start3A_58 = arith.constant 0 : i32
    %dma_start3A_59 = tpu.memref_slice %arg2[%dma_start3A_57, %dma_start3A_58] : memref<20224x128xf32, #tpu.memory_space<hbm>> -> memref<20224x128xf32, #tpu.memory_space<hbm>>
    tpu.enqueue_indirect_dma source(%dma_start3A_59 : memref<20224x128xf32, #tpu.memory_space<hbm>>) target(%arg8 : memref<128x128xf32, #tpu.memory_space<vmem>>) offsets(%dma_start3A_56 : memref<128xi32, #tpu.memory_space<vmem>>) semaphore(%arg11 : memref<!tpu.dma_semaphore, #tpu.memory_space<semaphore_mem>>)
    %dma_start3A_60 = arith.constant 1 : i32
    %dma_start3A_61 = arith.constant 0 : i32
    %dma_start3A_62 = tpu.memref_slice %arg7[%dma_start3A_60, %dma_start3A_61] : memref<40x128xi32, #tpu.memory_space<vmem>> -> memref<1x128xi32, #tpu.memory_space<vmem>>
    %dma_start3A_63 = tpu.memref_squeeze %dma_start3A_62 : memref<1x128xi32, #tpu.memory_space<vmem>> -> memref<128xi32, #tpu.memory_space<vmem>>
    %dma_start3A_64 = arith.constant 0 : i32
    %dma_start3A_65 = arith.constant 0 : i32
    %dma_start3A_66 = tpu.memref_slice %arg2[%dma_start3A_64, %dma_start3A_65] : memref<20224x128xf32, #tpu.memory_space<hbm>> -> memref<20224x128xf32, #tpu.memory_space<hbm>>
    tpu.enqueue_indirect_dma source(%dma_start3A_66 : memref<20224x128xf32, #tpu.memory_space<hbm>>) target(%arg9 : memref<128x128xf32, #tpu.memory_space<vmem>>) offsets(%dma_start3A_63 : memref<128xi32, #tpu.memory_space<vmem>>) semaphore(%arg12 : memref<!tpu.dma_semaphore, #tpu.memory_space<semaphore_mem>>)
    %scan3A_67 = arith.constant 0 : i32
    %scan3A_68 = arith.constant 20 : i32
    %scan3A_69 = arith.addi %scan3A_67, %scan3A_68 : i32
    %scan3A_70 = arith.constant 1 : i32
    scf.for %scan3A_83 = %scan3A_67 to %scan3A_69 step %scan3A_70  : i32 {
      %mul3A_84 = arith.constant 2 : i32
      %mul3A_85 = arith.muli %scan3A_83, %mul3A_84 : i32
      %add3A_86 = arith.constant 0 : i32
      %add3A_87 = arith.addi %add3A_86, %mul3A_85 : i32
      %add3A_88 = arith.constant 0 : i32
      %add3A_89 = arith.addi %add3A_87, %add3A_88 : i32
      %dma_wait3A = arith.constant 0 : i32
      %dma_wait3A_90 = tpu.memref_slice %arg7[%add3A_89, %dma_wait3A] : memref<40x128xi32, #tpu.memory_space<vmem>> -> memref<1x128xi32, #tpu.memory_space<vmem>>
      %dma_wait3A_91 = tpu.memref_squeeze %dma_wait3A_90 : memref<1x128xi32, #tpu.memory_space<vmem>> -> memref<128xi32, #tpu.memory_space<vmem>>
      %dma_wait3A_92 = arith.constant 0 : i32
      %dma_wait3A_93 = arith.constant 0 : i32
      %dma_wait3A_94 = tpu.memref_slice %arg2[%dma_wait3A_92, %dma_wait3A_93] : memref<20224x128xf32, #tpu.memory_space<hbm>> -> memref<20224x128xf32, #tpu.memory_space<hbm>>
      tpu.wait_indirect_dma semaphore(%arg11 : memref<!tpu.dma_semaphore, #tpu.memory_space<semaphore_mem>>) src(%dma_wait3A_94 : memref<20224x128xf32, #tpu.memory_space<hbm>>) dst(%arg8 : memref<128x128xf32, #tpu.memory_space<vmem>>)
      "tpu.region"() ({
        %run_scoped3A = tpu.sem_alloc : memref<!tpu.dma_semaphore, #tpu.memory_space<semaphore_mem>>
        %dma_start3A_114 = arith.constant 0 : i32
        %dma_start3A_115 = tpu.memref_slice %arg6[%add3A_89, %dma_start3A_114] : memref<40x128xi32, #tpu.memory_space<vmem>> -> memref<1x128xi32, #tpu.memory_space<vmem>>
        %dma_start3A_116 = tpu.memref_squeeze %dma_start3A_115 : memref<1x128xi32, #tpu.memory_space<vmem>> -> memref<128xi32, #tpu.memory_space<vmem>>
        %dma_start3A_117 = arith.constant 0 : i32
        %dma_start3A_118 = arith.constant 0 : i32
        %dma_start3A_119 = tpu.memref_slice %arg10[%dma_start3A_117, %dma_start3A_118] : memref<10112x128xf32, #tpu.memory_space<vmem_shared>> -> memref<10112x128xf32, #tpu.memory_space<vmem_shared>>
        tpu.enqueue_indirect_dma source(%arg8 : memref<128x128xf32, #tpu.memory_space<vmem>>) target(%dma_start3A_119 : memref<10112x128xf32, #tpu.memory_space<vmem_shared>>) offsets(%dma_start3A_116 : memref<128xi32, #tpu.memory_space<vmem>>) semaphore(%run_scoped3A : memref<!tpu.dma_semaphore, #tpu.memory_space<semaphore_mem>>) {add = true}
        %dma_wait3A_120 = arith.constant 0 : i32
        %dma_wait3A_121 = tpu.memref_slice %arg6[%add3A_89, %dma_wait3A_120] : memref<40x128xi32, #tpu.memory_space<vmem>> -> memref<1x128xi32, #tpu.memory_space<vmem>>
        %dma_wait3A_122 = tpu.memref_squeeze %dma_wait3A_121 : memref<1x128xi32, #tpu.memory_space<vmem>> -> memref<128xi32, #tpu.memory_space<vmem>>
        %dma_wait3A_123 = arith.constant 0 : i32
        %dma_wait3A_124 = arith.constant 0 : i32
        %dma_wait3A_125 = tpu.memref_slice %arg10[%dma_wait3A_123, %dma_wait3A_124] : memref<10112x128xf32, #tpu.memory_space<vmem_shared>> -> memref<10112x128xf32, #tpu.memory_space<vmem_shared>>
        tpu.wait_indirect_dma semaphore(%run_scoped3A : memref<!tpu.dma_semaphore, #tpu.memory_space<semaphore_mem>>) src(%arg8 : memref<128x128xf32, #tpu.memory_space<vmem>>) dst(%dma_wait3A_125 : memref<10112x128xf32, #tpu.memory_space<vmem_shared>>)
        tpu.yield
      }) : () -> ()
      %add3A_95 = arith.constant 2 : i32
      %add3A_96 = arith.addi %add3A_89, %add3A_95 : i32
      %lt3A = arith.constant 40 : i32
      %lt3A_97 = arith.cmpi slt, %add3A_96, %lt3A : i32
      %convert_element_type3A = arith.extui %lt3A_97 : i1 to i32
      %cond3A = arith.constant 0 : i32
      %cond3A_98 = arith.cmpi ne, %convert_element_type3A, %cond3A : i32
      scf.if %cond3A_98 {
        %dma_start3A_114 = arith.constant 0 : i32
        %dma_start3A_115 = tpu.memref_slice %arg7[%add3A_96, %dma_start3A_114] : memref<40x128xi32, #tpu.memory_space<vmem>> -> memref<1x128xi32, #tpu.memory_space<vmem>>
        %dma_start3A_116 = tpu.memref_squeeze %dma_start3A_115 : memref<1x128xi32, #tpu.memory_space<vmem>> -> memref<128xi32, #tpu.memory_space<vmem>>
        %dma_start3A_117 = arith.constant 0 : i32
        %dma_start3A_118 = arith.constant 0 : i32
        %dma_start3A_119 = tpu.memref_slice %arg2[%dma_start3A_117, %dma_start3A_118] : memref<20224x128xf32, #tpu.memory_space<hbm>> -> memref<20224x128xf32, #tpu.memory_space<hbm>>
        tpu.enqueue_indirect_dma source(%dma_start3A_119 : memref<20224x128xf32, #tpu.memory_space<hbm>>) target(%arg8 : memref<128x128xf32, #tpu.memory_space<vmem>>) offsets(%dma_start3A_116 : memref<128xi32, #tpu.memory_space<vmem>>) semaphore(%arg11 : memref<!tpu.dma_semaphore, #tpu.memory_space<semaphore_mem>>)
      } else {
      }
      %add3A_99 = arith.constant 1 : i32
      %add3A_100 = arith.addi %add3A_87, %add3A_99 : i32
      %dma_wait3A_101 = arith.constant 0 : i32
      %dma_wait3A_102 = tpu.memref_slice %arg7[%add3A_100, %dma_wait3A_101] : memref<40x128xi32, #tpu.memory_space<vmem>> -> memref<1x128xi32, #tpu.memory_space<vmem>>
      %dma_wait3A_103 = tpu.memref_squeeze %dma_wait3A_102 : memref<1x128xi32, #tpu.memory_space<vmem>> -> memref<128xi32, #tpu.memory_space<vmem>>
      %dma_wait3A_104 = arith.constant 0 : i32
      %dma_wait3A_105 = arith.constant 0 : i32
      %dma_wait3A_106 = tpu.memref_slice %arg2[%dma_wait3A_104, %dma_wait3A_105] : memref<20224x128xf32, #tpu.memory_space<hbm>> -> memref<20224x128xf32, #tpu.memory_space<hbm>>
      tpu.wait_indirect_dma semaphore(%arg12 : memref<!tpu.dma_semaphore, #tpu.memory_space<semaphore_mem>>) src(%dma_wait3A_106 : memref<20224x128xf32, #tpu.memory_space<hbm>>) dst(%arg9 : memref<128x128xf32, #tpu.memory_space<vmem>>)
      "tpu.region"() ({
        %run_scoped3A = tpu.sem_alloc : memref<!tpu.dma_semaphore, #tpu.memory_space<semaphore_mem>>
        %dma_start3A_114 = arith.constant 0 : i32
        %dma_start3A_115 = tpu.memref_slice %arg6[%add3A_100, %dma_start3A_114] : memref<40x128xi32, #tpu.memory_space<vmem>> -> memref<1x128xi32, #tpu.memory_space<vmem>>
        %dma_start3A_116 = tpu.memref_squeeze %dma_start3A_115 : memref<1x128xi32, #tpu.memory_space<vmem>> -> memref<128xi32, #tpu.memory_space<vmem>>
        %dma_start3A_117 = arith.constant 0 : i32
        %dma_start3A_118 = arith.constant 0 : i32
        %dma_start3A_119 = tpu.memref_slice %arg10[%dma_start3A_117, %dma_start3A_118] : memref<10112x128xf32, #tpu.memory_space<vmem_shared>> -> memref<10112x128xf32, #tpu.memory_space<vmem_shared>>
        tpu.enqueue_indirect_dma source(%arg9 : memref<128x128xf32, #tpu.memory_space<vmem>>) target(%dma_start3A_119 : memref<10112x128xf32, #tpu.memory_space<vmem_shared>>) offsets(%dma_start3A_116 : memref<128xi32, #tpu.memory_space<vmem>>) semaphore(%run_scoped3A : memref<!tpu.dma_semaphore, #tpu.memory_space<semaphore_mem>>) {add = true}
        %dma_wait3A_120 = arith.constant 0 : i32
        %dma_wait3A_121 = tpu.memref_slice %arg6[%add3A_100, %dma_wait3A_120] : memref<40x128xi32, #tpu.memory_space<vmem>> -> memref<1x128xi32, #tpu.memory_space<vmem>>
        %dma_wait3A_122 = tpu.memref_squeeze %dma_wait3A_121 : memref<1x128xi32, #tpu.memory_space<vmem>> -> memref<128xi32, #tpu.memory_space<vmem>>
        %dma_wait3A_123 = arith.constant 0 : i32
        %dma_wait3A_124 = arith.constant 0 : i32
        %dma_wait3A_125 = tpu.memref_slice %arg10[%dma_wait3A_123, %dma_wait3A_124] : memref<10112x128xf32, #tpu.memory_space<vmem_shared>> -> memref<10112x128xf32, #tpu.memory_space<vmem_shared>>
        tpu.wait_indirect_dma semaphore(%run_scoped3A : memref<!tpu.dma_semaphore, #tpu.memory_space<semaphore_mem>>) src(%arg9 : memref<128x128xf32, #tpu.memory_space<vmem>>) dst(%dma_wait3A_125 : memref<10112x128xf32, #tpu.memory_space<vmem_shared>>)
        tpu.yield
      }) : () -> ()
      %add3A_107 = arith.constant 2 : i32
      %add3A_108 = arith.addi %add3A_100, %add3A_107 : i32
      %lt3A_109 = arith.constant 40 : i32
      %lt3A_110 = arith.cmpi slt, %add3A_108, %lt3A_109 : i32
      %convert_element_type3A_111 = arith.extui %lt3A_110 : i1 to i32
      %cond3A_112 = arith.constant 0 : i32
      %cond3A_113 = arith.cmpi ne, %convert_element_type3A_111, %cond3A_112 : i32
      scf.if %cond3A_113 {
        %dma_start3A_114 = arith.constant 0 : i32
        %dma_start3A_115 = tpu.memref_slice %arg7[%add3A_108, %dma_start3A_114] : memref<40x128xi32, #tpu.memory_space<vmem>> -> memref<1x128xi32, #tpu.memory_space<vmem>>
        %dma_start3A_116 = tpu.memref_squeeze %dma_start3A_115 : memref<1x128xi32, #tpu.memory_space<vmem>> -> memref<128xi32, #tpu.memory_space<vmem>>
        %dma_start3A_117 = arith.constant 0 : i32
        %dma_start3A_118 = arith.constant 0 : i32
        %dma_start3A_119 = tpu.memref_slice %arg2[%dma_start3A_117, %dma_start3A_118] : memref<20224x128xf32, #tpu.memory_space<hbm>> -> memref<20224x128xf32, #tpu.memory_space<hbm>>
        tpu.enqueue_indirect_dma source(%dma_start3A_119 : memref<20224x128xf32, #tpu.memory_space<hbm>>) target(%arg9 : memref<128x128xf32, #tpu.memory_space<vmem>>) offsets(%dma_start3A_116 : memref<128xi32, #tpu.memory_space<vmem>>) semaphore(%arg12 : memref<!tpu.dma_semaphore, #tpu.memory_space<semaphore_mem>>)
      } else {
      }
    }
    %scan3A_71 = arith.constant 20 : i32
    %barrier3A_72 = arith.constant 0 : index
    tpu.barrier barrier_id(%barrier3A_72)
    %add3A_73 = arith.constant 0 : i32
    %add3A_74 = arith.addi %mul3A_7, %add3A_73 : i32
    "tpu.region"() ({
      %run_scoped3A = tpu.sem_alloc : memref<!tpu.dma_semaphore, #tpu.memory_space<semaphore_mem>>
      %dma_start3A_83 = arith.constant 0 : i32
      %dma_start3A_84 = tpu.memref_slice %arg10[%add3A_74, %dma_start3A_83] : memref<10112x128xf32, #tpu.memory_space<vmem_shared>> -> memref<128x128xf32, #tpu.memory_space<vmem_shared>>
      %dma_start3A_85 = arith.constant 0 : i32
      %dma_start3A_86 = tpu.memref_slice %arg10[%add3A_74, %dma_start3A_85] : memref<10112x128xf32, #tpu.memory_space<vmem_shared>> -> memref<128x128xf32, #tpu.memory_space<vmem_shared>>
      tpu.enqueue_dma source(%dma_start3A_86 : memref<128x128xf32, #tpu.memory_space<vmem_shared>>) target(%arg8 : memref<128x128xf32, #tpu.memory_space<vmem>>) target_semaphore(%run_scoped3A : memref<!tpu.dma_semaphore, #tpu.memory_space<semaphore_mem>>)
      %dma_wait3A = arith.constant 0 : i32
      %dma_wait3A_87 = tpu.memref_slice %arg10[%add3A_74, %dma_wait3A] : memref<10112x128xf32, #tpu.memory_space<vmem_shared>> -> memref<128x128xf32, #tpu.memory_space<vmem_shared>>
      %dma_wait3A_88 = arith.constant 0 : i32
      %dma_wait3A_89 = tpu.memref_slice %arg10[%add3A_74, %dma_wait3A_88] : memref<10112x128xf32, #tpu.memory_space<vmem_shared>> -> memref<128x128xf32, #tpu.memory_space<vmem_shared>>
      tpu.wait_dma2 semaphore(%run_scoped3A : memref<!tpu.dma_semaphore, #tpu.memory_space<semaphore_mem>>) src(%dma_wait3A_89 : memref<128x128xf32, #tpu.memory_space<vmem_shared>>) dst(%arg8 : memref<128x128xf32, #tpu.memory_space<vmem>>)
      tpu.yield
    }) : () -> ()
    "tpu.region"() ({
      %run_scoped3A = tpu.sem_alloc : memref<!tpu.dma_semaphore, #tpu.memory_space<semaphore_mem>>
      %dma_start3A_83 = arith.constant 0 : i32
      %dma_start3A_84 = tpu.memref_slice %arg5[%arg0, %add3A_74, %dma_start3A_83] : memref<2x10112x128xf32, #tpu.memory_space<hbm>> -> memref<1x128x128xf32, #tpu.memory_space<hbm>>
      %dma_start3A_85 = tpu.memref_squeeze %dma_start3A_84 : memref<1x128x128xf32, #tpu.memory_space<hbm>> -> memref<128x128xf32, #tpu.memory_space<hbm>>
      %dma_start3A_86 = arith.constant 0 : i32
      %dma_start3A_87 = tpu.memref_slice %arg5[%arg0, %add3A_74, %dma_start3A_86] : memref<2x10112x128xf32, #tpu.memory_space<hbm>> -> memref<1x128x128xf32, #tpu.memory_space<hbm>>
      %dma_start3A_88 = tpu.memref_squeeze %dma_start3A_87 : memref<1x128x128xf32, #tpu.memory_space<hbm>> -> memref<128x128xf32, #tpu.memory_space<hbm>>
      tpu.enqueue_dma source(%arg8 : memref<128x128xf32, #tpu.memory_space<vmem>>) target(%dma_start3A_88 : memref<128x128xf32, #tpu.memory_space<hbm>>) target_semaphore(%run_scoped3A : memref<!tpu.dma_semaphore, #tpu.memory_space<semaphore_mem>>)
      %dma_wait3A = arith.constant 0 : i32
      %dma_wait3A_89 = tpu.memref_slice %arg5[%arg0, %add3A_74, %dma_wait3A] : memref<2x10112x128xf32, #tpu.memory_space<hbm>> -> memref<1x128x128xf32, #tpu.memory_space<hbm>>
      %dma_wait3A_90 = tpu.memref_squeeze %dma_wait3A_89 : memref<1x128x128xf32, #tpu.memory_space<hbm>> -> memref<128x128xf32, #tpu.memory_space<hbm>>
      %dma_wait3A_91 = arith.constant 0 : i32
      %dma_wait3A_92 = tpu.memref_slice %arg5[%arg0, %add3A_74, %dma_wait3A_91] : memref<2x10112x128xf32, #tpu.memory_space<hbm>> -> memref<1x128x128xf32, #tpu.memory_space<hbm>>
      %dma_wait3A_93 = tpu.memref_squeeze %dma_wait3A_92 : memref<1x128x128xf32, #tpu.memory_space<hbm>> -> memref<128x128xf32, #tpu.memory_space<hbm>>
      tpu.wait_dma2 semaphore(%run_scoped3A : memref<!tpu.dma_semaphore, #tpu.memory_space<semaphore_mem>>) src(%arg8 : memref<128x128xf32, #tpu.memory_space<vmem>>) dst(%dma_wait3A_93 : memref<128x128xf32, #tpu.memory_space<hbm>>)
      tpu.yield
    }) : () -> ()
    %add3A_75 = arith.constant 128 : i32
    %add3A_76 = arith.addi %mul3A_7, %add3A_75 : i32
    "tpu.region"() ({
      %run_scoped3A = tpu.sem_alloc : memref<!tpu.dma_semaphore, #tpu.memory_space<semaphore_mem>>
      %dma_start3A_83 = arith.constant 0 : i32
      %dma_start3A_84 = tpu.memref_slice %arg10[%add3A_76, %dma_start3A_83] : memref<10112x128xf32, #tpu.memory_space<vmem_shared>> -> memref<128x128xf32, #tpu.memory_space<vmem_shared>>
      %dma_start3A_85 = arith.constant 0 : i32
      %dma_start3A_86 = tpu.memref_slice %arg10[%add3A_76, %dma_start3A_85] : memref<10112x128xf32, #tpu.memory_space<vmem_shared>> -> memref<128x128xf32, #tpu.memory_space<vmem_shared>>
      tpu.enqueue_dma source(%dma_start3A_86 : memref<128x128xf32, #tpu.memory_space<vmem_shared>>) target(%arg8 : memref<128x128xf32, #tpu.memory_space<vmem>>) target_semaphore(%run_scoped3A : memref<!tpu.dma_semaphore, #tpu.memory_space<semaphore_mem>>)
      %dma_wait3A = arith.constant 0 : i32
      %dma_wait3A_87 = tpu.memref_slice %arg10[%add3A_76, %dma_wait3A] : memref<10112x128xf32, #tpu.memory_space<vmem_shared>> -> memref<128x128xf32, #tpu.memory_space<vmem_shared>>
      %dma_wait3A_88 = arith.constant 0 : i32
      %dma_wait3A_89 = tpu.memref_slice %arg10[%add3A_76, %dma_wait3A_88] : memref<10112x128xf32, #tpu.memory_space<vmem_shared>> -> memref<128x128xf32, #tpu.memory_space<vmem_shared>>
      tpu.wait_dma2 semaphore(%run_scoped3A : memref<!tpu.dma_semaphore, #tpu.memory_space<semaphore_mem>>) src(%dma_wait3A_89 : memref<128x128xf32, #tpu.memory_space<vmem_shared>>) dst(%arg8 : memref<128x128xf32, #tpu.memory_space<vmem>>)
      tpu.yield
    }) : () -> ()
    "tpu.region"() ({
      %run_scoped3A = tpu.sem_alloc : memref<!tpu.dma_semaphore, #tpu.memory_space<semaphore_mem>>
      %dma_start3A_83 = arith.constant 0 : i32
      %dma_start3A_84 = tpu.memref_slice %arg5[%arg0, %add3A_76, %dma_start3A_83] : memref<2x10112x128xf32, #tpu.memory_space<hbm>> -> memref<1x128x128xf32, #tpu.memory_space<hbm>>
      %dma_start3A_85 = tpu.memref_squeeze %dma_start3A_84 : memref<1x128x128xf32, #tpu.memory_space<hbm>> -> memref<128x128xf32, #tpu.memory_space<hbm>>
      %dma_start3A_86 = arith.constant 0 : i32
      %dma_start3A_87 = tpu.memref_slice %arg5[%arg0, %add3A_76, %dma_start3A_86] : memref<2x10112x128xf32, #tpu.memory_space<hbm>> -> memref<1x128x128xf32, #tpu.memory_space<hbm>>
      %dma_start3A_88 = tpu.memref_squeeze %dma_start3A_87 : memref<1x128x128xf32, #tpu.memory_space<hbm>> -> memref<128x128xf32, #tpu.memory_space<hbm>>
      tpu.enqueue_dma source(%arg8 : memref<128x128xf32, #tpu.memory_space<vmem>>) target(%dma_start3A_88 : memref<128x128xf32, #tpu.memory_space<hbm>>) target_semaphore(%run_scoped3A : memref<!tpu.dma_semaphore, #tpu.memory_space<semaphore_mem>>)
      %dma_wait3A = arith.constant 0 : i32
      %dma_wait3A_89 = tpu.memref_slice %arg5[%arg0, %add3A_76, %dma_wait3A] : memref<2x10112x128xf32, #tpu.memory_space<hbm>> -> memref<1x128x128xf32, #tpu.memory_space<hbm>>
      %dma_wait3A_90 = tpu.memref_squeeze %dma_wait3A_89 : memref<1x128x128xf32, #tpu.memory_space<hbm>> -> memref<128x128xf32, #tpu.memory_space<hbm>>
      %dma_wait3A_91 = arith.constant 0 : i32
      %dma_wait3A_92 = tpu.memref_slice %arg5[%arg0, %add3A_76, %dma_wait3A_91] : memref<2x10112x128xf32, #tpu.memory_space<hbm>> -> memref<1x128x128xf32, #tpu.memory_space<hbm>>
      %dma_wait3A_93 = tpu.memref_squeeze %dma_wait3A_92 : memref<1x128x128xf32, #tpu.memory_space<hbm>> -> memref<128x128xf32, #tpu.memory_space<hbm>>
      tpu.wait_dma2 semaphore(%run_scoped3A : memref<!tpu.dma_semaphore, #tpu.memory_space<semaphore_mem>>) src(%arg8 : memref<128x128xf32, #tpu.memory_space<vmem>>) dst(%dma_wait3A_93 : memref<128x128xf32, #tpu.memory_space<hbm>>)
      tpu.yield
    }) : () -> ()
    %add3A_77 = arith.constant 256 : i32
    %add3A_78 = arith.addi %mul3A_7, %add3A_77 : i32
    "tpu.region"() ({
      %run_scoped3A = tpu.sem_alloc : memref<!tpu.dma_semaphore, #tpu.memory_space<semaphore_mem>>
      %dma_start3A_83 = arith.constant 0 : i32
      %dma_start3A_84 = tpu.memref_slice %arg10[%add3A_78, %dma_start3A_83] : memref<10112x128xf32, #tpu.memory_space<vmem_shared>> -> memref<128x128xf32, #tpu.memory_space<vmem_shared>>
      %dma_start3A_85 = arith.constant 0 : i32
      %dma_start3A_86 = tpu.memref_slice %arg10[%add3A_78, %dma_start3A_85] : memref<10112x128xf32, #tpu.memory_space<vmem_shared>> -> memref<128x128xf32, #tpu.memory_space<vmem_shared>>
      tpu.enqueue_dma source(%dma_start3A_86 : memref<128x128xf32, #tpu.memory_space<vmem_shared>>) target(%arg8 : memref<128x128xf32, #tpu.memory_space<vmem>>) target_semaphore(%run_scoped3A : memref<!tpu.dma_semaphore, #tpu.memory_space<semaphore_mem>>)
      %dma_wait3A = arith.constant 0 : i32
      %dma_wait3A_87 = tpu.memref_slice %arg10[%add3A_78, %dma_wait3A] : memref<10112x128xf32, #tpu.memory_space<vmem_shared>> -> memref<128x128xf32, #tpu.memory_space<vmem_shared>>
      %dma_wait3A_88 = arith.constant 0 : i32
      %dma_wait3A_89 = tpu.memref_slice %arg10[%add3A_78, %dma_wait3A_88] : memref<10112x128xf32, #tpu.memory_space<vmem_shared>> -> memref<128x128xf32, #tpu.memory_space<vmem_shared>>
      tpu.wait_dma2 semaphore(%run_scoped3A : memref<!tpu.dma_semaphore, #tpu.memory_space<semaphore_mem>>) src(%dma_wait3A_89 : memref<128x128xf32, #tpu.memory_space<vmem_shared>>) dst(%arg8 : memref<128x128xf32, #tpu.memory_space<vmem>>)
      tpu.yield
    }) : () -> ()
    "tpu.region"() ({
      %run_scoped3A = tpu.sem_alloc : memref<!tpu.dma_semaphore, #tpu.memory_space<semaphore_mem>>
      %dma_start3A_83 = arith.constant 0 : i32
      %dma_start3A_84 = tpu.memref_slice %arg5[%arg0, %add3A_78, %dma_start3A_83] : memref<2x10112x128xf32, #tpu.memory_space<hbm>> -> memref<1x128x128xf32, #tpu.memory_space<hbm>>
      %dma_start3A_85 = tpu.memref_squeeze %dma_start3A_84 : memref<1x128x128xf32, #tpu.memory_space<hbm>> -> memref<128x128xf32, #tpu.memory_space<hbm>>
      %dma_start3A_86 = arith.constant 0 : i32
      %dma_start3A_87 = tpu.memref_slice %arg5[%arg0, %add3A_78, %dma_start3A_86] : memref<2x10112x128xf32, #tpu.memory_space<hbm>> -> memref<1x128x128xf32, #tpu.memory_space<hbm>>
      %dma_start3A_88 = tpu.memref_squeeze %dma_start3A_87 : memref<1x128x128xf32, #tpu.memory_space<hbm>> -> memref<128x128xf32, #tpu.memory_space<hbm>>
      tpu.enqueue_dma source(%arg8 : memref<128x128xf32, #tpu.memory_space<vmem>>) target(%dma_start3A_88 : memref<128x128xf32, #tpu.memory_space<hbm>>) target_semaphore(%run_scoped3A : memref<!tpu.dma_semaphore, #tpu.memory_space<semaphore_mem>>)
      %dma_wait3A = arith.constant 0 : i32
      %dma_wait3A_89 = tpu.memref_slice %arg5[%arg0, %add3A_78, %dma_wait3A] : memref<2x10112x128xf32, #tpu.memory_space<hbm>> -> memref<1x128x128xf32, #tpu.memory_space<hbm>>
      %dma_wait3A_90 = tpu.memref_squeeze %dma_wait3A_89 : memref<1x128x128xf32, #tpu.memory_space<hbm>> -> memref<128x128xf32, #tpu.memory_space<hbm>>
      %dma_wait3A_91 = arith.constant 0 : i32
      %dma_wait3A_92 = tpu.memref_slice %arg5[%arg0, %add3A_78, %dma_wait3A_91] : memref<2x10112x128xf32, #tpu.memory_space<hbm>> -> memref<1x128x128xf32, #tpu.memory_space<hbm>>
      %dma_wait3A_93 = tpu.memref_squeeze %dma_wait3A_92 : memref<1x128x128xf32, #tpu.memory_space<hbm>> -> memref<128x128xf32, #tpu.memory_space<hbm>>
      tpu.wait_dma2 semaphore(%run_scoped3A : memref<!tpu.dma_semaphore, #tpu.memory_space<semaphore_mem>>) src(%arg8 : memref<128x128xf32, #tpu.memory_space<vmem>>) dst(%dma_wait3A_93 : memref<128x128xf32, #tpu.memory_space<hbm>>)
      tpu.yield
    }) : () -> ()
    %add3A_79 = arith.constant 384 : i32
    %add3A_80 = arith.addi %mul3A_7, %add3A_79 : i32
    "tpu.region"() ({
      %run_scoped3A = tpu.sem_alloc : memref<!tpu.dma_semaphore, #tpu.memory_space<semaphore_mem>>
      %dma_start3A_83 = arith.constant 0 : i32
      %dma_start3A_84 = tpu.memref_slice %arg10[%add3A_80, %dma_start3A_83] : memref<10112x128xf32, #tpu.memory_space<vmem_shared>> -> memref<128x128xf32, #tpu.memory_space<vmem_shared>>
      %dma_start3A_85 = arith.constant 0 : i32
      %dma_start3A_86 = tpu.memref_slice %arg10[%add3A_80, %dma_start3A_85] : memref<10112x128xf32, #tpu.memory_space<vmem_shared>> -> memref<128x128xf32, #tpu.memory_space<vmem_shared>>
      tpu.enqueue_dma source(%dma_start3A_86 : memref<128x128xf32, #tpu.memory_space<vmem_shared>>) target(%arg8 : memref<128x128xf32, #tpu.memory_space<vmem>>) target_semaphore(%run_scoped3A : memref<!tpu.dma_semaphore, #tpu.memory_space<semaphore_mem>>)
      %dma_wait3A = arith.constant 0 : i32
      %dma_wait3A_87 = tpu.memref_slice %arg10[%add3A_80, %dma_wait3A] : memref<10112x128xf32, #tpu.memory_space<vmem_shared>> -> memref<128x128xf32, #tpu.memory_space<vmem_shared>>
      %dma_wait3A_88 = arith.constant 0 : i32
      %dma_wait3A_89 = tpu.memref_slice %arg10[%add3A_80, %dma_wait3A_88] : memref<10112x128xf32, #tpu.memory_space<vmem_shared>> -> memref<128x128xf32, #tpu.memory_space<vmem_shared>>
      tpu.wait_dma2 semaphore(%run_scoped3A : memref<!tpu.dma_semaphore, #tpu.memory_space<semaphore_mem>>) src(%dma_wait3A_89 : memref<128x128xf32, #tpu.memory_space<vmem_shared>>) dst(%arg8 : memref<128x128xf32, #tpu.memory_space<vmem>>)
      tpu.yield
    }) : () -> ()
    "tpu.region"() ({
      %run_scoped3A = tpu.sem_alloc : memref<!tpu.dma_semaphore, #tpu.memory_space<semaphore_mem>>
      %dma_start3A_83 = arith.constant 0 : i32
      %dma_start3A_84 = tpu.memref_slice %arg5[%arg0, %add3A_80, %dma_start3A_83] : memref<2x10112x128xf32, #tpu.memory_space<hbm>> -> memref<1x128x128xf32, #tpu.memory_space<hbm>>
      %dma_start3A_85 = tpu.memref_squeeze %dma_start3A_84 : memref<1x128x128xf32, #tpu.memory_space<hbm>> -> memref<128x128xf32, #tpu.memory_space<hbm>>
      %dma_start3A_86 = arith.constant 0 : i32
      %dma_start3A_87 = tpu.memref_slice %arg5[%arg0, %add3A_80, %dma_start3A_86] : memref<2x10112x128xf32, #tpu.memory_space<hbm>> -> memref<1x128x128xf32, #tpu.memory_space<hbm>>
      %dma_start3A_88 = tpu.memref_squeeze %dma_start3A_87 : memref<1x128x128xf32, #tpu.memory_space<hbm>> -> memref<128x128xf32, #tpu.memory_space<hbm>>
      tpu.enqueue_dma source(%arg8 : memref<128x128xf32, #tpu.memory_space<vmem>>) target(%dma_start3A_88 : memref<128x128xf32, #tpu.memory_space<hbm>>) target_semaphore(%run_scoped3A : memref<!tpu.dma_semaphore, #tpu.memory_space<semaphore_mem>>)
      %dma_wait3A = arith.constant 0 : i32
      %dma_wait3A_89 = tpu.memref_slice %arg5[%arg0, %add3A_80, %dma_wait3A] : memref<2x10112x128xf32, #tpu.memory_space<hbm>> -> memref<1x128x128xf32, #tpu.memory_space<hbm>>
      %dma_wait3A_90 = tpu.memref_squeeze %dma_wait3A_89 : memref<1x128x128xf32, #tpu.memory_space<hbm>> -> memref<128x128xf32, #tpu.memory_space<hbm>>
      %dma_wait3A_91 = arith.constant 0 : i32
      %dma_wait3A_92 = tpu.memref_slice %arg5[%arg0, %add3A_80, %dma_wait3A_91] : memref<2x10112x128xf32, #tpu.memory_space<hbm>> -> memref<1x128x128xf32, #tpu.memory_space<hbm>>
      %dma_wait3A_93 = tpu.memref_squeeze %dma_wait3A_92 : memref<1x128x128xf32, #tpu.memory_space<hbm>> -> memref<128x128xf32, #tpu.memory_space<hbm>>
      tpu.wait_dma2 semaphore(%run_scoped3A : memref<!tpu.dma_semaphore, #tpu.memory_space<semaphore_mem>>) src(%arg8 : memref<128x128xf32, #tpu.memory_space<vmem>>) dst(%dma_wait3A_93 : memref<128x128xf32, #tpu.memory_space<hbm>>)
      tpu.yield
    }) : () -> ()
    %add3A_81 = arith.constant 512 : i32
    %add3A_82 = arith.addi %mul3A_7, %add3A_81 : i32
    "tpu.region"() ({
      %run_scoped3A = tpu.sem_alloc : memref<!tpu.dma_semaphore, #tpu.memory_space<semaphore_mem>>
      %dma_start3A_83 = arith.constant 0 : i32
      %dma_start3A_84 = arith.constant 0 : i32
      %dma_start3A_85 = tpu.memref_slice %arg8[%dma_start3A_83, %dma_start3A_84] : memref<128x128xf32, #tpu.memory_space<vmem>> -> memref<120x128xf32, #tpu.memory_space<vmem>>
      %dma_start3A_86 = arith.constant 0 : i32
      %dma_start3A_87 = tpu.memref_slice %arg10[%add3A_82, %dma_start3A_86] : memref<10112x128xf32, #tpu.memory_space<vmem_shared>> -> memref<120x128xf32, #tpu.memory_space<vmem_shared>>
      %dma_start3A_88 = arith.constant 0 : i32
      %dma_start3A_89 = arith.constant 0 : i32
      %dma_start3A_90 = tpu.memref_slice %arg8[%dma_start3A_88, %dma_start3A_89] : memref<128x128xf32, #tpu.memory_space<vmem>> -> memref<120x128xf32, #tpu.memory_space<vmem>>
      %dma_start3A_91 = arith.constant 0 : i32
      %dma_start3A_92 = tpu.memref_slice %arg10[%add3A_82, %dma_start3A_91] : memref<10112x128xf32, #tpu.memory_space<vmem_shared>> -> memref<120x128xf32, #tpu.memory_space<vmem_shared>>
      tpu.enqueue_dma source(%dma_start3A_92 : memref<120x128xf32, #tpu.memory_space<vmem_shared>>) target(%dma_start3A_90 : memref<120x128xf32, #tpu.memory_space<vmem>>) target_semaphore(%run_scoped3A : memref<!tpu.dma_semaphore, #tpu.memory_space<semaphore_mem>>)
      %dma_wait3A = arith.constant 0 : i32
      %dma_wait3A_93 = arith.constant 0 : i32
      %dma_wait3A_94 = tpu.memref_slice %arg8[%dma_wait3A, %dma_wait3A_93] : memref<128x128xf32, #tpu.memory_space<vmem>> -> memref<120x128xf32, #tpu.memory_space<vmem>>
      %dma_wait3A_95 = arith.constant 0 : i32
      %dma_wait3A_96 = tpu.memref_slice %arg10[%add3A_82, %dma_wait3A_95] : memref<10112x128xf32, #tpu.memory_space<vmem_shared>> -> memref<120x128xf32, #tpu.memory_space<vmem_shared>>
      %dma_wait3A_97 = arith.constant 0 : i32
      %dma_wait3A_98 = arith.constant 0 : i32
      %dma_wait3A_99 = tpu.memref_slice %arg8[%dma_wait3A_97, %dma_wait3A_98] : memref<128x128xf32, #tpu.memory_space<vmem>> -> memref<120x128xf32, #tpu.memory_space<vmem>>
      %dma_wait3A_100 = arith.constant 0 : i32
      %dma_wait3A_101 = tpu.memref_slice %arg10[%add3A_82, %dma_wait3A_100] : memref<10112x128xf32, #tpu.memory_space<vmem_shared>> -> memref<120x128xf32, #tpu.memory_space<vmem_shared>>
      tpu.wait_dma2 semaphore(%run_scoped3A : memref<!tpu.dma_semaphore, #tpu.memory_space<semaphore_mem>>) src(%dma_wait3A_101 : memref<120x128xf32, #tpu.memory_space<vmem_shared>>) dst(%dma_wait3A_99 : memref<120x128xf32, #tpu.memory_space<vmem>>)
      tpu.yield
    }) : () -> ()
    "tpu.region"() ({
      %run_scoped3A = tpu.sem_alloc : memref<!tpu.dma_semaphore, #tpu.memory_space<semaphore_mem>>
      %dma_start3A_83 = arith.constant 0 : i32
      %dma_start3A_84 = arith.constant 0 : i32
      %dma_start3A_85 = tpu.memref_slice %arg8[%dma_start3A_83, %dma_start3A_84] : memref<128x128xf32, #tpu.memory_space<vmem>> -> memref<120x128xf32, #tpu.memory_space<vmem>>
      %dma_start3A_86 = arith.constant 0 : i32
      %dma_start3A_87 = tpu.memref_slice %arg5[%arg0, %add3A_82, %dma_start3A_86] : memref<2x10112x128xf32, #tpu.memory_space<hbm>> -> memref<1x120x128xf32, #tpu.memory_space<hbm>>
      %dma_start3A_88 = tpu.memref_squeeze %dma_start3A_87 : memref<1x120x128xf32, #tpu.memory_space<hbm>> -> memref<120x128xf32, #tpu.memory_space<hbm>>
      %dma_start3A_89 = arith.constant 0 : i32
      %dma_start3A_90 = tpu.memref_slice %arg5[%arg0, %add3A_82, %dma_start3A_89] : memref<2x10112x128xf32, #tpu.memory_space<hbm>> -> memref<1x120x128xf32, #tpu.memory_space<hbm>>
      %dma_start3A_91 = tpu.memref_squeeze %dma_start3A_90 : memref<1x120x128xf32, #tpu.memory_space<hbm>> -> memref<120x128xf32, #tpu.memory_space<hbm>>
      %dma_start3A_92 = arith.constant 0 : i32
      %dma_start3A_93 = arith.constant 0 : i32
      %dma_start3A_94 = tpu.memref_slice %arg8[%dma_start3A_92, %dma_start3A_93] : memref<128x128xf32, #tpu.memory_space<vmem>> -> memref<120x128xf32, #tpu.memory_space<vmem>>
      tpu.enqueue_dma source(%dma_start3A_94 : memref<120x128xf32, #tpu.memory_space<vmem>>) target(%dma_start3A_91 : memref<120x128xf32, #tpu.memory_space<hbm>>) target_semaphore(%run_scoped3A : memref<!tpu.dma_semaphore, #tpu.memory_space<semaphore_mem>>)
      %dma_wait3A = arith.constant 0 : i32
      %dma_wait3A_95 = arith.constant 0 : i32
      %dma_wait3A_96 = tpu.memref_slice %arg8[%dma_wait3A, %dma_wait3A_95] : memref<128x128xf32, #tpu.memory_space<vmem>> -> memref<120x128xf32, #tpu.memory_space<vmem>>
      %dma_wait3A_97 = arith.constant 0 : i32
      %dma_wait3A_98 = tpu.memref_slice %arg5[%arg0, %add3A_82, %dma_wait3A_97] : memref<2x10112x128xf32, #tpu.memory_space<hbm>> -> memref<1x120x128xf32, #tpu.memory_space<hbm>>
      %dma_wait3A_99 = tpu.memref_squeeze %dma_wait3A_98 : memref<1x120x128xf32, #tpu.memory_space<hbm>> -> memref<120x128xf32, #tpu.memory_space<hbm>>
      %dma_wait3A_100 = arith.constant 0 : i32
      %dma_wait3A_101 = tpu.memref_slice %arg5[%arg0, %add3A_82, %dma_wait3A_100] : memref<2x10112x128xf32, #tpu.memory_space<hbm>> -> memref<1x120x128xf32, #tpu.memory_space<hbm>>
      %dma_wait3A_102 = tpu.memref_squeeze %dma_wait3A_101 : memref<1x120x128xf32, #tpu.memory_space<hbm>> -> memref<120x128xf32, #tpu.memory_space<hbm>>
      %dma_wait3A_103 = arith.constant 0 : i32
      %dma_wait3A_104 = arith.constant 0 : i32
      %dma_wait3A_105 = tpu.memref_slice %arg8[%dma_wait3A_103, %dma_wait3A_104] : memref<128x128xf32, #tpu.memory_space<vmem>> -> memref<120x128xf32, #tpu.memory_space<vmem>>
      tpu.wait_dma2 semaphore(%run_scoped3A : memref<!tpu.dma_semaphore, #tpu.memory_space<semaphore_mem>>) src(%dma_wait3A_105 : memref<120x128xf32, #tpu.memory_space<vmem>>) dst(%dma_wait3A_102 : memref<120x128xf32, #tpu.memory_space<hbm>>)
      tpu.yield
    }) : () -> ()
    return
  }
}

module attributes {stable_mosaic.version = 14 : i64} {
  func.func @_scale_in_body(%arg0: memref<2x10112x128xf32, #tpu.memory_space<vmem>>, %arg1: memref<10112x256xf32, #tpu.memory_space<vmem>>, %arg2: memref<2x10112x128xf32, #tpu.memory_space<vmem>>) attributes {dimension_semantics = [], scalar_prefetch = 0 : i64, scratch_operands = 0 : i64, tpu.core_type = #tpu.core_type<tc>} {
    %get3A = arith.constant 0 : index
    %get3A_0 = arith.constant 0 : index
    %get3A_1 = arith.constant 0 : index
    %get3A_2 = vector.load %arg0[%get3A, %get3A_0, %get3A_1] : memref<2x10112x128xf32, #tpu.memory_space<vmem>>, vector<1x10112x128xf32>
    %get3A_3 = vector.shape_cast %get3A_2 : vector<1x10112x128xf32> to vector<10112x128xf32>
    %get3A_4 = arith.constant 1 : index
    %get3A_5 = arith.constant 0 : index
    %get3A_6 = arith.constant 0 : index
    %get3A_7 = vector.load %arg0[%get3A_4, %get3A_5, %get3A_6] : memref<2x10112x128xf32, #tpu.memory_space<vmem>>, vector<1x10112x128xf32>
    %get3A_8 = vector.shape_cast %get3A_7 : vector<1x10112x128xf32> to vector<10112x128xf32>
    %add3A = arith.addf %get3A_3, %get3A_8 : vector<10112x128xf32>
    %add3A_9 = arith.constant 1.000000e-07 : f32
    %add3A_10 = vector.broadcast %add3A_9 : f32 to vector<10112x128xf32>
    %add3A_11 = arith.addf %add3A, %add3A_10 : vector<10112x128xf32>
    %rsqrt3A = math.rsqrt %add3A_11 : vector<10112x128xf32>
    %get3A_12 = arith.constant 0 : index
    %get3A_13 = arith.constant 0 : index
    %get3A_14 = vector.load %arg1[%get3A_12, %get3A_13] : memref<10112x256xf32, #tpu.memory_space<vmem>>, vector<10112x128xf32>
    %mul3A = arith.mulf %rsqrt3A, %get3A_14 : vector<10112x128xf32>
    %swap3A = arith.constant 0 : index
    %swap3A_15 = arith.constant 0 : index
    %swap3A_16 = arith.constant 0 : index
    %swap3A_17 = vector.load %arg2[%swap3A, %swap3A_15, %swap3A_16] : memref<2x10112x128xf32, #tpu.memory_space<vmem>>, vector<1x10112x128xf32>
    %swap3A_18 = vector.shape_cast %swap3A_17 : vector<1x10112x128xf32> to vector<10112x128xf32>
    %swap3A_19 = vector.shape_cast %mul3A : vector<10112x128xf32> to vector<1x10112x128xf32>
    tpu.vector_store %arg2[%swap3A, %swap3A_15, %swap3A_16], %swap3A_19 {strides = array<i32>} : memref<2x10112x128xf32, #tpu.memory_space<vmem>>, vector<1x10112x128xf32>,
    %get3A_20 = arith.constant 0 : index
    %get3A_21 = arith.constant 128 : index
    %get3A_22 = vector.load %arg1[%get3A_20, %get3A_21] : memref<10112x256xf32, #tpu.memory_space<vmem>>, vector<10112x128xf32>
    %mul3A_23 = arith.mulf %rsqrt3A, %get3A_22 : vector<10112x128xf32>
    %swap3A_24 = arith.constant 1 : index
    %swap3A_25 = arith.constant 0 : index
    %swap3A_26 = arith.constant 0 : index
    %swap3A_27 = vector.load %arg2[%swap3A_24, %swap3A_25, %swap3A_26] : memref<2x10112x128xf32, #tpu.memory_space<vmem>>, vector<1x10112x128xf32>
    %swap3A_28 = vector.shape_cast %swap3A_27 : vector<1x10112x128xf32> to vector<10112x128xf32>
    %swap3A_29 = vector.shape_cast %mul3A_23 : vector<10112x128xf32> to vector<1x10112x128xf32>
    tpu.vector_store %arg2[%swap3A_24, %swap3A_25, %swap3A_26], %swap3A_29 {strides = array<i32>} : memref<2x10112x128xf32, #tpu.memory_space<vmem>>, vector<1x10112x128xf32>,
    return
  }
}

module attributes {stable_mosaic.version = 14 : i64} {
  func.func @_scale_mid_body(%arg0: memref<2x10112x128xf32, #tpu.memory_space<vmem>>, %arg1: memref<2x10112x128xf32, #tpu.memory_space<vmem>>, %arg2: memref<2x10112x128xf32, #tpu.memory_space<vmem>>) attributes {dimension_semantics = [], scalar_prefetch = 0 : i64, scratch_operands = 0 : i64, tpu.core_type = #tpu.core_type<tc>} {
    %get3A = arith.constant 0 : index
    %get3A_0 = arith.constant 0 : index
    %get3A_1 = arith.constant 0 : index
    %get3A_2 = vector.load %arg0[%get3A, %get3A_0, %get3A_1] : memref<2x10112x128xf32, #tpu.memory_space<vmem>>, vector<1x10112x128xf32>
    %get3A_3 = vector.shape_cast %get3A_2 : vector<1x10112x128xf32> to vector<10112x128xf32>
    %get3A_4 = arith.constant 1 : index
    %get3A_5 = arith.constant 0 : index
    %get3A_6 = arith.constant 0 : index
    %get3A_7 = vector.load %arg0[%get3A_4, %get3A_5, %get3A_6] : memref<2x10112x128xf32, #tpu.memory_space<vmem>>, vector<1x10112x128xf32>
    %get3A_8 = vector.shape_cast %get3A_7 : vector<1x10112x128xf32> to vector<10112x128xf32>
    %add3A = arith.addf %get3A_3, %get3A_8 : vector<10112x128xf32>
    %add3A_9 = arith.constant 1.000000e-07 : f32
    %add3A_10 = vector.broadcast %add3A_9 : f32 to vector<10112x128xf32>
    %add3A_11 = arith.addf %add3A, %add3A_10 : vector<10112x128xf32>
    %div3A = arith.constant 1.000000e+00 : f32
    %div3A_12 = vector.broadcast %div3A : f32 to vector<10112x128xf32>
    %div3A_13 = arith.divf %div3A_12, %add3A_11 : vector<10112x128xf32>
    %get3A_14 = arith.constant 0 : index
    %get3A_15 = arith.constant 0 : index
    %get3A_16 = arith.constant 0 : index
    %get3A_17 = vector.load %arg1[%get3A_14, %get3A_15, %get3A_16] : memref<2x10112x128xf32, #tpu.memory_space<vmem>>, vector<1x10112x128xf32>
    %get3A_18 = vector.shape_cast %get3A_17 : vector<1x10112x128xf32> to vector<10112x128xf32>
    %mul3A = arith.mulf %get3A_18, %div3A_13 : vector<10112x128xf32>
    %swap3A = arith.constant 0 : index
    %swap3A_19 = arith.constant 0 : index
    %swap3A_20 = arith.constant 0 : index
    %swap3A_21 = vector.load %arg2[%swap3A, %swap3A_19, %swap3A_20] : memref<2x10112x128xf32, #tpu.memory_space<vmem>>, vector<1x10112x128xf32>
    %swap3A_22 = vector.shape_cast %swap3A_21 : vector<1x10112x128xf32> to vector<10112x128xf32>
    %swap3A_23 = vector.shape_cast %mul3A : vector<10112x128xf32> to vector<1x10112x128xf32>
    tpu.vector_store %arg2[%swap3A, %swap3A_19, %swap3A_20], %swap3A_23 {strides = array<i32>} : memref<2x10112x128xf32, #tpu.memory_space<vmem>>, vector<1x10112x128xf32>,
    %get3A_24 = arith.constant 1 : index
    %get3A_25 = arith.constant 0 : index
    %get3A_26 = arith.constant 0 : index
    %get3A_27 = vector.load %arg1[%get3A_24, %get3A_25, %get3A_26] : memref<2x10112x128xf32, #tpu.memory_space<vmem>>, vector<1x10112x128xf32>
    %get3A_28 = vector.shape_cast %get3A_27 : vector<1x10112x128xf32> to vector<10112x128xf32>
    %mul3A_29 = arith.mulf %get3A_28, %div3A_13 : vector<10112x128xf32>
    %swap3A_30 = arith.constant 1 : index
    %swap3A_31 = arith.constant 0 : index
    %swap3A_32 = arith.constant 0 : index
    %swap3A_33 = vector.load %arg2[%swap3A_30, %swap3A_31, %swap3A_32] : memref<2x10112x128xf32, #tpu.memory_space<vmem>>, vector<1x10112x128xf32>
    %swap3A_34 = vector.shape_cast %swap3A_33 : vector<1x10112x128xf32> to vector<10112x128xf32>
    %swap3A_35 = vector.shape_cast %mul3A_29 : vector<10112x128xf32> to vector<1x10112x128xf32>
    tpu.vector_store %arg2[%swap3A_30, %swap3A_31, %swap3A_32], %swap3A_35 {strides = array<i32>} : memref<2x10112x128xf32, #tpu.memory_space<vmem>>, vector<1x10112x128xf32>,
    return
  }
}

module attributes {stable_mosaic.version = 14 : i64} {
  func.func @_final_body(%arg0: memref<2x10112x128xf32, #tpu.memory_space<vmem>>, %arg1: memref<2x10112x128xf32, #tpu.memory_space<vmem>>, %arg2: memref<10000x256xf32, #tpu.memory_space<vmem>>, %arg3: memref<10000x256xf32, #tpu.memory_space<vmem>>) attributes {dimension_semantics = [], scalar_prefetch = 0 : i64, scratch_operands = 0 : i64, tpu.core_type = #tpu.core_type<tc>} {
    %get3A = arith.constant 0 : index
    %get3A_0 = arith.constant 0 : index
    %get3A_1 = arith.constant 0 : index
    %get3A_2 = vector.load %arg0[%get3A, %get3A_0, %get3A_1] : memref<2x10112x128xf32, #tpu.memory_space<vmem>>, vector<1x10112x128xf32>
    %get3A_3 = vector.shape_cast %get3A_2 : vector<1x10112x128xf32> to vector<10112x128xf32>
    %get3A_4 = arith.constant 1 : index
    %get3A_5 = arith.constant 0 : index
    %get3A_6 = arith.constant 0 : index
    %get3A_7 = vector.load %arg0[%get3A_4, %get3A_5, %get3A_6] : memref<2x10112x128xf32, #tpu.memory_space<vmem>>, vector<1x10112x128xf32>
    %get3A_8 = vector.shape_cast %get3A_7 : vector<1x10112x128xf32> to vector<10112x128xf32>
    %add3A = arith.addf %get3A_3, %get3A_8 : vector<10112x128xf32>
    %add3A_9 = arith.constant 1.000000e-07 : f32
    %add3A_10 = vector.broadcast %add3A_9 : f32 to vector<10112x128xf32>
    %add3A_11 = arith.addf %add3A, %add3A_10 : vector<10112x128xf32>
    %rsqrt3A = math.rsqrt %add3A_11 : vector<10112x128xf32>
    %slice3A = vector.extract_strided_slice %rsqrt3A {offsets = [0, 0], sizes = [10000, 128], strides = [1, 1]} : vector<10112x128xf32> to vector<10000x128xf32>
    %get3A_12 = arith.constant 0 : index
    %get3A_13 = arith.constant 0 : index
    %get3A_14 = vector.load %arg2[%get3A_12, %get3A_13] : memref<10000x256xf32, #tpu.memory_space<vmem>>, vector<10000x128xf32>
    %get3A_15 = arith.constant 0 : index
    %get3A_16 = arith.constant 0 : index
    %get3A_17 = arith.constant 0 : index
    %get3A_18 = vector.load %arg1[%get3A_15, %get3A_16, %get3A_17] : memref<2x10112x128xf32, #tpu.memory_space<vmem>>, vector<1x10000x128xf32>
    %get3A_19 = vector.shape_cast %get3A_18 : vector<1x10000x128xf32> to vector<10000x128xf32>
    %mul3A = arith.mulf %slice3A, %get3A_19 : vector<10000x128xf32>
    %add3A_20 = arith.addf %get3A_14, %mul3A : vector<10000x128xf32>
    %swap3A = arith.constant 0 : index
    %swap3A_21 = arith.constant 0 : index
    %swap3A_22 = vector.load %arg3[%swap3A, %swap3A_21] : memref<10000x256xf32, #tpu.memory_space<vmem>>, vector<10000x128xf32>
    tpu.vector_store %arg3[%swap3A, %swap3A_21], %add3A_20 {strides = array<i32>} : memref<10000x256xf32, #tpu.memory_space<vmem>>, vector<10000x128xf32>,
    %get3A_23 = arith.constant 0 : index
    %get3A_24 = arith.constant 128 : index
    %get3A_25 = vector.load %arg2[%get3A_23, %get3A_24] : memref<10000x256xf32, #tpu.memory_space<vmem>>, vector<10000x128xf32>
    %get3A_26 = arith.constant 1 : index
    %get3A_27 = arith.constant 0 : index
    %get3A_28 = arith.constant 0 : index
    %get3A_29 = vector.load %arg1[%get3A_26, %get3A_27, %get3A_28] : memref<2x10112x128xf32, #tpu.memory_space<vmem>>, vector<1x10000x128xf32>
    %get3A_30 = vector.shape_cast %get3A_29 : vector<1x10000x128xf32> to vector<10000x128xf32>
    %mul3A_31 = arith.mulf %slice3A, %get3A_30 : vector<10000x128xf32>
    %add3A_32 = arith.addf %get3A_25, %mul3A_31 : vector<10000x128xf32>
    %swap3A_33 = arith.constant 0 : index
    %swap3A_34 = arith.constant 128 : index
    %swap3A_35 = vector.load %arg3[%swap3A_33, %swap3A_34] : memref<10000x256xf32, #tpu.memory_space<vmem>>, vector<10000x128xf32>
    tpu.vector_store %arg3[%swap3A_33, %swap3A_34], %add3A_32 {strides = array<i32>} : memref<10000x256xf32, #tpu.memory_space<vmem>>, vector<10000x128xf32>,
    return
  }
}

</mosaic_0001>

<sc_bundles>
// kernel: kernel.11.cloned.1.call-start
scs
__scs_entry_jumppad:
0x0: {  	(pc) =	sbr.rel $0x88, $3  }
0x1: {  	(tag) =	ssettag $0x0;
	lr =	simm.s32 $0x1  }
0x2: {  	[smem:$0x3F9F] =	sst lr;
	_ =	strace $0xD0000000  }
0x3: {  	_ = 	snop  }
0x4: {  	_ = 	snop  }
0x5: {  	_ = 	snop  }
0x6: {  	_ = 	snop  }
0x7: {  	_ = 	snop  }
__scs_overlays_trampoline_lowered:
0x8: {  	[smem:$0x3FAE] =	sst s0  }
0x9: {  	[smem:$0x3FAF] =	sst s1  }
0xa: {  	[smem:$0x3FB0] =	sst s2  }
0xb: {  	[smem:$0x3FB1] =	sst s3  }
0xc: {  	[smem:$0x3FB2] =	sst s4  }
0xd: {  	[smem:$0x3FB3] =	sst s5  }
0xe: {  	[smem:$0x3FB4] =	sst s6  }
0xf: {  	[smem:$0x3FB5] =	sst s7  }
0x10: {  	[smem:$0x3FB6] =	sst s8  }
0x11: {  	[smem:$0x3FB7] =	sst s9;
	s0 =	simm.s32 @!p0 $0x0  }
0x12: {  	s1 =	sld [smem:$0x3F9D];
	s0 =	simm.s32 @p0 $0x1  }
0x13: {  	[smem:$0x3FB8] =	sst s0;
	s0 =	simm.s32 @!p1 $0x0  }
0x14: {  	s2 =	sld [smem:$0x3F9C];
	s0 =	simm.s32 @p1 $0x1  }
0x15: {  	[smem:$0x3FB9] =	sst s0;
	s0 =	simm.s32 @!p2 $0x0  }
0x16: {  	s3 =	sld [smem:$0x3FDB];
	s0 =	simm.s32 @p2 $0x1  }
0x17: {  	s4 =	simm.s32 $0x1BF5;
	[smem:$0x3FBB] =	sst s0  }
0x18: {  	s0 =	sld [smem:$0x3F9E];
	_ =	swait.ge [sflag:s4], $0x0  }
0x19: {  	s7 =	sld [smem:$0x3F9F]  }
0x1a: {  	s8 =	sadd.s32 $0xFFFFE003, lr  }
0x1b: {  	s9 =	sadd.s32 $0xFFFFFEF7, lr;
	s5 =	simm.s32 $0xFFFFFFFF;
	p2 =	slt.u32 s8, $0xFFFFF086  }
0x1c: {  	p1 =	slt.u32 s9, $0xF7A;
	s5 =	simm.s32 @!p2 $0x0  }
0x1d: {  	s5 =	simm.s32 @p1 $0x1;
	p0 =	seq.s32 s7, s2  }
0x1e: {  	s7 =	smul.u32 @!p0 $0xF7A, s2;
	p2 =	seq.s32 @!p0 s5, $0x0  }
0x1f: {  	s9 =	smul.u32 $0xF7A, s1;
	s8 =	simm.s32 @!p0 $0x1BF5;
	p2 =	por !p2, p0  }
0x20: {  	[sflag:s8] =	ssyncset.s32 @!p0 $0xFFFFF086;
	s6 =	sadd.s32 @!p0 s3, s7;
	s7 =	simm.s32 @!p0 $0x108  }
0x21: {  	s3 =	sadd.s32 s3, s9;
	s6 =	sadd.s32 @!p0 $0x88, s6;
	s7 =	simm.s32 @p2 $0x1082  }
0x22: {  	[simem:s7], [sflag:s8] =	dma.local @!p0 [hbm:s6], $0xF7A  }
0x23: {  	s9 =	sor.u32 $0xD0000000, s2;
	s6 =	simm.s32 $0x108;
	_ =	swait.ge @!p0 [sflag:s8], $0x0  }
0x24: {  	s3 =	sadd.s32 $0x88, s3;
	s6 =	simm.s32 @!p1 $0x1082;
	[sflag:s4] =	ssyncset.s32 $0xFFFFF086  }
0x25: {  	[simem:s6], [sflag:s4] =	dma.local [hbm:s3], $0xF7A  }
0x26: {  	[smem:$0x3F9F] =	sst s1;
	(tag) =	ssettag s2;
	_ =	strace s9  }
0x27: {  	s1 =	sld [smem:$0x3FAF]  }
0x28: {  	s2 =	sld [smem:$0x3FB0]  }
0x29: {  	s4 =	sld [smem:$0x3FB2]  }
0x2a: {  	p0 =	seq.s32 s5, $0x0;
	s5 =	sld [smem:$0x3FB3]  }
0x2b: {  	s6 =	sld [smem:$0x3FB4]  }
0x2c: {  	s7 =	sld [smem:$0x3FB5]  }
0x2d: {  	s3 =	simm.s32 $0x108;
	s8 =	sld [smem:$0x3FB6]  }
0x2e: {  	s3 =	simm.s32 @!p0 $0x1082;
	s9 =	sld [smem:$0x3FB7]  }
0x2f: {  	lr =	sadd.s32 s0, s3;
	s0 =	sld [smem:$0x3FAE]  }
0x30: {  	s3 =	sld [smem:$0x3FB1]  }
0x31: {  	[smem:$0x3FBA] =	sst s10  }
0x32: {  	s10 =	sld [smem:$0x3FB8];
	_ =	sdelay $0x3  }
0x33: {  	p0 =	seq.s32 s10, $0x1;
	s10 =	sld [smem:$0x3FBA];
	_ =	sdelay $0x3  }
0x34: {  	[smem:$0x3FBA] =	sst s10  }
0x35: {  	s10 =	sld [smem:$0x3FB9];
	_ =	sdelay $0x3  }
0x36: {  	p1 =	seq.s32 s10, $0x1;
	s10 =	sld [smem:$0x3FBA];
	_ =	sdelay $0x3  }
0x37: {  	[smem:$0x3FBA] =	sst s10  }
0x38: {  	s10 =	sld [smem:$0x3FBB]  }
0x39: {  	_ = 	snop;
	(pc) =	sbr.ind lr, $3  }
0x3a: {  	_ = 	snop  }
0x3b: {  	_ = 	snop  }
0x3c: {  	p2 =	seq.s32 s10, $0x1;
	s10 =	sld [smem:$0x3FBA]  }
0x3d: {  	_ =	shalt  }
0x3e: {  	_ =	shalt  }
0x3f: {  	_ =	shalt  }
0x40: {  	_ =	shalt  }
0x41: {  	_ =	shalt  }
0x42: {  	_ =	shalt  }
0x43: {  	_ =	shalt  }
0x44: {  	_ =	shalt  }
0x45: {  	_ =	shalt  }
0x46: {  	_ =	shalt  }
0x47: {  	_ =	shalt  }
0x48: {  	_ =	shalt  }
0x49: {  	_ =	shalt  }
0x4a: {  	_ =	shalt  }
0x4b: {  	_ =	shalt  }
0x4c: {  	_ =	shalt  }
0x4d: {  	_ =	shalt  }
0x4e: {  	_ =	shalt  }
0x4f: {  	_ =	shalt  }
0x50: {  	_ =	shalt  }
0x51: {  	_ =	shalt  }
0x52: {  	_ =	shalt  }
0x53: {  	_ =	shalt  }
0x54: {  	_ =	shalt  }
0x55: {  	_ =	shalt  }
0x56: {  	_ =	shalt  }
0x57: {  	_ =	shalt  }
0x58: {  	_ =	shalt  }
0x59: {  	_ =	shalt  }
0x5a: {  	_ =	shalt  }
0x5b: {  	_ =	shalt  }
0x5c: {  	_ =	shalt  }
0x5d: {  	_ =	shalt  }
0x5e: {  	_ =	shalt  }
0x5f: {  	_ =	shalt  }
0x60: {  	_ =	shalt  }
0x61: {  	_ =	shalt  }
0x62: {  	_ =	shalt  }
0x63: {  	_ =	shalt  }
0x64: {  	_ =	shalt  }
0x65: {  	_ =	shalt  }
0x66: {  	_ =	shalt  }
0x67: {  	_ =	shalt  }
0x68: {  	_ =	shalt  }
0x69: {  	_ =	shalt  }
0x6a: {  	_ =	shalt  }
0x6b: {  	_ =	shalt  }
0x6c: {  	_ =	shalt  }
0x6d: {  	_ =	shalt  }
0x6e: {  	_ =	shalt  }
0x6f: {  	_ =	shalt  }
0x70: {  	_ =	shalt  }
0x71: {  	_ =	shalt  }
0x72: {  	_ =	shalt  }
0x73: {  	_ =	shalt  }
0x74: {  	_ =	shalt  }
0x75: {  	_ =	shalt  }
0x76: {  	_ =	shalt  }
0x77: {  	_ =	shalt  }
0x78: {  	_ =	shalt  }
0x79: {  	_ =	shalt  }
0x7a: {  	_ =	shalt  }
0x7b: {  	_ =	shalt  }
0x7c: {  	_ =	shalt  }
0x7d: {  	_ =	shalt  }
0x7e: {  	_ =	shalt  }
0x7f: {  	_ =	shalt  }
0x80: {  	_ =	shalt  }
0x81: {  	_ =	shalt  }
0x82: {  	_ =	shalt  }
0x83: {  	_ =	shalt  }
0x84: {  	_ =	shalt  }
0x85: {  	_ =	shalt  }
0x86: {  	_ =	shalt  }
0x87: {  	_ =	shalt  }
.Lfunc_end0:
.L_simem_size_0:
called_computation.1_lowered:
.L_overlay_start_0:
0x88: {  	s2 =	sld [smem:$0x3FD9]  }
0x89: {  	s3 =	sld [smem:$0x3FFE];
	_ =	sdelay $0x1  }
0x8a: {  	s1 =	srdreg.scid  }
0x8b: {  	s0 =	sand.u32 $0x1, s1  }
0x8c: {  	s17 =	sshll.u32 s0, $0xA;
	s2 =	sadd.s32 s3, s2  }
0x8d: {  	s2 =	sadd.s32 s2, s17  }
0x8e: {  	[smem:$0x3FC6] =	sst s2  }
0x8f: {  	_ = 	snop  }
0x90: {  	s2 =	sld [smem:$0x3FD0];
	(tm) =	ssettm $0x1  }
0x91: {  	s18 =	sld [smem:$0x3FFB];
	_ =	sdelay $0x3  }
0x92: {  	_ =	strace s18  }
0x93: {  	s3 =	sld [smem:$0x3FFC];
	_ =	sdelay $0x3  }
0x94: {  	_ =	strace s3  }
0x95: {  	s3 =	sld [smem:$0x3FFD];
	_ =	sdelay $0x3  }
0x96: {  	_ =	strace s3  }
0x97: {  	_ =	strace $0x8FFFFFFF  }
0x98: {  	s19 =	sld [smem:$0x3FDB];
	_ =	sdelay $0x1  }
0x99: {  	s4 =	simm.s32 $_scs_section_size  }
0x9a: {  	s5 =	simm.s32 $_size__tile_overlayer_lowered;
	s6 =	simm.s32 $_tile_overlayer_lowered  }
0x9b: {  	s22 =	simm.s32 $0x1BFF;
	s21 =	sshll.u32 s6, $0x1;
	s3 =	sadd.s32 s4, s19  }
0x9c: {  	s7 =	simm.s32 $0x0;
	s20 =	sshll.u32 s5, $0x1;
	s5 =	sadd.s32 s21, s3  }
0x9d: {  	[timem:s7], [sflag:s22] =	dma.local [hbm:s5], s20  }
0x9e: {  	_ =	swait.ge [sflag:s22], s20  }
0x9f: {  	s4 =	ssub.s32 $0x0, s20;
	[sflag:s22] =	ssyncset.done $0x0  }
0xa0: {  	[sflag:s22] =	ssyncadd.s32 s4;
	_ =	sdelay $0x1  }
0xa1: {  	s23 =	simm.s32 $0x1B8B  }
0xa2: {  	_ =	swait.ge [sflag:s23], $0x1  }
0xa3: {  	[sflag:s23] =	ssyncset.done $0x0  }
0xa4: {  	s25 =	simm.s32 $0x1B8E;
	s24 =	sld [smem:$0x3FFE];
	[sflag:s23] =	ssyncadd.s32 $0xFFFFFFFF  }
0xa5: {  	s26 =	simm.s32 $execute0_lowered;
	[smem:$0x3FD2] =	sst s25  }
0xa6: {  	s5 =	sshll.u32 s26, $0x1;
	_ =	strace $0x80000049;
	[dreg:$0x1] =	wrdreg $0xFFFFFFFF  }
0xa7: {  	s28 =	simm.s32 $_size_execute0_lowered;
	s3 =	sadd.s32 s3, s5;
	[dreg:$0x0] =	wrdreg $0x0  }
0xa8: {  	s5 =	sshll.u32 s28, $0x1;
	[dreg:$0x2] =	wrdreg s3  }
0xa9: {  	[dreg:$0x3] =	wrdreg s5  }
0xaa: {  	[dreg:$0x4] =	wrdreg $0xC0  }
0xab: {  	_ =	task [dreg:s7], $0x5FFFF  }
0xac: {  	[dreg:$0x1] =	wrdreg $0xFFFFFFFF  }
0xad: {  	[dreg:$0x0] =	wrdreg $0x60  }
0xae: {  	[dreg:$0x2] =	wrdreg s24  }
0xaf: {  	[dreg:$0x3] =	wrdreg s2  }
0xb0: {  	[dreg:$0x4] =	wrdreg $0xA8000  }
0xb1: {  	[dreg:$0x5] =	wrdreg $0x9  }
0xb2: {  	_ =	task.clear_ibuf [dreg:s7], $0x6FFFF;
	_ =	strace $0x90000049  }
0xb3: {  	s29 =	simm.s32 $0x9;
	_ =	strace $0x8000004B  }
0xb4: {  	_ =	swait.ge [sflag:s29], $0x1  }
0xb5: {  	[sflag:s29] =	ssyncadd.s32 $0xFFFFFFFF  }
0xb6: {  	_ =	strace $0x9000004B  }
0xb7: {  	_ =	sfence  }
0xb8: {  	s30 =	sld [smem:$0x0];
	_ =	sdelay $0x2  }
0xb9: {  	s31 =	sshll.u32 s1, $0xD;
	s1 =	sshrl.u32 s1, $0x2  }
0xba: {  	s3 =	sand.u32 $0x4000, s31;
	s1 =	sadd.s32 s1, s30  }
0xbb: {  	s0 =	sor.u32 s3, s0;
	s1 =	sshll.u32 s1, $0x11  }
0xbc: {  	s0 =	sor.u32 s1, s0  }
0xbd: {  	s0 =	sadd.s32 $0x8F2B, s0  }
0xbe: {  	[sflag:s0] =	ssyncadd.remote.s32 $0x1  }
0xbf: {  	_ =	sfence.sel $0xFFFF  }
0xc0: {  	[dreg:$0x0] =	wrdreg $0xFFFFFFFF;
	(pc) =	sbr.abs _section_cstart, $3  }
0xc1: {  	[dreg:$0x1] =	wrdreg $0xFFFFFFFF  }
0xc2: {  	_ =	task.clear_ibuf [dreg:s7], $0x2FFFF;
	_ =	strace $0x9FFFFFFF  }
0xc3: {  	(tm) =	ssettm $0x7FFFFFFF  }
tec
execute0_lowered:
.L_overlay_start_1:
0x0: {  	(tag) =	ssettag $0x1  }
0x1: {  	s0 =	rddreg [dreg:$0x0]  }
0x2: {  	s3 =	rddreg [dreg:$0x1]  }
0x3: {  	s1 =	rddreg [dreg:$0x2];
	s2 =	simm.s32 $0x0;
	s8 =	stileid.u32  }
0x4: {  	s5 =	srdreg.scid;
	s28 =	simm.s32 $0x2;
	s6 =	smul.u32 $0x4F000, s8  }
0x5: {  	s30 =	simm.s32 $0x1380;
	s31 =	simm.s32 $0x0;
	s13 =	smul.u32 $0x13C00, s8  }
0x6: {  	[smem:$0x7FF] =	sst s2;
	s4 =	sadd.s32 $0x6800, s0;
	s11 =	smul.u32 $0x500, s8  }
0x7: {  	s10 =	sand.u32 $0x1, s5;
	s12 =	sadd.s32 $0x1800, s0;
	s15 =	smul.u32 $0x2800, s8  }
0x8: {  	s0 =	sadd.s32 $0x55800, s0;
	s5 =	ssub.s32 $0x2, s10;
	s29 =	smul.u32 $0x2780, s10  }
0x9: {  	_ =	strace $0x8000004A;
	s20 =	smul.u32 $0x13C000, s10;
	s7 =	sshrl.u32 s5, $0x1  }
0xa: {  	s21 =	sshrl.u32 s6, $0x2;
	s14 =	sadd.s32 $0x4000, s13;
	s16 =	sadd.s32 $0x8000, s13  }
0xb: {  	s17 =	sadd.s32 $0xC000, s13;
	s18 =	sadd.s32 $0x10000, s13;
	s22 =	sadd.s32 s12, s11  }
0xc: {  	s11 =	sadd.s32 s3, s11;
	s15 =	sshrl.u32 s15, $0x3;
	s19 =	ssub.s32 s5, s7  }
0xd: {  	s5 =	sadd.s32 s21, s1;
	s6 =	sadd.s32 s14, s1;
	s7 =	sadd.s32 s16, s1  }
0xe: {  	s8 =	sadd.s32 s17, s1;
	s9 =	sadd.s32 s18, s1;
	[dreg:$0x4] =	wrdreg s22  }
0xf: {  	s15 =	sadd.s32 $0x280, s15;
	s13 =	sadd.s32 s13, s20;
	s14 =	sadd.s32 s20, s14  }
0x10: {  	s23 =	sadd.s32 s20, s16;
	s24 =	sadd.s32 s20, s17;
	s25 =	sadd.s32 s20, s18  }
0x11: {  	v0 =	vmov s29;
	s29 =	simm.s32 $0x1300;
	s12 =	sadd.s32 s12, s15;
	s21 =	sshrl.u32 s13, $0x3  }
0x12: {  	s22 =	sshrl.u32 s14, $0x3;
	s13 =	sadd.s32 s3, s15;
	s3 =	sshrl.u32 s23, $0x3  }
0x13: {  	s26 =	sshrl.u32 s24, $0x3;
	s20 =	sshrl.u32 s25, $0x3;
	s19 =	smax.u32 s19, $0x1  }
0x14: {  	s23 =	simm.s32 $0x80;
	s24 =	simm.s32 $0x1480;
	s25 =	simm.s32 $0x6800  }
0x15: {  	s14 =	sadd.s32 s0, s21;
	s15 =	sadd.s32 s0, s22;
	s16 =	sadd.s32 s0, s3  }
0x16: {  	s17 =	sadd.s32 s0, s26;
	s18 =	sadd.s32 s0, s20;
	s20 =	simm.s32 $0x2800  }
0x17: {  	v1 =	vimm.f32 $0.0e+00;
	s21 =	simm.s32 $0x3;
	s22 =	simm.s32 $0x1400;
	s26 =	simm.s32 $0x1  }
.LBB2_1:
0x18: {  	s0 =	simm.s32 $0x0;
	s3 =	simm.s32 $0x200  }
.LBB2_2:
0x19: {  	p0 =	sne.s32 s3, $0xFE00;
	[tilespmem:s0+$0x2870] =	vst v1  }
0x1a: {  	[tilespmem:s0+$0x2800] =	vst v1  }
0x1b: {  	[tilespmem:s0+$0x2810] =	vst v1  }
.Ltmp0:
0x1c: {  	[tilespmem:s0+$0x2820] =	vst v1;
	(pc) =	sbr.rel @p0 .LBB2_2-.Ltmp0, $4  }
0x1d: {  	[tilespmem:s0+$0x2830] =	vst v1  }
0x1e: {  	[tilespmem:s0+$0x2840] =	vst v1  }
0x1f: {  	[tilespmem:s0+$0x2850] =	vst v1  }
0x20: {  	[tilespmem:s0+$0x2860] =	vst v1;
	s0 =	sshra.s32 s3, $0x2;
	s3 =	sadd.s32 $0x200, s3  }
0x21: {  	[tilespmem:s0+$0x2870] =	vst v1  }
0x22: {  	[tilespmem:s0+$0x2800] =	vst v1  }
0x23: {  	[tilespmem:s0+$0x2810] =	vst v1  }
0x24: {  	[tilespmem:s0+$0x2820] =	vst v1  }
0x25: {  	[tilespmem:s0+$0x2830] =	vst v1  }
0x26: {  	[tilespmem:s0+$0x2840] =	vst v1  }
0x27: {  	[tilespmem:s0+$0x2850] =	vst v1  }
0x28: {  	[tilespmem:s0+$0x2860] =	vst v1  }
0x29: {  	[spmem:s5] =	stream.linear.scatter [tilespmem:s20], [sflag:$0x3], $0x4000, $0x38;
	[tilespmem:$0x1E400] =	vst v63  }
0x2a: {  	_ =	swait.ge [sflag:s21], $0x4000  }
0x2b: {  	[sflag:s21] =	ssyncset.done $0x0  }
0x2c: {  	[sflag:s21] =	ssyncadd.s32 $0xFFFFC000  }
0x2d: {  	[spmem:s6] =	stream.linear.scatter [tilespmem:s20], [sflag:$0x3], $0x4000, $0x38;
	[tilespmem:$0x1E400] =	vst v63  }
0x2e: {  	_ =	swait.ge [sflag:s21], $0x4000  }
0x2f: {  	[sflag:s21] =	ssyncset.done $0x0  }
0x30: {  	[sflag:s21] =	ssyncadd.s32 $0xFFFFC000  }
0x31: {  	[spmem:s7] =	stream.linear.scatter [tilespmem:s20], [sflag:$0x3], $0x4000, $0x38;
	[tilespmem:$0x1E400] =	vst v63  }
0x32: {  	_ =	swait.ge [sflag:s21], $0x4000  }
0x33: {  	[sflag:s21] =	ssyncset.done $0x0  }
0x34: {  	[sflag:s21] =	ssyncadd.s32 $0xFFFFC000  }
0x35: {  	[spmem:s8] =	stream.linear.scatter [tilespmem:s20], [sflag:$0x3], $0x4000, $0x38;
	[tilespmem:$0x1E400] =	vst v63  }
0x36: {  	_ =	swait.ge [sflag:s21], $0x4000  }
0x37: {  	[sflag:s21] =	ssyncset.done $0x0  }
0x38: {  	[sflag:s21] =	ssyncadd.s32 $0xFFFFC000  }
0x39: {  	[spmem:s9] =	stream.linear.scatter [tilespmem:s20], [sflag:$0x3], $0x3C00, $0x38;
	[tilespmem:$0x1E400] =	vst v63  }
0x3a: {  	_ =	swait.ge [sflag:s21], $0x3C00  }
0x3b: {  	[sflag:s21] =	ssyncset.done $0x0  }
0x3c: {  	[sflag:s21] =	ssyncadd.s32 $0xFFFFC400  }
0x3d: {  	[bflag:$0x0] =	sbarrier.arrive $0xFFFF  }
0x3e: {  	s10 =	simm.s32 $0x0;
	s3 =	rddreg [dreg:$0x4]  }
0x3f: {  	[tilespmem:s10], [sflag:$0x3] =	stream.linear.gather [hbm4b:s3+s10], $0x1400, $0x38;
	[tilespmem:$0x1E400] =	vst v63  }
0x40: {  	_ =	swait.ge [sflag:s21], $0x1400  }
0x41: {  	[sflag:s21] =	ssyncset.done $0x0  }
0x42: {  	[sflag:s21] =	ssyncadd.s32 $0xFFFFEC00  }
0x43: {  	[tilespmem:s22], [sflag:$0x3] =	stream.linear.gather [hbm4b:s11+s10], $0x1400, $0x38;
	[tilespmem:$0x1E400] =	vst v63  }
0x44: {  	_ =	swait.ge [sflag:s21], $0x1400  }
0x45: {  	[sflag:s21] =	ssyncset.done $0x0  }
0x46: {  	s0 =	simm.s32 $0x0;
	[sflag:s21] =	ssyncadd.s32 $0xFFFFEC00  }
0x47: {  	v4 =	vld [tilespmem:s0+$0x1400]  }
0x48: {  	v6 =	vld [tilespmem:s0+$0x1410]  }
0x49: {  	v5 =	vld [tilespmem:s0+$0x1420]  }
0x4a: {  	v3 =	vld [tilespmem:s0+$0x1430]  }
0x4b: {  	v2 =	vld [tilespmem:s0+$0x1440]  }
0x4c: {  	v7 =	vadd.s32 v0, v4;
	v4 =	vld [tilespmem:s0+$0x1450]  }
0x4d: {  	s3 =	simm.s32 $0x200;
	[tilespmem:s0+$0x1400] =	vst v7;
	v7 =	vadd.s32 v0, v6;
	v6 =	vld [tilespmem:s0+$0x1460]  }
.LBB2_4:
0x4e: {  	s10 =	sshra.s32 s3, $0x2;
	p0 =	sne.s32 s3, $0x4E00;
	[tilespmem:s0+$0x1410] =	vst v7;
	v5 =	vadd.s32 v0, v5;
	v7 =	vld [tilespmem:s0+$0x1470]  }
0x4f: {  	v8 =	vld [tilespmem:s10+$0x1400];
	[tilespmem:s0+$0x1420] =	vst v5;
	v3 =	vadd.s32 v0, v3  }
0x50: {  	v9 =	vld [tilespmem:s10+$0x1410];
	[tilespmem:s0+$0x1430] =	vst v3;
	v2 =	vadd.s32 v0, v2  }
.Ltmp1:
0x51: {  	v5 =	vld [tilespmem:s10+$0x1420];
	[tilespmem:s0+$0x1440] =	vst v2;
	v2 =	vadd.s32 v0, v4;
	(pc) =	sbr.rel @p0 .LBB2_4-.Ltmp1, $4  }
0x52: {  	v3 =	vld [tilespmem:s10+$0x1430];
	[tilespmem:s0+$0x1450] =	vst v2;
	v4 =	vadd.s32 v0, v6  }
0x53: {  	v2 =	vld [tilespmem:s10+$0x1440];
	[tilespmem:s0+$0x1460] =	vst v4;
	v6 =	vadd.s32 v0, v7  }
0x54: {  	v7 =	vadd.s32 v0, v8;
	v4 =	vld [tilespmem:s10+$0x1450];
	[tilespmem:s0+$0x1470] =	vst v6;
	s0 =	smov.u32 s10  }
0x55: {  	s3 =	sadd.s32 $0x200, s3;
	[tilespmem:s0+$0x1400] =	vst v7;
	v7 =	vadd.s32 v0, v9;
	v6 =	vld [tilespmem:s0+$0x1460]  }
0x56: {  	[tilespmem:s0+$0x1410] =	vst v7;
	v5 =	vadd.s32 v0, v5;
	v63 =	vld [tilespmem:s0+$0x1470]  }
0x57: {  	[tilespmem:s0+$0x1420] =	vst v5;
	v3 =	vadd.s32 v0, v3  }
0x58: {  	[tilespmem:s0+$0x1430] =	vst v3;
	v2 =	vadd.s32 v0, v2  }
0x59: {  	[tilespmem:s0+$0x1440] =	vst v2;
	v2 =	vadd.s32 v0, v4  }
0x5a: {  	[tilespmem:s0+$0x1450] =	vst v2;
	v2 =	vadd.s32 v0, v6  }
0x5b: {  	[tilespmem:s0+$0x1460] =	vst v2;
	v2 =	vadd.s32 v0, v63  }
0x5c: {  	[tilespmem:s0+$0x1470] =	vst v2  }
0x5d: {  	[tilespmem:s20], [sflag:$0x1] =	stream.indirect.gather [hbm4b:s4+s23], $0x80, s22, s23, $0xb8;
	[tilespmem:$0x1E400] =	vst v63  }
0x5e: {  	_ = 	snop  }
0x5f: {  	[tilespmem:s25], [sflag:$0x2] =	stream.indirect.gather [hbm4b:s4+s23], $0x80, s24, s23, $0xb8;
	[tilespmem:$0x1E400] =	vst v63  }
0x60: {  	_ =	swait.ge [sflag:s26], $0x4000  }
0x61: {  	[sflag:s26] =	ssyncset.done $0x0  }
0x62: {  	s10 =	simm.s32 $0x0;
	[sflag:s26] =	ssyncadd.s32 $0xFFFFC000  }
0x63: {  	[spmem:s1] =	stream.indirect.scatter.add.f32 [tilespmem:s20], [sflag:$0x3], $0x80, s10, s23, $0xb8;
	[tilespmem:$0x1E400] =	vst v63  }
0x64: {  	_ =	swait.ge [sflag:s21], $0x4000  }
0x65: {  	[sflag:s21] =	ssyncset.done $0x0  }
0x66: {  	s3 =	simm.s32 $0x1500;
	[sflag:s21] =	ssyncadd.s32 $0xFFFFC000  }
0x67: {  	[tilespmem:s20], [sflag:$0x1] =	stream.indirect.gather [hbm4b:s4+s23], $0x80, s3, s23, $0xb8;
	[tilespmem:$0x1E400] =	vst v63  }
0x68: {  	_ =	swait.ge [sflag:s28], $0x4000  }
0x69: {  	[sflag:s28] =	ssyncset.done $0x0  }
0x6a: {  	s10 =	simm.s32 $0x80;
	[sflag:s28] =	ssyncadd.s32 $0xFFFFC000  }
0x6b: {  	[spmem:s1] =	stream.indirect.scatter.add.f32 [tilespmem:s25], [sflag:$0x3], $0x80, s10, s23, $0xb8;
	[tilespmem:$0x1E400] =	vst v63  }
0x6c: {  	_ =	swait.ge [sflag:s21], $0x4000  }
0x6d: {  	[sflag:s21] =	ssyncset.done $0x0  }
0x6e: {  	s0 =	simm.s32 $0x400;
	s3 =	simm.s32 $0x1580;
	[sflag:s21] =	ssyncadd.s32 $0xFFFFC000  }
.LBB2_6:
0x6f: {  	[tilespmem:s25], [sflag:$0x2] =	stream.indirect.gather [hbm4b:s4+s23], $0x80, s3, s23, $0xb8;
	[tilespmem:$0x1E400] =	vst v63  }
0x70: {  	s3 =	smov.u32 s0  }
0x71: {  	p0 =	sne.s32 s0, $0x4800;
	s0 =	sadd.s32 $0x400, s0;
	_ =	swait.ge [sflag:s26], $0x4000  }
0x72: {  	[sflag:s26] =	ssyncset.done $0x0  }
0x73: {  	s3 =	sshra.s32 s3, $0x2;
	[sflag:s26] =	ssyncadd.s32 $0xFFFFC000  }
0x74: {  	[spmem:s1] =	stream.indirect.scatter.add.f32 [tilespmem:s20], [sflag:$0x3], $0x80, s3, s23, $0xb8;
	[tilespmem:$0x1E400] =	vst v63  }
0x75: {  	_ =	swait.ge [sflag:s21], $0x4000  }
0x76: {  	[sflag:s21] =	ssyncset.done $0x0  }
0x77: {  	s10 =	sadd.s32 $0x1500, s3;
	[sflag:s21] =	ssyncadd.s32 $0xFFFFC000  }
0x78: {  	[tilespmem:s20], [sflag:$0x1] =	stream.indirect.gather [hbm4b:s4+s23], $0x80, s10, s23, $0xb8;
	[tilespmem:$0x1E400] =	vst v63  }
0x79: {  	_ =	swait.ge [sflag:s28], $0x4000  }
0x7a: {  	[sflag:s28] =	ssyncset.done $0x0  }
.Ltmp2:
0x7b: {  	s10 =	sadd.s32 $0x80, s3;
	[sflag:s28] =	ssyncadd.s32 $0xFFFFC000;
	(pc) =	sbr.rel @p0 .LBB2_6-.Ltmp2, $4  }
0x7c: {  	[spmem:s1] =	stream.indirect.scatter.add.f32 [tilespmem:s25], [sflag:$0x3], $0x80, s10, s23, $0xb8;
	[tilespmem:$0x1E400] =	vst v63  }
0x7d: {  	_ =	swait.ge [sflag:s21], $0x4000  }
0x7e: {  	[sflag:s21] =	ssyncset.done $0x0  }
0x7f: {  	s3 =	sadd.s32 $0x1580, s3;
	[sflag:s21] =	ssyncadd.s32 $0xFFFFC000  }
0x80: {  	[tilespmem:s25], [sflag:$0x2] =	stream.indirect.gather [hbm4b:s4+s23], $0x80, s3, s23, $0xb8;
	[tilespmem:$0x1E400] =	vst v63  }
0x81: {  	_ =	swait.ge [sflag:s26], $0x4000  }
0x82: {  	[sflag:s26] =	ssyncset.done $0x0  }
0x83: {  	[sflag:s26] =	ssyncadd.s32 $0xFFFFC000  }
0x84: {  	[spmem:s1] =	stream.indirect.scatter.add.f32 [tilespmem:s20], [sflag:$0x3], $0x80, s29, s23, $0xb8;
	[tilespmem:$0x1E400] =	vst v63  }
0x85: {  	_ =	swait.ge [sflag:s21], $0x4000  }
0x86: {  	[sflag:s21] =	ssyncset.done $0x0  }
0x87: {  	[sflag:s21] =	ssyncadd.s32 $0xFFFFC000  }
0x88: {  	_ =	swait.ge [sflag:s28], $0x4000  }
0x89: {  	[sflag:s28] =	ssyncset.done $0x0  }
0x8a: {  	[sflag:s28] =	ssyncadd.s32 $0xFFFFC000  }
0x8b: {  	[spmem:s1] =	stream.indirect.scatter.add.f32 [tilespmem:s25], [sflag:$0x3], $0x80, s30, s23, $0xb8;
	[tilespmem:$0x1E400] =	vst v63  }
0x8c: {  	_ =	swait.ge [sflag:s21], $0x4000  }
0x8d: {  	[sflag:s21] =	ssyncset.done $0x0  }
0x8e: {  	s0 =	simm.s32 $0x0;
	[sflag:s21] =	ssyncadd.s32 $0xFFFFC000  }
0x8f: {  	[tilespmem:s0], [sflag:$0x3] =	stream.linear.gather [hbm4b:s12+s0], $0x1400, $0x38;
	[tilespmem:$0x1E400] =	vst v63  }
0x90: {  	_ =	swait.ge [sflag:s21], $0x1400  }
0x91: {  	[sflag:s21] =	ssyncset.done $0x0  }
0x92: {  	[sflag:s21] =	ssyncadd.s32 $0xFFFFEC00  }
0x93: {  	[tilespmem:s22], [sflag:$0x3] =	stream.linear.gather [hbm4b:s13+s0], $0x1400, $0x38;
	[tilespmem:$0x1E400] =	vst v63  }
0x94: {  	_ =	swait.ge [sflag:s21], $0x1400  }
0x95: {  	[sflag:s21] =	ssyncset.done $0x0  }
0x96: {  	s0 =	simm.s32 $0x0;
	[sflag:s21] =	ssyncadd.s32 $0xFFFFEC00  }
0x97: {  	v4 =	vld [tilespmem:s0+$0x1400]  }
0x98: {  	v6 =	vld [tilespmem:s0+$0x1410]  }
0x99: {  	v5 =	vld [tilespmem:s0+$0x1420]  }
0x9a: {  	v3 =	vld [tilespmem:s0+$0x1430]  }
0x9b: {  	v2 =	vld [tilespmem:s0+$0x1440]  }
0x9c: {  	v7 =	vadd.s32 v0, v4;
	v4 =	vld [tilespmem:s0+$0x1450]  }
0x9d: {  	s3 =	simm.s32 $0x200;
	[tilespmem:s0+$0x1400] =	vst v7;
	v7 =	vadd.s32 v0, v6;
	v6 =	vld [tilespmem:s0+$0x1460]  }
.LBB2_8:
0x9e: {  	s10 =	sshra.s32 s3, $0x2;
	p0 =	sne.s32 s3, $0x4E00;
	[tilespmem:s0+$0x1410] =	vst v7;
	v5 =	vadd.s32 v0, v5;
	v7 =	vld [tilespmem:s0+$0x1470]  }
0x9f: {  	v8 =	vld [tilespmem:s10+$0x1400];
	[tilespmem:s0+$0x1420] =	vst v5;
	v3 =	vadd.s32 v0, v3  }
0xa0: {  	v9 =	vld [tilespmem:s10+$0x1410];
	[tilespmem:s0+$0x1430] =	vst v3;
	v2 =	vadd.s32 v0, v2  }
.Ltmp3:
0xa1: {  	v5 =	vld [tilespmem:s10+$0x1420];
	[tilespmem:s0+$0x1440] =	vst v2;
	v2 =	vadd.s32 v0, v4;
	(pc) =	sbr.rel @p0 .LBB2_8-.Ltmp3, $4  }
0xa2: {  	v3 =	vld [tilespmem:s10+$0x1430];
	[tilespmem:s0+$0x1450] =	vst v2;
	v4 =	vadd.s32 v0, v6  }
0xa3: {  	v2 =	vld [tilespmem:s10+$0x1440];
	[tilespmem:s0+$0x1460] =	vst v4;
	v6 =	vadd.s32 v0, v7  }
0xa4: {  	v7 =	vadd.s32 v0, v8;
	v4 =	vld [tilespmem:s10+$0x1450];
	[tilespmem:s0+$0x1470] =	vst v6;
	s0 =	smov.u32 s10  }
0xa5: {  	s3 =	sadd.s32 $0x200, s3;
	[tilespmem:s0+$0x1400] =	vst v7;
	v7 =	vadd.s32 v0, v9;
	v6 =	vld [tilespmem:s0+$0x1460]  }
0xa6: {  	[tilespmem:s0+$0x1410] =	vst v7;
	v5 =	vadd.s32 v0, v5;
	v63 =	vld [tilespmem:s0+$0x1470]  }
0xa7: {  	[tilespmem:s0+$0x1420] =	vst v5;
	v3 =	vadd.s32 v0, v3  }
0xa8: {  	[tilespmem:s0+$0x1430] =	vst v3;
	v2 =	vadd.s32 v0, v2  }
0xa9: {  	[tilespmem:s0+$0x1440] =	vst v2;
	v2 =	vadd.s32 v0, v4  }
0xaa: {  	[tilespmem:s0+$0x1450] =	vst v2;
	v2 =	vadd.s32 v0, v6  }
0xab: {  	[tilespmem:s0+$0x1460] =	vst v2;
	v2 =	vadd.s32 v0, v63  }
0xac: {  	[tilespmem:s0+$0x1470] =	vst v2  }
0xad: {  	[tilespmem:s20], [sflag:$0x1] =	stream.indirect.gather [hbm4b:s4+s23], $0x80, s22, s23, $0xb8;
	[tilespmem:$0x1E400] =	vst v63  }
0xae: {  	_ = 	snop  }
0xaf: {  	[tilespmem:s25], [sflag:$0x2] =	stream.indirect.gather [hbm4b:s4+s23], $0x80, s24, s23, $0xb8;
	[tilespmem:$0x1E400] =	vst v63  }
0xb0: {  	_ =	swait.ge [sflag:s26], $0x4000  }
0xb1: {  	[sflag:s26] =	ssyncset.done $0x0  }
0xb2: {  	s10 =	simm.s32 $0x0;
	[sflag:s26] =	ssyncadd.s32 $0xFFFFC000  }
0xb3: {  	[spmem:s1] =	stream.indirect.scatter.add.f32 [tilespmem:s20], [sflag:$0x3], $0x80, s10, s23, $0xb8;
	[tilespmem:$0x1E400] =	vst v63  }
0xb4: {  	_ =	swait.ge [sflag:s21], $0x4000  }
0xb5: {  	[sflag:s21] =	ssyncset.done $0x0  }
0xb6: {  	s3 =	simm.s32 $0x1500;
	[sflag:s21] =	ssyncadd.s32 $0xFFFFC000  }
0xb7: {  	[tilespmem:s20], [sflag:$0x1] =	stream.indirect.gather [hbm4b:s4+s23], $0x80, s3, s23, $0xb8;
	[tilespmem:$0x1E400] =	vst v63  }
0xb8: {  	_ =	swait.ge [sflag:s28], $0x4000  }
0xb9: {  	[sflag:s28] =	ssyncset.done $0x0  }
0xba: {  	s10 =	simm.s32 $0x80;
	[sflag:s28] =	ssyncadd.s32 $0xFFFFC000  }
0xbb: {  	[spmem:s1] =	stream.indirect.scatter.add.f32 [tilespmem:s25], [sflag:$0x3], $0x80, s10, s23, $0xb8;
	[tilespmem:$0x1E400] =	vst v63  }
0xbc: {  	_ =	swait.ge [sflag:s21], $0x4000  }
0xbd: {  	[sflag:s21] =	ssyncset.done $0x0  }
0xbe: {  	s0 =	simm.s32 $0x400;
	s3 =	simm.s32 $0x1580;
	[sflag:s21] =	ssyncadd.s32 $0xFFFFC000  }
.LBB2_10:
0xbf: {  	[tilespmem:s25], [sflag:$0x2] =	stream.indirect.gather [hbm4b:s4+s23], $0x80, s3, s23, $0xb8;
	[tilespmem:$0x1E400] =	vst v63  }
0xc0: {  	s3 =	smov.u32 s0  }
0xc1: {  	p0 =	sne.s32 s0, $0x4800;
	s0 =	sadd.s32 $0x400, s0;
	_ =	swait.ge [sflag:s26], $0x4000  }
0xc2: {  	[sflag:s26] =	ssyncset.done $0x0  }
0xc3: {  	s3 =	sshra.s32 s3, $0x2;
	[sflag:s26] =	ssyncadd.s32 $0xFFFFC000  }
0xc4: {  	[spmem:s1] =	stream.indirect.scatter.add.f32 [tilespmem:s20], [sflag:$0x3], $0x80, s3, s23, $0xb8;
	[tilespmem:$0x1E400] =	vst v63  }
0xc5: {  	_ =	swait.ge [sflag:s21], $0x4000  }
0xc6: {  	[sflag:s21] =	ssyncset.done $0x0  }
0xc7: {  	s10 =	sadd.s32 $0x1500, s3;
	[sflag:s21] =	ssyncadd.s32 $0xFFFFC000  }
0xc8: {  	[tilespmem:s20], [sflag:$0x1] =	stream.indirect.gather [hbm4b:s4+s23], $0x80, s10, s23, $0xb8;
	[tilespmem:$0x1E400] =	vst v63  }
0xc9: {  	_ =	swait.ge [sflag:s28], $0x4000  }
0xca: {  	[sflag:s28] =	ssyncset.done $0x0  }
.Ltmp4:
0xcb: {  	s10 =	sadd.s32 $0x80, s3;
	[sflag:s28] =	ssyncadd.s32 $0xFFFFC000;
	(pc) =	sbr.rel @p0 .LBB2_10-.Ltmp4, $4  }
0xcc: {  	[spmem:s1] =	stream.indirect.scatter.add.f32 [tilespmem:s25], [sflag:$0x3], $0x80, s10, s23, $0xb8;
	[tilespmem:$0x1E400] =	vst v63  }
0xcd: {  	_ =	swait.ge [sflag:s21], $0x4000  }
0xce: {  	[sflag:s21] =	ssyncset.done $0x0  }
0xcf: {  	s3 =	sadd.s32 $0x1580, s3;
	[sflag:s21] =	ssyncadd.s32 $0xFFFFC000  }
0xd0: {  	[tilespmem:s25], [sflag:$0x2] =	stream.indirect.gather [hbm4b:s4+s23], $0x80, s3, s23, $0xb8;
	[tilespmem:$0x1E400] =	vst v63  }
0xd1: {  	_ =	swait.ge [sflag:s26], $0x4000  }
0xd2: {  	[sflag:s26] =	ssyncset.done $0x0  }
0xd3: {  	[sflag:s26] =	ssyncadd.s32 $0xFFFFC000  }
0xd4: {  	[spmem:s1] =	stream.indirect.scatter.add.f32 [tilespmem:s20], [sflag:$0x3], $0x80, s29, s23, $0xb8;
	[tilespmem:$0x1E400] =	vst v63  }
0xd5: {  	_ =	swait.ge [sflag:s21], $0x4000  }
0xd6: {  	[sflag:s21] =	ssyncset.done $0x0  }
0xd7: {  	[sflag:s21] =	ssyncadd.s32 $0xFFFFC000  }
0xd8: {  	_ =	swait.ge [sflag:s28], $0x4000  }
0xd9: {  	[sflag:s28] =	ssyncset.done $0x0  }
0xda: {  	[sflag:s28] =	ssyncadd.s32 $0xFFFFC000  }
0xdb: {  	[spmem:s1] =	stream.indirect.scatter.add.f32 [tilespmem:s25], [sflag:$0x3], $0x80, s30, s23, $0xb8;
	[tilespmem:$0x1E400] =	vst v63  }
0xdc: {  	_ =	swait.ge [sflag:s21], $0x4000  }
0xdd: {  	[sflag:s21] =	ssyncset.done $0x0  }
0xde: {  	[sflag:s21] =	ssyncadd.s32 $0xFFFFC000  }
0xdf: {  	[bflag:$0x0] =	sbarrier.arrive $0xFFFF  }
0xe0: {  	[tilespmem:s20], [sflag:$0x3] =	stream.linear.gather [spmem:s5], $0x4000, $0x38;
	[tilespmem:$0x1E400] =	vst v63  }
0xe1: {  	_ =	swait.ge [sflag:s21], $0x4000  }
0xe2: {  	[sflag:s21] =	ssyncset.done $0x0  }
0xe3: {  	[sflag:s21] =	ssyncadd.s32 $0xFFFFC000  }
0xe4: {  	[hbm4b:s14+s2] =	stream.linear.scatter [tilespmem:s20], [sflag:$0x3], $0x4000, $0x38;
	[tilespmem:$0x1E400] =	vst v63  }
0xe5: {  	_ =	swait.ge [sflag:s21], $0x4000  }
0xe6: {  	[sflag:s21] =	ssyncset.done $0x0  }
0xe7: {  	[sflag:s21] =	ssyncadd.s32 $0xFFFFC000  }
0xe8: {  	[tilespmem:s20], [sflag:$0x3] =	stream.linear.gather [spmem:s6], $0x4000, $0x38;
	[tilespmem:$0x1E400] =	vst v63  }
0xe9: {  	_ =	swait.ge [sflag:s21], $0x4000  }
0xea: {  	[sflag:s21] =	ssyncset.done $0x0  }
0xeb: {  	[sflag:s21] =	ssyncadd.s32 $0xFFFFC000  }
0xec: {  	[hbm4b:s15+s2] =	stream.linear.scatter [tilespmem:s20], [sflag:$0x3], $0x4000, $0x38;
	[tilespmem:$0x1E400] =	vst v63  }
0xed: {  	_ =	swait.ge [sflag:s21], $0x4000  }
0xee: {  	[sflag:s21] =	ssyncset.done $0x0  }
0xef: {  	[sflag:s21] =	ssyncadd.s32 $0xFFFFC000  }
0xf0: {  	[tilespmem:s20], [sflag:$0x3] =	stream.linear.gather [spmem:s7], $0x4000, $0x38;
	[tilespmem:$0x1E400] =	vst v63  }
0xf1: {  	_ =	swait.ge [sflag:s21], $0x4000  }
0xf2: {  	[sflag:s21] =	ssyncset.done $0x0  }
0xf3: {  	[sflag:s21] =	ssyncadd.s32 $0xFFFFC000  }
0xf4: {  	[hbm4b:s16+s2] =	stream.linear.scatter [tilespmem:s20], [sflag:$0x3], $0x4000, $0x38;
	[tilespmem:$0x1E400] =	vst v63  }
0xf5: {  	_ =	swait.ge [sflag:s21], $0x4000  }
0xf6: {  	[sflag:s21] =	ssyncset.done $0x0  }
0xf7: {  	[sflag:s21] =	ssyncadd.s32 $0xFFFFC000  }
0xf8: {  	[tilespmem:s20], [sflag:$0x3] =	stream.linear.gather [spmem:s8], $0x4000, $0x38;
	[tilespmem:$0x1E400] =	vst v63  }
0xf9: {  	_ =	swait.ge [sflag:s21], $0x4000  }
0xfa: {  	[sflag:s21] =	ssyncset.done $0x0  }
0xfb: {  	[sflag:s21] =	ssyncadd.s32 $0xFFFFC000  }
0xfc: {  	[hbm4b:s17+s2] =	stream.linear.scatter [tilespmem:s20], [sflag:$0x3], $0x4000, $0x38;
	[tilespmem:$0x1E400] =	vst v63  }
0xfd: {  	_ =	swait.ge [sflag:s21], $0x4000  }
0xfe: {  	[sflag:s21] =	ssyncset.done $0x0  }
0xff: {  	[sflag:s21] =	ssyncadd.s32 $0xFFFFC000  }
0x100: {  	[tilespmem:s20], [sflag:$0x3] =	stream.linear.gather [spmem:s9], $0x3C00, $0x38;
	[tilespmem:$0x1E400] =	vst v63  }
0x101: {  	s31 =	sadd.s32 $0x1, s31;
	_ =	swait.ge [sflag:s21], $0x3C00  }
0x102: {  	p0 =	sne.s32 s31, s19;
	[sflag:s21] =	ssyncset.done $0x0  }
.Ltmp5:
0x103: {  	[sflag:s21] =	ssyncadd.s32 $0xFFFFC400;
	(pc) =	sbr.rel @p0 .LBB2_1-.Ltmp5, $4  }
0x104: {  	[hbm4b:s18+s2] =	stream.linear.scatter [tilespmem:s20], [sflag:$0x3], $0x3C00, $0x38;
	[tilespmem:$0x1E400] =	vst v63  }
0x105: {  	_ =	swait.ge [sflag:s21], $0x3C00  }
0x106: {  	[sflag:s21] =	ssyncset.done $0x0  }
0x107: {  	[sflag:s21] =	ssyncadd.s32 $0xFFFFC400  }
0x108: {  	_ =	sfence.sel $0x180000  }
0x109: {  	[bflag:$0x0] =	sbarrier.arrive $0xFFFF  }
0x10a: {  	_ =	strace $0x9000004A  }
0x10b: {  	s0 =	stileid.u32;
	[bflag:$0x2] =	sbarrier.arrive $0xFFFF  }
0x10c: {  	p0 =	sne.s32 s0, $0x0;
	s0 =	rddreg [dreg:$0x3]  }
0x10d: {  	s0 =	sadd.s32 @!p0 $0x100000, s0  }
0x10e: {  	[sflag:s0] =	ssyncadd.tile.s32 @!p0 $0x1;
	_ =	shalt  }
.Lfunc_end2:
_tile_overlayer_lowered:
.L_overlay_start_2:
0x10f: {  	(tag) =	ssettag $0x2  }
0x110: {  	s0 =	rddreg [dreg:$0x0];
	s2 =	stileid.u32  }
0x111: {  	s1 =	rddreg [dreg:$0x1];
	p0 =	sne.s32 s2, $0x0  }
0x112: {  	s3 =	rddreg [dreg:$0x2];
	[bflag:$0x3] =	sbarrier.arrive $0xFFFF;
	s2 =	simm.s32 @!p0 $0x1C03  }
0x113: {  	[timem:s3], [sflag:s2] =	dma.local @!p0 [hbm:s0], s1  }
0x114: {  	s0 =	simm.s32 @!p0 $0x3  }
0x115: {  	_ =	swait.ge @!p0 [sflag:s0], s1  }
0x116: {  	s1 =	ssub.s32 @!p0 $0x0, s1;
	[sflag:s0] =	ssyncset.done @!p0 $0x0  }
0x117: {  	[sflag:s0] =	ssyncadd.s32 @!p0 s1  }
0x118: {  	[bflag:$0x3] =	sbarrier.arrive $0xFFFF  }
0x119: {  	_ =	shalt  }

// kernel: kernel.14.cloned.1.call-start
scs
__scs_entry_jumppad:
0x0: {  	(pc) =	sbr.rel $0x88, $3  }
0x1: {  	(tag) =	ssettag $0x0;
	lr =	simm.s32 $0x1  }
0x2: {  	[smem:$0x3F9F] =	sst lr;
	_ =	strace $0xD0000000  }
0x3: {  	_ = 	snop  }
0x4: {  	_ = 	snop  }
0x5: {  	_ = 	snop  }
0x6: {  	_ = 	snop  }
0x7: {  	_ = 	snop  }
__scs_overlays_trampoline_lowered:
0x8: {  	[smem:$0x3FAE] =	sst s0  }
0x9: {  	[smem:$0x3FAF] =	sst s1  }
0xa: {  	[smem:$0x3FB0] =	sst s2  }
0xb: {  	[smem:$0x3FB1] =	sst s3  }
0xc: {  	[smem:$0x3FB2] =	sst s4  }
0xd: {  	[smem:$0x3FB3] =	sst s5  }
0xe: {  	[smem:$0x3FB4] =	sst s6  }
0xf: {  	[smem:$0x3FB5] =	sst s7  }
0x10: {  	[smem:$0x3FB6] =	sst s8  }
0x11: {  	[smem:$0x3FB7] =	sst s9;
	s0 =	simm.s32 @!p0 $0x0  }
0x12: {  	s1 =	sld [smem:$0x3F9D];
	s0 =	simm.s32 @p0 $0x1  }
0x13: {  	[smem:$0x3FB8] =	sst s0;
	s0 =	simm.s32 @!p1 $0x0  }
0x14: {  	s2 =	sld [smem:$0x3F9C];
	s0 =	simm.s32 @p1 $0x1  }
0x15: {  	[smem:$0x3FB9] =	sst s0;
	s0 =	simm.s32 @!p2 $0x0  }
0x16: {  	s3 =	sld [smem:$0x3FDB];
	s0 =	simm.s32 @p2 $0x1  }
0x17: {  	s4 =	simm.s32 $0x1BF5;
	[smem:$0x3FBB] =	sst s0  }
0x18: {  	s0 =	sld [smem:$0x3F9E];
	_ =	swait.ge [sflag:s4], $0x0  }
0x19: {  	s7 =	sld [smem:$0x3F9F]  }
0x1a: {  	s8 =	sadd.s32 $0xFFFFE003, lr  }
0x1b: {  	s9 =	sadd.s32 $0xFFFFFEF7, lr;
	s5 =	simm.s32 $0xFFFFFFFF;
	p2 =	slt.u32 s8, $0xFFFFF086  }
0x1c: {  	p1 =	slt.u32 s9, $0xF7A;
	s5 =	simm.s32 @!p2 $0x0  }
0x1d: {  	s5 =	simm.s32 @p1 $0x1;
	p0 =	seq.s32 s7, s2  }
0x1e: {  	s7 =	smul.u32 @!p0 $0xF7A, s2;
	p2 =	seq.s32 @!p0 s5, $0x0  }
0x1f: {  	s9 =	smul.u32 $0xF7A, s1;
	s8 =	simm.s32 @!p0 $0x1BF5;
	p2 =	por !p2, p0  }
0x20: {  	[sflag:s8] =	ssyncset.s32 @!p0 $0xFFFFF086;
	s6 =	sadd.s32 @!p0 s3, s7;
	s7 =	simm.s32 @!p0 $0x108  }
0x21: {  	s3 =	sadd.s32 s3, s9;
	s6 =	sadd.s32 @!p0 $0x88, s6;
	s7 =	simm.s32 @p2 $0x1082  }
0x22: {  	[simem:s7], [sflag:s8] =	dma.local @!p0 [hbm:s6], $0xF7A  }
0x23: {  	s9 =	sor.u32 $0xD0000000, s2;
	s6 =	simm.s32 $0x108;
	_ =	swait.ge @!p0 [sflag:s8], $0x0  }
0x24: {  	s3 =	sadd.s32 $0x88, s3;
	s6 =	simm.s32 @!p1 $0x1082;
	[sflag:s4] =	ssyncset.s32 $0xFFFFF086  }
0x25: {  	[simem:s6], [sflag:s4] =	dma.local [hbm:s3], $0xF7A  }
0x26: {  	[smem:$0x3F9F] =	sst s1;
	(tag) =	ssettag s2;
	_ =	strace s9  }
0x27: {  	s1 =	sld [smem:$0x3FAF]  }
0x28: {  	s2 =	sld [smem:$0x3FB0]  }
0x29: {  	s4 =	sld [smem:$0x3FB2]  }
0x2a: {  	p0 =	seq.s32 s5, $0x0;
	s5 =	sld [smem:$0x3FB3]  }
0x2b: {  	s6 =	sld [smem:$0x3FB4]  }
0x2c: {  	s7 =	sld [smem:$0x3FB5]  }
0x2d: {  	s3 =	simm.s32 $0x108;
	s8 =	sld [smem:$0x3FB6]  }
0x2e: {  	s3 =	simm.s32 @!p0 $0x1082;
	s9 =	sld [smem:$0x3FB7]  }
0x2f: {  	lr =	sadd.s32 s0, s3;
	s0 =	sld [smem:$0x3FAE]  }
0x30: {  	s3 =	sld [smem:$0x3FB1]  }
0x31: {  	[smem:$0x3FBA] =	sst s10  }
0x32: {  	s10 =	sld [smem:$0x3FB8];
	_ =	sdelay $0x3  }
0x33: {  	p0 =	seq.s32 s10, $0x1;
	s10 =	sld [smem:$0x3FBA];
	_ =	sdelay $0x3  }
0x34: {  	[smem:$0x3FBA] =	sst s10  }
0x35: {  	s10 =	sld [smem:$0x3FB9];
	_ =	sdelay $0x3  }
0x36: {  	p1 =	seq.s32 s10, $0x1;
	s10 =	sld [smem:$0x3FBA];
	_ =	sdelay $0x3  }
0x37: {  	[smem:$0x3FBA] =	sst s10  }
0x38: {  	s10 =	sld [smem:$0x3FBB]  }
0x39: {  	_ = 	snop;
	(pc) =	sbr.ind lr, $3  }
0x3a: {  	_ = 	snop  }
0x3b: {  	_ = 	snop  }
0x3c: {  	p2 =	seq.s32 s10, $0x1;
	s10 =	sld [smem:$0x3FBA]  }
0x3d: {  	_ =	shalt  }
0x3e: {  	_ =	shalt  }
0x3f: {  	_ =	shalt  }
0x40: {  	_ =	shalt  }
0x41: {  	_ =	shalt  }
0x42: {  	_ =	shalt  }
0x43: {  	_ =	shalt  }
0x44: {  	_ =	shalt  }
0x45: {  	_ =	shalt  }
0x46: {  	_ =	shalt  }
0x47: {  	_ =	shalt  }
0x48: {  	_ =	shalt  }
0x49: {  	_ =	shalt  }
0x4a: {  	_ =	shalt  }
0x4b: {  	_ =	shalt  }
0x4c: {  	_ =	shalt  }
0x4d: {  	_ =	shalt  }
0x4e: {  	_ =	shalt  }
0x4f: {  	_ =	shalt  }
0x50: {  	_ =	shalt  }
0x51: {  	_ =	shalt  }
0x52: {  	_ =	shalt  }
0x53: {  	_ =	shalt  }
0x54: {  	_ =	shalt  }
0x55: {  	_ =	shalt  }
0x56: {  	_ =	shalt  }
0x57: {  	_ =	shalt  }
0x58: {  	_ =	shalt  }
0x59: {  	_ =	shalt  }
0x5a: {  	_ =	shalt  }
0x5b: {  	_ =	shalt  }
0x5c: {  	_ =	shalt  }
0x5d: {  	_ =	shalt  }
0x5e: {  	_ =	shalt  }
0x5f: {  	_ =	shalt  }
0x60: {  	_ =	shalt  }
0x61: {  	_ =	shalt  }
0x62: {  	_ =	shalt  }
0x63: {  	_ =	shalt  }
0x64: {  	_ =	shalt  }
0x65: {  	_ =	shalt  }
0x66: {  	_ =	shalt  }
0x67: {  	_ =	shalt  }
0x68: {  	_ =	shalt  }
0x69: {  	_ =	shalt  }
0x6a: {  	_ =	shalt  }
0x6b: {  	_ =	shalt  }
0x6c: {  	_ =	shalt  }
0x6d: {  	_ =	shalt  }
0x6e: {  	_ =	shalt  }
0x6f: {  	_ =	shalt  }
0x70: {  	_ =	shalt  }
0x71: {  	_ =	shalt  }
0x72: {  	_ =	shalt  }
0x73: {  	_ =	shalt  }
0x74: {  	_ =	shalt  }
0x75: {  	_ =	shalt  }
0x76: {  	_ =	shalt  }
0x77: {  	_ =	shalt  }
0x78: {  	_ =	shalt  }
0x79: {  	_ =	shalt  }
0x7a: {  	_ =	shalt  }
0x7b: {  	_ =	shalt  }
0x7c: {  	_ =	shalt  }
0x7d: {  	_ =	shalt  }
0x7e: {  	_ =	shalt  }
0x7f: {  	_ =	shalt  }
0x80: {  	_ =	shalt  }
0x81: {  	_ =	shalt  }
0x82: {  	_ =	shalt  }
0x83: {  	_ =	shalt  }
0x84: {  	_ =	shalt  }
0x85: {  	_ =	shalt  }
0x86: {  	_ =	shalt  }
0x87: {  	_ =	shalt  }
.Lfunc_end0:
.L_simem_size_0:
called_computation.2_lowered:
.L_overlay_start_0:
0x88: {  	s2 =	sld [smem:$0x3FD9]  }
0x89: {  	s3 =	sld [smem:$0x3FFE];
	_ =	sdelay $0x1  }
0x8a: {  	s1 =	srdreg.scid  }
0x8b: {  	s0 =	sand.u32 $0x1, s1  }
0x8c: {  	s17 =	sshll.u32 s0, $0xA;
	s2 =	sadd.s32 s3, s2  }
0x8d: {  	s2 =	sadd.s32 s2, s17  }
0x8e: {  	[smem:$0x3FC6] =	sst s2  }
0x8f: {  	_ = 	snop  }
0x90: {  	s2 =	sld [smem:$0x3FD0];
	(tm) =	ssettm $0x1  }
0x91: {  	s18 =	sld [smem:$0x3FFB];
	_ =	sdelay $0x3  }
0x92: {  	_ =	strace s18  }
0x93: {  	s3 =	sld [smem:$0x3FFC];
	_ =	sdelay $0x3  }
0x94: {  	_ =	strace s3  }
0x95: {  	s3 =	sld [smem:$0x3FFD];
	_ =	sdelay $0x3  }
0x96: {  	_ =	strace s3  }
0x97: {  	_ =	strace $0x8FFFFFFF  }
0x98: {  	s19 =	sld [smem:$0x3FDB];
	_ =	sdelay $0x1  }
0x99: {  	s4 =	simm.s32 $_scs_section_size  }
0x9a: {  	s5 =	simm.s32 $_size__tile_overlayer_lowered;
	s6 =	simm.s32 $_tile_overlayer_lowered  }
0x9b: {  	s22 =	simm.s32 $0x1BFF;
	s21 =	sshll.u32 s6, $0x1;
	s3 =	sadd.s32 s4, s19  }
0x9c: {  	s7 =	simm.s32 $0x0;
	s20 =	sshll.u32 s5, $0x1;
	s5 =	sadd.s32 s21, s3  }
0x9d: {  	[timem:s7], [sflag:s22] =	dma.local [hbm:s5], s20  }
0x9e: {  	_ =	swait.ge [sflag:s22], s20  }
0x9f: {  	s4 =	ssub.s32 $0x0, s20;
	[sflag:s22] =	ssyncset.done $0x0  }
0xa0: {  	[sflag:s22] =	ssyncadd.s32 s4;
	_ =	sdelay $0x1  }
0xa1: {  	s23 =	simm.s32 $0x1B8B  }
0xa2: {  	_ =	swait.ge [sflag:s23], $0x1  }
0xa3: {  	[sflag:s23] =	ssyncset.done $0x0  }
0xa4: {  	s25 =	simm.s32 $0x1B8E;
	s24 =	sld [smem:$0x3FFE];
	[sflag:s23] =	ssyncadd.s32 $0xFFFFFFFF  }
0xa5: {  	s26 =	simm.s32 $execute0_lowered;
	[smem:$0x3FD2] =	sst s25  }
0xa6: {  	s5 =	sshll.u32 s26, $0x1;
	_ =	strace $0x8000004C;
	[dreg:$0x1] =	wrdreg $0xFFFFFFFF  }
0xa7: {  	s28 =	simm.s32 $_size_execute0_lowered;
	s3 =	sadd.s32 s3, s5;
	[dreg:$0x0] =	wrdreg $0x0  }
0xa8: {  	s5 =	sshll.u32 s28, $0x1;
	[dreg:$0x2] =	wrdreg s3  }
0xa9: {  	[dreg:$0x3] =	wrdreg s5  }
0xaa: {  	[dreg:$0x4] =	wrdreg $0xC0  }
0xab: {  	_ =	task [dreg:s7], $0x5FFFF  }
0xac: {  	[dreg:$0x1] =	wrdreg $0xFFFFFFFF  }
0xad: {  	[dreg:$0x0] =	wrdreg $0x60  }
0xae: {  	[dreg:$0x2] =	wrdreg s24  }
0xaf: {  	[dreg:$0x3] =	wrdreg s2  }
0xb0: {  	[dreg:$0x4] =	wrdreg $0xA8000  }
0xb1: {  	[dreg:$0x5] =	wrdreg $0x9  }
0xb2: {  	_ =	task.clear_ibuf [dreg:s7], $0x6FFFF;
	_ =	strace $0x9000004C  }
0xb3: {  	s29 =	simm.s32 $0x9;
	_ =	strace $0x8000004E  }
0xb4: {  	_ =	swait.ge [sflag:s29], $0x1  }
0xb5: {  	[sflag:s29] =	ssyncadd.s32 $0xFFFFFFFF  }
0xb6: {  	_ =	strace $0x9000004E  }
0xb7: {  	_ =	sfence  }
0xb8: {  	s30 =	sld [smem:$0x0];
	_ =	sdelay $0x2  }
0xb9: {  	s31 =	sshll.u32 s1, $0xD;
	s1 =	sshrl.u32 s1, $0x2  }
0xba: {  	s3 =	sand.u32 $0x4000, s31;
	s1 =	sadd.s32 s1, s30  }
0xbb: {  	s0 =	sor.u32 s3, s0;
	s1 =	sshll.u32 s1, $0x11  }
0xbc: {  	s0 =	sor.u32 s1, s0  }
0xbd: {  	s0 =	sadd.s32 $0x8F2B, s0  }
0xbe: {  	[sflag:s0] =	ssyncadd.remote.s32 $0x1  }
0xbf: {  	_ =	sfence.sel $0xFFFF  }
0xc0: {  	[dreg:$0x0] =	wrdreg $0xFFFFFFFF;
	(pc) =	sbr.abs _section_cstart, $3  }
0xc1: {  	[dreg:$0x1] =	wrdreg $0xFFFFFFFF  }
0xc2: {  	_ =	task.clear_ibuf [dreg:s7], $0x2FFFF;
	_ =	strace $0x9FFFFFFF  }
0xc3: {  	(tm) =	ssettm $0x7FFFFFFF  }
tec
execute0_lowered:
.L_overlay_start_1:
0x0: {  	(tag) =	ssettag $0x1  }
0x1: {  	s0 =	rddreg [dreg:$0x0]  }
0x2: {  	s3 =	rddreg [dreg:$0x1]  }
0x3: {  	s1 =	rddreg [dreg:$0x2];
	s2 =	simm.s32 $0x0;
	s8 =	stileid.u32  }
0x4: {  	s5 =	srdreg.scid;
	s28 =	simm.s32 $0x2;
	s6 =	smul.u32 $0x4F000, s8  }
0x5: {  	s30 =	simm.s32 $0x1380;
	s31 =	simm.s32 $0x0;
	s13 =	smul.u32 $0x13C00, s8  }
0x6: {  	[smem:$0x7FF] =	sst s2;
	s4 =	sadd.s32 $0x6800, s0;
	s11 =	smul.u32 $0x500, s8  }
0x7: {  	s10 =	sand.u32 $0x1, s5;
	s12 =	sadd.s32 $0x1800, s0;
	s15 =	smul.u32 $0x2800, s8  }
0x8: {  	s0 =	sadd.s32 $0x55800, s0;
	s5 =	ssub.s32 $0x2, s10;
	s29 =	smul.u32 $0x2780, s10  }
0x9: {  	_ =	strace $0x8000004D;
	s20 =	smul.u32 $0x13C000, s10;
	s7 =	sshrl.u32 s5, $0x1  }
0xa: {  	s21 =	sshrl.u32 s6, $0x2;
	s14 =	sadd.s32 $0x4000, s13;
	s16 =	sadd.s32 $0x8000, s13  }
0xb: {  	s17 =	sadd.s32 $0xC000, s13;
	s18 =	sadd.s32 $0x10000, s13;
	s22 =	sadd.s32 s12, s11  }
0xc: {  	s11 =	sadd.s32 s3, s11;
	s15 =	sshrl.u32 s15, $0x3;
	s19 =	ssub.s32 s5, s7  }
0xd: {  	s5 =	sadd.s32 s21, s1;
	s6 =	sadd.s32 s14, s1;
	s7 =	sadd.s32 s16, s1  }
0xe: {  	s8 =	sadd.s32 s17, s1;
	s9 =	sadd.s32 s18, s1;
	[dreg:$0x4] =	wrdreg s22  }
0xf: {  	s15 =	sadd.s32 $0x280, s15;
	s13 =	sadd.s32 s13, s20;
	s14 =	sadd.s32 s20, s14  }
0x10: {  	s23 =	sadd.s32 s20, s16;
	s24 =	sadd.s32 s20, s17;
	s25 =	sadd.s32 s20, s18  }
0x11: {  	v0 =	vmov s29;
	s29 =	simm.s32 $0x1300;
	s12 =	sadd.s32 s12, s15;
	s21 =	sshrl.u32 s13, $0x3  }
0x12: {  	s22 =	sshrl.u32 s14, $0x3;
	s13 =	sadd.s32 s3, s15;
	s3 =	sshrl.u32 s23, $0x3  }
0x13: {  	s26 =	sshrl.u32 s24, $0x3;
	s20 =	sshrl.u32 s25, $0x3;
	s19 =	smax.u32 s19, $0x1  }
0x14: {  	s23 =	simm.s32 $0x80;
	s24 =	simm.s32 $0x1480;
	s25 =	simm.s32 $0x6800  }
0x15: {  	s14 =	sadd.s32 s0, s21;
	s15 =	sadd.s32 s0, s22;
	s16 =	sadd.s32 s0, s3  }
0x16: {  	s17 =	sadd.s32 s0, s26;
	s18 =	sadd.s32 s0, s20;
	s20 =	simm.s32 $0x2800  }
0x17: {  	v1 =	vimm.f32 $0.0e+00;
	s21 =	simm.s32 $0x3;
	s22 =	simm.s32 $0x1400;
	s26 =	simm.s32 $0x1  }
.LBB2_1:
0x18: {  	s0 =	simm.s32 $0x0;
	s3 =	simm.s32 $0x200  }
.LBB2_2:
0x19: {  	p0 =	sne.s32 s3, $0xFE00;
	[tilespmem:s0+$0x2870] =	vst v1  }
0x1a: {  	[tilespmem:s0+$0x2800] =	vst v1  }
0x1b: {  	[tilespmem:s0+$0x2810] =	vst v1  }
.Ltmp0:
0x1c: {  	[tilespmem:s0+$0x2820] =	vst v1;
	(pc) =	sbr.rel @p0 .LBB2_2-.Ltmp0, $4  }
0x1d: {  	[tilespmem:s0+$0x2830] =	vst v1  }
0x1e: {  	[tilespmem:s0+$0x2840] =	vst v1  }
0x1f: {  	[tilespmem:s0+$0x2850] =	vst v1  }
0x20: {  	[tilespmem:s0+$0x2860] =	vst v1;
	s0 =	sshra.s32 s3, $0x2;
	s3 =	sadd.s32 $0x200, s3  }
0x21: {  	[tilespmem:s0+$0x2870] =	vst v1  }
0x22: {  	[tilespmem:s0+$0x2800] =	vst v1  }
0x23: {  	[tilespmem:s0+$0x2810] =	vst v1  }
0x24: {  	[tilespmem:s0+$0x2820] =	vst v1  }
0x25: {  	[tilespmem:s0+$0x2830] =	vst v1  }
0x26: {  	[tilespmem:s0+$0x2840] =	vst v1  }
0x27: {  	[tilespmem:s0+$0x2850] =	vst v1  }
0x28: {  	[tilespmem:s0+$0x2860] =	vst v1  }
0x29: {  	[spmem:s5] =	stream.linear.scatter [tilespmem:s20], [sflag:$0x3], $0x4000, $0x38;
	[tilespmem:$0x1E400] =	vst v63  }
0x2a: {  	_ =	swait.ge [sflag:s21], $0x4000  }
0x2b: {  	[sflag:s21] =	ssyncset.done $0x0  }
0x2c: {  	[sflag:s21] =	ssyncadd.s32 $0xFFFFC000  }
0x2d: {  	[spmem:s6] =	stream.linear.scatter [tilespmem:s20], [sflag:$0x3], $0x4000, $0x38;
	[tilespmem:$0x1E400] =	vst v63  }
0x2e: {  	_ =	swait.ge [sflag:s21], $0x4000  }
0x2f: {  	[sflag:s21] =	ssyncset.done $0x0  }
0x30: {  	[sflag:s21] =	ssyncadd.s32 $0xFFFFC000  }
0x31: {  	[spmem:s7] =	stream.linear.scatter [tilespmem:s20], [sflag:$0x3], $0x4000, $0x38;
	[tilespmem:$0x1E400] =	vst v63  }
0x32: {  	_ =	swait.ge [sflag:s21], $0x4000  }
0x33: {  	[sflag:s21] =	ssyncset.done $0x0  }
0x34: {  	[sflag:s21] =	ssyncadd.s32 $0xFFFFC000  }
0x35: {  	[spmem:s8] =	stream.linear.scatter [tilespmem:s20], [sflag:$0x3], $0x4000, $0x38;
	[tilespmem:$0x1E400] =	vst v63  }
0x36: {  	_ =	swait.ge [sflag:s21], $0x4000  }
0x37: {  	[sflag:s21] =	ssyncset.done $0x0  }
0x38: {  	[sflag:s21] =	ssyncadd.s32 $0xFFFFC000  }
0x39: {  	[spmem:s9] =	stream.linear.scatter [tilespmem:s20], [sflag:$0x3], $0x3C00, $0x38;
	[tilespmem:$0x1E400] =	vst v63  }
0x3a: {  	_ =	swait.ge [sflag:s21], $0x3C00  }
0x3b: {  	[sflag:s21] =	ssyncset.done $0x0  }
0x3c: {  	[sflag:s21] =	ssyncadd.s32 $0xFFFFC400  }
0x3d: {  	[bflag:$0x0] =	sbarrier.arrive $0xFFFF  }
0x3e: {  	s10 =	simm.s32 $0x0;
	s3 =	rddreg [dreg:$0x4]  }
0x3f: {  	[tilespmem:s10], [sflag:$0x3] =	stream.linear.gather [hbm4b:s3+s10], $0x1400, $0x38;
	[tilespmem:$0x1E400] =	vst v63  }
0x40: {  	_ =	swait.ge [sflag:s21], $0x1400  }
0x41: {  	[sflag:s21] =	ssyncset.done $0x0  }
0x42: {  	[sflag:s21] =	ssyncadd.s32 $0xFFFFEC00  }
0x43: {  	[tilespmem:s22], [sflag:$0x3] =	stream.linear.gather [hbm4b:s11+s10], $0x1400, $0x38;
	[tilespmem:$0x1E400] =	vst v63  }
0x44: {  	_ =	swait.ge [sflag:s21], $0x1400  }
0x45: {  	[sflag:s21] =	ssyncset.done $0x0  }
0x46: {  	s0 =	simm.s32 $0x0;
	[sflag:s21] =	ssyncadd.s32 $0xFFFFEC00  }
0x47: {  	v4 =	vld [tilespmem:s0+$0x1400]  }
0x48: {  	v6 =	vld [tilespmem:s0+$0x1410]  }
0x49: {  	v5 =	vld [tilespmem:s0+$0x1420]  }
0x4a: {  	v3 =	vld [tilespmem:s0+$0x1430]  }
0x4b: {  	v2 =	vld [tilespmem:s0+$0x1440]  }
0x4c: {  	v7 =	vadd.s32 v0, v4;
	v4 =	vld [tilespmem:s0+$0x1450]  }
0x4d: {  	s3 =	simm.s32 $0x200;
	[tilespmem:s0+$0x1400] =	vst v7;
	v7 =	vadd.s32 v0, v6;
	v6 =	vld [tilespmem:s0+$0x1460]  }
.LBB2_4:
0x4e: {  	s10 =	sshra.s32 s3, $0x2;
	p0 =	sne.s32 s3, $0x4E00;
	[tilespmem:s0+$0x1410] =	vst v7;
	v5 =	vadd.s32 v0, v5;
	v7 =	vld [tilespmem:s0+$0x1470]  }
0x4f: {  	v8 =	vld [tilespmem:s10+$0x1400];
	[tilespmem:s0+$0x1420] =	vst v5;
	v3 =	vadd.s32 v0, v3  }
0x50: {  	v9 =	vld [tilespmem:s10+$0x1410];
	[tilespmem:s0+$0x1430] =	vst v3;
	v2 =	vadd.s32 v0, v2  }
.Ltmp1:
0x51: {  	v5 =	vld [tilespmem:s10+$0x1420];
	[tilespmem:s0+$0x1440] =	vst v2;
	v2 =	vadd.s32 v0, v4;
	(pc) =	sbr.rel @p0 .LBB2_4-.Ltmp1, $4  }
0x52: {  	v3 =	vld [tilespmem:s10+$0x1430];
	[tilespmem:s0+$0x1450] =	vst v2;
	v4 =	vadd.s32 v0, v6  }
0x53: {  	v2 =	vld [tilespmem:s10+$0x1440];
	[tilespmem:s0+$0x1460] =	vst v4;
	v6 =	vadd.s32 v0, v7  }
0x54: {  	v7 =	vadd.s32 v0, v8;
	v4 =	vld [tilespmem:s10+$0x1450];
	[tilespmem:s0+$0x1470] =	vst v6;
	s0 =	smov.u32 s10  }
0x55: {  	s3 =	sadd.s32 $0x200, s3;
	[tilespmem:s0+$0x1400] =	vst v7;
	v7 =	vadd.s32 v0, v9;
	v6 =	vld [tilespmem:s0+$0x1460]  }
0x56: {  	[tilespmem:s0+$0x1410] =	vst v7;
	v5 =	vadd.s32 v0, v5;
	v63 =	vld [tilespmem:s0+$0x1470]  }
0x57: {  	[tilespmem:s0+$0x1420] =	vst v5;
	v3 =	vadd.s32 v0, v3  }
0x58: {  	[tilespmem:s0+$0x1430] =	vst v3;
	v2 =	vadd.s32 v0, v2  }
0x59: {  	[tilespmem:s0+$0x1440] =	vst v2;
	v2 =	vadd.s32 v0, v4  }
0x5a: {  	[tilespmem:s0+$0x1450] =	vst v2;
	v2 =	vadd.s32 v0, v6  }
0x5b: {  	[tilespmem:s0+$0x1460] =	vst v2;
	v2 =	vadd.s32 v0, v63  }
0x5c: {  	[tilespmem:s0+$0x1470] =	vst v2  }
0x5d: {  	[tilespmem:s20], [sflag:$0x1] =	stream.indirect.gather [hbm4b:s4+s23], $0x80, s22, s23, $0xb8;
	[tilespmem:$0x1E400] =	vst v63  }
0x5e: {  	_ = 	snop  }
0x5f: {  	[tilespmem:s25], [sflag:$0x2] =	stream.indirect.gather [hbm4b:s4+s23], $0x80, s24, s23, $0xb8;
	[tilespmem:$0x1E400] =	vst v63  }
0x60: {  	_ =	swait.ge [sflag:s26], $0x4000  }
0x61: {  	[sflag:s26] =	ssyncset.done $0x0  }
0x62: {  	s10 =	simm.s32 $0x0;
	[sflag:s26] =	ssyncadd.s32 $0xFFFFC000  }
0x63: {  	[spmem:s1] =	stream.indirect.scatter.add.f32 [tilespmem:s20], [sflag:$0x3], $0x80, s10, s23, $0xb8;
	[tilespmem:$0x1E400] =	vst v63  }
0x64: {  	_ =	swait.ge [sflag:s21], $0x4000  }
0x65: {  	[sflag:s21] =	ssyncset.done $0x0  }
0x66: {  	s3 =	simm.s32 $0x1500;
	[sflag:s21] =	ssyncadd.s32 $0xFFFFC000  }
0x67: {  	[tilespmem:s20], [sflag:$0x1] =	stream.indirect.gather [hbm4b:s4+s23], $0x80, s3, s23, $0xb8;
	[tilespmem:$0x1E400] =	vst v63  }
0x68: {  	_ =	swait.ge [sflag:s28], $0x4000  }
0x69: {  	[sflag:s28] =	ssyncset.done $0x0  }
0x6a: {  	s10 =	simm.s32 $0x80;
	[sflag:s28] =	ssyncadd.s32 $0xFFFFC000  }
0x6b: {  	[spmem:s1] =	stream.indirect.scatter.add.f32 [tilespmem:s25], [sflag:$0x3], $0x80, s10, s23, $0xb8;
	[tilespmem:$0x1E400] =	vst v63  }
0x6c: {  	_ =	swait.ge [sflag:s21], $0x4000  }
0x6d: {  	[sflag:s21] =	ssyncset.done $0x0  }
0x6e: {  	s0 =	simm.s32 $0x400;
	s3 =	simm.s32 $0x1580;
	[sflag:s21] =	ssyncadd.s32 $0xFFFFC000  }
.LBB2_6:
0x6f: {  	[tilespmem:s25], [sflag:$0x2] =	stream.indirect.gather [hbm4b:s4+s23], $0x80, s3, s23, $0xb8;
	[tilespmem:$0x1E400] =	vst v63  }
0x70: {  	s3 =	smov.u32 s0  }
0x71: {  	p0 =	sne.s32 s0, $0x4800;
	s0 =	sadd.s32 $0x400, s0;
	_ =	swait.ge [sflag:s26], $0x4000  }
0x72: {  	[sflag:s26] =	ssyncset.done $0x0  }
0x73: {  	s3 =	sshra.s32 s3, $0x2;
	[sflag:s26] =	ssyncadd.s32 $0xFFFFC000  }
0x74: {  	[spmem:s1] =	stream.indirect.scatter.add.f32 [tilespmem:s20], [sflag:$0x3], $0x80, s3, s23, $0xb8;
	[tilespmem:$0x1E400] =	vst v63  }
0x75: {  	_ =	swait.ge [sflag:s21], $0x4000  }
0x76: {  	[sflag:s21] =	ssyncset.done $0x0  }
0x77: {  	s10 =	sadd.s32 $0x1500, s3;
	[sflag:s21] =	ssyncadd.s32 $0xFFFFC000  }
0x78: {  	[tilespmem:s20], [sflag:$0x1] =	stream.indirect.gather [hbm4b:s4+s23], $0x80, s10, s23, $0xb8;
	[tilespmem:$0x1E400] =	vst v63  }
0x79: {  	_ =	swait.ge [sflag:s28], $0x4000  }
0x7a: {  	[sflag:s28] =	ssyncset.done $0x0  }
.Ltmp2:
0x7b: {  	s10 =	sadd.s32 $0x80, s3;
	[sflag:s28] =	ssyncadd.s32 $0xFFFFC000;
	(pc) =	sbr.rel @p0 .LBB2_6-.Ltmp2, $4  }
0x7c: {  	[spmem:s1] =	stream.indirect.scatter.add.f32 [tilespmem:s25], [sflag:$0x3], $0x80, s10, s23, $0xb8;
	[tilespmem:$0x1E400] =	vst v63  }
0x7d: {  	_ =	swait.ge [sflag:s21], $0x4000  }
0x7e: {  	[sflag:s21] =	ssyncset.done $0x0  }
0x7f: {  	s3 =	sadd.s32 $0x1580, s3;
	[sflag:s21] =	ssyncadd.s32 $0xFFFFC000  }
0x80: {  	[tilespmem:s25], [sflag:$0x2] =	stream.indirect.gather [hbm4b:s4+s23], $0x80, s3, s23, $0xb8;
	[tilespmem:$0x1E400] =	vst v63  }
0x81: {  	_ =	swait.ge [sflag:s26], $0x4000  }
0x82: {  	[sflag:s26] =	ssyncset.done $0x0  }
0x83: {  	[sflag:s26] =	ssyncadd.s32 $0xFFFFC000  }
0x84: {  	[spmem:s1] =	stream.indirect.scatter.add.f32 [tilespmem:s20], [sflag:$0x3], $0x80, s29, s23, $0xb8;
	[tilespmem:$0x1E400] =	vst v63  }
0x85: {  	_ =	swait.ge [sflag:s21], $0x4000  }
0x86: {  	[sflag:s21] =	ssyncset.done $0x0  }
0x87: {  	[sflag:s21] =	ssyncadd.s32 $0xFFFFC000  }
0x88: {  	_ =	swait.ge [sflag:s28], $0x4000  }
0x89: {  	[sflag:s28] =	ssyncset.done $0x0  }
0x8a: {  	[sflag:s28] =	ssyncadd.s32 $0xFFFFC000  }
0x8b: {  	[spmem:s1] =	stream.indirect.scatter.add.f32 [tilespmem:s25], [sflag:$0x3], $0x80, s30, s23, $0xb8;
	[tilespmem:$0x1E400] =	vst v63  }
0x8c: {  	_ =	swait.ge [sflag:s21], $0x4000  }
0x8d: {  	[sflag:s21] =	ssyncset.done $0x0  }
0x8e: {  	s0 =	simm.s32 $0x0;
	[sflag:s21] =	ssyncadd.s32 $0xFFFFC000  }
0x8f: {  	[tilespmem:s0], [sflag:$0x3] =	stream.linear.gather [hbm4b:s12+s0], $0x1400, $0x38;
	[tilespmem:$0x1E400] =	vst v63  }
0x90: {  	_ =	swait.ge [sflag:s21], $0x1400  }
0x91: {  	[sflag:s21] =	ssyncset.done $0x0  }
0x92: {  	[sflag:s21] =	ssyncadd.s32 $0xFFFFEC00  }
0x93: {  	[tilespmem:s22], [sflag:$0x3] =	stream.linear.gather [hbm4b:s13+s0], $0x1400, $0x38;
	[tilespmem:$0x1E400] =	vst v63  }
0x94: {  	_ =	swait.ge [sflag:s21], $0x1400  }
0x95: {  	[sflag:s21] =	ssyncset.done $0x0  }
0x96: {  	s0 =	simm.s32 $0x0;
	[sflag:s21] =	ssyncadd.s32 $0xFFFFEC00  }
0x97: {  	v4 =	vld [tilespmem:s0+$0x1400]  }
0x98: {  	v6 =	vld [tilespmem:s0+$0x1410]  }
0x99: {  	v5 =	vld [tilespmem:s0+$0x1420]  }
0x9a: {  	v3 =	vld [tilespmem:s0+$0x1430]  }
0x9b: {  	v2 =	vld [tilespmem:s0+$0x1440]  }
0x9c: {  	v7 =	vadd.s32 v0, v4;
	v4 =	vld [tilespmem:s0+$0x1450]  }
0x9d: {  	s3 =	simm.s32 $0x200;
	[tilespmem:s0+$0x1400] =	vst v7;
	v7 =	vadd.s32 v0, v6;
	v6 =	vld [tilespmem:s0+$0x1460]  }
.LBB2_8:
0x9e: {  	s10 =	sshra.s32 s3, $0x2;
	p0 =	sne.s32 s3, $0x4E00;
	[tilespmem:s0+$0x1410] =	vst v7;
	v5 =	vadd.s32 v0, v5;
	v7 =	vld [tilespmem:s0+$0x1470]  }
0x9f: {  	v8 =	vld [tilespmem:s10+$0x1400];
	[tilespmem:s0+$0x1420] =	vst v5;
	v3 =	vadd.s32 v0, v3  }
0xa0: {  	v9 =	vld [tilespmem:s10+$0x1410];
	[tilespmem:s0+$0x1430] =	vst v3;
	v2 =	vadd.s32 v0, v2  }
.Ltmp3:
0xa1: {  	v5 =	vld [tilespmem:s10+$0x1420];
	[tilespmem:s0+$0x1440] =	vst v2;
	v2 =	vadd.s32 v0, v4;
	(pc) =	sbr.rel @p0 .LBB2_8-.Ltmp3, $4  }
0xa2: {  	v3 =	vld [tilespmem:s10+$0x1430];
	[tilespmem:s0+$0x1450] =	vst v2;
	v4 =	vadd.s32 v0, v6  }
0xa3: {  	v2 =	vld [tilespmem:s10+$0x1440];
	[tilespmem:s0+$0x1460] =	vst v4;
	v6 =	vadd.s32 v0, v7  }
0xa4: {  	v7 =	vadd.s32 v0, v8;
	v4 =	vld [tilespmem:s10+$0x1450];
	[tilespmem:s0+$0x1470] =	vst v6;
	s0 =	smov.u32 s10  }
0xa5: {  	s3 =	sadd.s32 $0x200, s3;
	[tilespmem:s0+$0x1400] =	vst v7;
	v7 =	vadd.s32 v0, v9;
	v6 =	vld [tilespmem:s0+$0x1460]  }
0xa6: {  	[tilespmem:s0+$0x1410] =	vst v7;
	v5 =	vadd.s32 v0, v5;
	v63 =	vld [tilespmem:s0+$0x1470]  }
0xa7: {  	[tilespmem:s0+$0x1420] =	vst v5;
	v3 =	vadd.s32 v0, v3  }
0xa8: {  	[tilespmem:s0+$0x1430] =	vst v3;
	v2 =	vadd.s32 v0, v2  }
0xa9: {  	[tilespmem:s0+$0x1440] =	vst v2;
	v2 =	vadd.s32 v0, v4  }
0xaa: {  	[tilespmem:s0+$0x1450] =	vst v2;
	v2 =	vadd.s32 v0, v6  }
0xab: {  	[tilespmem:s0+$0x1460] =	vst v2;
	v2 =	vadd.s32 v0, v63  }
0xac: {  	[tilespmem:s0+$0x1470] =	vst v2  }
0xad: {  	[tilespmem:s20], [sflag:$0x1] =	stream.indirect.gather [hbm4b:s4+s23], $0x80, s22, s23, $0xb8;
	[tilespmem:$0x1E400] =	vst v63  }
0xae: {  	_ = 	snop  }
0xaf: {  	[tilespmem:s25], [sflag:$0x2] =	stream.indirect.gather [hbm4b:s4+s23], $0x80, s24, s23, $0xb8;
	[tilespmem:$0x1E400] =	vst v63  }
0xb0: {  	_ =	swait.ge [sflag:s26], $0x4000  }
0xb1: {  	[sflag:s26] =	ssyncset.done $0x0  }
0xb2: {  	s10 =	simm.s32 $0x0;
	[sflag:s26] =	ssyncadd.s32 $0xFFFFC000  }
0xb3: {  	[spmem:s1] =	stream.indirect.scatter.add.f32 [tilespmem:s20], [sflag:$0x3], $0x80, s10, s23, $0xb8;
	[tilespmem:$0x1E400] =	vst v63  }
0xb4: {  	_ =	swait.ge [sflag:s21], $0x4000  }
0xb5: {  	[sflag:s21] =	ssyncset.done $0x0  }
0xb6: {  	s3 =	simm.s32 $0x1500;
	[sflag:s21] =	ssyncadd.s32 $0xFFFFC000  }
0xb7: {  	[tilespmem:s20], [sflag:$0x1] =	stream.indirect.gather [hbm4b:s4+s23], $0x80, s3, s23, $0xb8;
	[tilespmem:$0x1E400] =	vst v63  }
0xb8: {  	_ =	swait.ge [sflag:s28], $0x4000  }
0xb9: {  	[sflag:s28] =	ssyncset.done $0x0  }
0xba: {  	s10 =	simm.s32 $0x80;
	[sflag:s28] =	ssyncadd.s32 $0xFFFFC000  }
0xbb: {  	[spmem:s1] =	stream.indirect.scatter.add.f32 [tilespmem:s25], [sflag:$0x3], $0x80, s10, s23, $0xb8;
	[tilespmem:$0x1E400] =	vst v63  }
0xbc: {  	_ =	swait.ge [sflag:s21], $0x4000  }
0xbd: {  	[sflag:s21] =	ssyncset.done $0x0  }
0xbe: {  	s0 =	simm.s32 $0x400;
	s3 =	simm.s32 $0x1580;
	[sflag:s21] =	ssyncadd.s32 $0xFFFFC000  }
.LBB2_10:
0xbf: {  	[tilespmem:s25], [sflag:$0x2] =	stream.indirect.gather [hbm4b:s4+s23], $0x80, s3, s23, $0xb8;
	[tilespmem:$0x1E400] =	vst v63  }
0xc0: {  	s3 =	smov.u32 s0  }
0xc1: {  	p0 =	sne.s32 s0, $0x4800;
	s0 =	sadd.s32 $0x400, s0;
	_ =	swait.ge [sflag:s26], $0x4000  }
0xc2: {  	[sflag:s26] =	ssyncset.done $0x0  }
0xc3: {  	s3 =	sshra.s32 s3, $0x2;
	[sflag:s26] =	ssyncadd.s32 $0xFFFFC000  }
0xc4: {  	[spmem:s1] =	stream.indirect.scatter.add.f32 [tilespmem:s20], [sflag:$0x3], $0x80, s3, s23, $0xb8;
	[tilespmem:$0x1E400] =	vst v63  }
0xc5: {  	_ =	swait.ge [sflag:s21], $0x4000  }
0xc6: {  	[sflag:s21] =	ssyncset.done $0x0  }
0xc7: {  	s10 =	sadd.s32 $0x1500, s3;
	[sflag:s21] =	ssyncadd.s32 $0xFFFFC000  }
0xc8: {  	[tilespmem:s20], [sflag:$0x1] =	stream.indirect.gather [hbm4b:s4+s23], $0x80, s10, s23, $0xb8;
	[tilespmem:$0x1E400] =	vst v63  }
0xc9: {  	_ =	swait.ge [sflag:s28], $0x4000  }
0xca: {  	[sflag:s28] =	ssyncset.done $0x0  }
.Ltmp4:
0xcb: {  	s10 =	sadd.s32 $0x80, s3;
	[sflag:s28] =	ssyncadd.s32 $0xFFFFC000;
	(pc) =	sbr.rel @p0 .LBB2_10-.Ltmp4, $4  }
0xcc: {  	[spmem:s1] =	stream.indirect.scatter.add.f32 [tilespmem:s25], [sflag:$0x3], $0x80, s10, s23, $0xb8;
	[tilespmem:$0x1E400] =	vst v63  }
0xcd: {  	_ =	swait.ge [sflag:s21], $0x4000  }
0xce: {  	[sflag:s21] =	ssyncset.done $0x0  }
0xcf: {  	s3 =	sadd.s32 $0x1580, s3;
	[sflag:s21] =	ssyncadd.s32 $0xFFFFC000  }
0xd0: {  	[tilespmem:s25], [sflag:$0x2] =	stream.indirect.gather [hbm4b:s4+s23], $0x80, s3, s23, $0xb8;
	[tilespmem:$0x1E400] =	vst v63  }
0xd1: {  	_ =	swait.ge [sflag:s26], $0x4000  }
0xd2: {  	[sflag:s26] =	ssyncset.done $0x0  }
0xd3: {  	[sflag:s26] =	ssyncadd.s32 $0xFFFFC000  }
0xd4: {  	[spmem:s1] =	stream.indirect.scatter.add.f32 [tilespmem:s20], [sflag:$0x3], $0x80, s29, s23, $0xb8;
	[tilespmem:$0x1E400] =	vst v63  }
0xd5: {  	_ =	swait.ge [sflag:s21], $0x4000  }
0xd6: {  	[sflag:s21] =	ssyncset.done $0x0  }
0xd7: {  	[sflag:s21] =	ssyncadd.s32 $0xFFFFC000  }
0xd8: {  	_ =	swait.ge [sflag:s28], $0x4000  }
0xd9: {  	[sflag:s28] =	ssyncset.done $0x0  }
0xda: {  	[sflag:s28] =	ssyncadd.s32 $0xFFFFC000  }
0xdb: {  	[spmem:s1] =	stream.indirect.scatter.add.f32 [tilespmem:s25], [sflag:$0x3], $0x80, s30, s23, $0xb8;
	[tilespmem:$0x1E400] =	vst v63  }
0xdc: {  	_ =	swait.ge [sflag:s21], $0x4000  }
0xdd: {  	[sflag:s21] =	ssyncset.done $0x0  }
0xde: {  	[sflag:s21] =	ssyncadd.s32 $0xFFFFC000  }
0xdf: {  	[bflag:$0x0] =	sbarrier.arrive $0xFFFF  }
0xe0: {  	[tilespmem:s20], [sflag:$0x3] =	stream.linear.gather [spmem:s5], $0x4000, $0x38;
	[tilespmem:$0x1E400] =	vst v63  }
0xe1: {  	_ =	swait.ge [sflag:s21], $0x4000  }
0xe2: {  	[sflag:s21] =	ssyncset.done $0x0  }
0xe3: {  	[sflag:s21] =	ssyncadd.s32 $0xFFFFC000  }
0xe4: {  	[hbm4b:s14+s2] =	stream.linear.scatter [tilespmem:s20], [sflag:$0x3], $0x4000, $0x38;
	[tilespmem:$0x1E400] =	vst v63  }
0xe5: {  	_ =	swait.ge [sflag:s21], $0x4000  }
0xe6: {  	[sflag:s21] =	ssyncset.done $0x0  }
0xe7: {  	[sflag:s21] =	ssyncadd.s32 $0xFFFFC000  }
0xe8: {  	[tilespmem:s20], [sflag:$0x3] =	stream.linear.gather [spmem:s6], $0x4000, $0x38;
	[tilespmem:$0x1E400] =	vst v63  }
0xe9: {  	_ =	swait.ge [sflag:s21], $0x4000  }
0xea: {  	[sflag:s21] =	ssyncset.done $0x0  }
0xeb: {  	[sflag:s21] =	ssyncadd.s32 $0xFFFFC000  }
0xec: {  	[hbm4b:s15+s2] =	stream.linear.scatter [tilespmem:s20], [sflag:$0x3], $0x4000, $0x38;
	[tilespmem:$0x1E400] =	vst v63  }
0xed: {  	_ =	swait.ge [sflag:s21], $0x4000  }
0xee: {  	[sflag:s21] =	ssyncset.done $0x0  }
0xef: {  	[sflag:s21] =	ssyncadd.s32 $0xFFFFC000  }
0xf0: {  	[tilespmem:s20], [sflag:$0x3] =	stream.linear.gather [spmem:s7], $0x4000, $0x38;
	[tilespmem:$0x1E400] =	vst v63  }
0xf1: {  	_ =	swait.ge [sflag:s21], $0x4000  }
0xf2: {  	[sflag:s21] =	ssyncset.done $0x0  }
0xf3: {  	[sflag:s21] =	ssyncadd.s32 $0xFFFFC000  }
0xf4: {  	[hbm4b:s16+s2] =	stream.linear.scatter [tilespmem:s20], [sflag:$0x3], $0x4000, $0x38;
	[tilespmem:$0x1E400] =	vst v63  }
0xf5: {  	_ =	swait.ge [sflag:s21], $0x4000  }
0xf6: {  	[sflag:s21] =	ssyncset.done $0x0  }
0xf7: {  	[sflag:s21] =	ssyncadd.s32 $0xFFFFC000  }
0xf8: {  	[tilespmem:s20], [sflag:$0x3] =	stream.linear.gather [spmem:s8], $0x4000, $0x38;
	[tilespmem:$0x1E400] =	vst v63  }
0xf9: {  	_ =	swait.ge [sflag:s21], $0x4000  }
0xfa: {  	[sflag:s21] =	ssyncset.done $0x0  }
0xfb: {  	[sflag:s21] =	ssyncadd.s32 $0xFFFFC000  }
0xfc: {  	[hbm4b:s17+s2] =	stream.linear.scatter [tilespmem:s20], [sflag:$0x3], $0x4000, $0x38;
	[tilespmem:$0x1E400] =	vst v63  }
0xfd: {  	_ =	swait.ge [sflag:s21], $0x4000  }
0xfe: {  	[sflag:s21] =	ssyncset.done $0x0  }
0xff: {  	[sflag:s21] =	ssyncadd.s32 $0xFFFFC000  }
0x100: {  	[tilespmem:s20], [sflag:$0x3] =	stream.linear.gather [spmem:s9], $0x3C00, $0x38;
	[tilespmem:$0x1E400] =	vst v63  }
0x101: {  	s31 =	sadd.s32 $0x1, s31;
	_ =	swait.ge [sflag:s21], $0x3C00  }
0x102: {  	p0 =	sne.s32 s31, s19;
	[sflag:s21] =	ssyncset.done $0x0  }
.Ltmp5:
0x103: {  	[sflag:s21] =	ssyncadd.s32 $0xFFFFC400;
	(pc) =	sbr.rel @p0 .LBB2_1-.Ltmp5, $4  }
0x104: {  	[hbm4b:s18+s2] =	stream.linear.scatter [tilespmem:s20], [sflag:$0x3], $0x3C00, $0x38;
	[tilespmem:$0x1E400] =	vst v63  }
0x105: {  	_ =	swait.ge [sflag:s21], $0x3C00  }
0x106: {  	[sflag:s21] =	ssyncset.done $0x0  }
0x107: {  	[sflag:s21] =	ssyncadd.s32 $0xFFFFC400  }
0x108: {  	_ =	sfence.sel $0x180000  }
0x109: {  	[bflag:$0x0] =	sbarrier.arrive $0xFFFF  }
0x10a: {  	_ =	strace $0x9000004D  }
0x10b: {  	s0 =	stileid.u32;
	[bflag:$0x2] =	sbarrier.arrive $0xFFFF  }
0x10c: {  	p0 =	sne.s32 s0, $0x0;
	s0 =	rddreg [dreg:$0x3]  }
0x10d: {  	s0 =	sadd.s32 @!p0 $0x100000, s0  }
0x10e: {  	[sflag:s0] =	ssyncadd.tile.s32 @!p0 $0x1;
	_ =	shalt  }
.Lfunc_end2:
_tile_overlayer_lowered:
.L_overlay_start_2:
0x10f: {  	(tag) =	ssettag $0x2  }
0x110: {  	s0 =	rddreg [dreg:$0x0];
	s2 =	stileid.u32  }
0x111: {  	s1 =	rddreg [dreg:$0x1];
	p0 =	sne.s32 s2, $0x0  }
0x112: {  	s3 =	rddreg [dreg:$0x2];
	[bflag:$0x3] =	sbarrier.arrive $0xFFFF;
	s2 =	simm.s32 @!p0 $0x1C03  }
0x113: {  	[timem:s3], [sflag:s2] =	dma.local @!p0 [hbm:s0], s1  }
0x114: {  	s0 =	simm.s32 @!p0 $0x3  }
0x115: {  	_ =	swait.ge @!p0 [sflag:s0], s1  }
0x116: {  	s1 =	ssub.s32 @!p0 $0x0, s1;
	[sflag:s0] =	ssyncset.done @!p0 $0x0  }
0x117: {  	[sflag:s0] =	ssyncadd.s32 @!p0 s1  }
0x118: {  	[bflag:$0x3] =	sbarrier.arrive $0xFFFF  }
0x119: {  	_ =	shalt  }

// kernel: kernel.8.cloned.1.call-start
scs
__scs_entry_jumppad:
0x0: {  	(pc) =	sbr.rel $0x88, $3  }
0x1: {  	(tag) =	ssettag $0x0;
	lr =	simm.s32 $0x1  }
0x2: {  	[smem:$0x3F9F] =	sst lr;
	_ =	strace $0xD0000000  }
0x3: {  	_ = 	snop  }
0x4: {  	_ = 	snop  }
0x5: {  	_ = 	snop  }
0x6: {  	_ = 	snop  }
0x7: {  	_ = 	snop  }
__scs_overlays_trampoline_lowered:
0x8: {  	[smem:$0x3FAE] =	sst s0  }
0x9: {  	[smem:$0x3FAF] =	sst s1  }
0xa: {  	[smem:$0x3FB0] =	sst s2  }
0xb: {  	[smem:$0x3FB1] =	sst s3  }
0xc: {  	[smem:$0x3FB2] =	sst s4  }
0xd: {  	[smem:$0x3FB3] =	sst s5  }
0xe: {  	[smem:$0x3FB4] =	sst s6  }
0xf: {  	[smem:$0x3FB5] =	sst s7  }
0x10: {  	[smem:$0x3FB6] =	sst s8  }
0x11: {  	[smem:$0x3FB7] =	sst s9;
	s0 =	simm.s32 @!p0 $0x0  }
0x12: {  	s1 =	sld [smem:$0x3F9D];
	s0 =	simm.s32 @p0 $0x1  }
0x13: {  	[smem:$0x3FB8] =	sst s0;
	s0 =	simm.s32 @!p1 $0x0  }
0x14: {  	s2 =	sld [smem:$0x3F9C];
	s0 =	simm.s32 @p1 $0x1  }
0x15: {  	[smem:$0x3FB9] =	sst s0;
	s0 =	simm.s32 @!p2 $0x0  }
0x16: {  	s3 =	sld [smem:$0x3FDB];
	s0 =	simm.s32 @p2 $0x1  }
0x17: {  	s4 =	simm.s32 $0x1BF5;
	[smem:$0x3FBB] =	sst s0  }
0x18: {  	s0 =	sld [smem:$0x3F9E];
	_ =	swait.ge [sflag:s4], $0x0  }
0x19: {  	s7 =	sld [smem:$0x3F9F]  }
0x1a: {  	s8 =	sadd.s32 $0xFFFFE003, lr  }
0x1b: {  	s9 =	sadd.s32 $0xFFFFFEF7, lr;
	s5 =	simm.s32 $0xFFFFFFFF;
	p2 =	slt.u32 s8, $0xFFFFF086  }
0x1c: {  	p1 =	slt.u32 s9, $0xF7A;
	s5 =	simm.s32 @!p2 $0x0  }
0x1d: {  	s5 =	simm.s32 @p1 $0x1;
	p0 =	seq.s32 s7, s2  }
0x1e: {  	s7 =	smul.u32 @!p0 $0xF7A, s2;
	p2 =	seq.s32 @!p0 s5, $0x0  }
0x1f: {  	s9 =	smul.u32 $0xF7A, s1;
	s8 =	simm.s32 @!p0 $0x1BF5;
	p2 =	por !p2, p0  }
0x20: {  	[sflag:s8] =	ssyncset.s32 @!p0 $0xFFFFF086;
	s6 =	sadd.s32 @!p0 s3, s7;
	s7 =	simm.s32 @!p0 $0x108  }
0x21: {  	s3 =	sadd.s32 s3, s9;
	s6 =	sadd.s32 @!p0 $0x88, s6;
	s7 =	simm.s32 @p2 $0x1082  }
0x22: {  	[simem:s7], [sflag:s8] =	dma.local @!p0 [hbm:s6], $0xF7A  }
0x23: {  	s9 =	sor.u32 $0xD0000000, s2;
	s6 =	simm.s32 $0x108;
	_ =	swait.ge @!p0 [sflag:s8], $0x0  }
0x24: {  	s3 =	sadd.s32 $0x88, s3;
	s6 =	simm.s32 @!p1 $0x1082;
	[sflag:s4] =	ssyncset.s32 $0xFFFFF086  }
0x25: {  	[simem:s6], [sflag:s4] =	dma.local [hbm:s3], $0xF7A  }
0x26: {  	[smem:$0x3F9F] =	sst s1;
	(tag) =	ssettag s2;
	_ =	strace s9  }
0x27: {  	s1 =	sld [smem:$0x3FAF]  }
0x28: {  	s2 =	sld [smem:$0x3FB0]  }
0x29: {  	s4 =	sld [smem:$0x3FB2]  }
0x2a: {  	p0 =	seq.s32 s5, $0x0;
	s5 =	sld [smem:$0x3FB3]  }
0x2b: {  	s6 =	sld [smem:$0x3FB4]  }
0x2c: {  	s7 =	sld [smem:$0x3FB5]  }
0x2d: {  	s3 =	simm.s32 $0x108;
	s8 =	sld [smem:$0x3FB6]  }
0x2e: {  	s3 =	simm.s32 @!p0 $0x1082;
	s9 =	sld [smem:$0x3FB7]  }
0x2f: {  	lr =	sadd.s32 s0, s3;
	s0 =	sld [smem:$0x3FAE]  }
0x30: {  	s3 =	sld [smem:$0x3FB1]  }
0x31: {  	[smem:$0x3FBA] =	sst s10  }
0x32: {  	s10 =	sld [smem:$0x3FB8];
	_ =	sdelay $0x3  }
0x33: {  	p0 =	seq.s32 s10, $0x1;
	s10 =	sld [smem:$0x3FBA];
	_ =	sdelay $0x3  }
0x34: {  	[smem:$0x3FBA] =	sst s10  }
0x35: {  	s10 =	sld [smem:$0x3FB9];
	_ =	sdelay $0x3  }
0x36: {  	p1 =	seq.s32 s10, $0x1;
	s10 =	sld [smem:$0x3FBA];
	_ =	sdelay $0x3  }
0x37: {  	[smem:$0x3FBA] =	sst s10  }
0x38: {  	s10 =	sld [smem:$0x3FBB]  }
0x39: {  	_ = 	snop;
	(pc) =	sbr.ind lr, $3  }
0x3a: {  	_ = 	snop  }
0x3b: {  	_ = 	snop  }
0x3c: {  	p2 =	seq.s32 s10, $0x1;
	s10 =	sld [smem:$0x3FBA]  }
0x3d: {  	_ =	shalt  }
0x3e: {  	_ =	shalt  }
0x3f: {  	_ =	shalt  }
0x40: {  	_ =	shalt  }
0x41: {  	_ =	shalt  }
0x42: {  	_ =	shalt  }
0x43: {  	_ =	shalt  }
0x44: {  	_ =	shalt  }
0x45: {  	_ =	shalt  }
0x46: {  	_ =	shalt  }
0x47: {  	_ =	shalt  }
0x48: {  	_ =	shalt  }
0x49: {  	_ =	shalt  }
0x4a: {  	_ =	shalt  }
0x4b: {  	_ =	shalt  }
0x4c: {  	_ =	shalt  }
0x4d: {  	_ =	shalt  }
0x4e: {  	_ =	shalt  }
0x4f: {  	_ =	shalt  }
0x50: {  	_ =	shalt  }
0x51: {  	_ =	shalt  }
0x52: {  	_ =	shalt  }
0x53: {  	_ =	shalt  }
0x54: {  	_ =	shalt  }
0x55: {  	_ =	shalt  }
0x56: {  	_ =	shalt  }
0x57: {  	_ =	shalt  }
0x58: {  	_ =	shalt  }
0x59: {  	_ =	shalt  }
0x5a: {  	_ =	shalt  }
0x5b: {  	_ =	shalt  }
0x5c: {  	_ =	shalt  }
0x5d: {  	_ =	shalt  }
0x5e: {  	_ =	shalt  }
0x5f: {  	_ =	shalt  }
0x60: {  	_ =	shalt  }
0x61: {  	_ =	shalt  }
0x62: {  	_ =	shalt  }
0x63: {  	_ =	shalt  }
0x64: {  	_ =	shalt  }
0x65: {  	_ =	shalt  }
0x66: {  	_ =	shalt  }
0x67: {  	_ =	shalt  }
0x68: {  	_ =	shalt  }
0x69: {  	_ =	shalt  }
0x6a: {  	_ =	shalt  }
0x6b: {  	_ =	shalt  }
0x6c: {  	_ =	shalt  }
0x6d: {  	_ =	shalt  }
0x6e: {  	_ =	shalt  }
0x6f: {  	_ =	shalt  }
0x70: {  	_ =	shalt  }
0x71: {  	_ =	shalt  }
0x72: {  	_ =	shalt  }
0x73: {  	_ =	shalt  }
0x74: {  	_ =	shalt  }
0x75: {  	_ =	shalt  }
0x76: {  	_ =	shalt  }
0x77: {  	_ =	shalt  }
0x78: {  	_ =	shalt  }
0x79: {  	_ =	shalt  }
0x7a: {  	_ =	shalt  }
0x7b: {  	_ =	shalt  }
0x7c: {  	_ =	shalt  }
0x7d: {  	_ =	shalt  }
0x7e: {  	_ =	shalt  }
0x7f: {  	_ =	shalt  }
0x80: {  	_ =	shalt  }
0x81: {  	_ =	shalt  }
0x82: {  	_ =	shalt  }
0x83: {  	_ =	shalt  }
0x84: {  	_ =	shalt  }
0x85: {  	_ =	shalt  }
0x86: {  	_ =	shalt  }
0x87: {  	_ =	shalt  }
.Lfunc_end0:
.L_simem_size_0:
called_computation_lowered:
.L_overlay_start_0:
0x88: {  	s2 =	sld [smem:$0x3FD9]  }
0x89: {  	s3 =	sld [smem:$0x3FFE];
	_ =	sdelay $0x1  }
0x8a: {  	s1 =	srdreg.scid  }
0x8b: {  	s0 =	sand.u32 $0x1, s1  }
0x8c: {  	s16 =	sshll.u32 s0, $0xA;
	s2 =	sadd.s32 s3, s2  }
0x8d: {  	s2 =	sadd.s32 s2, s16  }
0x8e: {  	[smem:$0x3FC6] =	sst s2  }
0x8f: {  	_ = 	snop  }
0x90: {  	(tm) =	ssettm $0x1  }
0x91: {  	s17 =	sld [smem:$0x3FFB];
	_ =	sdelay $0x3  }
0x92: {  	_ =	strace s17  }
0x93: {  	s2 =	sld [smem:$0x3FFC];
	_ =	sdelay $0x3  }
0x94: {  	_ =	strace s2  }
0x95: {  	s2 =	sld [smem:$0x3FFD];
	_ =	sdelay $0x3  }
0x96: {  	_ =	strace s2  }
0x97: {  	_ =	strace $0x8FFFFFFF  }
0x98: {  	s18 =	sld [smem:$0x3FDB];
	_ =	sdelay $0x1  }
0x99: {  	s19 =	simm.s32 $_scs_section_size  }
0x9a: {  	s4 =	simm.s32 $_size__tile_overlayer_lowered;
	s5 =	simm.s32 $_tile_overlayer_lowered  }
0x9b: {  	s22 =	simm.s32 $0x1BFF;
	s21 =	sshll.u32 s5, $0x1;
	s2 =	sadd.s32 s19, s18  }
0x9c: {  	s6 =	simm.s32 $0x0;
	s20 =	sshll.u32 s4, $0x1;
	s4 =	sadd.s32 s21, s2  }
0x9d: {  	[timem:s6], [sflag:s22] =	dma.local [hbm:s4], s20  }
0x9e: {  	_ =	swait.ge [sflag:s22], s20  }
0x9f: {  	s3 =	ssub.s32 $0x0, s20;
	[sflag:s22] =	ssyncset.done $0x0  }
0xa0: {  	[sflag:s22] =	ssyncadd.s32 s3;
	_ =	sdelay $0x1  }
0xa1: {  	s23 =	simm.s32 $0x1B8B  }
0xa2: {  	_ =	swait.ge [sflag:s23], $0x1  }
0xa3: {  	[sflag:s23] =	ssyncset.done $0x0  }
0xa4: {  	s25 =	simm.s32 $0x1B8E;
	s24 =	sld [smem:$0x3FFE];
	[sflag:s23] =	ssyncadd.s32 $0xFFFFFFFF  }
0xa5: {  	s26 =	simm.s32 $execute0_lowered;
	[smem:$0x3FD2] =	sst s25  }
0xa6: {  	s4 =	sshll.u32 s26, $0x1;
	_ =	strace $0x80000046;
	[dreg:$0x1] =	wrdreg $0xFFFFFFFF  }
0xa7: {  	s28 =	simm.s32 $_size_execute0_lowered;
	s2 =	sadd.s32 s2, s4;
	[dreg:$0x0] =	wrdreg $0x0  }
0xa8: {  	s4 =	sshll.u32 s28, $0x1;
	[dreg:$0x2] =	wrdreg s2  }
0xa9: {  	[dreg:$0x3] =	wrdreg s4  }
0xaa: {  	[dreg:$0x4] =	wrdreg $0xC0  }
0xab: {  	_ =	task [dreg:s6], $0x5FFFF  }
0xac: {  	[dreg:$0x1] =	wrdreg $0xFFFFFFFF  }
0xad: {  	[dreg:$0x0] =	wrdreg $0x60  }
0xae: {  	[dreg:$0x2] =	wrdreg s24  }
0xaf: {  	[dreg:$0x3] =	wrdreg $0x94000  }
0xb0: {  	[dreg:$0x4] =	wrdreg $0x9  }
0xb1: {  	_ =	task.clear_ibuf [dreg:s6], $0x5FFFF;
	_ =	strace $0x90000046  }
0xb2: {  	s29 =	simm.s32 $0x9;
	_ =	strace $0x80000048  }
0xb3: {  	_ =	swait.ge [sflag:s29], $0x1  }
0xb4: {  	[sflag:s29] =	ssyncadd.s32 $0xFFFFFFFF  }
0xb5: {  	_ =	strace $0x90000048  }
0xb6: {  	_ =	sfence  }
0xb7: {  	s30 =	sld [smem:$0x0];
	_ =	sdelay $0x2  }
0xb8: {  	s31 =	sshll.u32 s1, $0xD;
	s1 =	sshrl.u32 s1, $0x2  }
0xb9: {  	s3 =	sand.u32 $0x4000, s31;
	s1 =	sadd.s32 s1, s30  }
0xba: {  	s0 =	sor.u32 s3, s0;
	s1 =	sshll.u32 s1, $0x11  }
0xbb: {  	s0 =	sor.u32 s1, s0  }
0xbc: {  	s0 =	sadd.s32 $0x8F2B, s0  }
0xbd: {  	[sflag:s0] =	ssyncadd.remote.s32 $0x1  }
0xbe: {  	_ =	sfence.sel $0xFFFF  }
0xbf: {  	[dreg:$0x0] =	wrdreg $0xFFFFFFFF;
	(pc) =	sbr.abs _section_cstart, $3  }
0xc0: {  	[dreg:$0x1] =	wrdreg $0xFFFFFFFF  }
0xc1: {  	_ =	task.clear_ibuf [dreg:s6], $0x2FFFF;
	_ =	strace $0x9FFFFFFF  }
0xc2: {  	(tm) =	ssettm $0x7FFFFFFF  }
0xc3: {  	_ =	shalt  }
tec
execute0_lowered:
.L_overlay_start_1:
0x0: {  	(tag) =	ssettag $0x1  }
0x1: {  	s0 =	srdreg.scid;
	s4 =	rddreg [dreg:$0x0]  }
0x2: {  	s2 =	rddreg [dreg:$0x1];
	s1 =	stileid.u32  }
0x3: {  	s3 =	simm.s32 $0x0;
	s19 =	simm.s32 $0x1400;
	s20 =	simm.s32 $0x0  }
0x4: {  	s6 =	sand.u32 $0x1, s0;
	s0 =	rddreg [dreg:$0x2];
	s7 =	smul.u32 $0x4F000, s1  }
0x5: {  	[smem:$0x7FF] =	sst s3;
	s14 =	sadd.s32 $0x6800, s4;
	s9 =	smul.u32 $0x13C00, s1  }
0x6: {  	s5 =	sshll.u32 s6, $0x4;
	_ =	strace $0x80000047;
	s31 =	ssub.s32 $0x2, s6  }
0x7: {  	s13 =	smul.u32 $0x13C000, s6;
	s5 =	sor.u32 s1, s5;
	s8 =	sshrl.u32 s31, $0x1  }
0x8: {  	s7 =	sshrl.u32 s7, $0x2;
	s10 =	sadd.s32 $0x4000, s9;
	s12 =	sadd.s32 $0x8000, s9  }
0x9: {  	s16 =	sadd.s32 $0xC000, s9;
	s17 =	sadd.s32 $0x10000, s9;
	s5 =	smul.u32 $0x280, s5  }
0xa: {  	s15 =	ssub.s32 s31, s8;
	s6 =	sadd.s32 s10, s2;
	s8 =	sadd.s32 s16, s2  }
0xb: {  	s11 =	sadd.s32 s9, s13;
	s10 =	sadd.s32 s13, s10;
	s9 =	sadd.s32 s17, s2  }
0xc: {  	s16 =	sadd.s32 s13, s16;
	s11 =	sshrl.u32 s11, $0x3;
	s18 =	sshrl.u32 s10, $0x3  }
0xd: {  	s16 =	sshrl.u32 s16, $0x3;
	s15 =	smax.u32 s15, $0x1;
	s5 =	sadd.s32 s5, s4  }
0xe: {  	s10 =	sadd.s32 s14, s11;
	s11 =	sadd.s32 s14, s18;
	s4 =	sadd.s32 $0x1800, s5  }
0xf: {  	s5 =	sadd.s32 s7, s2;
	s7 =	sadd.s32 s12, s2;
	s12 =	sadd.s32 s13, s12  }
0x10: {  	s18 =	simm.s32 $0x80;
	s13 =	sadd.s32 s13, s17;
	s12 =	sshrl.u32 s12, $0x3  }
0x11: {  	s17 =	sshrl.u32 s13, $0x3;
	s13 =	sadd.s32 s14, s16;
	s16 =	simm.s32 $0x1  }
0x12: {  	v0 =	vimm.f32 $1.000000000e+00;
	v1 =	vimm.f32 $0.0e+00;
	s12 =	sadd.s32 s14, s12;
	s14 =	sadd.s32 s14, s17;
	s17 =	simm.s32 $0x5400  }
.LBB2_1:
0x13: {  	[tilespmem:s3], [sflag:$0x1] =	stream.linear.gather [hbm4b:s4+s3], $0x1400, $0x38;
	[tilespmem:$0x1D000] =	vst v63  }
0x14: {  	_ =	swait.ge [sflag:s16], $0x1400  }
0x15: {  	[sflag:s16] =	ssyncset.done $0x0  }
0x16: {  	s21 =	simm.s32 $0x0;
	s22 =	simm.s32 $0x200;
	[sflag:s16] =	ssyncadd.s32 $0xFFFFEC00  }
.LBB2_2:
0x17: {  	p0 =	sne.s32 s22, $0xFE00;
	[tilespmem:s21+$0x5470] =	vst v1  }
0x18: {  	[tilespmem:s21+$0x1400] =	vst v0  }
0x19: {  	[tilespmem:s21+$0x5400] =	vst v1  }
0x1a: {  	[tilespmem:s21+$0x1410] =	vst v0  }
0x1b: {  	[tilespmem:s21+$0x5410] =	vst v1  }
0x1c: {  	[tilespmem:s21+$0x1420] =	vst v0  }
0x1d: {  	[tilespmem:s21+$0x5420] =	vst v1  }
0x1e: {  	[tilespmem:s21+$0x1430] =	vst v0  }
0x1f: {  	[tilespmem:s21+$0x5430] =	vst v1  }
0x20: {  	[tilespmem:s21+$0x1440] =	vst v0  }
0x21: {  	[tilespmem:s21+$0x5440] =	vst v1  }
.Ltmp0:
0x22: {  	[tilespmem:s21+$0x1450] =	vst v0;
	(pc) =	sbr.rel @p0 .LBB2_2-.Ltmp0, $4  }
0x23: {  	[tilespmem:s21+$0x5450] =	vst v1  }
0x24: {  	[tilespmem:s21+$0x1460] =	vst v0  }
0x25: {  	[tilespmem:s21+$0x5460] =	vst v1  }
0x26: {  	[tilespmem:s21+$0x1470] =	vst v0;
	s21 =	sshra.s32 s22, $0x2;
	s22 =	sadd.s32 $0x200, s22  }
0x27: {  	[tilespmem:s21+$0x5470] =	vst v1  }
0x28: {  	[tilespmem:s21+$0x1400] =	vst v0  }
0x29: {  	[tilespmem:s21+$0x5400] =	vst v1  }
0x2a: {  	[tilespmem:s21+$0x1410] =	vst v0  }
0x2b: {  	[tilespmem:s21+$0x5410] =	vst v1  }
0x2c: {  	[tilespmem:s21+$0x1420] =	vst v0  }
0x2d: {  	[tilespmem:s21+$0x5420] =	vst v1  }
0x2e: {  	[tilespmem:s21+$0x1430] =	vst v0  }
0x2f: {  	[tilespmem:s21+$0x5430] =	vst v1  }
0x30: {  	[tilespmem:s21+$0x1440] =	vst v0  }
0x31: {  	[tilespmem:s21+$0x5440] =	vst v1  }
0x32: {  	[tilespmem:s21+$0x1450] =	vst v0  }
0x33: {  	[tilespmem:s21+$0x5450] =	vst v1  }
0x34: {  	[tilespmem:s21+$0x1460] =	vst v0  }
0x35: {  	[tilespmem:s21+$0x5460] =	vst v1  }
0x36: {  	[tilespmem:s21+$0x1470] =	vst v0  }
0x37: {  	[spmem:s5] =	stream.linear.scatter [tilespmem:s17], [sflag:$0x1], $0x4000, $0x38;
	[tilespmem:$0x1D000] =	vst v63  }
0x38: {  	_ =	swait.ge [sflag:s16], $0x4000  }
0x39: {  	[sflag:s16] =	ssyncset.done $0x0  }
0x3a: {  	[sflag:s16] =	ssyncadd.s32 $0xFFFFC000  }
0x3b: {  	[spmem:s6] =	stream.linear.scatter [tilespmem:s17], [sflag:$0x1], $0x4000, $0x38;
	[tilespmem:$0x1D000] =	vst v63  }
0x3c: {  	_ =	swait.ge [sflag:s16], $0x4000  }
0x3d: {  	[sflag:s16] =	ssyncset.done $0x0  }
0x3e: {  	[sflag:s16] =	ssyncadd.s32 $0xFFFFC000  }
0x3f: {  	[spmem:s7] =	stream.linear.scatter [tilespmem:s17], [sflag:$0x1], $0x4000, $0x38;
	[tilespmem:$0x1D000] =	vst v63  }
0x40: {  	_ =	swait.ge [sflag:s16], $0x4000  }
0x41: {  	[sflag:s16] =	ssyncset.done $0x0  }
0x42: {  	[sflag:s16] =	ssyncadd.s32 $0xFFFFC000  }
0x43: {  	[spmem:s8] =	stream.linear.scatter [tilespmem:s17], [sflag:$0x1], $0x4000, $0x38;
	[tilespmem:$0x1D000] =	vst v63  }
0x44: {  	_ =	swait.ge [sflag:s16], $0x4000  }
0x45: {  	[sflag:s16] =	ssyncset.done $0x0  }
0x46: {  	[sflag:s16] =	ssyncadd.s32 $0xFFFFC000  }
0x47: {  	[spmem:s9] =	stream.linear.scatter [tilespmem:s17], [sflag:$0x1], $0x3C00, $0x38;
	[tilespmem:$0x1D000] =	vst v63  }
0x48: {  	_ =	swait.ge [sflag:s16], $0x3C00  }
0x49: {  	[sflag:s16] =	ssyncset.done $0x0  }
0x4a: {  	[sflag:s16] =	ssyncadd.s32 $0xFFFFC400  }
0x4b: {  	s31 =	simm.s32 $0x0;
	[bflag:$0x0] =	sbarrier.arrive $0xFFFF  }
0x4c: {  	[spmem:s2] =	stream.indirect.scatter.add.f32 [tilespmem:s19], [sflag:$0x1], $0x80, s31, s18, $0xb8;
	[tilespmem:$0x1D000] =	vst v63  }
0x4d: {  	_ =	swait.ge [sflag:s16], $0x4000  }
0x4e: {  	s21 =	simm.s32 $0x200;
	[sflag:s16] =	ssyncset.done $0x0  }
.LBB2_4:
0x4f: {  	s22 =	sshra.s32 s21, $0x2;
	[sflag:s16] =	ssyncadd.s32 $0xFFFFC000;
	p0 =	sne.s32 s21, $0x4E00  }
0x50: {  	[spmem:s2] =	stream.indirect.scatter.add.f32 [tilespmem:s19], [sflag:$0x1], $0x80, s22, s18, $0xb8;
	[tilespmem:$0x1D000] =	vst v63  }
.Ltmp1:
0x51: {  	_ = 	snop;
	(pc) =	sbr.rel @p0 .LBB2_4-.Ltmp1, $4  }
0x52: {  	_ = 	snop  }
0x53: {  	s21 =	sadd.s32 $0x200, s21  }
0x54: {  	_ =	swait.ge [sflag:s16], $0x4000  }
0x55: {  	[sflag:s16] =	ssyncset.done $0x0  }
0x56: {  	[sflag:s16] =	ssyncadd.s32 $0xFFFFC000  }
0x57: {  	[bflag:$0x0] =	sbarrier.arrive $0xFFFF  }
0x58: {  	[tilespmem:s17], [sflag:$0x1] =	stream.linear.gather [spmem:s5], $0x4000, $0x38;
	[tilespmem:$0x1D000] =	vst v63  }
0x59: {  	_ =	swait.ge [sflag:s16], $0x4000  }
0x5a: {  	[sflag:s16] =	ssyncset.done $0x0  }
0x5b: {  	[sflag:s16] =	ssyncadd.s32 $0xFFFFC000  }
0x5c: {  	[hbm4b:s10+s3] =	stream.linear.scatter [tilespmem:s17], [sflag:$0x1], $0x4000, $0x38;
	[tilespmem:$0x1D000] =	vst v63  }
0x5d: {  	_ =	swait.ge [sflag:s16], $0x4000  }
0x5e: {  	[sflag:s16] =	ssyncset.done $0x0  }
0x5f: {  	[sflag:s16] =	ssyncadd.s32 $0xFFFFC000  }
0x60: {  	[tilespmem:s17], [sflag:$0x1] =	stream.linear.gather [spmem:s6], $0x4000, $0x38;
	[tilespmem:$0x1D000] =	vst v63  }
0x61: {  	_ =	swait.ge [sflag:s16], $0x4000  }
0x62: {  	[sflag:s16] =	ssyncset.done $0x0  }
0x63: {  	[sflag:s16] =	ssyncadd.s32 $0xFFFFC000  }
0x64: {  	[hbm4b:s11+s3] =	stream.linear.scatter [tilespmem:s17], [sflag:$0x1], $0x4000, $0x38;
	[tilespmem:$0x1D000] =	vst v63  }
0x65: {  	_ =	swait.ge [sflag:s16], $0x4000  }
0x66: {  	[sflag:s16] =	ssyncset.done $0x0  }
0x67: {  	[sflag:s16] =	ssyncadd.s32 $0xFFFFC000  }
0x68: {  	[tilespmem:s17], [sflag:$0x1] =	stream.linear.gather [spmem:s7], $0x4000, $0x38;
	[tilespmem:$0x1D000] =	vst v63  }
0x69: {  	_ =	swait.ge [sflag:s16], $0x4000  }
0x6a: {  	[sflag:s16] =	ssyncset.done $0x0  }
0x6b: {  	[sflag:s16] =	ssyncadd.s32 $0xFFFFC000  }
0x6c: {  	[hbm4b:s12+s3] =	stream.linear.scatter [tilespmem:s17], [sflag:$0x1], $0x4000, $0x38;
	[tilespmem:$0x1D000] =	vst v63  }
0x6d: {  	_ =	swait.ge [sflag:s16], $0x4000  }
0x6e: {  	[sflag:s16] =	ssyncset.done $0x0  }
0x6f: {  	[sflag:s16] =	ssyncadd.s32 $0xFFFFC000  }
0x70: {  	[tilespmem:s17], [sflag:$0x1] =	stream.linear.gather [spmem:s8], $0x4000, $0x38;
	[tilespmem:$0x1D000] =	vst v63  }
0x71: {  	_ =	swait.ge [sflag:s16], $0x4000  }
0x72: {  	[sflag:s16] =	ssyncset.done $0x0  }
0x73: {  	[sflag:s16] =	ssyncadd.s32 $0xFFFFC000  }
0x74: {  	[hbm4b:s13+s3] =	stream.linear.scatter [tilespmem:s17], [sflag:$0x1], $0x4000, $0x38;
	[tilespmem:$0x1D000] =	vst v63  }
0x75: {  	_ =	swait.ge [sflag:s16], $0x4000  }
0x76: {  	[sflag:s16] =	ssyncset.done $0x0  }
0x77: {  	[sflag:s16] =	ssyncadd.s32 $0xFFFFC000  }
0x78: {  	[tilespmem:s17], [sflag:$0x1] =	stream.linear.gather [spmem:s9], $0x3C00, $0x38;
	[tilespmem:$0x1D000] =	vst v63  }
0x79: {  	s20 =	sadd.s32 $0x1, s20;
	_ =	swait.ge [sflag:s16], $0x3C00  }
0x7a: {  	p0 =	sne.s32 s20, s15;
	[sflag:s16] =	ssyncset.done $0x0  }
.Ltmp2:
0x7b: {  	[sflag:s16] =	ssyncadd.s32 $0xFFFFC400;
	(pc) =	sbr.rel @p0 .LBB2_1-.Ltmp2, $4  }
0x7c: {  	[hbm4b:s14+s3] =	stream.linear.scatter [tilespmem:s17], [sflag:$0x1], $0x3C00, $0x38;
	[tilespmem:$0x1D000] =	vst v63  }
0x7d: {  	_ =	swait.ge [sflag:s16], $0x3C00  }
0x7e: {  	[sflag:s16] =	ssyncset.done $0x0  }
0x7f: {  	[sflag:s16] =	ssyncadd.s32 $0xFFFFC400  }
0x80: {  	_ =	sfence.sel $0x180000  }
0x81: {  	[bflag:$0x0] =	sbarrier.arrive $0xFFFF  }
0x82: {  	p0 =	sne.s32 s1, $0x0;
	_ =	strace $0x90000047  }
0x83: {  	s0 =	sadd.s32 @!p0 $0x100000, s0;
	[bflag:$0x2] =	sbarrier.arrive $0xFFFF  }
0x84: {  	[sflag:s0] =	ssyncadd.tile.s32 @!p0 $0x1;
	_ =	shalt  }
.Lfunc_end2:
_tile_overlayer_lowered:
.L_overlay_start_2:
0x85: {  	(tag) =	ssettag $0x2  }
0x86: {  	s0 =	rddreg [dreg:$0x0];
	s2 =	stileid.u32  }
0x87: {  	s1 =	rddreg [dreg:$0x1];
	p0 =	sne.s32 s2, $0x0  }
0x88: {  	s3 =	rddreg [dreg:$0x2];
	[bflag:$0x3] =	sbarrier.arrive $0xFFFF;
	s2 =	simm.s32 @!p0 $0x1C01  }
0x89: {  	[timem:s3], [sflag:s2] =	dma.local @!p0 [hbm:s0], s1  }
0x8a: {  	s0 =	simm.s32 @!p0 $0x1  }
0x8b: {  	_ =	swait.ge @!p0 [sflag:s0], s1  }
0x8c: {  	s1 =	ssub.s32 @!p0 $0x0, s1;
	[sflag:s0] =	ssyncset.done @!p0 $0x0  }
0x8d: {  	[sflag:s0] =	ssyncadd.s32 @!p0 s1  }
0x8e: {  	[bflag:$0x3] =	sbarrier.arrive $0xFFFF  }
0x8f: {  	_ =	shalt  }

</sc_bundles>
